<compile_context>
chip_gen: v7x
topology: tpu7x:2x2x1
jax: 0.10.2.dev20260603
libtpu: 0.0.44.dev20260713+nightly
codegen_flags: <defaults>
</compile_context>

<pallas_src>
import jax
import jax.numpy as jnp
from jax import lax
from jax.experimental import pallas as pl
from jax.experimental.pallas import tpu as pltpu
from jax.experimental.pallas import tpu_sc as plsc

_DIM = 64
_SEQ = 200
_EPS = 1e-12
_NC = 2
_NS = 16
_NW = _NC * _NS
_LANES = 16
_NVR = _DIM // _LANES
_CSEQ = 2
_CTOK = _CSEQ * _SEQ
_IDXW = 100


def _rsqrt(x):
    i = lax.bitcast_convert_type(x, jnp.int32)
    i = jnp.int32(0x5F3759DF) - lax.shift_right_logical(i, 1)
    y = lax.bitcast_convert_type(i, jnp.float32)
    for _ in range(3):
        y = y * (1.5 - 0.5 * x * y * y)
    return y


def _body(x_hbm, tok_hbm, pos_hbm, gb_hbm, out_hbm,
          idx0, idx1, rows0, rows1, pos_v, gb_v,
          gsem0, gsem1, osem0, osem1):
    cid = lax.axis_index("c")
    sid = lax.axis_index("s")
    wid = sid * _NC + cid
    n_chunks = x_hbm.shape[0] // (_NW * (_CTOK // _IDXW))
    chunk0 = wid * n_chunks

    for s in range(_CSEQ):
        pltpu.sync_copy(pos_hbm, pos_v.at[pl.ds(s * _SEQ, _SEQ)])
    pltpu.sync_copy(gb_hbm, gb_v)

    def start_fetch(k, idx_v, rows_v, sem):
        base = (chunk0 + k) * (_CTOK // _IDXW)
        pltpu.sync_copy(x_hbm.at[pl.ds(base, _CTOK // _IDXW)], idx_v)
        for h in range(_CTOK // _IDXW):
            pltpu.async_copy(tok_hbm.at[idx_v.at[h]],
                             rows_v.at[pl.ds(h * _IDXW, _IDXW)], sem)

    def wait_fetch(rows_v, sem):
        for h in range(_CTOK // _IDXW):
            pltpu.make_async_copy(tok_hbm.at[pl.ds(0, _IDXW)],
                                  rows_v.at[pl.ds(h * _IDXW, _IDXW)],
                                  sem).wait()

    def compute(rows_v):
        @plsc.parallel_loop(0, _CTOK, step=1, unroll=8)
        def tok_body(i):
            e = [rows_v[i, pl.ds(d * _LANES, _LANES)]
                 + pos_v[i, pl.ds(d * _LANES, _LANES)]
                 for d in range(_NVR)]
            s = (e[0] + e[1]) + (e[2] + e[3])
            q = (e[0] * e[0] + e[1] * e[1]) + (e[2] * e[2] + e[3] * e[3])
            m = jnp.sum(s) * (1.0 / _DIM)
            var = jnp.sum(q) * (1.0 / _DIM) - m * m
            inv = _rsqrt(var + _EPS)
            for d in range(_NVR):
                g = gb_v[0, pl.ds(d * _LANES, _LANES)]
                b = gb_v[1, pl.ds(d * _LANES, _LANES)]
                rows_v[i, pl.ds(d * _LANES, _LANES)] = \
                    (e[d] - m) * (inv * g) + b

    def start_flush(k, rows_v, sem):
        pltpu.async_copy(rows_v, out_hbm.at[pl.ds((chunk0 + k) * _CTOK,
                                                  _CTOK)], sem)

    def wait_flush(rows_v, sem):
        pltpu.make_async_copy(rows_v, out_hbm.at[pl.ds(0, _CTOK)],
                              sem).wait()

    bufs = ((idx0, rows0, gsem0, osem0), (idx1, rows1, gsem1, osem1))

    start_fetch(0, *bufs[0][:3])
    start_fetch(1, *bufs[1][:3])
    wait_fetch(rows0, gsem0)
    compute(rows0)
    start_flush(0, rows0, osem0)

    def step(t, carry):
        k = 2 * t + 1
        for (idx_v, rows_v, gsem, osem), other, kk in (
                (bufs[1], bufs[0], k), (bufs[0], bufs[1], k + 1)):
            wait_flush(other[1], other[3])
            start_fetch(kk + 1, *other[:3])
            wait_fetch(rows_v, gsem)
            compute(rows_v)
            start_flush(kk, rows_v, osem)
        return carry

    lax.fori_loop(0, (n_chunks - 2) // 2, step, 0)

    wait_flush(rows0, osem0)
    wait_fetch(rows1, gsem1)
    compute(rows1)
    start_flush(n_chunks - 1, rows1, osem1)
    wait_flush(rows1, osem1)


@jax.jit
def kernel(x, tok_table, pos_table, gamma, beta):
    batch, seq = x.shape
    dim = tok_table.shape[1]
    x2 = x.reshape(batch * seq // _IDXW, _IDXW)
    pos = pos_table[:seq]
    gb = jnp.stack([gamma, beta])
    mesh = plsc.VectorSubcoreMesh(core_axis_name="c", subcore_axis_name="s")
    h = pl.kernel(
        _body,
        out_type=jax.ShapeDtypeStruct((batch * seq, dim), jnp.float32),
        mesh=mesh,
        scratch_types=[
            pltpu.VMEM((_CTOK // _IDXW, _IDXW), jnp.int32),
            pltpu.VMEM((_CTOK // _IDXW, _IDXW), jnp.int32),
            pltpu.VMEM((_CTOK, dim), jnp.float32),
            pltpu.VMEM((_CTOK, dim), jnp.float32),
            pltpu.VMEM((_CTOK, dim), jnp.float32),
            pltpu.VMEM((2, dim), jnp.float32),
            pltpu.SemaphoreType.DMA,
            pltpu.SemaphoreType.DMA,
            pltpu.SemaphoreType.DMA,
            pltpu.SemaphoreType.DMA,
        ],
        compiler_params=pltpu.CompilerParams(
            needs_layout_passes=False, use_tc_tiling_on_sc=False),
    )(x2, tok_table, pos, gb)
    return h.reshape(batch, seq, dim)

# --- scband reference (transcript-rebuilt; emitter-appended) ---
"""Pipeline reference for scband-embeddings-29300266894035 (READ-ONLY COPY).

The authoritative reference and input builder live on the scoring server;
editing this copy changes nothing except your own understanding.
"""

import jax, jax.numpy as jnp
import numpy as np

VOCAB = 1000000
MAX_LEN = 512
DIM = 64
BATCH = 4096
SEQ = 200
EPS = 1e-12


def setup_inputs(seed: int = 0) -> dict:
    key = jax.random.key(seed)
    k1, k2, k3 = jax.random.split(key, 3)
    x = jax.random.randint(k1, (BATCH, SEQ), 0, VOCAB, dtype=jnp.int32)
    tok_table = jax.random.normal(k2, (VOCAB, DIM), dtype=jnp.float32) * 0.02
    pos_table = jax.random.normal(k3, (MAX_LEN, DIM), dtype=jnp.float32) * 0.02
    gamma = jnp.ones((DIM,), dtype=jnp.float32)
    beta = jnp.zeros((DIM,), dtype=jnp.float32)
    return {"x": x, "tok_table": tok_table, "pos_table": pos_table, "gamma": gamma, "beta": beta}


def reference(x, tok_table, pos_table, gamma, beta):
    seq_len = x.shape[1]
    pos = jnp.arange(seq_len, dtype=jnp.int32)
    # token embedding gather + position embedding gather (broadcast over batch)
    e = jnp.take(tok_table, x, axis=0) + jnp.take(pos_table, pos, axis=0)[None, :, :]
    # TF-style LayerNorm (epsilon inside sqrt)
    u = e.mean(-1, keepdims=True)
    s = ((e - u) ** 2).mean(-1, keepdims=True)
    h = (e - u) / jnp.sqrt(s + EPS)
    # Dropout is identity in eval / deterministic reference
    return gamma * h + beta

if __name__ == "__main__":
    import jax
    _d = setup_inputs()
    print(jax.jit(kernel)(*tuple(_d.values())))

</pallas_src>

<mosaic_0001>
#map = affine_map<(d0, d1) -> (0, 0)>
module attributes {stable_mosaic.version = 14 : i64} {
  func.func @_body(%arg0: i32, %arg1: i32, %arg2: memref<8192x100xi32, #tpu.memory_space<hbm>>, %arg3: memref<1000000x64xf32, #tpu.memory_space<hbm>>, %arg4: memref<200x64xf32, #tpu.memory_space<hbm>>, %arg5: memref<2x64xf32, #tpu.memory_space<hbm>>, %arg6: memref<819200x64xf32, #tpu.memory_space<hbm>>, %arg7: memref<4x100xi32, #tpu.memory_space<vmem>>, %arg8: memref<4x100xi32, #tpu.memory_space<vmem>>, %arg9: memref<400x64xf32, #tpu.memory_space<vmem>>, %arg10: memref<400x64xf32, #tpu.memory_space<vmem>>, %arg11: memref<400x64xf32, #tpu.memory_space<vmem>>, %arg12: memref<2x64xf32, #tpu.memory_space<vmem>>, %arg13: memref<!tpu.dma_semaphore, #tpu.memory_space<semaphore_mem>>, %arg14: memref<!tpu.dma_semaphore, #tpu.memory_space<semaphore_mem>>, %arg15: memref<!tpu.dma_semaphore, #tpu.memory_space<semaphore_mem>>, %arg16: memref<!tpu.dma_semaphore, #tpu.memory_space<semaphore_mem>>) attributes {dimension_semantics = [#tpu.dimension_semantics<core_parallel>, #tpu.dimension_semantics<subcore_parallel>], iteration_bounds = array<i64: 2, 16>, scalar_prefetch = 0 : i64, scratch_operands = 10 : i64, tpu.core_type = #tpu.core_type<sc_vector_subcore>, window_params = [{transform_indices = #map}, {transform_indices = #map}, {transform_indices = #map}, {transform_indices = #map}, {transform_indices = #map}]} {
    %mul3A = arith.constant 2 : i32
    %mul3A_0 = arith.muli %arg1, %mul3A : i32
    %add3A = arith.addi %mul3A_0, %arg0 : i32
    %mul3A_1 = arith.constant 64 : i32
    %mul3A_2 = arith.muli %add3A, %mul3A_1 : i32
    "tpu.region"() ({
      %run_scoped3A = tpu.sem_alloc : memref<!tpu.dma_semaphore, #tpu.memory_space<semaphore_mem>>
      %dma_start3A_223 = arith.constant 0 : i32
      %dma_start3A_224 = arith.constant 0 : i32
      %dma_start3A_225 = tpu.memref_slice %arg11[%dma_start3A_223, %dma_start3A_224] : memref<400x64xf32, #tpu.memory_space<vmem>> -> memref<200x64xf32, #tpu.memory_space<vmem>>
      %dma_start3A_226 = arith.constant 0 : i32
      %dma_start3A_227 = arith.constant 0 : i32
      %dma_start3A_228 = tpu.memref_slice %arg11[%dma_start3A_226, %dma_start3A_227] : memref<400x64xf32, #tpu.memory_space<vmem>> -> memref<200x64xf32, #tpu.memory_space<vmem>>
      tpu.enqueue_dma source(%arg4 : memref<200x64xf32, #tpu.memory_space<hbm>>) target(%dma_start3A_228 : memref<200x64xf32, #tpu.memory_space<vmem>>) target_semaphore(%run_scoped3A : memref<!tpu.dma_semaphore, #tpu.memory_space<semaphore_mem>>)
      %dma_wait3A_229 = arith.constant 0 : i32
      %dma_wait3A_230 = arith.constant 0 : i32
      %dma_wait3A_231 = tpu.memref_slice %arg11[%dma_wait3A_229, %dma_wait3A_230] : memref<400x64xf32, #tpu.memory_space<vmem>> -> memref<200x64xf32, #tpu.memory_space<vmem>>
      %dma_wait3A_232 = arith.constant 0 : i32
      %dma_wait3A_233 = arith.constant 0 : i32
      %dma_wait3A_234 = tpu.memref_slice %arg11[%dma_wait3A_232, %dma_wait3A_233] : memref<400x64xf32, #tpu.memory_space<vmem>> -> memref<200x64xf32, #tpu.memory_space<vmem>>
      tpu.wait_dma2 semaphore(%run_scoped3A : memref<!tpu.dma_semaphore, #tpu.memory_space<semaphore_mem>>) src(%arg4 : memref<200x64xf32, #tpu.memory_space<hbm>>) dst(%dma_wait3A_234 : memref<200x64xf32, #tpu.memory_space<vmem>>)
      tpu.yield
    }) : () -> ()
    "tpu.region"() ({
      %run_scoped3A = tpu.sem_alloc : memref<!tpu.dma_semaphore, #tpu.memory_space<semaphore_mem>>
      %dma_start3A_223 = arith.constant 200 : i32
      %dma_start3A_224 = arith.constant 0 : i32
      %dma_start3A_225 = tpu.memref_slice %arg11[%dma_start3A_223, %dma_start3A_224] : memref<400x64xf32, #tpu.memory_space<vmem>> -> memref<200x64xf32, #tpu.memory_space<vmem>>
      %dma_start3A_226 = arith.constant 200 : i32
      %dma_start3A_227 = arith.constant 0 : i32
      %dma_start3A_228 = tpu.memref_slice %arg11[%dma_start3A_226, %dma_start3A_227] : memref<400x64xf32, #tpu.memory_space<vmem>> -> memref<200x64xf32, #tpu.memory_space<vmem>>
      tpu.enqueue_dma source(%arg4 : memref<200x64xf32, #tpu.memory_space<hbm>>) target(%dma_start3A_228 : memref<200x64xf32, #tpu.memory_space<vmem>>) target_semaphore(%run_scoped3A : memref<!tpu.dma_semaphore, #tpu.memory_space<semaphore_mem>>)
      %dma_wait3A_229 = arith.constant 200 : i32
      %dma_wait3A_230 = arith.constant 0 : i32
      %dma_wait3A_231 = tpu.memref_slice %arg11[%dma_wait3A_229, %dma_wait3A_230] : memref<400x64xf32, #tpu.memory_space<vmem>> -> memref<200x64xf32, #tpu.memory_space<vmem>>
      %dma_wait3A_232 = arith.constant 200 : i32
      %dma_wait3A_233 = arith.constant 0 : i32
      %dma_wait3A_234 = tpu.memref_slice %arg11[%dma_wait3A_232, %dma_wait3A_233] : memref<400x64xf32, #tpu.memory_space<vmem>> -> memref<200x64xf32, #tpu.memory_space<vmem>>
      tpu.wait_dma2 semaphore(%run_scoped3A : memref<!tpu.dma_semaphore, #tpu.memory_space<semaphore_mem>>) src(%arg4 : memref<200x64xf32, #tpu.memory_space<hbm>>) dst(%dma_wait3A_234 : memref<200x64xf32, #tpu.memory_space<vmem>>)
      tpu.yield
    }) : () -> ()
    "tpu.region"() ({
      %run_scoped3A = tpu.sem_alloc : memref<!tpu.dma_semaphore, #tpu.memory_space<semaphore_mem>>
      tpu.enqueue_dma source(%arg5 : memref<2x64xf32, #tpu.memory_space<hbm>>) target(%arg12 : memref<2x64xf32, #tpu.memory_space<vmem>>) target_semaphore(%run_scoped3A : memref<!tpu.dma_semaphore, #tpu.memory_space<semaphore_mem>>)
      tpu.wait_dma2 semaphore(%run_scoped3A : memref<!tpu.dma_semaphore, #tpu.memory_space<semaphore_mem>>) src(%arg5 : memref<2x64xf32, #tpu.memory_space<hbm>>) dst(%arg12 : memref<2x64xf32, #tpu.memory_space<vmem>>)
      tpu.yield
    }) : () -> ()
    %add3A_3 = arith.constant 0 : i32
    %add3A_4 = arith.addi %mul3A_2, %add3A_3 : i32
    %mul3A_5 = arith.constant 4 : i32
    %mul3A_6 = arith.muli %add3A_4, %mul3A_5 : i32
    "tpu.region"() ({
      %run_scoped3A = tpu.sem_alloc : memref<!tpu.dma_semaphore, #tpu.memory_space<semaphore_mem>>
      %dma_start3A_223 = arith.constant 0 : i32
      %dma_start3A_224 = tpu.memref_slice %arg2[%mul3A_6, %dma_start3A_223] : memref<8192x100xi32, #tpu.memory_space<hbm>> -> memref<4x100xi32, #tpu.memory_space<hbm>>
      %dma_start3A_225 = arith.constant 0 : i32
      %dma_start3A_226 = tpu.memref_slice %arg2[%mul3A_6, %dma_start3A_225] : memref<8192x100xi32, #tpu.memory_space<hbm>> -> memref<4x100xi32, #tpu.memory_space<hbm>>
      tpu.enqueue_dma source(%dma_start3A_226 : memref<4x100xi32, #tpu.memory_space<hbm>>) target(%arg7 : memref<4x100xi32, #tpu.memory_space<vmem>>) target_semaphore(%run_scoped3A : memref<!tpu.dma_semaphore, #tpu.memory_space<semaphore_mem>>)
      %dma_wait3A_227 = arith.constant 0 : i32
      %dma_wait3A_228 = tpu.memref_slice %arg2[%mul3A_6, %dma_wait3A_227] : memref<8192x100xi32, #tpu.memory_space<hbm>> -> memref<4x100xi32, #tpu.memory_space<hbm>>
      %dma_wait3A_229 = arith.constant 0 : i32
      %dma_wait3A_230 = tpu.memref_slice %arg2[%mul3A_6, %dma_wait3A_229] : memref<8192x100xi32, #tpu.memory_space<hbm>> -> memref<4x100xi32, #tpu.memory_space<hbm>>
      tpu.wait_dma2 semaphore(%run_scoped3A : memref<!tpu.dma_semaphore, #tpu.memory_space<semaphore_mem>>) src(%dma_wait3A_230 : memref<4x100xi32, #tpu.memory_space<hbm>>) dst(%arg7 : memref<4x100xi32, #tpu.memory_space<vmem>>)
      tpu.yield
    }) : () -> ()
    %dma_start3A = arith.constant 0 : i32
    %dma_start3A_7 = arith.constant 0 : i32
    %dma_start3A_8 = arith.constant 0 : i32
    %dma_start3A_9 = tpu.memref_slice %arg9[%dma_start3A_7, %dma_start3A_8] : memref<400x64xf32, #tpu.memory_space<vmem>> -> memref<100x64xf32, #tpu.memory_space<vmem>>
    %dma_start3A_10 = arith.constant 0 : i32
    %dma_start3A_11 = tpu.memref_slice %arg7[%dma_start3A, %dma_start3A_10] : memref<4x100xi32, #tpu.memory_space<vmem>> -> memref<1x100xi32, #tpu.memory_space<vmem>>
    %dma_start3A_12 = tpu.memref_squeeze %dma_start3A_11 : memref<1x100xi32, #tpu.memory_space<vmem>> -> memref<100xi32, #tpu.memory_space<vmem>>
    %dma_start3A_13 = arith.constant 0 : i32
    %dma_start3A_14 = arith.constant 0 : i32
    %dma_start3A_15 = tpu.memref_slice %arg3[%dma_start3A_13, %dma_start3A_14] : memref<1000000x64xf32, #tpu.memory_space<hbm>> -> memref<1000000x64xf32, #tpu.memory_space<hbm>>
    tpu.enqueue_indirect_dma source(%dma_start3A_15 : memref<1000000x64xf32, #tpu.memory_space<hbm>>) target(%dma_start3A_9 : memref<100x64xf32, #tpu.memory_space<vmem>>) offsets(%dma_start3A_12 : memref<100xi32, #tpu.memory_space<vmem>>) semaphore(%arg13 : memref<!tpu.dma_semaphore, #tpu.memory_space<semaphore_mem>>)
    %dma_start3A_16 = arith.constant 1 : i32
    %dma_start3A_17 = arith.constant 100 : i32
    %dma_start3A_18 = arith.constant 0 : i32
    %dma_start3A_19 = tpu.memref_slice %arg9[%dma_start3A_17, %dma_start3A_18] : memref<400x64xf32, #tpu.memory_space<vmem>> -> memref<100x64xf32, #tpu.memory_space<vmem>>
    %dma_start3A_20 = arith.constant 0 : i32
    %dma_start3A_21 = tpu.memref_slice %arg7[%dma_start3A_16, %dma_start3A_20] : memref<4x100xi32, #tpu.memory_space<vmem>> -> memref<1x100xi32, #tpu.memory_space<vmem>>
    %dma_start3A_22 = tpu.memref_squeeze %dma_start3A_21 : memref<1x100xi32, #tpu.memory_space<vmem>> -> memref<100xi32, #tpu.memory_space<vmem>>
    %dma_start3A_23 = arith.constant 0 : i32
    %dma_start3A_24 = arith.constant 0 : i32
    %dma_start3A_25 = tpu.memref_slice %arg3[%dma_start3A_23, %dma_start3A_24] : memref<1000000x64xf32, #tpu.memory_space<hbm>> -> memref<1000000x64xf32, #tpu.memory_space<hbm>>
    tpu.enqueue_indirect_dma source(%dma_start3A_25 : memref<1000000x64xf32, #tpu.memory_space<hbm>>) target(%dma_start3A_19 : memref<100x64xf32, #tpu.memory_space<vmem>>) offsets(%dma_start3A_22 : memref<100xi32, #tpu.memory_space<vmem>>) semaphore(%arg13 : memref<!tpu.dma_semaphore, #tpu.memory_space<semaphore_mem>>)
    %dma_start3A_26 = arith.constant 2 : i32
    %dma_start3A_27 = arith.constant 200 : i32
    %dma_start3A_28 = arith.constant 0 : i32
    %dma_start3A_29 = tpu.memref_slice %arg9[%dma_start3A_27, %dma_start3A_28] : memref<400x64xf32, #tpu.memory_space<vmem>> -> memref<100x64xf32, #tpu.memory_space<vmem>>
    %dma_start3A_30 = arith.constant 0 : i32
    %dma_start3A_31 = tpu.memref_slice %arg7[%dma_start3A_26, %dma_start3A_30] : memref<4x100xi32, #tpu.memory_space<vmem>> -> memref<1x100xi32, #tpu.memory_space<vmem>>
    %dma_start3A_32 = tpu.memref_squeeze %dma_start3A_31 : memref<1x100xi32, #tpu.memory_space<vmem>> -> memref<100xi32, #tpu.memory_space<vmem>>
    %dma_start3A_33 = arith.constant 0 : i32
    %dma_start3A_34 = arith.constant 0 : i32
    %dma_start3A_35 = tpu.memref_slice %arg3[%dma_start3A_33, %dma_start3A_34] : memref<1000000x64xf32, #tpu.memory_space<hbm>> -> memref<1000000x64xf32, #tpu.memory_space<hbm>>
    tpu.enqueue_indirect_dma source(%dma_start3A_35 : memref<1000000x64xf32, #tpu.memory_space<hbm>>) target(%dma_start3A_29 : memref<100x64xf32, #tpu.memory_space<vmem>>) offsets(%dma_start3A_32 : memref<100xi32, #tpu.memory_space<vmem>>) semaphore(%arg13 : memref<!tpu.dma_semaphore, #tpu.memory_space<semaphore_mem>>)
    %dma_start3A_36 = arith.constant 3 : i32
    %dma_start3A_37 = arith.constant 300 : i32
    %dma_start3A_38 = arith.constant 0 : i32
    %dma_start3A_39 = tpu.memref_slice %arg9[%dma_start3A_37, %dma_start3A_38] : memref<400x64xf32, #tpu.memory_space<vmem>> -> memref<100x64xf32, #tpu.memory_space<vmem>>
    %dma_start3A_40 = arith.constant 0 : i32
    %dma_start3A_41 = tpu.memref_slice %arg7[%dma_start3A_36, %dma_start3A_40] : memref<4x100xi32, #tpu.memory_space<vmem>> -> memref<1x100xi32, #tpu.memory_space<vmem>>
    %dma_start3A_42 = tpu.memref_squeeze %dma_start3A_41 : memref<1x100xi32, #tpu.memory_space<vmem>> -> memref<100xi32, #tpu.memory_space<vmem>>
    %dma_start3A_43 = arith.constant 0 : i32
    %dma_start3A_44 = arith.constant 0 : i32
    %dma_start3A_45 = tpu.memref_slice %arg3[%dma_start3A_43, %dma_start3A_44] : memref<1000000x64xf32, #tpu.memory_space<hbm>> -> memref<1000000x64xf32, #tpu.memory_space<hbm>>
    tpu.enqueue_indirect_dma source(%dma_start3A_45 : memref<1000000x64xf32, #tpu.memory_space<hbm>>) target(%dma_start3A_39 : memref<100x64xf32, #tpu.memory_space<vmem>>) offsets(%dma_start3A_42 : memref<100xi32, #tpu.memory_space<vmem>>) semaphore(%arg13 : memref<!tpu.dma_semaphore, #tpu.memory_space<semaphore_mem>>)
    %add3A_46 = arith.constant 1 : i32
    %add3A_47 = arith.addi %mul3A_2, %add3A_46 : i32
    %mul3A_48 = arith.constant 4 : i32
    %mul3A_49 = arith.muli %add3A_47, %mul3A_48 : i32
    "tpu.region"() ({
      %run_scoped3A = tpu.sem_alloc : memref<!tpu.dma_semaphore, #tpu.memory_space<semaphore_mem>>
      %dma_start3A_223 = arith.constant 0 : i32
      %dma_start3A_224 = tpu.memref_slice %arg2[%mul3A_49, %dma_start3A_223] : memref<8192x100xi32, #tpu.memory_space<hbm>> -> memref<4x100xi32, #tpu.memory_space<hbm>>
      %dma_start3A_225 = arith.constant 0 : i32
      %dma_start3A_226 = tpu.memref_slice %arg2[%mul3A_49, %dma_start3A_225] : memref<8192x100xi32, #tpu.memory_space<hbm>> -> memref<4x100xi32, #tpu.memory_space<hbm>>
      tpu.enqueue_dma source(%dma_start3A_226 : memref<4x100xi32, #tpu.memory_space<hbm>>) target(%arg8 : memref<4x100xi32, #tpu.memory_space<vmem>>) target_semaphore(%run_scoped3A : memref<!tpu.dma_semaphore, #tpu.memory_space<semaphore_mem>>)
      %dma_wait3A_227 = arith.constant 0 : i32
      %dma_wait3A_228 = tpu.memref_slice %arg2[%mul3A_49, %dma_wait3A_227] : memref<8192x100xi32, #tpu.memory_space<hbm>> -> memref<4x100xi32, #tpu.memory_space<hbm>>
      %dma_wait3A_229 = arith.constant 0 : i32
      %dma_wait3A_230 = tpu.memref_slice %arg2[%mul3A_49, %dma_wait3A_229] : memref<8192x100xi32, #tpu.memory_space<hbm>> -> memref<4x100xi32, #tpu.memory_space<hbm>>
      tpu.wait_dma2 semaphore(%run_scoped3A : memref<!tpu.dma_semaphore, #tpu.memory_space<semaphore_mem>>) src(%dma_wait3A_230 : memref<4x100xi32, #tpu.memory_space<hbm>>) dst(%arg8 : memref<4x100xi32, #tpu.memory_space<vmem>>)
      tpu.yield
    }) : () -> ()
    %dma_start3A_50 = arith.constant 0 : i32
    %dma_start3A_51 = arith.constant 0 : i32
    %dma_start3A_52 = arith.constant 0 : i32
    %dma_start3A_53 = tpu.memref_slice %arg10[%dma_start3A_51, %dma_start3A_52] : memref<400x64xf32, #tpu.memory_space<vmem>> -> memref<100x64xf32, #tpu.memory_space<vmem>>
    %dma_start3A_54 = arith.constant 0 : i32
    %dma_start3A_55 = tpu.memref_slice %arg8[%dma_start3A_50, %dma_start3A_54] : memref<4x100xi32, #tpu.memory_space<vmem>> -> memref<1x100xi32, #tpu.memory_space<vmem>>
    %dma_start3A_56 = tpu.memref_squeeze %dma_start3A_55 : memref<1x100xi32, #tpu.memory_space<vmem>> -> memref<100xi32, #tpu.memory_space<vmem>>
    %dma_start3A_57 = arith.constant 0 : i32
    %dma_start3A_58 = arith.constant 0 : i32
    %dma_start3A_59 = tpu.memref_slice %arg3[%dma_start3A_57, %dma_start3A_58] : memref<1000000x64xf32, #tpu.memory_space<hbm>> -> memref<1000000x64xf32, #tpu.memory_space<hbm>>
    tpu.enqueue_indirect_dma source(%dma_start3A_59 : memref<1000000x64xf32, #tpu.memory_space<hbm>>) target(%dma_start3A_53 : memref<100x64xf32, #tpu.memory_space<vmem>>) offsets(%dma_start3A_56 : memref<100xi32, #tpu.memory_space<vmem>>) semaphore(%arg14 : memref<!tpu.dma_semaphore, #tpu.memory_space<semaphore_mem>>)
    %dma_start3A_60 = arith.constant 1 : i32
    %dma_start3A_61 = arith.constant 100 : i32
    %dma_start3A_62 = arith.constant 0 : i32
    %dma_start3A_63 = tpu.memref_slice %arg10[%dma_start3A_61, %dma_start3A_62] : memref<400x64xf32, #tpu.memory_space<vmem>> -> memref<100x64xf32, #tpu.memory_space<vmem>>
    %dma_start3A_64 = arith.constant 0 : i32
    %dma_start3A_65 = tpu.memref_slice %arg8[%dma_start3A_60, %dma_start3A_64] : memref<4x100xi32, #tpu.memory_space<vmem>> -> memref<1x100xi32, #tpu.memory_space<vmem>>
    %dma_start3A_66 = tpu.memref_squeeze %dma_start3A_65 : memref<1x100xi32, #tpu.memory_space<vmem>> -> memref<100xi32, #tpu.memory_space<vmem>>
    %dma_start3A_67 = arith.constant 0 : i32
    %dma_start3A_68 = arith.constant 0 : i32
    %dma_start3A_69 = tpu.memref_slice %arg3[%dma_start3A_67, %dma_start3A_68] : memref<1000000x64xf32, #tpu.memory_space<hbm>> -> memref<1000000x64xf32, #tpu.memory_space<hbm>>
    tpu.enqueue_indirect_dma source(%dma_start3A_69 : memref<1000000x64xf32, #tpu.memory_space<hbm>>) target(%dma_start3A_63 : memref<100x64xf32, #tpu.memory_space<vmem>>) offsets(%dma_start3A_66 : memref<100xi32, #tpu.memory_space<vmem>>) semaphore(%arg14 : memref<!tpu.dma_semaphore, #tpu.memory_space<semaphore_mem>>)
    %dma_start3A_70 = arith.constant 2 : i32
    %dma_start3A_71 = arith.constant 200 : i32
    %dma_start3A_72 = arith.constant 0 : i32
    %dma_start3A_73 = tpu.memref_slice %arg10[%dma_start3A_71, %dma_start3A_72] : memref<400x64xf32, #tpu.memory_space<vmem>> -> memref<100x64xf32, #tpu.memory_space<vmem>>
    %dma_start3A_74 = arith.constant 0 : i32
    %dma_start3A_75 = tpu.memref_slice %arg8[%dma_start3A_70, %dma_start3A_74] : memref<4x100xi32, #tpu.memory_space<vmem>> -> memref<1x100xi32, #tpu.memory_space<vmem>>
    %dma_start3A_76 = tpu.memref_squeeze %dma_start3A_75 : memref<1x100xi32, #tpu.memory_space<vmem>> -> memref<100xi32, #tpu.memory_space<vmem>>
    %dma_start3A_77 = arith.constant 0 : i32
    %dma_start3A_78 = arith.constant 0 : i32
    %dma_start3A_79 = tpu.memref_slice %arg3[%dma_start3A_77, %dma_start3A_78] : memref<1000000x64xf32, #tpu.memory_space<hbm>> -> memref<1000000x64xf32, #tpu.memory_space<hbm>>
    tpu.enqueue_indirect_dma source(%dma_start3A_79 : memref<1000000x64xf32, #tpu.memory_space<hbm>>) target(%dma_start3A_73 : memref<100x64xf32, #tpu.memory_space<vmem>>) offsets(%dma_start3A_76 : memref<100xi32, #tpu.memory_space<vmem>>) semaphore(%arg14 : memref<!tpu.dma_semaphore, #tpu.memory_space<semaphore_mem>>)
    %dma_start3A_80 = arith.constant 3 : i32
    %dma_start3A_81 = arith.constant 300 : i32
    %dma_start3A_82 = arith.constant 0 : i32
    %dma_start3A_83 = tpu.memref_slice %arg10[%dma_start3A_81, %dma_start3A_82] : memref<400x64xf32, #tpu.memory_space<vmem>> -> memref<100x64xf32, #tpu.memory_space<vmem>>
    %dma_start3A_84 = arith.constant 0 : i32
    %dma_start3A_85 = tpu.memref_slice %arg8[%dma_start3A_80, %dma_start3A_84] : memref<4x100xi32, #tpu.memory_space<vmem>> -> memref<1x100xi32, #tpu.memory_space<vmem>>
    %dma_start3A_86 = tpu.memref_squeeze %dma_start3A_85 : memref<1x100xi32, #tpu.memory_space<vmem>> -> memref<100xi32, #tpu.memory_space<vmem>>
    %dma_start3A_87 = arith.constant 0 : i32
    %dma_start3A_88 = arith.constant 0 : i32
    %dma_start3A_89 = tpu.memref_slice %arg3[%dma_start3A_87, %dma_start3A_88] : memref<1000000x64xf32, #tpu.memory_space<hbm>> -> memref<1000000x64xf32, #tpu.memory_space<hbm>>
    tpu.enqueue_indirect_dma source(%dma_start3A_89 : memref<1000000x64xf32, #tpu.memory_space<hbm>>) target(%dma_start3A_83 : memref<100x64xf32, #tpu.memory_space<vmem>>) offsets(%dma_start3A_86 : memref<100xi32, #tpu.memory_space<vmem>>) semaphore(%arg14 : memref<!tpu.dma_semaphore, #tpu.memory_space<semaphore_mem>>)
    %dma_wait3A = arith.constant 0 : i32
    %dma_wait3A_90 = arith.constant 0 : i32
    %dma_wait3A_91 = tpu.memref_slice %arg9[%dma_wait3A, %dma_wait3A_90] : memref<400x64xf32, #tpu.memory_space<vmem>> -> memref<100x64xf32, #tpu.memory_space<vmem>>
    %dma_wait3A_92 = arith.constant 0 : i32
    %dma_wait3A_93 = arith.constant 0 : i32
    %dma_wait3A_94 = tpu.memref_slice %arg3[%dma_wait3A_92, %dma_wait3A_93] : memref<1000000x64xf32, #tpu.memory_space<hbm>> -> memref<100x64xf32, #tpu.memory_space<hbm>>
    %dma_wait3A_95 = arith.constant 0 : i32
    %dma_wait3A_96 = arith.constant 0 : i32
    %dma_wait3A_97 = tpu.memref_slice %arg9[%dma_wait3A_95, %dma_wait3A_96] : memref<400x64xf32, #tpu.memory_space<vmem>> -> memref<100x64xf32, #tpu.memory_space<vmem>>
    %dma_wait3A_98 = arith.constant 0 : i32
    %dma_wait3A_99 = arith.constant 0 : i32
    %dma_wait3A_100 = tpu.memref_slice %arg3[%dma_wait3A_98, %dma_wait3A_99] : memref<1000000x64xf32, #tpu.memory_space<hbm>> -> memref<100x64xf32, #tpu.memory_space<hbm>>
    tpu.wait_dma2 semaphore(%arg13 : memref<!tpu.dma_semaphore, #tpu.memory_space<semaphore_mem>>) src(%dma_wait3A_100 : memref<100x64xf32, #tpu.memory_space<hbm>>) dst(%dma_wait3A_97 : memref<100x64xf32, #tpu.memory_space<vmem>>)
    %dma_wait3A_101 = arith.constant 100 : i32
    %dma_wait3A_102 = arith.constant 0 : i32
    %dma_wait3A_103 = tpu.memref_slice %arg9[%dma_wait3A_101, %dma_wait3A_102] : memref<400x64xf32, #tpu.memory_space<vmem>> -> memref<100x64xf32, #tpu.memory_space<vmem>>
    %dma_wait3A_104 = arith.constant 0 : i32
    %dma_wait3A_105 = arith.constant 0 : i32
    %dma_wait3A_106 = tpu.memref_slice %arg3[%dma_wait3A_104, %dma_wait3A_105] : memref<1000000x64xf32, #tpu.memory_space<hbm>> -> memref<100x64xf32, #tpu.memory_space<hbm>>
    %dma_wait3A_107 = arith.constant 100 : i32
    %dma_wait3A_108 = arith.constant 0 : i32
    %dma_wait3A_109 = tpu.memref_slice %arg9[%dma_wait3A_107, %dma_wait3A_108] : memref<400x64xf32, #tpu.memory_space<vmem>> -> memref<100x64xf32, #tpu.memory_space<vmem>>
    %dma_wait3A_110 = arith.constant 0 : i32
    %dma_wait3A_111 = arith.constant 0 : i32
    %dma_wait3A_112 = tpu.memref_slice %arg3[%dma_wait3A_110, %dma_wait3A_111] : memref<1000000x64xf32, #tpu.memory_space<hbm>> -> memref<100x64xf32, #tpu.memory_space<hbm>>
    tpu.wait_dma2 semaphore(%arg13 : memref<!tpu.dma_semaphore, #tpu.memory_space<semaphore_mem>>) src(%dma_wait3A_112 : memref<100x64xf32, #tpu.memory_space<hbm>>) dst(%dma_wait3A_109 : memref<100x64xf32, #tpu.memory_space<vmem>>)
    %dma_wait3A_113 = arith.constant 200 : i32
    %dma_wait3A_114 = arith.constant 0 : i32
    %dma_wait3A_115 = tpu.memref_slice %arg9[%dma_wait3A_113, %dma_wait3A_114] : memref<400x64xf32, #tpu.memory_space<vmem>> -> memref<100x64xf32, #tpu.memory_space<vmem>>
    %dma_wait3A_116 = arith.constant 0 : i32
    %dma_wait3A_117 = arith.constant 0 : i32
    %dma_wait3A_118 = tpu.memref_slice %arg3[%dma_wait3A_116, %dma_wait3A_117] : memref<1000000x64xf32, #tpu.memory_space<hbm>> -> memref<100x64xf32, #tpu.memory_space<hbm>>
    %dma_wait3A_119 = arith.constant 200 : i32
    %dma_wait3A_120 = arith.constant 0 : i32
    %dma_wait3A_121 = tpu.memref_slice %arg9[%dma_wait3A_119, %dma_wait3A_120] : memref<400x64xf32, #tpu.memory_space<vmem>> -> memref<100x64xf32, #tpu.memory_space<vmem>>
    %dma_wait3A_122 = arith.constant 0 : i32
    %dma_wait3A_123 = arith.constant 0 : i32
    %dma_wait3A_124 = tpu.memref_slice %arg3[%dma_wait3A_122, %dma_wait3A_123] : memref<1000000x64xf32, #tpu.memory_space<hbm>> -> memref<100x64xf32, #tpu.memory_space<hbm>>
    tpu.wait_dma2 semaphore(%arg13 : memref<!tpu.dma_semaphore, #tpu.memory_space<semaphore_mem>>) src(%dma_wait3A_124 : memref<100x64xf32, #tpu.memory_space<hbm>>) dst(%dma_wait3A_121 : memref<100x64xf32, #tpu.memory_space<vmem>>)
    %dma_wait3A_125 = arith.constant 300 : i32
    %dma_wait3A_126 = arith.constant 0 : i32
    %dma_wait3A_127 = tpu.memref_slice %arg9[%dma_wait3A_125, %dma_wait3A_126] : memref<400x64xf32, #tpu.memory_space<vmem>> -> memref<100x64xf32, #tpu.memory_space<vmem>>
    %dma_wait3A_128 = arith.constant 0 : i32
    %dma_wait3A_129 = arith.constant 0 : i32
    %dma_wait3A_130 = tpu.memref_slice %arg3[%dma_wait3A_128, %dma_wait3A_129] : memref<1000000x64xf32, #tpu.memory_space<hbm>> -> memref<100x64xf32, #tpu.memory_space<hbm>>
    %dma_wait3A_131 = arith.constant 300 : i32
    %dma_wait3A_132 = arith.constant 0 : i32
    %dma_wait3A_133 = tpu.memref_slice %arg9[%dma_wait3A_131, %dma_wait3A_132] : memref<400x64xf32, #tpu.memory_space<vmem>> -> memref<100x64xf32, #tpu.memory_space<vmem>>
    %dma_wait3A_134 = arith.constant 0 : i32
    %dma_wait3A_135 = arith.constant 0 : i32
    %dma_wait3A_136 = tpu.memref_slice %arg3[%dma_wait3A_134, %dma_wait3A_135] : memref<1000000x64xf32, #tpu.memory_space<hbm>> -> memref<100x64xf32, #tpu.memory_space<hbm>>
    tpu.wait_dma2 semaphore(%arg13 : memref<!tpu.dma_semaphore, #tpu.memory_space<semaphore_mem>>) src(%dma_wait3A_136 : memref<100x64xf32, #tpu.memory_space<hbm>>) dst(%dma_wait3A_133 : memref<100x64xf32, #tpu.memory_space<vmem>>)
    %parallel_loop3A = arith.constant 0 : i32
    %parallel_loop3A_137 = arith.constant 400 : i32
    %parallel_loop3A_138 = arith.constant 1 : i32
    scf.for %parallel_loop3A_223 = %parallel_loop3A to %parallel_loop3A_137 step %parallel_loop3A_138  : i32 {
      %parallel_loop3A_224 = arith.index_cast %parallel_loop3A_223 : i32 to index
      %parallel_loop3A_225 = arith.constant 0 : index
      %parallel_loop3A_226 = tpu.vector_load %arg9[%parallel_loop3A_224, %parallel_loop3A_225] {strides = array<i32>} : memref<400x64xf32, #tpu.memory_space<vmem>>, vector<16xf32>,
      %parallel_loop3A_227 = arith.index_cast %parallel_loop3A_223 : i32 to index
      %parallel_loop3A_228 = arith.constant 0 : index
      %parallel_loop3A_229 = tpu.vector_load %arg11[%parallel_loop3A_227, %parallel_loop3A_228] {strides = array<i32>} : memref<400x64xf32, #tpu.memory_space<vmem>>, vector<16xf32>,
      %parallel_loop3A_230 = arith.addf %parallel_loop3A_226, %parallel_loop3A_229 : vector<16xf32>
      %parallel_loop3A_231 = arith.index_cast %parallel_loop3A_223 : i32 to index
      %parallel_loop3A_232 = arith.constant 16 : index
      %parallel_loop3A_233 = tpu.vector_load %arg9[%parallel_loop3A_231, %parallel_loop3A_232] {strides = array<i32>} : memref<400x64xf32, #tpu.memory_space<vmem>>, vector<16xf32>,
      %parallel_loop3A_234 = arith.index_cast %parallel_loop3A_223 : i32 to index
      %parallel_loop3A_235 = arith.constant 16 : index
      %parallel_loop3A_236 = tpu.vector_load %arg11[%parallel_loop3A_234, %parallel_loop3A_235] {strides = array<i32>} : memref<400x64xf32, #tpu.memory_space<vmem>>, vector<16xf32>,
      %parallel_loop3A_237 = arith.addf %parallel_loop3A_233, %parallel_loop3A_236 : vector<16xf32>
      %parallel_loop3A_238 = arith.index_cast %parallel_loop3A_223 : i32 to index
      %parallel_loop3A_239 = arith.constant 32 : index
      %parallel_loop3A_240 = tpu.vector_load %arg9[%parallel_loop3A_238, %parallel_loop3A_239] {strides = array<i32>} : memref<400x64xf32, #tpu.memory_space<vmem>>, vector<16xf32>,
      %parallel_loop3A_241 = arith.index_cast %parallel_loop3A_223 : i32 to index
      %parallel_loop3A_242 = arith.constant 32 : index
      %parallel_loop3A_243 = tpu.vector_load %arg11[%parallel_loop3A_241, %parallel_loop3A_242] {strides = array<i32>} : memref<400x64xf32, #tpu.memory_space<vmem>>, vector<16xf32>,
      %parallel_loop3A_244 = arith.addf %parallel_loop3A_240, %parallel_loop3A_243 : vector<16xf32>
      %parallel_loop3A_245 = arith.index_cast %parallel_loop3A_223 : i32 to index
      %parallel_loop3A_246 = arith.constant 48 : index
      %parallel_loop3A_247 = tpu.vector_load %arg9[%parallel_loop3A_245, %parallel_loop3A_246] {strides = array<i32>} : memref<400x64xf32, #tpu.memory_space<vmem>>, vector<16xf32>,
      %parallel_loop3A_248 = arith.index_cast %parallel_loop3A_223 : i32 to index
      %parallel_loop3A_249 = arith.constant 48 : index
      %parallel_loop3A_250 = tpu.vector_load %arg11[%parallel_loop3A_248, %parallel_loop3A_249] {strides = array<i32>} : memref<400x64xf32, #tpu.memory_space<vmem>>, vector<16xf32>,
      %parallel_loop3A_251 = arith.addf %parallel_loop3A_247, %parallel_loop3A_250 : vector<16xf32>
      %parallel_loop3A_252 = arith.addf %parallel_loop3A_230, %parallel_loop3A_237 : vector<16xf32>
      %parallel_loop3A_253 = arith.addf %parallel_loop3A_244, %parallel_loop3A_251 : vector<16xf32>
      %parallel_loop3A_254 = arith.addf %parallel_loop3A_252, %parallel_loop3A_253 : vector<16xf32>
      %parallel_loop3A_255 = arith.mulf %parallel_loop3A_230, %parallel_loop3A_230 : vector<16xf32>
      %parallel_loop3A_256 = arith.mulf %parallel_loop3A_237, %parallel_loop3A_237 : vector<16xf32>
      %parallel_loop3A_257 = arith.addf %parallel_loop3A_255, %parallel_loop3A_256 : vector<16xf32>
      %parallel_loop3A_258 = arith.mulf %parallel_loop3A_244, %parallel_loop3A_244 : vector<16xf32>
      %parallel_loop3A_259 = arith.mulf %parallel_loop3A_251, %parallel_loop3A_251 : vector<16xf32>
      %parallel_loop3A_260 = arith.addf %parallel_loop3A_258, %parallel_loop3A_259 : vector<16xf32>
      %parallel_loop3A_261 = arith.addf %parallel_loop3A_257, %parallel_loop3A_260 : vector<16xf32>
      %parallel_loop3A_262 = arith.constant true
      %parallel_loop3A_263 = vector.broadcast %parallel_loop3A_262 : i1 to vector<16xi1>
      %parallel_loop3A_264 = tpu.scan <sum>, %parallel_loop3A_254 masked %parallel_loop3A_263 : vector<16xf32>, vector<16xi1> -> vector<16xf32>
      %parallel_loop3A_265 = vector.extract %parallel_loop3A_264[15] : f32 from vector<16xf32>
      %parallel_loop3A_266 = arith.constant 1.562500e-02 : f32
      %parallel_loop3A_267 = arith.mulf %parallel_loop3A_265, %parallel_loop3A_266 : f32
      %parallel_loop3A_268 = arith.constant true
      %parallel_loop3A_269 = vector.broadcast %parallel_loop3A_268 : i1 to vector<16xi1>
      %parallel_loop3A_270 = tpu.scan <sum>, %parallel_loop3A_261 masked %parallel_loop3A_269 : vector<16xf32>, vector<16xi1> -> vector<16xf32>
      %parallel_loop3A_271 = vector.extract %parallel_loop3A_270[15] : f32 from vector<16xf32>
      %parallel_loop3A_272 = arith.constant 1.562500e-02 : f32
      %parallel_loop3A_273 = arith.mulf %parallel_loop3A_271, %parallel_loop3A_272 : f32
      %parallel_loop3A_274 = arith.mulf %parallel_loop3A_267, %parallel_loop3A_267 : f32
      %parallel_loop3A_275 = arith.subf %parallel_loop3A_273, %parallel_loop3A_274 : f32
      %parallel_loop3A_276 = arith.constant 9.99999996E-13 : f32
      %parallel_loop3A_277 = arith.addf %parallel_loop3A_275, %parallel_loop3A_276 : f32
      %parallel_loop3A_278 = arith.bitcast %parallel_loop3A_277 : f32 to i32
      %parallel_loop3A_279 = arith.constant 1 : i32
      %parallel_loop3A_280 = arith.shrui %parallel_loop3A_278, %parallel_loop3A_279 : i32
      %parallel_loop3A_281 = arith.constant 1597463007 : i32
      %parallel_loop3A_282 = arith.subi %parallel_loop3A_281, %parallel_loop3A_280 : i32
      %parallel_loop3A_283 = arith.bitcast %parallel_loop3A_282 : i32 to f32
      %parallel_loop3A_284 = arith.constant 5.000000e-01 : f32
      %parallel_loop3A_285 = arith.mulf %parallel_loop3A_284, %parallel_loop3A_277 : f32
      %parallel_loop3A_286 = arith.mulf %parallel_loop3A_285, %parallel_loop3A_283 : f32
      %parallel_loop3A_287 = arith.mulf %parallel_loop3A_286, %parallel_loop3A_283 : f32
      %parallel_loop3A_288 = arith.constant 1.500000e+00 : f32
      %parallel_loop3A_289 = arith.subf %parallel_loop3A_288, %parallel_loop3A_287 : f32
      %parallel_loop3A_290 = arith.mulf %parallel_loop3A_283, %parallel_loop3A_289 : f32
      %parallel_loop3A_291 = arith.constant 5.000000e-01 : f32
      %parallel_loop3A_292 = arith.mulf %parallel_loop3A_291, %parallel_loop3A_277 : f32
      %parallel_loop3A_293 = arith.mulf %parallel_loop3A_292, %parallel_loop3A_290 : f32
      %parallel_loop3A_294 = arith.mulf %parallel_loop3A_293, %parallel_loop3A_290 : f32
      %parallel_loop3A_295 = arith.constant 1.500000e+00 : f32
      %parallel_loop3A_296 = arith.subf %parallel_loop3A_295, %parallel_loop3A_294 : f32
      %parallel_loop3A_297 = arith.mulf %parallel_loop3A_290, %parallel_loop3A_296 : f32
      %parallel_loop3A_298 = arith.constant 5.000000e-01 : f32
      %parallel_loop3A_299 = arith.mulf %parallel_loop3A_298, %parallel_loop3A_277 : f32
      %parallel_loop3A_300 = arith.mulf %parallel_loop3A_299, %parallel_loop3A_297 : f32
      %parallel_loop3A_301 = arith.mulf %parallel_loop3A_300, %parallel_loop3A_297 : f32
      %parallel_loop3A_302 = arith.constant 1.500000e+00 : f32
      %parallel_loop3A_303 = arith.subf %parallel_loop3A_302, %parallel_loop3A_301 : f32
      %parallel_loop3A_304 = arith.mulf %parallel_loop3A_297, %parallel_loop3A_303 : f32
      %parallel_loop3A_305 = arith.constant 0 : i32
      %parallel_loop3A_306 = arith.index_cast %parallel_loop3A_305 : i32 to index
      %parallel_loop3A_307 = arith.constant 0 : index
      %parallel_loop3A_308 = tpu.vector_load %arg12[%parallel_loop3A_306, %parallel_loop3A_307] {strides = array<i32>} : memref<2x64xf32, #tpu.memory_space<vmem>>, vector<16xf32>,
      %parallel_loop3A_309 = arith.constant 1 : i32
      %parallel_loop3A_310 = arith.index_cast %parallel_loop3A_309 : i32 to index
      %parallel_loop3A_311 = arith.constant 0 : index
      %parallel_loop3A_312 = tpu.vector_load %arg12[%parallel_loop3A_310, %parallel_loop3A_311] {strides = array<i32>} : memref<2x64xf32, #tpu.memory_space<vmem>>, vector<16xf32>,
      %parallel_loop3A_313 = vector.broadcast %parallel_loop3A_267 : f32 to vector<16xf32>
      %parallel_loop3A_314 = arith.subf %parallel_loop3A_230, %parallel_loop3A_313 : vector<16xf32>
      %parallel_loop3A_315 = vector.broadcast %parallel_loop3A_304 : f32 to vector<16xf32>
      %parallel_loop3A_316 = arith.mulf %parallel_loop3A_315, %parallel_loop3A_308 : vector<16xf32>
      %parallel_loop3A_317 = arith.mulf %parallel_loop3A_314, %parallel_loop3A_316 : vector<16xf32>
      %parallel_loop3A_318 = arith.addf %parallel_loop3A_317, %parallel_loop3A_312 : vector<16xf32>
      %parallel_loop3A_319 = arith.index_cast %parallel_loop3A_223 : i32 to index
      %parallel_loop3A_320 = arith.constant 0 : index
      %parallel_loop3A_321 = tpu.vector_load %arg9[%parallel_loop3A_319, %parallel_loop3A_320] {strides = array<i32>} : memref<400x64xf32, #tpu.memory_space<vmem>>, vector<16xf32>,
      tpu.vector_store %arg9[%parallel_loop3A_319, %parallel_loop3A_320], %parallel_loop3A_318 {strides = array<i32>} : memref<400x64xf32, #tpu.memory_space<vmem>>, vector<16xf32>,
      %parallel_loop3A_322 = arith.constant 0 : i32
      %parallel_loop3A_323 = arith.index_cast %parallel_loop3A_322 : i32 to index
      %parallel_loop3A_324 = arith.constant 16 : index
      %parallel_loop3A_325 = tpu.vector_load %arg12[%parallel_loop3A_323, %parallel_loop3A_324] {strides = array<i32>} : memref<2x64xf32, #tpu.memory_space<vmem>>, vector<16xf32>,
      %parallel_loop3A_326 = arith.constant 1 : i32
      %parallel_loop3A_327 = arith.index_cast %parallel_loop3A_326 : i32 to index
      %parallel_loop3A_328 = arith.constant 16 : index
      %parallel_loop3A_329 = tpu.vector_load %arg12[%parallel_loop3A_327, %parallel_loop3A_328] {strides = array<i32>} : memref<2x64xf32, #tpu.memory_space<vmem>>, vector<16xf32>,
      %parallel_loop3A_330 = vector.broadcast %parallel_loop3A_267 : f32 to vector<16xf32>
      %parallel_loop3A_331 = arith.subf %parallel_loop3A_237, %parallel_loop3A_330 : vector<16xf32>
      %parallel_loop3A_332 = vector.broadcast %parallel_loop3A_304 : f32 to vector<16xf32>
      %parallel_loop3A_333 = arith.mulf %parallel_loop3A_332, %parallel_loop3A_325 : vector<16xf32>
      %parallel_loop3A_334 = arith.mulf %parallel_loop3A_331, %parallel_loop3A_333 : vector<16xf32>
      %parallel_loop3A_335 = arith.addf %parallel_loop3A_334, %parallel_loop3A_329 : vector<16xf32>
      %parallel_loop3A_336 = arith.index_cast %parallel_loop3A_223 : i32 to index
      %parallel_loop3A_337 = arith.constant 16 : index
      %parallel_loop3A_338 = tpu.vector_load %arg9[%parallel_loop3A_336, %parallel_loop3A_337] {strides = array<i32>} : memref<400x64xf32, #tpu.memory_space<vmem>>, vector<16xf32>,
      tpu.vector_store %arg9[%parallel_loop3A_336, %parallel_loop3A_337], %parallel_loop3A_335 {strides = array<i32>} : memref<400x64xf32, #tpu.memory_space<vmem>>, vector<16xf32>,
      %parallel_loop3A_339 = arith.constant 0 : i32
      %parallel_loop3A_340 = arith.index_cast %parallel_loop3A_339 : i32 to index
      %parallel_loop3A_341 = arith.constant 32 : index
      %parallel_loop3A_342 = tpu.vector_load %arg12[%parallel_loop3A_340, %parallel_loop3A_341] {strides = array<i32>} : memref<2x64xf32, #tpu.memory_space<vmem>>, vector<16xf32>,
      %parallel_loop3A_343 = arith.constant 1 : i32
      %parallel_loop3A_344 = arith.index_cast %parallel_loop3A_343 : i32 to index
      %parallel_loop3A_345 = arith.constant 32 : index
      %parallel_loop3A_346 = tpu.vector_load %arg12[%parallel_loop3A_344, %parallel_loop3A_345] {strides = array<i32>} : memref<2x64xf32, #tpu.memory_space<vmem>>, vector<16xf32>,
      %parallel_loop3A_347 = vector.broadcast %parallel_loop3A_267 : f32 to vector<16xf32>
      %parallel_loop3A_348 = arith.subf %parallel_loop3A_244, %parallel_loop3A_347 : vector<16xf32>
      %parallel_loop3A_349 = vector.broadcast %parallel_loop3A_304 : f32 to vector<16xf32>
      %parallel_loop3A_350 = arith.mulf %parallel_loop3A_349, %parallel_loop3A_342 : vector<16xf32>
      %parallel_loop3A_351 = arith.mulf %parallel_loop3A_348, %parallel_loop3A_350 : vector<16xf32>
      %parallel_loop3A_352 = arith.addf %parallel_loop3A_351, %parallel_loop3A_346 : vector<16xf32>
      %parallel_loop3A_353 = arith.index_cast %parallel_loop3A_223 : i32 to index
      %parallel_loop3A_354 = arith.constant 32 : index
      %parallel_loop3A_355 = tpu.vector_load %arg9[%parallel_loop3A_353, %parallel_loop3A_354] {strides = array<i32>} : memref<400x64xf32, #tpu.memory_space<vmem>>, vector<16xf32>,
      tpu.vector_store %arg9[%parallel_loop3A_353, %parallel_loop3A_354], %parallel_loop3A_352 {strides = array<i32>} : memref<400x64xf32, #tpu.memory_space<vmem>>, vector<16xf32>,
      %parallel_loop3A_356 = arith.constant 0 : i32
      %parallel_loop3A_357 = arith.index_cast %parallel_loop3A_356 : i32 to index
      %parallel_loop3A_358 = arith.constant 48 : index
      %parallel_loop3A_359 = tpu.vector_load %arg12[%parallel_loop3A_357, %parallel_loop3A_358] {strides = array<i32>} : memref<2x64xf32, #tpu.memory_space<vmem>>, vector<16xf32>,
      %parallel_loop3A_360 = arith.constant 1 : i32
      %parallel_loop3A_361 = arith.index_cast %parallel_loop3A_360 : i32 to index
      %parallel_loop3A_362 = arith.constant 48 : index
      %parallel_loop3A_363 = tpu.vector_load %arg12[%parallel_loop3A_361, %parallel_loop3A_362] {strides = array<i32>} : memref<2x64xf32, #tpu.memory_space<vmem>>, vector<16xf32>,
      %parallel_loop3A_364 = vector.broadcast %parallel_loop3A_267 : f32 to vector<16xf32>
      %parallel_loop3A_365 = arith.subf %parallel_loop3A_251, %parallel_loop3A_364 : vector<16xf32>
      %parallel_loop3A_366 = vector.broadcast %parallel_loop3A_304 : f32 to vector<16xf32>
      %parallel_loop3A_367 = arith.mulf %parallel_loop3A_366, %parallel_loop3A_359 : vector<16xf32>
      %parallel_loop3A_368 = arith.mulf %parallel_loop3A_365, %parallel_loop3A_367 : vector<16xf32>
      %parallel_loop3A_369 = arith.addf %parallel_loop3A_368, %parallel_loop3A_363 : vector<16xf32>
      %parallel_loop3A_370 = arith.index_cast %parallel_loop3A_223 : i32 to index
      %parallel_loop3A_371 = arith.constant 48 : index
      %parallel_loop3A_372 = tpu.vector_load %arg9[%parallel_loop3A_370, %parallel_loop3A_371] {strides = array<i32>} : memref<400x64xf32, #tpu.memory_space<vmem>>, vector<16xf32>,
      tpu.vector_store %arg9[%parallel_loop3A_370, %parallel_loop3A_371], %parallel_loop3A_369 {strides = array<i32>} : memref<400x64xf32, #tpu.memory_space<vmem>>, vector<16xf32>,
    } {sc.loop_unroll_factor = 8 : i64, sc.parallel_access}
    %add3A_139 = arith.constant 0 : i32
    %add3A_140 = arith.addi %mul3A_2, %add3A_139 : i32
    %mul3A_141 = arith.constant 400 : i32
    %mul3A_142 = arith.muli %add3A_140, %mul3A_141 : i32
    %dma_start3A_143 = arith.constant 0 : i32
    %dma_start3A_144 = tpu.memref_slice %arg6[%mul3A_142, %dma_start3A_143] : memref<819200x64xf32, #tpu.memory_space<hbm>> -> memref<400x64xf32, #tpu.memory_space<hbm>>
    %dma_start3A_145 = arith.constant 0 : i32
    %dma_start3A_146 = tpu.memref_slice %arg6[%mul3A_142, %dma_start3A_145] : memref<819200x64xf32, #tpu.memory_space<hbm>> -> memref<400x64xf32, #tpu.memory_space<hbm>>
    tpu.enqueue_dma source(%arg9 : memref<400x64xf32, #tpu.memory_space<vmem>>) target(%dma_start3A_146 : memref<400x64xf32, #tpu.memory_space<hbm>>) target_semaphore(%arg15 : memref<!tpu.dma_semaphore, #tpu.memory_space<semaphore_mem>>)
    %scan3A = arith.constant 0 : i32
    %scan3A_147 = arith.constant 0 : i32
    %scan3A_148 = arith.constant 31 : i32
    %scan3A_149 = arith.addi %scan3A_147, %scan3A_148 : i32
    %scan3A_150 = arith.constant 1 : i32
    scf.for %scan3A_223 = %scan3A_147 to %scan3A_149 step %scan3A_150  : i32 {
      %mul3A_224 = arith.constant 2 : i32
      %mul3A_225 = arith.muli %mul3A_224, %scan3A_223 : i32
      %add3A_226 = arith.constant 1 : i32
      %add3A_227 = arith.addi %mul3A_225, %add3A_226 : i32
      %add3A_228 = arith.constant 1 : i32
      %add3A_229 = arith.addi %add3A_227, %add3A_228 : i32
      %dma_wait3A_230 = arith.constant 0 : i32
      %dma_wait3A_231 = arith.constant 0 : i32
      %dma_wait3A_232 = tpu.memref_slice %arg6[%dma_wait3A_230, %dma_wait3A_231] : memref<819200x64xf32, #tpu.memory_space<hbm>> -> memref<400x64xf32, #tpu.memory_space<hbm>>
      %dma_wait3A_233 = arith.constant 0 : i32
      %dma_wait3A_234 = arith.constant 0 : i32
      %dma_wait3A_235 = tpu.memref_slice %arg6[%dma_wait3A_233, %dma_wait3A_234] : memref<819200x64xf32, #tpu.memory_space<hbm>> -> memref<400x64xf32, #tpu.memory_space<hbm>>
      tpu.wait_dma2 semaphore(%arg15 : memref<!tpu.dma_semaphore, #tpu.memory_space<semaphore_mem>>) src(%arg9 : memref<400x64xf32, #tpu.memory_space<vmem>>) dst(%dma_wait3A_235 : memref<400x64xf32, #tpu.memory_space<hbm>>)
      %add3A_236 = arith.constant 1 : i32
      %add3A_237 = arith.addi %add3A_227, %add3A_236 : i32
      %add3A_238 = arith.addi %mul3A_2, %add3A_237 : i32
      %mul3A_239 = arith.constant 4 : i32
      %mul3A_240 = arith.muli %add3A_238, %mul3A_239 : i32
      "tpu.region"() ({
        %run_scoped3A = tpu.sem_alloc : memref<!tpu.dma_semaphore, #tpu.memory_space<semaphore_mem>>
        %dma_start3A_448 = arith.constant 0 : i32
        %dma_start3A_449 = tpu.memref_slice %arg2[%mul3A_240, %dma_start3A_448] : memref<8192x100xi32, #tpu.memory_space<hbm>> -> memref<4x100xi32, #tpu.memory_space<hbm>>
        %dma_start3A_450 = arith.constant 0 : i32
        %dma_start3A_451 = tpu.memref_slice %arg2[%mul3A_240, %dma_start3A_450] : memref<8192x100xi32, #tpu.memory_space<hbm>> -> memref<4x100xi32, #tpu.memory_space<hbm>>
        tpu.enqueue_dma source(%dma_start3A_451 : memref<4x100xi32, #tpu.memory_space<hbm>>) target(%arg7 : memref<4x100xi32, #tpu.memory_space<vmem>>) target_semaphore(%run_scoped3A : memref<!tpu.dma_semaphore, #tpu.memory_space<semaphore_mem>>)
        %dma_wait3A_452 = arith.constant 0 : i32
        %dma_wait3A_453 = tpu.memref_slice %arg2[%mul3A_240, %dma_wait3A_452] : memref<8192x100xi32, #tpu.memory_space<hbm>> -> memref<4x100xi32, #tpu.memory_space<hbm>>
        %dma_wait3A_454 = arith.constant 0 : i32
        %dma_wait3A_455 = tpu.memref_slice %arg2[%mul3A_240, %dma_wait3A_454] : memref<8192x100xi32, #tpu.memory_space<hbm>> -> memref<4x100xi32, #tpu.memory_space<hbm>>
        tpu.wait_dma2 semaphore(%run_scoped3A : memref<!tpu.dma_semaphore, #tpu.memory_space<semaphore_mem>>) src(%dma_wait3A_455 : memref<4x100xi32, #tpu.memory_space<hbm>>) dst(%arg7 : memref<4x100xi32, #tpu.memory_space<vmem>>)
        tpu.yield
      }) : () -> ()
      %dma_start3A_241 = arith.constant 0 : i32
      %dma_start3A_242 = arith.constant 0 : i32
      %dma_start3A_243 = arith.constant 0 : i32
      %dma_start3A_244 = tpu.memref_slice %arg9[%dma_start3A_242, %dma_start3A_243] : memref<400x64xf32, #tpu.memory_space<vmem>> -> memref<100x64xf32, #tpu.memory_space<vmem>>
      %dma_start3A_245 = arith.constant 0 : i32
      %dma_start3A_246 = tpu.memref_slice %arg7[%dma_start3A_241, %dma_start3A_245] : memref<4x100xi32, #tpu.memory_space<vmem>> -> memref<1x100xi32, #tpu.memory_space<vmem>>
      %dma_start3A_247 = tpu.memref_squeeze %dma_start3A_246 : memref<1x100xi32, #tpu.memory_space<vmem>> -> memref<100xi32, #tpu.memory_space<vmem>>
      %dma_start3A_248 = arith.constant 0 : i32
      %dma_start3A_249 = arith.constant 0 : i32
      %dma_start3A_250 = tpu.memref_slice %arg3[%dma_start3A_248, %dma_start3A_249] : memref<1000000x64xf32, #tpu.memory_space<hbm>> -> memref<1000000x64xf32, #tpu.memory_space<hbm>>
      tpu.enqueue_indirect_dma source(%dma_start3A_250 : memref<1000000x64xf32, #tpu.memory_space<hbm>>) target(%dma_start3A_244 : memref<100x64xf32, #tpu.memory_space<vmem>>) offsets(%dma_start3A_247 : memref<100xi32, #tpu.memory_space<vmem>>) semaphore(%arg13 : memref<!tpu.dma_semaphore, #tpu.memory_space<semaphore_mem>>)
      %dma_start3A_251 = arith.constant 1 : i32
      %dma_start3A_252 = arith.constant 100 : i32
      %dma_start3A_253 = arith.constant 0 : i32
      %dma_start3A_254 = tpu.memref_slice %arg9[%dma_start3A_252, %dma_start3A_253] : memref<400x64xf32, #tpu.memory_space<vmem>> -> memref<100x64xf32, #tpu.memory_space<vmem>>
      %dma_start3A_255 = arith.constant 0 : i32
      %dma_start3A_256 = tpu.memref_slice %arg7[%dma_start3A_251, %dma_start3A_255] : memref<4x100xi32, #tpu.memory_space<vmem>> -> memref<1x100xi32, #tpu.memory_space<vmem>>
      %dma_start3A_257 = tpu.memref_squeeze %dma_start3A_256 : memref<1x100xi32, #tpu.memory_space<vmem>> -> memref<100xi32, #tpu.memory_space<vmem>>
      %dma_start3A_258 = arith.constant 0 : i32
      %dma_start3A_259 = arith.constant 0 : i32
      %dma_start3A_260 = tpu.memref_slice %arg3[%dma_start3A_258, %dma_start3A_259] : memref<1000000x64xf32, #tpu.memory_space<hbm>> -> memref<1000000x64xf32, #tpu.memory_space<hbm>>
      tpu.enqueue_indirect_dma source(%dma_start3A_260 : memref<1000000x64xf32, #tpu.memory_space<hbm>>) target(%dma_start3A_254 : memref<100x64xf32, #tpu.memory_space<vmem>>) offsets(%dma_start3A_257 : memref<100xi32, #tpu.memory_space<vmem>>) semaphore(%arg13 : memref<!tpu.dma_semaphore, #tpu.memory_space<semaphore_mem>>)
      %dma_start3A_261 = arith.constant 2 : i32
      %dma_start3A_262 = arith.constant 200 : i32
      %dma_start3A_263 = arith.constant 0 : i32
      %dma_start3A_264 = tpu.memref_slice %arg9[%dma_start3A_262, %dma_start3A_263] : memref<400x64xf32, #tpu.memory_space<vmem>> -> memref<100x64xf32, #tpu.memory_space<vmem>>
      %dma_start3A_265 = arith.constant 0 : i32
      %dma_start3A_266 = tpu.memref_slice %arg7[%dma_start3A_261, %dma_start3A_265] : memref<4x100xi32, #tpu.memory_space<vmem>> -> memref<1x100xi32, #tpu.memory_space<vmem>>
      %dma_start3A_267 = tpu.memref_squeeze %dma_start3A_266 : memref<1x100xi32, #tpu.memory_space<vmem>> -> memref<100xi32, #tpu.memory_space<vmem>>
      %dma_start3A_268 = arith.constant 0 : i32
      %dma_start3A_269 = arith.constant 0 : i32
      %dma_start3A_270 = tpu.memref_slice %arg3[%dma_start3A_268, %dma_start3A_269] : memref<1000000x64xf32, #tpu.memory_space<hbm>> -> memref<1000000x64xf32, #tpu.memory_space<hbm>>
      tpu.enqueue_indirect_dma source(%dma_start3A_270 : memref<1000000x64xf32, #tpu.memory_space<hbm>>) target(%dma_start3A_264 : memref<100x64xf32, #tpu.memory_space<vmem>>) offsets(%dma_start3A_267 : memref<100xi32, #tpu.memory_space<vmem>>) semaphore(%arg13 : memref<!tpu.dma_semaphore, #tpu.memory_space<semaphore_mem>>)
      %dma_start3A_271 = arith.constant 3 : i32
      %dma_start3A_272 = arith.constant 300 : i32
      %dma_start3A_273 = arith.constant 0 : i32
      %dma_start3A_274 = tpu.memref_slice %arg9[%dma_start3A_272, %dma_start3A_273] : memref<400x64xf32, #tpu.memory_space<vmem>> -> memref<100x64xf32, #tpu.memory_space<vmem>>
      %dma_start3A_275 = arith.constant 0 : i32
      %dma_start3A_276 = tpu.memref_slice %arg7[%dma_start3A_271, %dma_start3A_275] : memref<4x100xi32, #tpu.memory_space<vmem>> -> memref<1x100xi32, #tpu.memory_space<vmem>>
      %dma_start3A_277 = tpu.memref_squeeze %dma_start3A_276 : memref<1x100xi32, #tpu.memory_space<vmem>> -> memref<100xi32, #tpu.memory_space<vmem>>
      %dma_start3A_278 = arith.constant 0 : i32
      %dma_start3A_279 = arith.constant 0 : i32
      %dma_start3A_280 = tpu.memref_slice %arg3[%dma_start3A_278, %dma_start3A_279] : memref<1000000x64xf32, #tpu.memory_space<hbm>> -> memref<1000000x64xf32, #tpu.memory_space<hbm>>
      tpu.enqueue_indirect_dma source(%dma_start3A_280 : memref<1000000x64xf32, #tpu.memory_space<hbm>>) target(%dma_start3A_274 : memref<100x64xf32, #tpu.memory_space<vmem>>) offsets(%dma_start3A_277 : memref<100xi32, #tpu.memory_space<vmem>>) semaphore(%arg13 : memref<!tpu.dma_semaphore, #tpu.memory_space<semaphore_mem>>)
      %dma_wait3A_281 = arith.constant 0 : i32
      %dma_wait3A_282 = arith.constant 0 : i32
      %dma_wait3A_283 = tpu.memref_slice %arg10[%dma_wait3A_281, %dma_wait3A_282] : memref<400x64xf32, #tpu.memory_space<vmem>> -> memref<100x64xf32, #tpu.memory_space<vmem>>
      %dma_wait3A_284 = arith.constant 0 : i32
      %dma_wait3A_285 = arith.constant 0 : i32
      %dma_wait3A_286 = tpu.memref_slice %arg3[%dma_wait3A_284, %dma_wait3A_285] : memref<1000000x64xf32, #tpu.memory_space<hbm>> -> memref<100x64xf32, #tpu.memory_space<hbm>>
      %dma_wait3A_287 = arith.constant 0 : i32
      %dma_wait3A_288 = arith.constant 0 : i32
      %dma_wait3A_289 = tpu.memref_slice %arg10[%dma_wait3A_287, %dma_wait3A_288] : memref<400x64xf32, #tpu.memory_space<vmem>> -> memref<100x64xf32, #tpu.memory_space<vmem>>
      %dma_wait3A_290 = arith.constant 0 : i32
      %dma_wait3A_291 = arith.constant 0 : i32
      %dma_wait3A_292 = tpu.memref_slice %arg3[%dma_wait3A_290, %dma_wait3A_291] : memref<1000000x64xf32, #tpu.memory_space<hbm>> -> memref<100x64xf32, #tpu.memory_space<hbm>>
      tpu.wait_dma2 semaphore(%arg14 : memref<!tpu.dma_semaphore, #tpu.memory_space<semaphore_mem>>) src(%dma_wait3A_292 : memref<100x64xf32, #tpu.memory_space<hbm>>) dst(%dma_wait3A_289 : memref<100x64xf32, #tpu.memory_space<vmem>>)
      %dma_wait3A_293 = arith.constant 100 : i32
      %dma_wait3A_294 = arith.constant 0 : i32
      %dma_wait3A_295 = tpu.memref_slice %arg10[%dma_wait3A_293, %dma_wait3A_294] : memref<400x64xf32, #tpu.memory_space<vmem>> -> memref<100x64xf32, #tpu.memory_space<vmem>>
      %dma_wait3A_296 = arith.constant 0 : i32
      %dma_wait3A_297 = arith.constant 0 : i32
      %dma_wait3A_298 = tpu.memref_slice %arg3[%dma_wait3A_296, %dma_wait3A_297] : memref<1000000x64xf32, #tpu.memory_space<hbm>> -> memref<100x64xf32, #tpu.memory_space<hbm>>
      %dma_wait3A_299 = arith.constant 100 : i32
      %dma_wait3A_300 = arith.constant 0 : i32
      %dma_wait3A_301 = tpu.memref_slice %arg10[%dma_wait3A_299, %dma_wait3A_300] : memref<400x64xf32, #tpu.memory_space<vmem>> -> memref<100x64xf32, #tpu.memory_space<vmem>>
      %dma_wait3A_302 = arith.constant 0 : i32
      %dma_wait3A_303 = arith.constant 0 : i32
      %dma_wait3A_304 = tpu.memref_slice %arg3[%dma_wait3A_302, %dma_wait3A_303] : memref<1000000x64xf32, #tpu.memory_space<hbm>> -> memref<100x64xf32, #tpu.memory_space<hbm>>
      tpu.wait_dma2 semaphore(%arg14 : memref<!tpu.dma_semaphore, #tpu.memory_space<semaphore_mem>>) src(%dma_wait3A_304 : memref<100x64xf32, #tpu.memory_space<hbm>>) dst(%dma_wait3A_301 : memref<100x64xf32, #tpu.memory_space<vmem>>)
      %dma_wait3A_305 = arith.constant 200 : i32
      %dma_wait3A_306 = arith.constant 0 : i32
      %dma_wait3A_307 = tpu.memref_slice %arg10[%dma_wait3A_305, %dma_wait3A_306] : memref<400x64xf32, #tpu.memory_space<vmem>> -> memref<100x64xf32, #tpu.memory_space<vmem>>
      %dma_wait3A_308 = arith.constant 0 : i32
      %dma_wait3A_309 = arith.constant 0 : i32
      %dma_wait3A_310 = tpu.memref_slice %arg3[%dma_wait3A_308, %dma_wait3A_309] : memref<1000000x64xf32, #tpu.memory_space<hbm>> -> memref<100x64xf32, #tpu.memory_space<hbm>>
      %dma_wait3A_311 = arith.constant 200 : i32
      %dma_wait3A_312 = arith.constant 0 : i32
      %dma_wait3A_313 = tpu.memref_slice %arg10[%dma_wait3A_311, %dma_wait3A_312] : memref<400x64xf32, #tpu.memory_space<vmem>> -> memref<100x64xf32, #tpu.memory_space<vmem>>
      %dma_wait3A_314 = arith.constant 0 : i32
      %dma_wait3A_315 = arith.constant 0 : i32
      %dma_wait3A_316 = tpu.memref_slice %arg3[%dma_wait3A_314, %dma_wait3A_315] : memref<1000000x64xf32, #tpu.memory_space<hbm>> -> memref<100x64xf32, #tpu.memory_space<hbm>>
      tpu.wait_dma2 semaphore(%arg14 : memref<!tpu.dma_semaphore, #tpu.memory_space<semaphore_mem>>) src(%dma_wait3A_316 : memref<100x64xf32, #tpu.memory_space<hbm>>) dst(%dma_wait3A_313 : memref<100x64xf32, #tpu.memory_space<vmem>>)
      %dma_wait3A_317 = arith.constant 300 : i32
      %dma_wait3A_318 = arith.constant 0 : i32
      %dma_wait3A_319 = tpu.memref_slice %arg10[%dma_wait3A_317, %dma_wait3A_318] : memref<400x64xf32, #tpu.memory_space<vmem>> -> memref<100x64xf32, #tpu.memory_space<vmem>>
      %dma_wait3A_320 = arith.constant 0 : i32
      %dma_wait3A_321 = arith.constant 0 : i32
      %dma_wait3A_322 = tpu.memref_slice %arg3[%dma_wait3A_320, %dma_wait3A_321] : memref<1000000x64xf32, #tpu.memory_space<hbm>> -> memref<100x64xf32, #tpu.memory_space<hbm>>
      %dma_wait3A_323 = arith.constant 300 : i32
      %dma_wait3A_324 = arith.constant 0 : i32
      %dma_wait3A_325 = tpu.memref_slice %arg10[%dma_wait3A_323, %dma_wait3A_324] : memref<400x64xf32, #tpu.memory_space<vmem>> -> memref<100x64xf32, #tpu.memory_space<vmem>>
      %dma_wait3A_326 = arith.constant 0 : i32
      %dma_wait3A_327 = arith.constant 0 : i32
      %dma_wait3A_328 = tpu.memref_slice %arg3[%dma_wait3A_326, %dma_wait3A_327] : memref<1000000x64xf32, #tpu.memory_space<hbm>> -> memref<100x64xf32, #tpu.memory_space<hbm>>
      tpu.wait_dma2 semaphore(%arg14 : memref<!tpu.dma_semaphore, #tpu.memory_space<semaphore_mem>>) src(%dma_wait3A_328 : memref<100x64xf32, #tpu.memory_space<hbm>>) dst(%dma_wait3A_325 : memref<100x64xf32, #tpu.memory_space<vmem>>)
      %parallel_loop3A_329 = arith.constant 0 : i32
      %parallel_loop3A_330 = arith.constant 400 : i32
      %parallel_loop3A_331 = arith.constant 1 : i32
      scf.for %parallel_loop3A_448 = %parallel_loop3A_329 to %parallel_loop3A_330 step %parallel_loop3A_331  : i32 {
        %parallel_loop3A_449 = arith.index_cast %parallel_loop3A_448 : i32 to index
        %parallel_loop3A_450 = arith.constant 0 : index
        %parallel_loop3A_451 = tpu.vector_load %arg10[%parallel_loop3A_449, %parallel_loop3A_450] {strides = array<i32>} : memref<400x64xf32, #tpu.memory_space<vmem>>, vector<16xf32>,
        %parallel_loop3A_452 = arith.index_cast %parallel_loop3A_448 : i32 to index
        %parallel_loop3A_453 = arith.constant 0 : index
        %parallel_loop3A_454 = tpu.vector_load %arg11[%parallel_loop3A_452, %parallel_loop3A_453] {strides = array<i32>} : memref<400x64xf32, #tpu.memory_space<vmem>>, vector<16xf32>,
        %parallel_loop3A_455 = arith.addf %parallel_loop3A_451, %parallel_loop3A_454 : vector<16xf32>
        %parallel_loop3A_456 = arith.index_cast %parallel_loop3A_448 : i32 to index
        %parallel_loop3A_457 = arith.constant 16 : index
        %parallel_loop3A_458 = tpu.vector_load %arg10[%parallel_loop3A_456, %parallel_loop3A_457] {strides = array<i32>} : memref<400x64xf32, #tpu.memory_space<vmem>>, vector<16xf32>,
        %parallel_loop3A_459 = arith.index_cast %parallel_loop3A_448 : i32 to index
        %parallel_loop3A_460 = arith.constant 16 : index
        %parallel_loop3A_461 = tpu.vector_load %arg11[%parallel_loop3A_459, %parallel_loop3A_460] {strides = array<i32>} : memref<400x64xf32, #tpu.memory_space<vmem>>, vector<16xf32>,
        %parallel_loop3A_462 = arith.addf %parallel_loop3A_458, %parallel_loop3A_461 : vector<16xf32>
        %parallel_loop3A_463 = arith.index_cast %parallel_loop3A_448 : i32 to index
        %parallel_loop3A_464 = arith.constant 32 : index
        %parallel_loop3A_465 = tpu.vector_load %arg10[%parallel_loop3A_463, %parallel_loop3A_464] {strides = array<i32>} : memref<400x64xf32, #tpu.memory_space<vmem>>, vector<16xf32>,
        %parallel_loop3A_466 = arith.index_cast %parallel_loop3A_448 : i32 to index
        %parallel_loop3A_467 = arith.constant 32 : index
        %parallel_loop3A_468 = tpu.vector_load %arg11[%parallel_loop3A_466, %parallel_loop3A_467] {strides = array<i32>} : memref<400x64xf32, #tpu.memory_space<vmem>>, vector<16xf32>,
        %parallel_loop3A_469 = arith.addf %parallel_loop3A_465, %parallel_loop3A_468 : vector<16xf32>
        %parallel_loop3A_470 = arith.index_cast %parallel_loop3A_448 : i32 to index
        %parallel_loop3A_471 = arith.constant 48 : index
        %parallel_loop3A_472 = tpu.vector_load %arg10[%parallel_loop3A_470, %parallel_loop3A_471] {strides = array<i32>} : memref<400x64xf32, #tpu.memory_space<vmem>>, vector<16xf32>,
        %parallel_loop3A_473 = arith.index_cast %parallel_loop3A_448 : i32 to index
        %parallel_loop3A_474 = arith.constant 48 : index
        %parallel_loop3A_475 = tpu.vector_load %arg11[%parallel_loop3A_473, %parallel_loop3A_474] {strides = array<i32>} : memref<400x64xf32, #tpu.memory_space<vmem>>, vector<16xf32>,
        %parallel_loop3A_476 = arith.addf %parallel_loop3A_472, %parallel_loop3A_475 : vector<16xf32>
        %parallel_loop3A_477 = arith.addf %parallel_loop3A_455, %parallel_loop3A_462 : vector<16xf32>
        %parallel_loop3A_478 = arith.addf %parallel_loop3A_469, %parallel_loop3A_476 : vector<16xf32>
        %parallel_loop3A_479 = arith.addf %parallel_loop3A_477, %parallel_loop3A_478 : vector<16xf32>
        %parallel_loop3A_480 = arith.mulf %parallel_loop3A_455, %parallel_loop3A_455 : vector<16xf32>
        %parallel_loop3A_481 = arith.mulf %parallel_loop3A_462, %parallel_loop3A_462 : vector<16xf32>
        %parallel_loop3A_482 = arith.addf %parallel_loop3A_480, %parallel_loop3A_481 : vector<16xf32>
        %parallel_loop3A_483 = arith.mulf %parallel_loop3A_469, %parallel_loop3A_469 : vector<16xf32>
        %parallel_loop3A_484 = arith.mulf %parallel_loop3A_476, %parallel_loop3A_476 : vector<16xf32>
        %parallel_loop3A_485 = arith.addf %parallel_loop3A_483, %parallel_loop3A_484 : vector<16xf32>
        %parallel_loop3A_486 = arith.addf %parallel_loop3A_482, %parallel_loop3A_485 : vector<16xf32>
        %parallel_loop3A_487 = arith.constant true
        %parallel_loop3A_488 = vector.broadcast %parallel_loop3A_487 : i1 to vector<16xi1>
        %parallel_loop3A_489 = tpu.scan <sum>, %parallel_loop3A_479 masked %parallel_loop3A_488 : vector<16xf32>, vector<16xi1> -> vector<16xf32>
        %parallel_loop3A_490 = vector.extract %parallel_loop3A_489[15] : f32 from vector<16xf32>
        %parallel_loop3A_491 = arith.constant 1.562500e-02 : f32
        %parallel_loop3A_492 = arith.mulf %parallel_loop3A_490, %parallel_loop3A_491 : f32
        %parallel_loop3A_493 = arith.constant true
        %parallel_loop3A_494 = vector.broadcast %parallel_loop3A_493 : i1 to vector<16xi1>
        %parallel_loop3A_495 = tpu.scan <sum>, %parallel_loop3A_486 masked %parallel_loop3A_494 : vector<16xf32>, vector<16xi1> -> vector<16xf32>
        %parallel_loop3A_496 = vector.extract %parallel_loop3A_495[15] : f32 from vector<16xf32>
        %parallel_loop3A_497 = arith.constant 1.562500e-02 : f32
        %parallel_loop3A_498 = arith.mulf %parallel_loop3A_496, %parallel_loop3A_497 : f32
        %parallel_loop3A_499 = arith.mulf %parallel_loop3A_492, %parallel_loop3A_492 : f32
        %parallel_loop3A_500 = arith.subf %parallel_loop3A_498, %parallel_loop3A_499 : f32
        %parallel_loop3A_501 = arith.constant 9.99999996E-13 : f32
        %parallel_loop3A_502 = arith.addf %parallel_loop3A_500, %parallel_loop3A_501 : f32
        %parallel_loop3A_503 = arith.bitcast %parallel_loop3A_502 : f32 to i32
        %parallel_loop3A_504 = arith.constant 1 : i32
        %parallel_loop3A_505 = arith.shrui %parallel_loop3A_503, %parallel_loop3A_504 : i32
        %parallel_loop3A_506 = arith.constant 1597463007 : i32
        %parallel_loop3A_507 = arith.subi %parallel_loop3A_506, %parallel_loop3A_505 : i32
        %parallel_loop3A_508 = arith.bitcast %parallel_loop3A_507 : i32 to f32
        %parallel_loop3A_509 = arith.constant 5.000000e-01 : f32
        %parallel_loop3A_510 = arith.mulf %parallel_loop3A_509, %parallel_loop3A_502 : f32
        %parallel_loop3A_511 = arith.mulf %parallel_loop3A_510, %parallel_loop3A_508 : f32
        %parallel_loop3A_512 = arith.mulf %parallel_loop3A_511, %parallel_loop3A_508 : f32
        %parallel_loop3A_513 = arith.constant 1.500000e+00 : f32
        %parallel_loop3A_514 = arith.subf %parallel_loop3A_513, %parallel_loop3A_512 : f32
        %parallel_loop3A_515 = arith.mulf %parallel_loop3A_508, %parallel_loop3A_514 : f32
        %parallel_loop3A_516 = arith.constant 5.000000e-01 : f32
        %parallel_loop3A_517 = arith.mulf %parallel_loop3A_516, %parallel_loop3A_502 : f32
        %parallel_loop3A_518 = arith.mulf %parallel_loop3A_517, %parallel_loop3A_515 : f32
        %parallel_loop3A_519 = arith.mulf %parallel_loop3A_518, %parallel_loop3A_515 : f32
        %parallel_loop3A_520 = arith.constant 1.500000e+00 : f32
        %parallel_loop3A_521 = arith.subf %parallel_loop3A_520, %parallel_loop3A_519 : f32
        %parallel_loop3A_522 = arith.mulf %parallel_loop3A_515, %parallel_loop3A_521 : f32
        %parallel_loop3A_523 = arith.constant 5.000000e-01 : f32
        %parallel_loop3A_524 = arith.mulf %parallel_loop3A_523, %parallel_loop3A_502 : f32
        %parallel_loop3A_525 = arith.mulf %parallel_loop3A_524, %parallel_loop3A_522 : f32
        %parallel_loop3A_526 = arith.mulf %parallel_loop3A_525, %parallel_loop3A_522 : f32
        %parallel_loop3A_527 = arith.constant 1.500000e+00 : f32
        %parallel_loop3A_528 = arith.subf %parallel_loop3A_527, %parallel_loop3A_526 : f32
        %parallel_loop3A_529 = arith.mulf %parallel_loop3A_522, %parallel_loop3A_528 : f32
        %parallel_loop3A_530 = arith.constant 0 : i32
        %parallel_loop3A_531 = arith.index_cast %parallel_loop3A_530 : i32 to index
        %parallel_loop3A_532 = arith.constant 0 : index
        %parallel_loop3A_533 = tpu.vector_load %arg12[%parallel_loop3A_531, %parallel_loop3A_532] {strides = array<i32>} : memref<2x64xf32, #tpu.memory_space<vmem>>, vector<16xf32>,
        %parallel_loop3A_534 = arith.constant 1 : i32
        %parallel_loop3A_535 = arith.index_cast %parallel_loop3A_534 : i32 to index
        %parallel_loop3A_536 = arith.constant 0 : index
        %parallel_loop3A_537 = tpu.vector_load %arg12[%parallel_loop3A_535, %parallel_loop3A_536] {strides = array<i32>} : memref<2x64xf32, #tpu.memory_space<vmem>>, vector<16xf32>,
        %parallel_loop3A_538 = vector.broadcast %parallel_loop3A_492 : f32 to vector<16xf32>
        %parallel_loop3A_539 = arith.subf %parallel_loop3A_455, %parallel_loop3A_538 : vector<16xf32>
        %parallel_loop3A_540 = vector.broadcast %parallel_loop3A_529 : f32 to vector<16xf32>
        %parallel_loop3A_541 = arith.mulf %parallel_loop3A_540, %parallel_loop3A_533 : vector<16xf32>
        %parallel_loop3A_542 = arith.mulf %parallel_loop3A_539, %parallel_loop3A_541 : vector<16xf32>
        %parallel_loop3A_543 = arith.addf %parallel_loop3A_542, %parallel_loop3A_537 : vector<16xf32>
        %parallel_loop3A_544 = arith.index_cast %parallel_loop3A_448 : i32 to index
        %parallel_loop3A_545 = arith.constant 0 : index
        %parallel_loop3A_546 = tpu.vector_load %arg10[%parallel_loop3A_544, %parallel_loop3A_545] {strides = array<i32>} : memref<400x64xf32, #tpu.memory_space<vmem>>, vector<16xf32>,
        tpu.vector_store %arg10[%parallel_loop3A_544, %parallel_loop3A_545], %parallel_loop3A_543 {strides = array<i32>} : memref<400x64xf32, #tpu.memory_space<vmem>>, vector<16xf32>,
        %parallel_loop3A_547 = arith.constant 0 : i32
        %parallel_loop3A_548 = arith.index_cast %parallel_loop3A_547 : i32 to index
        %parallel_loop3A_549 = arith.constant 16 : index
        %parallel_loop3A_550 = tpu.vector_load %arg12[%parallel_loop3A_548, %parallel_loop3A_549] {strides = array<i32>} : memref<2x64xf32, #tpu.memory_space<vmem>>, vector<16xf32>,
        %parallel_loop3A_551 = arith.constant 1 : i32
        %parallel_loop3A_552 = arith.index_cast %parallel_loop3A_551 : i32 to index
        %parallel_loop3A_553 = arith.constant 16 : index
        %parallel_loop3A_554 = tpu.vector_load %arg12[%parallel_loop3A_552, %parallel_loop3A_553] {strides = array<i32>} : memref<2x64xf32, #tpu.memory_space<vmem>>, vector<16xf32>,
        %parallel_loop3A_555 = vector.broadcast %parallel_loop3A_492 : f32 to vector<16xf32>
        %parallel_loop3A_556 = arith.subf %parallel_loop3A_462, %parallel_loop3A_555 : vector<16xf32>
        %parallel_loop3A_557 = vector.broadcast %parallel_loop3A_529 : f32 to vector<16xf32>
        %parallel_loop3A_558 = arith.mulf %parallel_loop3A_557, %parallel_loop3A_550 : vector<16xf32>
        %parallel_loop3A_559 = arith.mulf %parallel_loop3A_556, %parallel_loop3A_558 : vector<16xf32>
        %parallel_loop3A_560 = arith.addf %parallel_loop3A_559, %parallel_loop3A_554 : vector<16xf32>
        %parallel_loop3A_561 = arith.index_cast %parallel_loop3A_448 : i32 to index
        %parallel_loop3A_562 = arith.constant 16 : index
        %parallel_loop3A_563 = tpu.vector_load %arg10[%parallel_loop3A_561, %parallel_loop3A_562] {strides = array<i32>} : memref<400x64xf32, #tpu.memory_space<vmem>>, vector<16xf32>,
        tpu.vector_store %arg10[%parallel_loop3A_561, %parallel_loop3A_562], %parallel_loop3A_560 {strides = array<i32>} : memref<400x64xf32, #tpu.memory_space<vmem>>, vector<16xf32>,
        %parallel_loop3A_564 = arith.constant 0 : i32
        %parallel_loop3A_565 = arith.index_cast %parallel_loop3A_564 : i32 to index
        %parallel_loop3A_566 = arith.constant 32 : index
        %parallel_loop3A_567 = tpu.vector_load %arg12[%parallel_loop3A_565, %parallel_loop3A_566] {strides = array<i32>} : memref<2x64xf32, #tpu.memory_space<vmem>>, vector<16xf32>,
        %parallel_loop3A_568 = arith.constant 1 : i32
        %parallel_loop3A_569 = arith.index_cast %parallel_loop3A_568 : i32 to index
        %parallel_loop3A_570 = arith.constant 32 : index
        %parallel_loop3A_571 = tpu.vector_load %arg12[%parallel_loop3A_569, %parallel_loop3A_570] {strides = array<i32>} : memref<2x64xf32, #tpu.memory_space<vmem>>, vector<16xf32>,
        %parallel_loop3A_572 = vector.broadcast %parallel_loop3A_492 : f32 to vector<16xf32>
        %parallel_loop3A_573 = arith.subf %parallel_loop3A_469, %parallel_loop3A_572 : vector<16xf32>
        %parallel_loop3A_574 = vector.broadcast %parallel_loop3A_529 : f32 to vector<16xf32>
        %parallel_loop3A_575 = arith.mulf %parallel_loop3A_574, %parallel_loop3A_567 : vector<16xf32>
        %parallel_loop3A_576 = arith.mulf %parallel_loop3A_573, %parallel_loop3A_575 : vector<16xf32>
        %parallel_loop3A_577 = arith.addf %parallel_loop3A_576, %parallel_loop3A_571 : vector<16xf32>
        %parallel_loop3A_578 = arith.index_cast %parallel_loop3A_448 : i32 to index
        %parallel_loop3A_579 = arith.constant 32 : index
        %parallel_loop3A_580 = tpu.vector_load %arg10[%parallel_loop3A_578, %parallel_loop3A_579] {strides = array<i32>} : memref<400x64xf32, #tpu.memory_space<vmem>>, vector<16xf32>,
        tpu.vector_store %arg10[%parallel_loop3A_578, %parallel_loop3A_579], %parallel_loop3A_577 {strides = array<i32>} : memref<400x64xf32, #tpu.memory_space<vmem>>, vector<16xf32>,
        %parallel_loop3A_581 = arith.constant 0 : i32
        %parallel_loop3A_582 = arith.index_cast %parallel_loop3A_581 : i32 to index
        %parallel_loop3A_583 = arith.constant 48 : index
        %parallel_loop3A_584 = tpu.vector_load %arg12[%parallel_loop3A_582, %parallel_loop3A_583] {strides = array<i32>} : memref<2x64xf32, #tpu.memory_space<vmem>>, vector<16xf32>,
        %parallel_loop3A_585 = arith.constant 1 : i32
        %parallel_loop3A_586 = arith.index_cast %parallel_loop3A_585 : i32 to index
        %parallel_loop3A_587 = arith.constant 48 : index
        %parallel_loop3A_588 = tpu.vector_load %arg12[%parallel_loop3A_586, %parallel_loop3A_587] {strides = array<i32>} : memref<2x64xf32, #tpu.memory_space<vmem>>, vector<16xf32>,
        %parallel_loop3A_589 = vector.broadcast %parallel_loop3A_492 : f32 to vector<16xf32>
        %parallel_loop3A_590 = arith.subf %parallel_loop3A_476, %parallel_loop3A_589 : vector<16xf32>
        %parallel_loop3A_591 = vector.broadcast %parallel_loop3A_529 : f32 to vector<16xf32>
        %parallel_loop3A_592 = arith.mulf %parallel_loop3A_591, %parallel_loop3A_584 : vector<16xf32>
        %parallel_loop3A_593 = arith.mulf %parallel_loop3A_590, %parallel_loop3A_592 : vector<16xf32>
        %parallel_loop3A_594 = arith.addf %parallel_loop3A_593, %parallel_loop3A_588 : vector<16xf32>
        %parallel_loop3A_595 = arith.index_cast %parallel_loop3A_448 : i32 to index
        %parallel_loop3A_596 = arith.constant 48 : index
        %parallel_loop3A_597 = tpu.vector_load %arg10[%parallel_loop3A_595, %parallel_loop3A_596] {strides = array<i32>} : memref<400x64xf32, #tpu.memory_space<vmem>>, vector<16xf32>,
        tpu.vector_store %arg10[%parallel_loop3A_595, %parallel_loop3A_596], %parallel_loop3A_594 {strides = array<i32>} : memref<400x64xf32, #tpu.memory_space<vmem>>, vector<16xf32>,
      } {sc.loop_unroll_factor = 8 : i64, sc.parallel_access}
      %add3A_332 = arith.addi %mul3A_2, %add3A_227 : i32
      %mul3A_333 = arith.constant 400 : i32
      %mul3A_334 = arith.muli %add3A_332, %mul3A_333 : i32
      %dma_start3A_335 = arith.constant 0 : i32
      %dma_start3A_336 = tpu.memref_slice %arg6[%mul3A_334, %dma_start3A_335] : memref<819200x64xf32, #tpu.memory_space<hbm>> -> memref<400x64xf32, #tpu.memory_space<hbm>>
      %dma_start3A_337 = arith.constant 0 : i32
      %dma_start3A_338 = tpu.memref_slice %arg6[%mul3A_334, %dma_start3A_337] : memref<819200x64xf32, #tpu.memory_space<hbm>> -> memref<400x64xf32, #tpu.memory_space<hbm>>
      tpu.enqueue_dma source(%arg10 : memref<400x64xf32, #tpu.memory_space<vmem>>) target(%dma_start3A_338 : memref<400x64xf32, #tpu.memory_space<hbm>>) target_semaphore(%arg16 : memref<!tpu.dma_semaphore, #tpu.memory_space<semaphore_mem>>)
      %dma_wait3A_339 = arith.constant 0 : i32
      %dma_wait3A_340 = arith.constant 0 : i32
      %dma_wait3A_341 = tpu.memref_slice %arg6[%dma_wait3A_339, %dma_wait3A_340] : memref<819200x64xf32, #tpu.memory_space<hbm>> -> memref<400x64xf32, #tpu.memory_space<hbm>>
      %dma_wait3A_342 = arith.constant 0 : i32
      %dma_wait3A_343 = arith.constant 0 : i32
      %dma_wait3A_344 = tpu.memref_slice %arg6[%dma_wait3A_342, %dma_wait3A_343] : memref<819200x64xf32, #tpu.memory_space<hbm>> -> memref<400x64xf32, #tpu.memory_space<hbm>>
      tpu.wait_dma2 semaphore(%arg16 : memref<!tpu.dma_semaphore, #tpu.memory_space<semaphore_mem>>) src(%arg10 : memref<400x64xf32, #tpu.memory_space<vmem>>) dst(%dma_wait3A_344 : memref<400x64xf32, #tpu.memory_space<hbm>>)
      %add3A_345 = arith.constant 1 : i32
      %add3A_346 = arith.addi %add3A_229, %add3A_345 : i32
      %add3A_347 = arith.addi %mul3A_2, %add3A_346 : i32
      %mul3A_348 = arith.constant 4 : i32
      %mul3A_349 = arith.muli %add3A_347, %mul3A_348 : i32
      "tpu.region"() ({
        %run_scoped3A = tpu.sem_alloc : memref<!tpu.dma_semaphore, #tpu.memory_space<semaphore_mem>>
        %dma_start3A_448 = arith.constant 0 : i32
        %dma_start3A_449 = tpu.memref_slice %arg2[%mul3A_349, %dma_start3A_448] : memref<8192x100xi32, #tpu.memory_space<hbm>> -> memref<4x100xi32, #tpu.memory_space<hbm>>
        %dma_start3A_450 = arith.constant 0 : i32
        %dma_start3A_451 = tpu.memref_slice %arg2[%mul3A_349, %dma_start3A_450] : memref<8192x100xi32, #tpu.memory_space<hbm>> -> memref<4x100xi32, #tpu.memory_space<hbm>>
        tpu.enqueue_dma source(%dma_start3A_451 : memref<4x100xi32, #tpu.memory_space<hbm>>) target(%arg8 : memref<4x100xi32, #tpu.memory_space<vmem>>) target_semaphore(%run_scoped3A : memref<!tpu.dma_semaphore, #tpu.memory_space<semaphore_mem>>)
        %dma_wait3A_452 = arith.constant 0 : i32
        %dma_wait3A_453 = tpu.memref_slice %arg2[%mul3A_349, %dma_wait3A_452] : memref<8192x100xi32, #tpu.memory_space<hbm>> -> memref<4x100xi32, #tpu.memory_space<hbm>>
        %dma_wait3A_454 = arith.constant 0 : i32
        %dma_wait3A_455 = tpu.memref_slice %arg2[%mul3A_349, %dma_wait3A_454] : memref<8192x100xi32, #tpu.memory_space<hbm>> -> memref<4x100xi32, #tpu.memory_space<hbm>>
        tpu.wait_dma2 semaphore(%run_scoped3A : memref<!tpu.dma_semaphore, #tpu.memory_space<semaphore_mem>>) src(%dma_wait3A_455 : memref<4x100xi32, #tpu.memory_space<hbm>>) dst(%arg8 : memref<4x100xi32, #tpu.memory_space<vmem>>)
        tpu.yield
      }) : () -> ()
      %dma_start3A_350 = arith.constant 0 : i32
      %dma_start3A_351 = arith.constant 0 : i32
      %dma_start3A_352 = arith.constant 0 : i32
      %dma_start3A_353 = tpu.memref_slice %arg10[%dma_start3A_351, %dma_start3A_352] : memref<400x64xf32, #tpu.memory_space<vmem>> -> memref<100x64xf32, #tpu.memory_space<vmem>>
      %dma_start3A_354 = arith.constant 0 : i32
      %dma_start3A_355 = tpu.memref_slice %arg8[%dma_start3A_350, %dma_start3A_354] : memref<4x100xi32, #tpu.memory_space<vmem>> -> memref<1x100xi32, #tpu.memory_space<vmem>>
      %dma_start3A_356 = tpu.memref_squeeze %dma_start3A_355 : memref<1x100xi32, #tpu.memory_space<vmem>> -> memref<100xi32, #tpu.memory_space<vmem>>
      %dma_start3A_357 = arith.constant 0 : i32
      %dma_start3A_358 = arith.constant 0 : i32
      %dma_start3A_359 = tpu.memref_slice %arg3[%dma_start3A_357, %dma_start3A_358] : memref<1000000x64xf32, #tpu.memory_space<hbm>> -> memref<1000000x64xf32, #tpu.memory_space<hbm>>
      tpu.enqueue_indirect_dma source(%dma_start3A_359 : memref<1000000x64xf32, #tpu.memory_space<hbm>>) target(%dma_start3A_353 : memref<100x64xf32, #tpu.memory_space<vmem>>) offsets(%dma_start3A_356 : memref<100xi32, #tpu.memory_space<vmem>>) semaphore(%arg14 : memref<!tpu.dma_semaphore, #tpu.memory_space<semaphore_mem>>)
      %dma_start3A_360 = arith.constant 1 : i32
      %dma_start3A_361 = arith.constant 100 : i32
      %dma_start3A_362 = arith.constant 0 : i32
      %dma_start3A_363 = tpu.memref_slice %arg10[%dma_start3A_361, %dma_start3A_362] : memref<400x64xf32, #tpu.memory_space<vmem>> -> memref<100x64xf32, #tpu.memory_space<vmem>>
      %dma_start3A_364 = arith.constant 0 : i32
      %dma_start3A_365 = tpu.memref_slice %arg8[%dma_start3A_360, %dma_start3A_364] : memref<4x100xi32, #tpu.memory_space<vmem>> -> memref<1x100xi32, #tpu.memory_space<vmem>>
      %dma_start3A_366 = tpu.memref_squeeze %dma_start3A_365 : memref<1x100xi32, #tpu.memory_space<vmem>> -> memref<100xi32, #tpu.memory_space<vmem>>
      %dma_start3A_367 = arith.constant 0 : i32
      %dma_start3A_368 = arith.constant 0 : i32
      %dma_start3A_369 = tpu.memref_slice %arg3[%dma_start3A_367, %dma_start3A_368] : memref<1000000x64xf32, #tpu.memory_space<hbm>> -> memref<1000000x64xf32, #tpu.memory_space<hbm>>
      tpu.enqueue_indirect_dma source(%dma_start3A_369 : memref<1000000x64xf32, #tpu.memory_space<hbm>>) target(%dma_start3A_363 : memref<100x64xf32, #tpu.memory_space<vmem>>) offsets(%dma_start3A_366 : memref<100xi32, #tpu.memory_space<vmem>>) semaphore(%arg14 : memref<!tpu.dma_semaphore, #tpu.memory_space<semaphore_mem>>)
      %dma_start3A_370 = arith.constant 2 : i32
      %dma_start3A_371 = arith.constant 200 : i32
      %dma_start3A_372 = arith.constant 0 : i32
      %dma_start3A_373 = tpu.memref_slice %arg10[%dma_start3A_371, %dma_start3A_372] : memref<400x64xf32, #tpu.memory_space<vmem>> -> memref<100x64xf32, #tpu.memory_space<vmem>>
      %dma_start3A_374 = arith.constant 0 : i32
      %dma_start3A_375 = tpu.memref_slice %arg8[%dma_start3A_370, %dma_start3A_374] : memref<4x100xi32, #tpu.memory_space<vmem>> -> memref<1x100xi32, #tpu.memory_space<vmem>>
      %dma_start3A_376 = tpu.memref_squeeze %dma_start3A_375 : memref<1x100xi32, #tpu.memory_space<vmem>> -> memref<100xi32, #tpu.memory_space<vmem>>
      %dma_start3A_377 = arith.constant 0 : i32
      %dma_start3A_378 = arith.constant 0 : i32
      %dma_start3A_379 = tpu.memref_slice %arg3[%dma_start3A_377, %dma_start3A_378] : memref<1000000x64xf32, #tpu.memory_space<hbm>> -> memref<1000000x64xf32, #tpu.memory_space<hbm>>
      tpu.enqueue_indirect_dma source(%dma_start3A_379 : memref<1000000x64xf32, #tpu.memory_space<hbm>>) target(%dma_start3A_373 : memref<100x64xf32, #tpu.memory_space<vmem>>) offsets(%dma_start3A_376 : memref<100xi32, #tpu.memory_space<vmem>>) semaphore(%arg14 : memref<!tpu.dma_semaphore, #tpu.memory_space<semaphore_mem>>)
      %dma_start3A_380 = arith.constant 3 : i32
      %dma_start3A_381 = arith.constant 300 : i32
      %dma_start3A_382 = arith.constant 0 : i32
      %dma_start3A_383 = tpu.memref_slice %arg10[%dma_start3A_381, %dma_start3A_382] : memref<400x64xf32, #tpu.memory_space<vmem>> -> memref<100x64xf32, #tpu.memory_space<vmem>>
      %dma_start3A_384 = arith.constant 0 : i32
      %dma_start3A_385 = tpu.memref_slice %arg8[%dma_start3A_380, %dma_start3A_384] : memref<4x100xi32, #tpu.memory_space<vmem>> -> memref<1x100xi32, #tpu.memory_space<vmem>>
      %dma_start3A_386 = tpu.memref_squeeze %dma_start3A_385 : memref<1x100xi32, #tpu.memory_space<vmem>> -> memref<100xi32, #tpu.memory_space<vmem>>
      %dma_start3A_387 = arith.constant 0 : i32
      %dma_start3A_388 = arith.constant 0 : i32
      %dma_start3A_389 = tpu.memref_slice %arg3[%dma_start3A_387, %dma_start3A_388] : memref<1000000x64xf32, #tpu.memory_space<hbm>> -> memref<1000000x64xf32, #tpu.memory_space<hbm>>
      tpu.enqueue_indirect_dma source(%dma_start3A_389 : memref<1000000x64xf32, #tpu.memory_space<hbm>>) target(%dma_start3A_383 : memref<100x64xf32, #tpu.memory_space<vmem>>) offsets(%dma_start3A_386 : memref<100xi32, #tpu.memory_space<vmem>>) semaphore(%arg14 : memref<!tpu.dma_semaphore, #tpu.memory_space<semaphore_mem>>)
      %dma_wait3A_390 = arith.constant 0 : i32
      %dma_wait3A_391 = arith.constant 0 : i32
      %dma_wait3A_392 = tpu.memref_slice %arg9[%dma_wait3A_390, %dma_wait3A_391] : memref<400x64xf32, #tpu.memory_space<vmem>> -> memref<100x64xf32, #tpu.memory_space<vmem>>
      %dma_wait3A_393 = arith.constant 0 : i32
      %dma_wait3A_394 = arith.constant 0 : i32
      %dma_wait3A_395 = tpu.memref_slice %arg3[%dma_wait3A_393, %dma_wait3A_394] : memref<1000000x64xf32, #tpu.memory_space<hbm>> -> memref<100x64xf32, #tpu.memory_space<hbm>>
      %dma_wait3A_396 = arith.constant 0 : i32
      %dma_wait3A_397 = arith.constant 0 : i32
      %dma_wait3A_398 = tpu.memref_slice %arg9[%dma_wait3A_396, %dma_wait3A_397] : memref<400x64xf32, #tpu.memory_space<vmem>> -> memref<100x64xf32, #tpu.memory_space<vmem>>
      %dma_wait3A_399 = arith.constant 0 : i32
      %dma_wait3A_400 = arith.constant 0 : i32
      %dma_wait3A_401 = tpu.memref_slice %arg3[%dma_wait3A_399, %dma_wait3A_400] : memref<1000000x64xf32, #tpu.memory_space<hbm>> -> memref<100x64xf32, #tpu.memory_space<hbm>>
      tpu.wait_dma2 semaphore(%arg13 : memref<!tpu.dma_semaphore, #tpu.memory_space<semaphore_mem>>) src(%dma_wait3A_401 : memref<100x64xf32, #tpu.memory_space<hbm>>) dst(%dma_wait3A_398 : memref<100x64xf32, #tpu.memory_space<vmem>>)
      %dma_wait3A_402 = arith.constant 100 : i32
      %dma_wait3A_403 = arith.constant 0 : i32
      %dma_wait3A_404 = tpu.memref_slice %arg9[%dma_wait3A_402, %dma_wait3A_403] : memref<400x64xf32, #tpu.memory_space<vmem>> -> memref<100x64xf32, #tpu.memory_space<vmem>>
      %dma_wait3A_405 = arith.constant 0 : i32
      %dma_wait3A_406 = arith.constant 0 : i32
      %dma_wait3A_407 = tpu.memref_slice %arg3[%dma_wait3A_405, %dma_wait3A_406] : memref<1000000x64xf32, #tpu.memory_space<hbm>> -> memref<100x64xf32, #tpu.memory_space<hbm>>
      %dma_wait3A_408 = arith.constant 100 : i32
      %dma_wait3A_409 = arith.constant 0 : i32
      %dma_wait3A_410 = tpu.memref_slice %arg9[%dma_wait3A_408, %dma_wait3A_409] : memref<400x64xf32, #tpu.memory_space<vmem>> -> memref<100x64xf32, #tpu.memory_space<vmem>>
      %dma_wait3A_411 = arith.constant 0 : i32
      %dma_wait3A_412 = arith.constant 0 : i32
      %dma_wait3A_413 = tpu.memref_slice %arg3[%dma_wait3A_411, %dma_wait3A_412] : memref<1000000x64xf32, #tpu.memory_space<hbm>> -> memref<100x64xf32, #tpu.memory_space<hbm>>
      tpu.wait_dma2 semaphore(%arg13 : memref<!tpu.dma_semaphore, #tpu.memory_space<semaphore_mem>>) src(%dma_wait3A_413 : memref<100x64xf32, #tpu.memory_space<hbm>>) dst(%dma_wait3A_410 : memref<100x64xf32, #tpu.memory_space<vmem>>)
      %dma_wait3A_414 = arith.constant 200 : i32
      %dma_wait3A_415 = arith.constant 0 : i32
      %dma_wait3A_416 = tpu.memref_slice %arg9[%dma_wait3A_414, %dma_wait3A_415] : memref<400x64xf32, #tpu.memory_space<vmem>> -> memref<100x64xf32, #tpu.memory_space<vmem>>
      %dma_wait3A_417 = arith.constant 0 : i32
      %dma_wait3A_418 = arith.constant 0 : i32
      %dma_wait3A_419 = tpu.memref_slice %arg3[%dma_wait3A_417, %dma_wait3A_418] : memref<1000000x64xf32, #tpu.memory_space<hbm>> -> memref<100x64xf32, #tpu.memory_space<hbm>>
      %dma_wait3A_420 = arith.constant 200 : i32
      %dma_wait3A_421 = arith.constant 0 : i32
      %dma_wait3A_422 = tpu.memref_slice %arg9[%dma_wait3A_420, %dma_wait3A_421] : memref<400x64xf32, #tpu.memory_space<vmem>> -> memref<100x64xf32, #tpu.memory_space<vmem>>
      %dma_wait3A_423 = arith.constant 0 : i32
      %dma_wait3A_424 = arith.constant 0 : i32
      %dma_wait3A_425 = tpu.memref_slice %arg3[%dma_wait3A_423, %dma_wait3A_424] : memref<1000000x64xf32, #tpu.memory_space<hbm>> -> memref<100x64xf32, #tpu.memory_space<hbm>>
      tpu.wait_dma2 semaphore(%arg13 : memref<!tpu.dma_semaphore, #tpu.memory_space<semaphore_mem>>) src(%dma_wait3A_425 : memref<100x64xf32, #tpu.memory_space<hbm>>) dst(%dma_wait3A_422 : memref<100x64xf32, #tpu.memory_space<vmem>>)
      %dma_wait3A_426 = arith.constant 300 : i32
      %dma_wait3A_427 = arith.constant 0 : i32
      %dma_wait3A_428 = tpu.memref_slice %arg9[%dma_wait3A_426, %dma_wait3A_427] : memref<400x64xf32, #tpu.memory_space<vmem>> -> memref<100x64xf32, #tpu.memory_space<vmem>>
      %dma_wait3A_429 = arith.constant 0 : i32
      %dma_wait3A_430 = arith.constant 0 : i32
      %dma_wait3A_431 = tpu.memref_slice %arg3[%dma_wait3A_429, %dma_wait3A_430] : memref<1000000x64xf32, #tpu.memory_space<hbm>> -> memref<100x64xf32, #tpu.memory_space<hbm>>
      %dma_wait3A_432 = arith.constant 300 : i32
      %dma_wait3A_433 = arith.constant 0 : i32
      %dma_wait3A_434 = tpu.memref_slice %arg9[%dma_wait3A_432, %dma_wait3A_433] : memref<400x64xf32, #tpu.memory_space<vmem>> -> memref<100x64xf32, #tpu.memory_space<vmem>>
      %dma_wait3A_435 = arith.constant 0 : i32
      %dma_wait3A_436 = arith.constant 0 : i32
      %dma_wait3A_437 = tpu.memref_slice %arg3[%dma_wait3A_435, %dma_wait3A_436] : memref<1000000x64xf32, #tpu.memory_space<hbm>> -> memref<100x64xf32, #tpu.memory_space<hbm>>
      tpu.wait_dma2 semaphore(%arg13 : memref<!tpu.dma_semaphore, #tpu.memory_space<semaphore_mem>>) src(%dma_wait3A_437 : memref<100x64xf32, #tpu.memory_space<hbm>>) dst(%dma_wait3A_434 : memref<100x64xf32, #tpu.memory_space<vmem>>)
      %parallel_loop3A_438 = arith.constant 0 : i32
      %parallel_loop3A_439 = arith.constant 400 : i32
      %parallel_loop3A_440 = arith.constant 1 : i32
      scf.for %parallel_loop3A_448 = %parallel_loop3A_438 to %parallel_loop3A_439 step %parallel_loop3A_440  : i32 {
        %parallel_loop3A_449 = arith.index_cast %parallel_loop3A_448 : i32 to index
        %parallel_loop3A_450 = arith.constant 0 : index
        %parallel_loop3A_451 = tpu.vector_load %arg9[%parallel_loop3A_449, %parallel_loop3A_450] {strides = array<i32>} : memref<400x64xf32, #tpu.memory_space<vmem>>, vector<16xf32>,
        %parallel_loop3A_452 = arith.index_cast %parallel_loop3A_448 : i32 to index
        %parallel_loop3A_453 = arith.constant 0 : index
        %parallel_loop3A_454 = tpu.vector_load %arg11[%parallel_loop3A_452, %parallel_loop3A_453] {strides = array<i32>} : memref<400x64xf32, #tpu.memory_space<vmem>>, vector<16xf32>,
        %parallel_loop3A_455 = arith.addf %parallel_loop3A_451, %parallel_loop3A_454 : vector<16xf32>
        %parallel_loop3A_456 = arith.index_cast %parallel_loop3A_448 : i32 to index
        %parallel_loop3A_457 = arith.constant 16 : index
        %parallel_loop3A_458 = tpu.vector_load %arg9[%parallel_loop3A_456, %parallel_loop3A_457] {strides = array<i32>} : memref<400x64xf32, #tpu.memory_space<vmem>>, vector<16xf32>,
        %parallel_loop3A_459 = arith.index_cast %parallel_loop3A_448 : i32 to index
        %parallel_loop3A_460 = arith.constant 16 : index
        %parallel_loop3A_461 = tpu.vector_load %arg11[%parallel_loop3A_459, %parallel_loop3A_460] {strides = array<i32>} : memref<400x64xf32, #tpu.memory_space<vmem>>, vector<16xf32>,
        %parallel_loop3A_462 = arith.addf %parallel_loop3A_458, %parallel_loop3A_461 : vector<16xf32>
        %parallel_loop3A_463 = arith.index_cast %parallel_loop3A_448 : i32 to index
        %parallel_loop3A_464 = arith.constant 32 : index
        %parallel_loop3A_465 = tpu.vector_load %arg9[%parallel_loop3A_463, %parallel_loop3A_464] {strides = array<i32>} : memref<400x64xf32, #tpu.memory_space<vmem>>, vector<16xf32>,
        %parallel_loop3A_466 = arith.index_cast %parallel_loop3A_448 : i32 to index
        %parallel_loop3A_467 = arith.constant 32 : index
        %parallel_loop3A_468 = tpu.vector_load %arg11[%parallel_loop3A_466, %parallel_loop3A_467] {strides = array<i32>} : memref<400x64xf32, #tpu.memory_space<vmem>>, vector<16xf32>,
        %parallel_loop3A_469 = arith.addf %parallel_loop3A_465, %parallel_loop3A_468 : vector<16xf32>
        %parallel_loop3A_470 = arith.index_cast %parallel_loop3A_448 : i32 to index
        %parallel_loop3A_471 = arith.constant 48 : index
        %parallel_loop3A_472 = tpu.vector_load %arg9[%parallel_loop3A_470, %parallel_loop3A_471] {strides = array<i32>} : memref<400x64xf32, #tpu.memory_space<vmem>>, vector<16xf32>,
        %parallel_loop3A_473 = arith.index_cast %parallel_loop3A_448 : i32 to index
        %parallel_loop3A_474 = arith.constant 48 : index
        %parallel_loop3A_475 = tpu.vector_load %arg11[%parallel_loop3A_473, %parallel_loop3A_474] {strides = array<i32>} : memref<400x64xf32, #tpu.memory_space<vmem>>, vector<16xf32>,
        %parallel_loop3A_476 = arith.addf %parallel_loop3A_472, %parallel_loop3A_475 : vector<16xf32>
        %parallel_loop3A_477 = arith.addf %parallel_loop3A_455, %parallel_loop3A_462 : vector<16xf32>
        %parallel_loop3A_478 = arith.addf %parallel_loop3A_469, %parallel_loop3A_476 : vector<16xf32>
        %parallel_loop3A_479 = arith.addf %parallel_loop3A_477, %parallel_loop3A_478 : vector<16xf32>
        %parallel_loop3A_480 = arith.mulf %parallel_loop3A_455, %parallel_loop3A_455 : vector<16xf32>
        %parallel_loop3A_481 = arith.mulf %parallel_loop3A_462, %parallel_loop3A_462 : vector<16xf32>
        %parallel_loop3A_482 = arith.addf %parallel_loop3A_480, %parallel_loop3A_481 : vector<16xf32>
        %parallel_loop3A_483 = arith.mulf %parallel_loop3A_469, %parallel_loop3A_469 : vector<16xf32>
        %parallel_loop3A_484 = arith.mulf %parallel_loop3A_476, %parallel_loop3A_476 : vector<16xf32>
        %parallel_loop3A_485 = arith.addf %parallel_loop3A_483, %parallel_loop3A_484 : vector<16xf32>
        %parallel_loop3A_486 = arith.addf %parallel_loop3A_482, %parallel_loop3A_485 : vector<16xf32>
        %parallel_loop3A_487 = arith.constant true
        %parallel_loop3A_488 = vector.broadcast %parallel_loop3A_487 : i1 to vector<16xi1>
        %parallel_loop3A_489 = tpu.scan <sum>, %parallel_loop3A_479 masked %parallel_loop3A_488 : vector<16xf32>, vector<16xi1> -> vector<16xf32>
        %parallel_loop3A_490 = vector.extract %parallel_loop3A_489[15] : f32 from vector<16xf32>
        %parallel_loop3A_491 = arith.constant 1.562500e-02 : f32
        %parallel_loop3A_492 = arith.mulf %parallel_loop3A_490, %parallel_loop3A_491 : f32
        %parallel_loop3A_493 = arith.constant true
        %parallel_loop3A_494 = vector.broadcast %parallel_loop3A_493 : i1 to vector<16xi1>
        %parallel_loop3A_495 = tpu.scan <sum>, %parallel_loop3A_486 masked %parallel_loop3A_494 : vector<16xf32>, vector<16xi1> -> vector<16xf32>
        %parallel_loop3A_496 = vector.extract %parallel_loop3A_495[15] : f32 from vector<16xf32>
        %parallel_loop3A_497 = arith.constant 1.562500e-02 : f32
        %parallel_loop3A_498 = arith.mulf %parallel_loop3A_496, %parallel_loop3A_497 : f32
        %parallel_loop3A_499 = arith.mulf %parallel_loop3A_492, %parallel_loop3A_492 : f32
        %parallel_loop3A_500 = arith.subf %parallel_loop3A_498, %parallel_loop3A_499 : f32
        %parallel_loop3A_501 = arith.constant 9.99999996E-13 : f32
        %parallel_loop3A_502 = arith.addf %parallel_loop3A_500, %parallel_loop3A_501 : f32
        %parallel_loop3A_503 = arith.bitcast %parallel_loop3A_502 : f32 to i32
        %parallel_loop3A_504 = arith.constant 1 : i32
        %parallel_loop3A_505 = arith.shrui %parallel_loop3A_503, %parallel_loop3A_504 : i32
        %parallel_loop3A_506 = arith.constant 1597463007 : i32
        %parallel_loop3A_507 = arith.subi %parallel_loop3A_506, %parallel_loop3A_505 : i32
        %parallel_loop3A_508 = arith.bitcast %parallel_loop3A_507 : i32 to f32
        %parallel_loop3A_509 = arith.constant 5.000000e-01 : f32
        %parallel_loop3A_510 = arith.mulf %parallel_loop3A_509, %parallel_loop3A_502 : f32
        %parallel_loop3A_511 = arith.mulf %parallel_loop3A_510, %parallel_loop3A_508 : f32
        %parallel_loop3A_512 = arith.mulf %parallel_loop3A_511, %parallel_loop3A_508 : f32
        %parallel_loop3A_513 = arith.constant 1.500000e+00 : f32
        %parallel_loop3A_514 = arith.subf %parallel_loop3A_513, %parallel_loop3A_512 : f32
        %parallel_loop3A_515 = arith.mulf %parallel_loop3A_508, %parallel_loop3A_514 : f32
        %parallel_loop3A_516 = arith.constant 5.000000e-01 : f32
        %parallel_loop3A_517 = arith.mulf %parallel_loop3A_516, %parallel_loop3A_502 : f32
        %parallel_loop3A_518 = arith.mulf %parallel_loop3A_517, %parallel_loop3A_515 : f32
        %parallel_loop3A_519 = arith.mulf %parallel_loop3A_518, %parallel_loop3A_515 : f32
        %parallel_loop3A_520 = arith.constant 1.500000e+00 : f32
        %parallel_loop3A_521 = arith.subf %parallel_loop3A_520, %parallel_loop3A_519 : f32
        %parallel_loop3A_522 = arith.mulf %parallel_loop3A_515, %parallel_loop3A_521 : f32
        %parallel_loop3A_523 = arith.constant 5.000000e-01 : f32
        %parallel_loop3A_524 = arith.mulf %parallel_loop3A_523, %parallel_loop3A_502 : f32
        %parallel_loop3A_525 = arith.mulf %parallel_loop3A_524, %parallel_loop3A_522 : f32
        %parallel_loop3A_526 = arith.mulf %parallel_loop3A_525, %parallel_loop3A_522 : f32
        %parallel_loop3A_527 = arith.constant 1.500000e+00 : f32
        %parallel_loop3A_528 = arith.subf %parallel_loop3A_527, %parallel_loop3A_526 : f32
        %parallel_loop3A_529 = arith.mulf %parallel_loop3A_522, %parallel_loop3A_528 : f32
        %parallel_loop3A_530 = arith.constant 0 : i32
        %parallel_loop3A_531 = arith.index_cast %parallel_loop3A_530 : i32 to index
        %parallel_loop3A_532 = arith.constant 0 : index
        %parallel_loop3A_533 = tpu.vector_load %arg12[%parallel_loop3A_531, %parallel_loop3A_532] {strides = array<i32>} : memref<2x64xf32, #tpu.memory_space<vmem>>, vector<16xf32>,
        %parallel_loop3A_534 = arith.constant 1 : i32
        %parallel_loop3A_535 = arith.index_cast %parallel_loop3A_534 : i32 to index
        %parallel_loop3A_536 = arith.constant 0 : index
        %parallel_loop3A_537 = tpu.vector_load %arg12[%parallel_loop3A_535, %parallel_loop3A_536] {strides = array<i32>} : memref<2x64xf32, #tpu.memory_space<vmem>>, vector<16xf32>,
        %parallel_loop3A_538 = vector.broadcast %parallel_loop3A_492 : f32 to vector<16xf32>
        %parallel_loop3A_539 = arith.subf %parallel_loop3A_455, %parallel_loop3A_538 : vector<16xf32>
        %parallel_loop3A_540 = vector.broadcast %parallel_loop3A_529 : f32 to vector<16xf32>
        %parallel_loop3A_541 = arith.mulf %parallel_loop3A_540, %parallel_loop3A_533 : vector<16xf32>
        %parallel_loop3A_542 = arith.mulf %parallel_loop3A_539, %parallel_loop3A_541 : vector<16xf32>
        %parallel_loop3A_543 = arith.addf %parallel_loop3A_542, %parallel_loop3A_537 : vector<16xf32>
        %parallel_loop3A_544 = arith.index_cast %parallel_loop3A_448 : i32 to index
        %parallel_loop3A_545 = arith.constant 0 : index
        %parallel_loop3A_546 = tpu.vector_load %arg9[%parallel_loop3A_544, %parallel_loop3A_545] {strides = array<i32>} : memref<400x64xf32, #tpu.memory_space<vmem>>, vector<16xf32>,
        tpu.vector_store %arg9[%parallel_loop3A_544, %parallel_loop3A_545], %parallel_loop3A_543 {strides = array<i32>} : memref<400x64xf32, #tpu.memory_space<vmem>>, vector<16xf32>,
        %parallel_loop3A_547 = arith.constant 0 : i32
        %parallel_loop3A_548 = arith.index_cast %parallel_loop3A_547 : i32 to index
        %parallel_loop3A_549 = arith.constant 16 : index
        %parallel_loop3A_550 = tpu.vector_load %arg12[%parallel_loop3A_548, %parallel_loop3A_549] {strides = array<i32>} : memref<2x64xf32, #tpu.memory_space<vmem>>, vector<16xf32>,
        %parallel_loop3A_551 = arith.constant 1 : i32
        %parallel_loop3A_552 = arith.index_cast %parallel_loop3A_551 : i32 to index
        %parallel_loop3A_553 = arith.constant 16 : index
        %parallel_loop3A_554 = tpu.vector_load %arg12[%parallel_loop3A_552, %parallel_loop3A_553] {strides = array<i32>} : memref<2x64xf32, #tpu.memory_space<vmem>>, vector<16xf32>,
        %parallel_loop3A_555 = vector.broadcast %parallel_loop3A_492 : f32 to vector<16xf32>
        %parallel_loop3A_556 = arith.subf %parallel_loop3A_462, %parallel_loop3A_555 : vector<16xf32>
        %parallel_loop3A_557 = vector.broadcast %parallel_loop3A_529 : f32 to vector<16xf32>
        %parallel_loop3A_558 = arith.mulf %parallel_loop3A_557, %parallel_loop3A_550 : vector<16xf32>
        %parallel_loop3A_559 = arith.mulf %parallel_loop3A_556, %parallel_loop3A_558 : vector<16xf32>
        %parallel_loop3A_560 = arith.addf %parallel_loop3A_559, %parallel_loop3A_554 : vector<16xf32>
        %parallel_loop3A_561 = arith.index_cast %parallel_loop3A_448 : i32 to index
        %parallel_loop3A_562 = arith.constant 16 : index
        %parallel_loop3A_563 = tpu.vector_load %arg9[%parallel_loop3A_561, %parallel_loop3A_562] {strides = array<i32>} : memref<400x64xf32, #tpu.memory_space<vmem>>, vector<16xf32>,
        tpu.vector_store %arg9[%parallel_loop3A_561, %parallel_loop3A_562], %parallel_loop3A_560 {strides = array<i32>} : memref<400x64xf32, #tpu.memory_space<vmem>>, vector<16xf32>,
        %parallel_loop3A_564 = arith.constant 0 : i32
        %parallel_loop3A_565 = arith.index_cast %parallel_loop3A_564 : i32 to index
        %parallel_loop3A_566 = arith.constant 32 : index
        %parallel_loop3A_567 = tpu.vector_load %arg12[%parallel_loop3A_565, %parallel_loop3A_566] {strides = array<i32>} : memref<2x64xf32, #tpu.memory_space<vmem>>, vector<16xf32>,
        %parallel_loop3A_568 = arith.constant 1 : i32
        %parallel_loop3A_569 = arith.index_cast %parallel_loop3A_568 : i32 to index
        %parallel_loop3A_570 = arith.constant 32 : index
        %parallel_loop3A_571 = tpu.vector_load %arg12[%parallel_loop3A_569, %parallel_loop3A_570] {strides = array<i32>} : memref<2x64xf32, #tpu.memory_space<vmem>>, vector<16xf32>,
        %parallel_loop3A_572 = vector.broadcast %parallel_loop3A_492 : f32 to vector<16xf32>
        %parallel_loop3A_573 = arith.subf %parallel_loop3A_469, %parallel_loop3A_572 : vector<16xf32>
        %parallel_loop3A_574 = vector.broadcast %parallel_loop3A_529 : f32 to vector<16xf32>
        %parallel_loop3A_575 = arith.mulf %parallel_loop3A_574, %parallel_loop3A_567 : vector<16xf32>
        %parallel_loop3A_576 = arith.mulf %parallel_loop3A_573, %parallel_loop3A_575 : vector<16xf32>
        %parallel_loop3A_577 = arith.addf %parallel_loop3A_576, %parallel_loop3A_571 : vector<16xf32>
        %parallel_loop3A_578 = arith.index_cast %parallel_loop3A_448 : i32 to index
        %parallel_loop3A_579 = arith.constant 32 : index
        %parallel_loop3A_580 = tpu.vector_load %arg9[%parallel_loop3A_578, %parallel_loop3A_579] {strides = array<i32>} : memref<400x64xf32, #tpu.memory_space<vmem>>, vector<16xf32>,
        tpu.vector_store %arg9[%parallel_loop3A_578, %parallel_loop3A_579], %parallel_loop3A_577 {strides = array<i32>} : memref<400x64xf32, #tpu.memory_space<vmem>>, vector<16xf32>,
        %parallel_loop3A_581 = arith.constant 0 : i32
        %parallel_loop3A_582 = arith.index_cast %parallel_loop3A_581 : i32 to index
        %parallel_loop3A_583 = arith.constant 48 : index
        %parallel_loop3A_584 = tpu.vector_load %arg12[%parallel_loop3A_582, %parallel_loop3A_583] {strides = array<i32>} : memref<2x64xf32, #tpu.memory_space<vmem>>, vector<16xf32>,
        %parallel_loop3A_585 = arith.constant 1 : i32
        %parallel_loop3A_586 = arith.index_cast %parallel_loop3A_585 : i32 to index
        %parallel_loop3A_587 = arith.constant 48 : index
        %parallel_loop3A_588 = tpu.vector_load %arg12[%parallel_loop3A_586, %parallel_loop3A_587] {strides = array<i32>} : memref<2x64xf32, #tpu.memory_space<vmem>>, vector<16xf32>,
        %parallel_loop3A_589 = vector.broadcast %parallel_loop3A_492 : f32 to vector<16xf32>
        %parallel_loop3A_590 = arith.subf %parallel_loop3A_476, %parallel_loop3A_589 : vector<16xf32>
        %parallel_loop3A_591 = vector.broadcast %parallel_loop3A_529 : f32 to vector<16xf32>
        %parallel_loop3A_592 = arith.mulf %parallel_loop3A_591, %parallel_loop3A_584 : vector<16xf32>
        %parallel_loop3A_593 = arith.mulf %parallel_loop3A_590, %parallel_loop3A_592 : vector<16xf32>
        %parallel_loop3A_594 = arith.addf %parallel_loop3A_593, %parallel_loop3A_588 : vector<16xf32>
        %parallel_loop3A_595 = arith.index_cast %parallel_loop3A_448 : i32 to index
        %parallel_loop3A_596 = arith.constant 48 : index
        %parallel_loop3A_597 = tpu.vector_load %arg9[%parallel_loop3A_595, %parallel_loop3A_596] {strides = array<i32>} : memref<400x64xf32, #tpu.memory_space<vmem>>, vector<16xf32>,
        tpu.vector_store %arg9[%parallel_loop3A_595, %parallel_loop3A_596], %parallel_loop3A_594 {strides = array<i32>} : memref<400x64xf32, #tpu.memory_space<vmem>>, vector<16xf32>,
      } {sc.loop_unroll_factor = 8 : i64, sc.parallel_access}
      %add3A_441 = arith.addi %mul3A_2, %add3A_229 : i32
      %mul3A_442 = arith.constant 400 : i32
      %mul3A_443 = arith.muli %add3A_441, %mul3A_442 : i32
      %dma_start3A_444 = arith.constant 0 : i32
      %dma_start3A_445 = tpu.memref_slice %arg6[%mul3A_443, %dma_start3A_444] : memref<819200x64xf32, #tpu.memory_space<hbm>> -> memref<400x64xf32, #tpu.memory_space<hbm>>
      %dma_start3A_446 = arith.constant 0 : i32
      %dma_start3A_447 = tpu.memref_slice %arg6[%mul3A_443, %dma_start3A_446] : memref<819200x64xf32, #tpu.memory_space<hbm>> -> memref<400x64xf32, #tpu.memory_space<hbm>>
      tpu.enqueue_dma source(%arg9 : memref<400x64xf32, #tpu.memory_space<vmem>>) target(%dma_start3A_447 : memref<400x64xf32, #tpu.memory_space<hbm>>) target_semaphore(%arg15 : memref<!tpu.dma_semaphore, #tpu.memory_space<semaphore_mem>>)
    }
    %scan3A_151 = arith.constant 31 : i32
    %dma_wait3A_152 = arith.constant 0 : i32
    %dma_wait3A_153 = arith.constant 0 : i32
    %dma_wait3A_154 = tpu.memref_slice %arg6[%dma_wait3A_152, %dma_wait3A_153] : memref<819200x64xf32, #tpu.memory_space<hbm>> -> memref<400x64xf32, #tpu.memory_space<hbm>>
    %dma_wait3A_155 = arith.constant 0 : i32
    %dma_wait3A_156 = arith.constant 0 : i32
    %dma_wait3A_157 = tpu.memref_slice %arg6[%dma_wait3A_155, %dma_wait3A_156] : memref<819200x64xf32, #tpu.memory_space<hbm>> -> memref<400x64xf32, #tpu.memory_space<hbm>>
    tpu.wait_dma2 semaphore(%arg15 : memref<!tpu.dma_semaphore, #tpu.memory_space<semaphore_mem>>) src(%arg9 : memref<400x64xf32, #tpu.memory_space<vmem>>) dst(%dma_wait3A_157 : memref<400x64xf32, #tpu.memory_space<hbm>>)
    %dma_wait3A_158 = arith.constant 0 : i32
    %dma_wait3A_159 = arith.constant 0 : i32
    %dma_wait3A_160 = tpu.memref_slice %arg10[%dma_wait3A_158, %dma_wait3A_159] : memref<400x64xf32, #tpu.memory_space<vmem>> -> memref<100x64xf32, #tpu.memory_space<vmem>>
    %dma_wait3A_161 = arith.constant 0 : i32
    %dma_wait3A_162 = arith.constant 0 : i32
    %dma_wait3A_163 = tpu.memref_slice %arg3[%dma_wait3A_161, %dma_wait3A_162] : memref<1000000x64xf32, #tpu.memory_space<hbm>> -> memref<100x64xf32, #tpu.memory_space<hbm>>
    %dma_wait3A_164 = arith.constant 0 : i32
    %dma_wait3A_165 = arith.constant 0 : i32
    %dma_wait3A_166 = tpu.memref_slice %arg10[%dma_wait3A_164, %dma_wait3A_165] : memref<400x64xf32, #tpu.memory_space<vmem>> -> memref<100x64xf32, #tpu.memory_space<vmem>>
    %dma_wait3A_167 = arith.constant 0 : i32
    %dma_wait3A_168 = arith.constant 0 : i32
    %dma_wait3A_169 = tpu.memref_slice %arg3[%dma_wait3A_167, %dma_wait3A_168] : memref<1000000x64xf32, #tpu.memory_space<hbm>> -> memref<100x64xf32, #tpu.memory_space<hbm>>
    tpu.wait_dma2 semaphore(%arg14 : memref<!tpu.dma_semaphore, #tpu.memory_space<semaphore_mem>>) src(%dma_wait3A_169 : memref<100x64xf32, #tpu.memory_space<hbm>>) dst(%dma_wait3A_166 : memref<100x64xf32, #tpu.memory_space<vmem>>)
    %dma_wait3A_170 = arith.constant 100 : i32
    %dma_wait3A_171 = arith.constant 0 : i32
    %dma_wait3A_172 = tpu.memref_slice %arg10[%dma_wait3A_170, %dma_wait3A_171] : memref<400x64xf32, #tpu.memory_space<vmem>> -> memref<100x64xf32, #tpu.memory_space<vmem>>
    %dma_wait3A_173 = arith.constant 0 : i32
    %dma_wait3A_174 = arith.constant 0 : i32
    %dma_wait3A_175 = tpu.memref_slice %arg3[%dma_wait3A_173, %dma_wait3A_174] : memref<1000000x64xf32, #tpu.memory_space<hbm>> -> memref<100x64xf32, #tpu.memory_space<hbm>>
    %dma_wait3A_176 = arith.constant 100 : i32
    %dma_wait3A_177 = arith.constant 0 : i32
    %dma_wait3A_178 = tpu.memref_slice %arg10[%dma_wait3A_176, %dma_wait3A_177] : memref<400x64xf32, #tpu.memory_space<vmem>> -> memref<100x64xf32, #tpu.memory_space<vmem>>
    %dma_wait3A_179 = arith.constant 0 : i32
    %dma_wait3A_180 = arith.constant 0 : i32
    %dma_wait3A_181 = tpu.memref_slice %arg3[%dma_wait3A_179, %dma_wait3A_180] : memref<1000000x64xf32, #tpu.memory_space<hbm>> -> memref<100x64xf32, #tpu.memory_space<hbm>>
    tpu.wait_dma2 semaphore(%arg14 : memref<!tpu.dma_semaphore, #tpu.memory_space<semaphore_mem>>) src(%dma_wait3A_181 : memref<100x64xf32, #tpu.memory_space<hbm>>) dst(%dma_wait3A_178 : memref<100x64xf32, #tpu.memory_space<vmem>>)
    %dma_wait3A_182 = arith.constant 200 : i32
    %dma_wait3A_183 = arith.constant 0 : i32
    %dma_wait3A_184 = tpu.memref_slice %arg10[%dma_wait3A_182, %dma_wait3A_183] : memref<400x64xf32, #tpu.memory_space<vmem>> -> memref<100x64xf32, #tpu.memory_space<vmem>>
    %dma_wait3A_185 = arith.constant 0 : i32
    %dma_wait3A_186 = arith.constant 0 : i32
    %dma_wait3A_187 = tpu.memref_slice %arg3[%dma_wait3A_185, %dma_wait3A_186] : memref<1000000x64xf32, #tpu.memory_space<hbm>> -> memref<100x64xf32, #tpu.memory_space<hbm>>
    %dma_wait3A_188 = arith.constant 200 : i32
    %dma_wait3A_189 = arith.constant 0 : i32
    %dma_wait3A_190 = tpu.memref_slice %arg10[%dma_wait3A_188, %dma_wait3A_189] : memref<400x64xf32, #tpu.memory_space<vmem>> -> memref<100x64xf32, #tpu.memory_space<vmem>>
    %dma_wait3A_191 = arith.constant 0 : i32
    %dma_wait3A_192 = arith.constant 0 : i32
    %dma_wait3A_193 = tpu.memref_slice %arg3[%dma_wait3A_191, %dma_wait3A_192] : memref<1000000x64xf32, #tpu.memory_space<hbm>> -> memref<100x64xf32, #tpu.memory_space<hbm>>
    tpu.wait_dma2 semaphore(%arg14 : memref<!tpu.dma_semaphore, #tpu.memory_space<semaphore_mem>>) src(%dma_wait3A_193 : memref<100x64xf32, #tpu.memory_space<hbm>>) dst(%dma_wait3A_190 : memref<100x64xf32, #tpu.memory_space<vmem>>)
    %dma_wait3A_194 = arith.constant 300 : i32
    %dma_wait3A_195 = arith.constant 0 : i32
    %dma_wait3A_196 = tpu.memref_slice %arg10[%dma_wait3A_194, %dma_wait3A_195] : memref<400x64xf32, #tpu.memory_space<vmem>> -> memref<100x64xf32, #tpu.memory_space<vmem>>
    %dma_wait3A_197 = arith.constant 0 : i32
    %dma_wait3A_198 = arith.constant 0 : i32
    %dma_wait3A_199 = tpu.memref_slice %arg3[%dma_wait3A_197, %dma_wait3A_198] : memref<1000000x64xf32, #tpu.memory_space<hbm>> -> memref<100x64xf32, #tpu.memory_space<hbm>>
    %dma_wait3A_200 = arith.constant 300 : i32
    %dma_wait3A_201 = arith.constant 0 : i32
    %dma_wait3A_202 = tpu.memref_slice %arg10[%dma_wait3A_200, %dma_wait3A_201] : memref<400x64xf32, #tpu.memory_space<vmem>> -> memref<100x64xf32, #tpu.memory_space<vmem>>
    %dma_wait3A_203 = arith.constant 0 : i32
    %dma_wait3A_204 = arith.constant 0 : i32
    %dma_wait3A_205 = tpu.memref_slice %arg3[%dma_wait3A_203, %dma_wait3A_204] : memref<1000000x64xf32, #tpu.memory_space<hbm>> -> memref<100x64xf32, #tpu.memory_space<hbm>>
    tpu.wait_dma2 semaphore(%arg14 : memref<!tpu.dma_semaphore, #tpu.memory_space<semaphore_mem>>) src(%dma_wait3A_205 : memref<100x64xf32, #tpu.memory_space<hbm>>) dst(%dma_wait3A_202 : memref<100x64xf32, #tpu.memory_space<vmem>>)
    %parallel_loop3A_206 = arith.constant 0 : i32
    %parallel_loop3A_207 = arith.constant 400 : i32
    %parallel_loop3A_208 = arith.constant 1 : i32
    scf.for %parallel_loop3A_223 = %parallel_loop3A_206 to %parallel_loop3A_207 step %parallel_loop3A_208  : i32 {
      %parallel_loop3A_224 = arith.index_cast %parallel_loop3A_223 : i32 to index
      %parallel_loop3A_225 = arith.constant 0 : index
      %parallel_loop3A_226 = tpu.vector_load %arg10[%parallel_loop3A_224, %parallel_loop3A_225] {strides = array<i32>} : memref<400x64xf32, #tpu.memory_space<vmem>>, vector<16xf32>,
      %parallel_loop3A_227 = arith.index_cast %parallel_loop3A_223 : i32 to index
      %parallel_loop3A_228 = arith.constant 0 : index
      %parallel_loop3A_229 = tpu.vector_load %arg11[%parallel_loop3A_227, %parallel_loop3A_228] {strides = array<i32>} : memref<400x64xf32, #tpu.memory_space<vmem>>, vector<16xf32>,
      %parallel_loop3A_230 = arith.addf %parallel_loop3A_226, %parallel_loop3A_229 : vector<16xf32>
      %parallel_loop3A_231 = arith.index_cast %parallel_loop3A_223 : i32 to index
      %parallel_loop3A_232 = arith.constant 16 : index
      %parallel_loop3A_233 = tpu.vector_load %arg10[%parallel_loop3A_231, %parallel_loop3A_232] {strides = array<i32>} : memref<400x64xf32, #tpu.memory_space<vmem>>, vector<16xf32>,
      %parallel_loop3A_234 = arith.index_cast %parallel_loop3A_223 : i32 to index
      %parallel_loop3A_235 = arith.constant 16 : index
      %parallel_loop3A_236 = tpu.vector_load %arg11[%parallel_loop3A_234, %parallel_loop3A_235] {strides = array<i32>} : memref<400x64xf32, #tpu.memory_space<vmem>>, vector<16xf32>,
      %parallel_loop3A_237 = arith.addf %parallel_loop3A_233, %parallel_loop3A_236 : vector<16xf32>
      %parallel_loop3A_238 = arith.index_cast %parallel_loop3A_223 : i32 to index
      %parallel_loop3A_239 = arith.constant 32 : index
      %parallel_loop3A_240 = tpu.vector_load %arg10[%parallel_loop3A_238, %parallel_loop3A_239] {strides = array<i32>} : memref<400x64xf32, #tpu.memory_space<vmem>>, vector<16xf32>,
      %parallel_loop3A_241 = arith.index_cast %parallel_loop3A_223 : i32 to index
      %parallel_loop3A_242 = arith.constant 32 : index
      %parallel_loop3A_243 = tpu.vector_load %arg11[%parallel_loop3A_241, %parallel_loop3A_242] {strides = array<i32>} : memref<400x64xf32, #tpu.memory_space<vmem>>, vector<16xf32>,
      %parallel_loop3A_244 = arith.addf %parallel_loop3A_240, %parallel_loop3A_243 : vector<16xf32>
      %parallel_loop3A_245 = arith.index_cast %parallel_loop3A_223 : i32 to index
      %parallel_loop3A_246 = arith.constant 48 : index
      %parallel_loop3A_247 = tpu.vector_load %arg10[%parallel_loop3A_245, %parallel_loop3A_246] {strides = array<i32>} : memref<400x64xf32, #tpu.memory_space<vmem>>, vector<16xf32>,
      %parallel_loop3A_248 = arith.index_cast %parallel_loop3A_223 : i32 to index
      %parallel_loop3A_249 = arith.constant 48 : index
      %parallel_loop3A_250 = tpu.vector_load %arg11[%parallel_loop3A_248, %parallel_loop3A_249] {strides = array<i32>} : memref<400x64xf32, #tpu.memory_space<vmem>>, vector<16xf32>,
      %parallel_loop3A_251 = arith.addf %parallel_loop3A_247, %parallel_loop3A_250 : vector<16xf32>
      %parallel_loop3A_252 = arith.addf %parallel_loop3A_230, %parallel_loop3A_237 : vector<16xf32>
      %parallel_loop3A_253 = arith.addf %parallel_loop3A_244, %parallel_loop3A_251 : vector<16xf32>
      %parallel_loop3A_254 = arith.addf %parallel_loop3A_252, %parallel_loop3A_253 : vector<16xf32>
      %parallel_loop3A_255 = arith.mulf %parallel_loop3A_230, %parallel_loop3A_230 : vector<16xf32>
      %parallel_loop3A_256 = arith.mulf %parallel_loop3A_237, %parallel_loop3A_237 : vector<16xf32>
      %parallel_loop3A_257 = arith.addf %parallel_loop3A_255, %parallel_loop3A_256 : vector<16xf32>
      %parallel_loop3A_258 = arith.mulf %parallel_loop3A_244, %parallel_loop3A_244 : vector<16xf32>
      %parallel_loop3A_259 = arith.mulf %parallel_loop3A_251, %parallel_loop3A_251 : vector<16xf32>
      %parallel_loop3A_260 = arith.addf %parallel_loop3A_258, %parallel_loop3A_259 : vector<16xf32>
      %parallel_loop3A_261 = arith.addf %parallel_loop3A_257, %parallel_loop3A_260 : vector<16xf32>
      %parallel_loop3A_262 = arith.constant true
      %parallel_loop3A_263 = vector.broadcast %parallel_loop3A_262 : i1 to vector<16xi1>
      %parallel_loop3A_264 = tpu.scan <sum>, %parallel_loop3A_254 masked %parallel_loop3A_263 : vector<16xf32>, vector<16xi1> -> vector<16xf32>
      %parallel_loop3A_265 = vector.extract %parallel_loop3A_264[15] : f32 from vector<16xf32>
      %parallel_loop3A_266 = arith.constant 1.562500e-02 : f32
      %parallel_loop3A_267 = arith.mulf %parallel_loop3A_265, %parallel_loop3A_266 : f32
      %parallel_loop3A_268 = arith.constant true
      %parallel_loop3A_269 = vector.broadcast %parallel_loop3A_268 : i1 to vector<16xi1>
      %parallel_loop3A_270 = tpu.scan <sum>, %parallel_loop3A_261 masked %parallel_loop3A_269 : vector<16xf32>, vector<16xi1> -> vector<16xf32>
      %parallel_loop3A_271 = vector.extract %parallel_loop3A_270[15] : f32 from vector<16xf32>
      %parallel_loop3A_272 = arith.constant 1.562500e-02 : f32
      %parallel_loop3A_273 = arith.mulf %parallel_loop3A_271, %parallel_loop3A_272 : f32
      %parallel_loop3A_274 = arith.mulf %parallel_loop3A_267, %parallel_loop3A_267 : f32
      %parallel_loop3A_275 = arith.subf %parallel_loop3A_273, %parallel_loop3A_274 : f32
      %parallel_loop3A_276 = arith.constant 9.99999996E-13 : f32
      %parallel_loop3A_277 = arith.addf %parallel_loop3A_275, %parallel_loop3A_276 : f32
      %parallel_loop3A_278 = arith.bitcast %parallel_loop3A_277 : f32 to i32
      %parallel_loop3A_279 = arith.constant 1 : i32
      %parallel_loop3A_280 = arith.shrui %parallel_loop3A_278, %parallel_loop3A_279 : i32
      %parallel_loop3A_281 = arith.constant 1597463007 : i32
      %parallel_loop3A_282 = arith.subi %parallel_loop3A_281, %parallel_loop3A_280 : i32
      %parallel_loop3A_283 = arith.bitcast %parallel_loop3A_282 : i32 to f32
      %parallel_loop3A_284 = arith.constant 5.000000e-01 : f32
      %parallel_loop3A_285 = arith.mulf %parallel_loop3A_284, %parallel_loop3A_277 : f32
      %parallel_loop3A_286 = arith.mulf %parallel_loop3A_285, %parallel_loop3A_283 : f32
      %parallel_loop3A_287 = arith.mulf %parallel_loop3A_286, %parallel_loop3A_283 : f32
      %parallel_loop3A_288 = arith.constant 1.500000e+00 : f32
      %parallel_loop3A_289 = arith.subf %parallel_loop3A_288, %parallel_loop3A_287 : f32
      %parallel_loop3A_290 = arith.mulf %parallel_loop3A_283, %parallel_loop3A_289 : f32
      %parallel_loop3A_291 = arith.constant 5.000000e-01 : f32
      %parallel_loop3A_292 = arith.mulf %parallel_loop3A_291, %parallel_loop3A_277 : f32
      %parallel_loop3A_293 = arith.mulf %parallel_loop3A_292, %parallel_loop3A_290 : f32
      %parallel_loop3A_294 = arith.mulf %parallel_loop3A_293, %parallel_loop3A_290 : f32
      %parallel_loop3A_295 = arith.constant 1.500000e+00 : f32
      %parallel_loop3A_296 = arith.subf %parallel_loop3A_295, %parallel_loop3A_294 : f32
      %parallel_loop3A_297 = arith.mulf %parallel_loop3A_290, %parallel_loop3A_296 : f32
      %parallel_loop3A_298 = arith.constant 5.000000e-01 : f32
      %parallel_loop3A_299 = arith.mulf %parallel_loop3A_298, %parallel_loop3A_277 : f32
      %parallel_loop3A_300 = arith.mulf %parallel_loop3A_299, %parallel_loop3A_297 : f32
      %parallel_loop3A_301 = arith.mulf %parallel_loop3A_300, %parallel_loop3A_297 : f32
      %parallel_loop3A_302 = arith.constant 1.500000e+00 : f32
      %parallel_loop3A_303 = arith.subf %parallel_loop3A_302, %parallel_loop3A_301 : f32
      %parallel_loop3A_304 = arith.mulf %parallel_loop3A_297, %parallel_loop3A_303 : f32
      %parallel_loop3A_305 = arith.constant 0 : i32
      %parallel_loop3A_306 = arith.index_cast %parallel_loop3A_305 : i32 to index
      %parallel_loop3A_307 = arith.constant 0 : index
      %parallel_loop3A_308 = tpu.vector_load %arg12[%parallel_loop3A_306, %parallel_loop3A_307] {strides = array<i32>} : memref<2x64xf32, #tpu.memory_space<vmem>>, vector<16xf32>,
      %parallel_loop3A_309 = arith.constant 1 : i32
      %parallel_loop3A_310 = arith.index_cast %parallel_loop3A_309 : i32 to index
      %parallel_loop3A_311 = arith.constant 0 : index
      %parallel_loop3A_312 = tpu.vector_load %arg12[%parallel_loop3A_310, %parallel_loop3A_311] {strides = array<i32>} : memref<2x64xf32, #tpu.memory_space<vmem>>, vector<16xf32>,
      %parallel_loop3A_313 = vector.broadcast %parallel_loop3A_267 : f32 to vector<16xf32>
      %parallel_loop3A_314 = arith.subf %parallel_loop3A_230, %parallel_loop3A_313 : vector<16xf32>
      %parallel_loop3A_315 = vector.broadcast %parallel_loop3A_304 : f32 to vector<16xf32>
      %parallel_loop3A_316 = arith.mulf %parallel_loop3A_315, %parallel_loop3A_308 : vector<16xf32>
      %parallel_loop3A_317 = arith.mulf %parallel_loop3A_314, %parallel_loop3A_316 : vector<16xf32>
      %parallel_loop3A_318 = arith.addf %parallel_loop3A_317, %parallel_loop3A_312 : vector<16xf32>
      %parallel_loop3A_319 = arith.index_cast %parallel_loop3A_223 : i32 to index
      %parallel_loop3A_320 = arith.constant 0 : index
      %parallel_loop3A_321 = tpu.vector_load %arg10[%parallel_loop3A_319, %parallel_loop3A_320] {strides = array<i32>} : memref<400x64xf32, #tpu.memory_space<vmem>>, vector<16xf32>,
      tpu.vector_store %arg10[%parallel_loop3A_319, %parallel_loop3A_320], %parallel_loop3A_318 {strides = array<i32>} : memref<400x64xf32, #tpu.memory_space<vmem>>, vector<16xf32>,
      %parallel_loop3A_322 = arith.constant 0 : i32
      %parallel_loop3A_323 = arith.index_cast %parallel_loop3A_322 : i32 to index
      %parallel_loop3A_324 = arith.constant 16 : index
      %parallel_loop3A_325 = tpu.vector_load %arg12[%parallel_loop3A_323, %parallel_loop3A_324] {strides = array<i32>} : memref<2x64xf32, #tpu.memory_space<vmem>>, vector<16xf32>,
      %parallel_loop3A_326 = arith.constant 1 : i32
      %parallel_loop3A_327 = arith.index_cast %parallel_loop3A_326 : i32 to index
      %parallel_loop3A_328 = arith.constant 16 : index
      %parallel_loop3A_329 = tpu.vector_load %arg12[%parallel_loop3A_327, %parallel_loop3A_328] {strides = array<i32>} : memref<2x64xf32, #tpu.memory_space<vmem>>, vector<16xf32>,
      %parallel_loop3A_330 = vector.broadcast %parallel_loop3A_267 : f32 to vector<16xf32>
      %parallel_loop3A_331 = arith.subf %parallel_loop3A_237, %parallel_loop3A_330 : vector<16xf32>
      %parallel_loop3A_332 = vector.broadcast %parallel_loop3A_304 : f32 to vector<16xf32>
      %parallel_loop3A_333 = arith.mulf %parallel_loop3A_332, %parallel_loop3A_325 : vector<16xf32>
      %parallel_loop3A_334 = arith.mulf %parallel_loop3A_331, %parallel_loop3A_333 : vector<16xf32>
      %parallel_loop3A_335 = arith.addf %parallel_loop3A_334, %parallel_loop3A_329 : vector<16xf32>
      %parallel_loop3A_336 = arith.index_cast %parallel_loop3A_223 : i32 to index
      %parallel_loop3A_337 = arith.constant 16 : index
      %parallel_loop3A_338 = tpu.vector_load %arg10[%parallel_loop3A_336, %parallel_loop3A_337] {strides = array<i32>} : memref<400x64xf32, #tpu.memory_space<vmem>>, vector<16xf32>,
      tpu.vector_store %arg10[%parallel_loop3A_336, %parallel_loop3A_337], %parallel_loop3A_335 {strides = array<i32>} : memref<400x64xf32, #tpu.memory_space<vmem>>, vector<16xf32>,
      %parallel_loop3A_339 = arith.constant 0 : i32
      %parallel_loop3A_340 = arith.index_cast %parallel_loop3A_339 : i32 to index
      %parallel_loop3A_341 = arith.constant 32 : index
      %parallel_loop3A_342 = tpu.vector_load %arg12[%parallel_loop3A_340, %parallel_loop3A_341] {strides = array<i32>} : memref<2x64xf32, #tpu.memory_space<vmem>>, vector<16xf32>,
      %parallel_loop3A_343 = arith.constant 1 : i32
      %parallel_loop3A_344 = arith.index_cast %parallel_loop3A_343 : i32 to index
      %parallel_loop3A_345 = arith.constant 32 : index
      %parallel_loop3A_346 = tpu.vector_load %arg12[%parallel_loop3A_344, %parallel_loop3A_345] {strides = array<i32>} : memref<2x64xf32, #tpu.memory_space<vmem>>, vector<16xf32>,
      %parallel_loop3A_347 = vector.broadcast %parallel_loop3A_267 : f32 to vector<16xf32>
      %parallel_loop3A_348 = arith.subf %parallel_loop3A_244, %parallel_loop3A_347 : vector<16xf32>
      %parallel_loop3A_349 = vector.broadcast %parallel_loop3A_304 : f32 to vector<16xf32>
      %parallel_loop3A_350 = arith.mulf %parallel_loop3A_349, %parallel_loop3A_342 : vector<16xf32>
      %parallel_loop3A_351 = arith.mulf %parallel_loop3A_348, %parallel_loop3A_350 : vector<16xf32>
      %parallel_loop3A_352 = arith.addf %parallel_loop3A_351, %parallel_loop3A_346 : vector<16xf32>
      %parallel_loop3A_353 = arith.index_cast %parallel_loop3A_223 : i32 to index
      %parallel_loop3A_354 = arith.constant 32 : index
      %parallel_loop3A_355 = tpu.vector_load %arg10[%parallel_loop3A_353, %parallel_loop3A_354] {strides = array<i32>} : memref<400x64xf32, #tpu.memory_space<vmem>>, vector<16xf32>,
      tpu.vector_store %arg10[%parallel_loop3A_353, %parallel_loop3A_354], %parallel_loop3A_352 {strides = array<i32>} : memref<400x64xf32, #tpu.memory_space<vmem>>, vector<16xf32>,
      %parallel_loop3A_356 = arith.constant 0 : i32
      %parallel_loop3A_357 = arith.index_cast %parallel_loop3A_356 : i32 to index
      %parallel_loop3A_358 = arith.constant 48 : index
      %parallel_loop3A_359 = tpu.vector_load %arg12[%parallel_loop3A_357, %parallel_loop3A_358] {strides = array<i32>} : memref<2x64xf32, #tpu.memory_space<vmem>>, vector<16xf32>,
      %parallel_loop3A_360 = arith.constant 1 : i32
      %parallel_loop3A_361 = arith.index_cast %parallel_loop3A_360 : i32 to index
      %parallel_loop3A_362 = arith.constant 48 : index
      %parallel_loop3A_363 = tpu.vector_load %arg12[%parallel_loop3A_361, %parallel_loop3A_362] {strides = array<i32>} : memref<2x64xf32, #tpu.memory_space<vmem>>, vector<16xf32>,
      %parallel_loop3A_364 = vector.broadcast %parallel_loop3A_267 : f32 to vector<16xf32>
      %parallel_loop3A_365 = arith.subf %parallel_loop3A_251, %parallel_loop3A_364 : vector<16xf32>
      %parallel_loop3A_366 = vector.broadcast %parallel_loop3A_304 : f32 to vector<16xf32>
      %parallel_loop3A_367 = arith.mulf %parallel_loop3A_366, %parallel_loop3A_359 : vector<16xf32>
      %parallel_loop3A_368 = arith.mulf %parallel_loop3A_365, %parallel_loop3A_367 : vector<16xf32>
      %parallel_loop3A_369 = arith.addf %parallel_loop3A_368, %parallel_loop3A_363 : vector<16xf32>
      %parallel_loop3A_370 = arith.index_cast %parallel_loop3A_223 : i32 to index
      %parallel_loop3A_371 = arith.constant 48 : index
      %parallel_loop3A_372 = tpu.vector_load %arg10[%parallel_loop3A_370, %parallel_loop3A_371] {strides = array<i32>} : memref<400x64xf32, #tpu.memory_space<vmem>>, vector<16xf32>,
      tpu.vector_store %arg10[%parallel_loop3A_370, %parallel_loop3A_371], %parallel_loop3A_369 {strides = array<i32>} : memref<400x64xf32, #tpu.memory_space<vmem>>, vector<16xf32>,
    } {sc.loop_unroll_factor = 8 : i64, sc.parallel_access}
    %add3A_209 = arith.constant 63 : i32
    %add3A_210 = arith.addi %mul3A_2, %add3A_209 : i32
    %mul3A_211 = arith.constant 400 : i32
    %mul3A_212 = arith.muli %add3A_210, %mul3A_211 : i32
    %dma_start3A_213 = arith.constant 0 : i32
    %dma_start3A_214 = tpu.memref_slice %arg6[%mul3A_212, %dma_start3A_213] : memref<819200x64xf32, #tpu.memory_space<hbm>> -> memref<400x64xf32, #tpu.memory_space<hbm>>
    %dma_start3A_215 = arith.constant 0 : i32
    %dma_start3A_216 = tpu.memref_slice %arg6[%mul3A_212, %dma_start3A_215] : memref<819200x64xf32, #tpu.memory_space<hbm>> -> memref<400x64xf32, #tpu.memory_space<hbm>>
    tpu.enqueue_dma source(%arg10 : memref<400x64xf32, #tpu.memory_space<vmem>>) target(%dma_start3A_216 : memref<400x64xf32, #tpu.memory_space<hbm>>) target_semaphore(%arg16 : memref<!tpu.dma_semaphore, #tpu.memory_space<semaphore_mem>>)
    %dma_wait3A_217 = arith.constant 0 : i32
    %dma_wait3A_218 = arith.constant 0 : i32
    %dma_wait3A_219 = tpu.memref_slice %arg6[%dma_wait3A_217, %dma_wait3A_218] : memref<819200x64xf32, #tpu.memory_space<hbm>> -> memref<400x64xf32, #tpu.memory_space<hbm>>
    %dma_wait3A_220 = arith.constant 0 : i32
    %dma_wait3A_221 = arith.constant 0 : i32
    %dma_wait3A_222 = tpu.memref_slice %arg6[%dma_wait3A_220, %dma_wait3A_221] : memref<819200x64xf32, #tpu.memory_space<hbm>> -> memref<400x64xf32, #tpu.memory_space<hbm>>
    tpu.wait_dma2 semaphore(%arg16 : memref<!tpu.dma_semaphore, #tpu.memory_space<semaphore_mem>>) src(%arg10 : memref<400x64xf32, #tpu.memory_space<vmem>>) dst(%dma_wait3A_222 : memref<400x64xf32, #tpu.memory_space<hbm>>)
    return
  }
}

</mosaic_0001>

<sc_bundles>
// kernel: kernel.3.cloned.1.call-start
scs
__scs_entry_jumppad:
0x0: {  	(pc) =	sbr.rel $0x88, $3  }
0x1: {  	(tag) =	ssettag $0x0;
	lr =	simm.s32 $0x1  }
0x2: {  	[smem:$0x3F9C] =	sst lr;
	_ =	strace $0xD0000000  }
0x3: {  	_ = 	snop  }
0x4: {  	_ = 	snop  }
0x5: {  	_ = 	snop  }
0x6: {  	_ = 	snop  }
0x7: {  	_ = 	snop  }
__scs_overlays_trampoline_lowered:
0x8: {  	[smem:$0x3FAB] =	sst s0  }
0x9: {  	[smem:$0x3FAC] =	sst s1  }
0xa: {  	[smem:$0x3FAD] =	sst s2  }
0xb: {  	[smem:$0x3FAE] =	sst s3  }
0xc: {  	[smem:$0x3FAF] =	sst s4  }
0xd: {  	[smem:$0x3FB0] =	sst s5  }
0xe: {  	[smem:$0x3FB1] =	sst s6  }
0xf: {  	[smem:$0x3FB2] =	sst s7  }
0x10: {  	[smem:$0x3FB3] =	sst s8  }
0x11: {  	[smem:$0x3FB4] =	sst s9;
	s0 =	simm.s32 @!p0 $0x0  }
0x12: {  	s1 =	sld [smem:$0x3F9A];
	s0 =	simm.s32 @p0 $0x1  }
0x13: {  	[smem:$0x3FB5] =	sst s0;
	s0 =	simm.s32 @!p1 $0x0  }
0x14: {  	s2 =	sld [smem:$0x3F99];
	s0 =	simm.s32 @p1 $0x1  }
0x15: {  	[smem:$0x3FB6] =	sst s0;
	s0 =	simm.s32 @!p2 $0x0  }
0x16: {  	s3 =	sld [smem:$0x3FDB];
	s0 =	simm.s32 @p2 $0x1  }
0x17: {  	s4 =	simm.s32 $0x1BF5;
	[smem:$0x3FB8] =	sst s0  }
0x18: {  	s0 =	sld [smem:$0x3F9B];
	_ =	swait.ge [sflag:s4], $0x0  }
0x19: {  	s7 =	sld [smem:$0x3F9C]  }
0x1a: {  	s8 =	sadd.s32 $0xFFFFE003, lr  }
0x1b: {  	s9 =	sadd.s32 $0xFFFFFEF7, lr;
	s5 =	simm.s32 $0xFFFFFFFF;
	p2 =	slt.u32 s8, $0xFFFFF086  }
0x1c: {  	p1 =	slt.u32 s9, $0xF7A;
	s5 =	simm.s32 @!p2 $0x0  }
0x1d: {  	s5 =	simm.s32 @p1 $0x1;
	p0 =	seq.s32 s7, s2  }
0x1e: {  	s7 =	smul.u32 @!p0 $0xF7A, s2;
	p2 =	seq.s32 @!p0 s5, $0x0  }
0x1f: {  	s9 =	smul.u32 $0xF7A, s1;
	s8 =	simm.s32 @!p0 $0x1BF5;
	p2 =	por !p2, p0  }
0x20: {  	[sflag:s8] =	ssyncset.s32 @!p0 $0xFFFFF086;
	s6 =	sadd.s32 @!p0 s3, s7;
	s7 =	simm.s32 @!p0 $0x108  }
0x21: {  	s3 =	sadd.s32 s3, s9;
	s6 =	sadd.s32 @!p0 $0x88, s6;
	s7 =	simm.s32 @p2 $0x1082  }
0x22: {  	[simem:s7], [sflag:s8] =	dma.local @!p0 [hbm:s6], $0xF7A  }
0x23: {  	s9 =	sor.u32 $0xD0000000, s2;
	s6 =	simm.s32 $0x108;
	_ =	swait.ge @!p0 [sflag:s8], $0x0  }
0x24: {  	s3 =	sadd.s32 $0x88, s3;
	s6 =	simm.s32 @!p1 $0x1082;
	[sflag:s4] =	ssyncset.s32 $0xFFFFF086  }
0x25: {  	[simem:s6], [sflag:s4] =	dma.local [hbm:s3], $0xF7A  }
0x26: {  	[smem:$0x3F9C] =	sst s1;
	(tag) =	ssettag s2;
	_ =	strace s9  }
0x27: {  	s1 =	sld [smem:$0x3FAC]  }
0x28: {  	s2 =	sld [smem:$0x3FAD]  }
0x29: {  	s4 =	sld [smem:$0x3FAF]  }
0x2a: {  	p0 =	seq.s32 s5, $0x0;
	s5 =	sld [smem:$0x3FB0]  }
0x2b: {  	s6 =	sld [smem:$0x3FB1]  }
0x2c: {  	s7 =	sld [smem:$0x3FB2]  }
0x2d: {  	s3 =	simm.s32 $0x108;
	s8 =	sld [smem:$0x3FB3]  }
0x2e: {  	s3 =	simm.s32 @!p0 $0x1082;
	s9 =	sld [smem:$0x3FB4]  }
0x2f: {  	lr =	sadd.s32 s0, s3;
	s0 =	sld [smem:$0x3FAB]  }
0x30: {  	s3 =	sld [smem:$0x3FAE]  }
0x31: {  	[smem:$0x3FB7] =	sst s10  }
0x32: {  	s10 =	sld [smem:$0x3FB5];
	_ =	sdelay $0x3  }
0x33: {  	p0 =	seq.s32 s10, $0x1;
	s10 =	sld [smem:$0x3FB7];
	_ =	sdelay $0x3  }
0x34: {  	[smem:$0x3FB7] =	sst s10  }
0x35: {  	s10 =	sld [smem:$0x3FB6];
	_ =	sdelay $0x3  }
0x36: {  	p1 =	seq.s32 s10, $0x1;
	s10 =	sld [smem:$0x3FB7];
	_ =	sdelay $0x3  }
0x37: {  	[smem:$0x3FB7] =	sst s10  }
0x38: {  	s10 =	sld [smem:$0x3FB8]  }
0x39: {  	_ = 	snop;
	(pc) =	sbr.ind lr, $3  }
0x3a: {  	_ = 	snop  }
0x3b: {  	_ = 	snop  }
0x3c: {  	p2 =	seq.s32 s10, $0x1;
	s10 =	sld [smem:$0x3FB7]  }
0x3d: {  	_ =	shalt  }
0x3e: {  	_ =	shalt  }
0x3f: {  	_ =	shalt  }
0x40: {  	_ =	shalt  }
0x41: {  	_ =	shalt  }
0x42: {  	_ =	shalt  }
0x43: {  	_ =	shalt  }
0x44: {  	_ =	shalt  }
0x45: {  	_ =	shalt  }
0x46: {  	_ =	shalt  }
0x47: {  	_ =	shalt  }
0x48: {  	_ =	shalt  }
0x49: {  	_ =	shalt  }
0x4a: {  	_ =	shalt  }
0x4b: {  	_ =	shalt  }
0x4c: {  	_ =	shalt  }
0x4d: {  	_ =	shalt  }
0x4e: {  	_ =	shalt  }
0x4f: {  	_ =	shalt  }
0x50: {  	_ =	shalt  }
0x51: {  	_ =	shalt  }
0x52: {  	_ =	shalt  }
0x53: {  	_ =	shalt  }
0x54: {  	_ =	shalt  }
0x55: {  	_ =	shalt  }
0x56: {  	_ =	shalt  }
0x57: {  	_ =	shalt  }
0x58: {  	_ =	shalt  }
0x59: {  	_ =	shalt  }
0x5a: {  	_ =	shalt  }
0x5b: {  	_ =	shalt  }
0x5c: {  	_ =	shalt  }
0x5d: {  	_ =	shalt  }
0x5e: {  	_ =	shalt  }
0x5f: {  	_ =	shalt  }
0x60: {  	_ =	shalt  }
0x61: {  	_ =	shalt  }
0x62: {  	_ =	shalt  }
0x63: {  	_ =	shalt  }
0x64: {  	_ =	shalt  }
0x65: {  	_ =	shalt  }
0x66: {  	_ =	shalt  }
0x67: {  	_ =	shalt  }
0x68: {  	_ =	shalt  }
0x69: {  	_ =	shalt  }
0x6a: {  	_ =	shalt  }
0x6b: {  	_ =	shalt  }
0x6c: {  	_ =	shalt  }
0x6d: {  	_ =	shalt  }
0x6e: {  	_ =	shalt  }
0x6f: {  	_ =	shalt  }
0x70: {  	_ =	shalt  }
0x71: {  	_ =	shalt  }
0x72: {  	_ =	shalt  }
0x73: {  	_ =	shalt  }
0x74: {  	_ =	shalt  }
0x75: {  	_ =	shalt  }
0x76: {  	_ =	shalt  }
0x77: {  	_ =	shalt  }
0x78: {  	_ =	shalt  }
0x79: {  	_ =	shalt  }
0x7a: {  	_ =	shalt  }
0x7b: {  	_ =	shalt  }
0x7c: {  	_ =	shalt  }
0x7d: {  	_ =	shalt  }
0x7e: {  	_ =	shalt  }
0x7f: {  	_ =	shalt  }
0x80: {  	_ =	shalt  }
0x81: {  	_ =	shalt  }
0x82: {  	_ =	shalt  }
0x83: {  	_ =	shalt  }
0x84: {  	_ =	shalt  }
0x85: {  	_ =	shalt  }
0x86: {  	_ =	shalt  }
0x87: {  	_ =	shalt  }
.Lfunc_end0:
.L_simem_size_0:
called_computation.1_lowered:
.L_overlay_start_0:
0x88: {  	s2 =	sld [smem:$0x3FD9]  }
0x89: {  	s3 =	sld [smem:$0x3FFE];
	_ =	sdelay $0x1  }
0x8a: {  	s1 =	srdreg.scid  }
0x8b: {  	s0 =	sand.u32 $0x1, s1  }
0x8c: {  	s17 =	sshll.u32 s0, $0xA;
	s2 =	sadd.s32 s3, s2  }
0x8d: {  	s2 =	sadd.s32 s2, s17  }
0x8e: {  	[smem:$0x3FC3] =	sst s2  }
0x8f: {  	_ = 	snop  }
0x90: {  	s2 =	sld [smem:$0x3FD0];
	(tm) =	ssettm $0x1  }
0x91: {  	s18 =	sld [smem:$0x3FFB];
	_ =	sdelay $0x3  }
0x92: {  	_ =	strace s18  }
0x93: {  	s3 =	sld [smem:$0x3FFC];
	_ =	sdelay $0x3  }
0x94: {  	_ =	strace s3  }
0x95: {  	s3 =	sld [smem:$0x3FFD];
	_ =	sdelay $0x3  }
0x96: {  	_ =	strace s3  }
0x97: {  	_ =	strace $0x8FFFFFFF  }
0x98: {  	s19 =	sld [smem:$0x3FDB];
	_ =	sdelay $0x1  }
0x99: {  	s4 =	simm.s32 $_scs_section_size  }
0x9a: {  	s5 =	simm.s32 $_size__tile_overlayer_lowered;
	s6 =	simm.s32 $_tile_overlayer_lowered  }
0x9b: {  	s22 =	simm.s32 $0x1BFF;
	s21 =	sshll.u32 s6, $0x1;
	s3 =	sadd.s32 s4, s19  }
0x9c: {  	s7 =	simm.s32 $0x0;
	s20 =	sshll.u32 s5, $0x1;
	s5 =	sadd.s32 s21, s3  }
0x9d: {  	[timem:s7], [sflag:s22] =	dma.local [hbm:s5], s20  }
0x9e: {  	_ =	swait.ge [sflag:s22], s20  }
0x9f: {  	s4 =	ssub.s32 $0x0, s20;
	[sflag:s22] =	ssyncset.done $0x0  }
0xa0: {  	[sflag:s22] =	ssyncadd.s32 s4;
	_ =	sdelay $0x1  }
0xa1: {  	s23 =	simm.s32 $0x1B8B  }
0xa2: {  	_ =	swait.ge [sflag:s23], $0x1  }
0xa3: {  	[sflag:s23] =	ssyncset.done $0x0  }
0xa4: {  	s25 =	simm.s32 $0x1B8E;
	s24 =	sld [smem:$0x3FFE];
	[sflag:s23] =	ssyncadd.s32 $0xFFFFFFFF  }
0xa5: {  	s26 =	simm.s32 $execute0_lowered;
	[smem:$0x3FD2] =	sst s25  }
0xa6: {  	s5 =	sshll.u32 s26, $0x1;
	_ =	strace $0x80000046;
	[dreg:$0x1] =	wrdreg $0xFFFFFFFF  }
0xa7: {  	s28 =	simm.s32 $_size_execute0_lowered;
	s3 =	sadd.s32 s3, s5;
	[dreg:$0x0] =	wrdreg $0x0  }
0xa8: {  	s5 =	sshll.u32 s28, $0x1;
	[dreg:$0x2] =	wrdreg s3  }
0xa9: {  	[dreg:$0x3] =	wrdreg s5  }
0xaa: {  	[dreg:$0x4] =	wrdreg $0xC0  }
0xab: {  	_ =	task [dreg:s7], $0x5FFFF  }
0xac: {  	[dreg:$0x1] =	wrdreg $0xFFFFFFFF  }
0xad: {  	[dreg:$0x0] =	wrdreg $0x60  }
0xae: {  	[dreg:$0x2] =	wrdreg s24  }
0xaf: {  	[dreg:$0x3] =	wrdreg s2  }
0xb0: {  	[dreg:$0x4] =	wrdreg $0x9  }
0xb1: {  	_ =	task.clear_ibuf [dreg:s7], $0x5FFFF;
	_ =	strace $0x90000046  }
0xb2: {  	s29 =	simm.s32 $0x9;
	_ =	strace $0x80000048  }
0xb3: {  	_ =	swait.ge [sflag:s29], $0x1  }
0xb4: {  	[sflag:s29] =	ssyncadd.s32 $0xFFFFFFFF  }
0xb5: {  	_ =	strace $0x90000048  }
0xb6: {  	_ =	sfence  }
0xb7: {  	s30 =	sld [smem:$0x0];
	_ =	sdelay $0x2  }
0xb8: {  	s31 =	sshll.u32 s1, $0xD;
	s1 =	sshrl.u32 s1, $0x2  }
0xb9: {  	s3 =	sand.u32 $0x4000, s31;
	s1 =	sadd.s32 s1, s30  }
0xba: {  	s0 =	sor.u32 s3, s0;
	s1 =	sshll.u32 s1, $0x11  }
0xbb: {  	s0 =	sor.u32 s1, s0  }
0xbc: {  	s0 =	sadd.s32 $0x8F2B, s0  }
0xbd: {  	[sflag:s0] =	ssyncadd.remote.s32 $0x1  }
0xbe: {  	_ =	sfence.sel $0xFFFF  }
0xbf: {  	[dreg:$0x0] =	wrdreg $0xFFFFFFFF;
	(pc) =	sbr.abs _section_cstart, $3  }
0xc0: {  	[dreg:$0x1] =	wrdreg $0xFFFFFFFF  }
0xc1: {  	_ =	task.clear_ibuf [dreg:s7], $0x2FFFF;
	_ =	strace $0x9FFFFFFF  }
0xc2: {  	(tm) =	ssettm $0x7FFFFFFF  }
0xc3: {  	_ =	shalt  }
tec
execute0_lowered:
.L_overlay_start_1:
0x0: {  	(tag) =	ssettag $0x1  }
0x1: {  	s0 =	rddreg [dreg:$0x0]  }
0x2: {  	s7 =	rddreg [dreg:$0x1];
	s11 =	simm.s32 $0x0;
	s1 =	srdreg.scid  }
0x3: {  	s2 =	stileid.u32;
	[smem:$0x7FF] =	sst s11;
	s1 =	sand.u32 $0x1, s1  }
0x4: {  	s2 =	sshll.u32 s2, $0x1;
	s8 =	sadd.s32 $0x1200, s0;
	s5 =	sadd.s32 $0xF43600, s0  }
0x5: {  	s4 =	sadd.s32 $0x1B200, s0;
	s0 =	sadd.s32 $0x1BA00, s0;
	s2 =	sor.u32 s1, s2  }
0x6: {  	_ =	strace $0x80000047;
	[dreg:$0x4] =	wrdreg s4;
	s3 =	smul.u32 $0xD00, s2  }
0x7: {  	[dreg:$0x5] =	wrdreg s0;
	s25 =	smul.u32 $0x32000, s2  }
0x8: {  	[dreg:$0x3] =	wrdreg s8;
	s6 =	smul.u32 $0x190000, s2;
	s2 =	sshll.u32 s2, $0x6  }
0x9: {  	s31 =	sor.u32 $0x2, s2;
	[dreg:$0x6] =	wrdreg s2  }
0xa: {  	s1 =	ssub.s32 $0x2, s1;
	s2 =	sor.u32 $0x3, s2;
	[dreg:$0xa] =	wrdreg s31  }
0xb: {  	s26 =	sshrl.u32 s1, $0x1;
	s28 =	sadd.s32 s8, s3;
	[dreg:$0xb] =	wrdreg s2  }
0xc: {  	s0 =	ssub.s32 s1, s26;
	s29 =	sadd.s32 s7, s25;
	[dreg:$0x7] =	wrdreg s28  }
0xd: {  	s30 =	sshrl.u32 s6, $0x3;
	s1 =	sadd.s32 $0x34, s28;
	[dreg:$0x9] =	wrdreg s29  }
0xe: {  	s0 =	smax.u32 s0, $0x1;
	[dreg:$0x8] =	wrdreg s1;
	s1 =	sadd.s32 s7, s30  }
0xf: {  	s4 =	simm.s32 $0x6740;
	[dreg:$0xd] =	wrdreg s0;
	s1 =	sadd.s32 $0x31380, s1  }
0x10: {  	s2 =	simm.s32 $0x0;
	s7 =	simm.s32 $0x340;
	[dreg:$0xc] =	wrdreg s1  }
.LBB2_1:
0x11: {  	[dreg:$0xe] =	wrdreg s2  }
0x12: {  	s0 =	rddreg [dreg:$0x4];
	s1 =	simm.s32 $0xCB40;
	s16 =	simm.s32 $0x5  }
0x13: {  	[tilespmem:s1], [sflag:$0x5] =	stream.linear.gather [hbm4b:s0+s11], $0x3200, $0x38;
	[tilespmem:$0x12FC0] =	vst v63  }
0x14: {  	_ =	swait.ge [sflag:s16], $0x3200  }
0x15: {  	[sflag:s16] =	ssyncset.done $0x0  }
0x16: {  	s17 =	simm.s32 $0xFD40;
	[sflag:s16] =	ssyncadd.s32 $0xFFFFCE00  }
0x17: {  	[tilespmem:s17], [sflag:$0x5] =	stream.linear.gather [hbm4b:s0+s11], $0x3200, $0x38;
	[tilespmem:$0x12FC0] =	vst v63  }
0x18: {  	_ =	swait.ge [sflag:s16], $0x3200  }
0x19: {  	[sflag:s16] =	ssyncset.done $0x0  }
0x1a: {  	s19 =	simm.s32 $0x12F40;
	s18 =	rddreg [dreg:$0x5];
	[sflag:s16] =	ssyncadd.s32 $0xFFFFCE00  }
0x1b: {  	[tilespmem:s19], [sflag:$0x5] =	stream.linear.gather [hbm4b:s18+s11], $0x80, $0x38;
	[tilespmem:$0x12FC0] =	vst v63  }
0x1c: {  	_ =	swait.ge [sflag:s16], $0x80  }
0x1d: {  	[sflag:s16] =	ssyncset.done $0x0  }
0x1e: {  	s20 =	rddreg [dreg:$0x7];
	[sflag:s16] =	ssyncadd.s32 $0xFFFFFF80  }
0x1f: {  	[tilespmem:s11], [sflag:$0x5] =	stream.linear.gather [hbm4b:s20+s11], $0x1A0, $0x38;
	[tilespmem:$0x12FC0] =	vst v63  }
0x20: {  	_ =	swait.ge [sflag:s16], $0x1A0  }
0x21: {  	[sflag:s16] =	ssyncset.done $0x0  }
0x22: {  	s21 =	simm.s32 $0x64;
	[sflag:s16] =	ssyncadd.s32 $0xFFFFFE60  }
0x23: {  	[tilespmem:s7], [sflag:$0x1] =	stream.indirect.gather [hbm4b:s5+s21], $0x40, s11, s21, $0xb8;
	[tilespmem:$0x12FC0] =	vst v63  }
0x24: {  	s22 =	simm.s32 $0x68;
	s3 =	simm.s32 $0x1C40  }
0x25: {  	[tilespmem:s3], [sflag:$0x1] =	stream.indirect.gather [hbm4b:s5+s21], $0x40, s22, s21, $0xb8;
	[tilespmem:$0x12FC0] =	vst v63  }
0x26: {  	s23 =	simm.s32 $0xD0;
	s24 =	simm.s32 $0x3540  }
0x27: {  	[tilespmem:s24], [sflag:$0x1] =	stream.indirect.gather [hbm4b:s5+s21], $0x40, s23, s21, $0xb8;
	[tilespmem:$0x12FC0] =	vst v63  }
0x28: {  	s25 =	simm.s32 $0x138;
	s26 =	simm.s32 $0x4E40  }
0x29: {  	[tilespmem:s26], [sflag:$0x1] =	stream.indirect.gather [hbm4b:s5+s21], $0x40, s25, s21, $0xb8;
	[tilespmem:$0x12FC0] =	vst v63  }
0x2a: {  	s29 =	simm.s32 $0x1A0;
	s28 =	rddreg [dreg:$0x8]  }
0x2b: {  	[tilespmem:s29], [sflag:$0x5] =	stream.linear.gather [hbm4b:s28+s11], $0x1A0, $0x38;
	[tilespmem:$0x12FC0] =	vst v63  }
0x2c: {  	_ =	swait.ge [sflag:s16], $0x1A0  }
0x2d: {  	[sflag:s16] =	ssyncset.done $0x0  }
0x2e: {  	[sflag:s16] =	ssyncadd.s32 $0xFFFFFE60  }
0x2f: {  	[tilespmem:s4], [sflag:$0x2] =	stream.indirect.gather [hbm4b:s5+s21], $0x40, s29, s21, $0xb8;
	[tilespmem:$0x12FC0] =	vst v63  }
0x30: {  	s30 =	simm.s32 $0x208;
	s31 =	simm.s32 $0x8040  }
0x31: {  	[tilespmem:s31], [sflag:$0x2] =	stream.indirect.gather [hbm4b:s5+s21], $0x40, s30, s21, $0xb8;
	[tilespmem:$0x12FC0] =	vst v63  }
0x32: {  	s1 =	simm.s32 $0x270;
	s3 =	simm.s32 $0x9940  }
0x33: {  	[tilespmem:s3], [sflag:$0x2] =	stream.indirect.gather [hbm4b:s5+s21], $0x40, s1, s21, $0xb8;
	[tilespmem:$0x12FC0] =	vst v63  }
0x34: {  	s6 =	simm.s32 $0xB240;
	s8 =	simm.s32 $0x1;
	s4 =	simm.s32 $0x2D8  }
0x35: {  	[tilespmem:s6], [sflag:$0x2] =	stream.indirect.gather [hbm4b:s5+s21], $0x40, s4, s21, $0xb8;
	[tilespmem:$0x12FC0] =	vst v63  }
0x36: {  	_ =	swait.ge [sflag:s8], $0x1900  }
0x37: {  	[sflag:s8] =	ssyncset.done $0x0  }
0x38: {  	[sflag:s8] =	ssyncadd.s32 $0xFFFFE700  }
0x39: {  	_ =	swait.ge [sflag:s8], $0x1900  }
0x3a: {  	[sflag:s8] =	ssyncset.done $0x0  }
0x3b: {  	[sflag:s8] =	ssyncadd.s32 $0xFFFFE700  }
0x3c: {  	_ =	swait.ge [sflag:s8], $0x1900  }
0x3d: {  	[sflag:s8] =	ssyncset.done $0x0  }
0x3e: {  	[sflag:s8] =	ssyncadd.s32 $0xFFFFE700  }
0x3f: {  	_ =	swait.ge [sflag:s8], $0x1900  }
0x40: {  	[sflag:s8] =	ssyncset.done $0x0  }
0x41: {  	s6 =	simm.s32 $0x440;
	[sflag:s8] =	ssyncadd.s32 $0xFFFFE700  }
0x42: {  	s9 =	simm.s32 $0xCC40;
	v0 =	vld [tilespmem:s6+$0xC0]  }
0x43: {  	v1 =	vld [tilespmem:s9+$0xC0]  }
0x44: {  	v2 =	vld [tilespmem:s6+$0xD0]  }
0x45: {  	v3 =	vld [tilespmem:s9+$0xD0]  }
0x46: {  	v5 =	vld [tilespmem:s6+$0xE0]  }
0x47: {  	v6 =	vld [tilespmem:s9+$0xE0]  }
0x48: {  	v7 =	vld [tilespmem:s6+$0xF0]  }
0x49: {  	v9 =	vld [tilespmem:s9+$0xF0];
	_ =	sdelay $0x1  }
0x4a: {  	v13 =	vld [tilespmem:s6+$0xFFFFFF50]  }
0x4b: {  	v42 =	vld [tilespmem:s9+$0xFFFFFF50]  }
0x4c: {  	v43 =	vld [tilespmem:s6+$0xFFFFFF70];
	v18 =	vadd.f32 v1, v0;
	v11 =	vadd.f32 v3, v2  }
0x4d: {  	v14 =	vld [tilespmem:s6+$0xFFFFFF80];
	v3 =	vadd.f32 v6, v5;
	v61 =	vadd.f32 v9, v7  }
0x4e: {  	v16 =	vld [tilespmem:s6+$0xFFFFFF90];
	v0 =	vmul.f32 v18, v18;
	v1 =	vmul.f32 v11, v11  }
0x4f: {  	v17 =	vld [tilespmem:s9+$0xFFFFFF90];
	v5 =	vmul.f32 v3, v3;
	v7 =	vmul.f32 v61, v61  }
0x50: {  	v19 =	vld [tilespmem:s6+$0xFFFFFFA0];
	v10 =	vadd.f32 v11, v18;
	v12 =	vadd.f32 v61, v3  }
0x51: {  	v2 =	vld [tilespmem:s6+$0xFFFFFF40];
	v0 =	vadd.f32 v1, v0;
	v1 =	vadd.f32 v7, v5  }
0x52: {  	v9 =	vld [tilespmem:s9+$0xFFFFFF40];
	v7 =	vadd.f32 v12, v10  }
0x53: {  	v10 =	vld [tilespmem:s6+$0xFFFFFF60];
	v0 =	vadd.f32 v1, v0  }
0x54: {  	v1 =	vld [tilespmem:s9+$0xFFFFFF60];
	(xrf2) =	vadd.scan.msk.f32 $0xffff, v7  }
0x55: {  	v20 =	vld [tilespmem:s9+$0xFFFFFFA0];
	(xrf2) =	vadd.scan.msk.f32 $0xffff, v0  }
0x56: {  	v0 =	vld [tilespmem:s9+$0xFFFFFF70]  }
0x57: {  	v15 =	vld [tilespmem:s9+$0xFFFFFF80]  }
0x58: {  	v46 =	vld [tilespmem:s6+$0xFFFFFFB0];
	v47 =	vadd.f32 v42, v13;
	v6 =	vadd.f32 v9, v2  }
0x59: {  	v2 =	vadd.f32 v1, v10;
	v1 =	vld [tilespmem:s9+$0xFFFFFFB0]  }
0x5a: {  	v23 =	vld [tilespmem:s6+$0xFFFFFFC0];
	v48 =	vmul.f32 v47, v47;
	v5 =	vadd.f32 v20, v19;
	v9 =	vmul.f32 v6, v6  }
0x5b: {  	v50 =	vld [tilespmem:s9+$0xFFFFFFE0];
	v7 =	vadd.f32 v17, v16;
	v0 =	vadd.f32 v0, v43  }
0x5c: {  	v20 =	vld [tilespmem:s9+$0xFFFFFFF0];
	v26 =	vadd.f32 v48, v9;
	v48 =	vadd.f32 v15, v14  }
0x5d: {  	v16 =	vld [tilespmem:s6+$0xFFFFFFE0];
	v10 =	vadd.f32 v47, v6;
	v24 =	vadd.f32 v0, v2  }
0x5e: {  	v17 =	vld [tilespmem:s6+$0xFFFFFFF0];
	v28 =	vmul.f32 v2, v2;
	v29 =	vmul.f32 v0, v0;
	v21, _, _ =	vpop (xrf2);
	v1 =	vadd.f32 v1, v46  }
0x5f: {  	v25 =	vld [tilespmem:s9+$0xFFFFFFC0];
	(v2sf) =	vpush v21, $0xF;
	v49 =	vadd.f32 v24, v10;
	v21, _, _ =	vpop (xrf2)  }
0x60: {  	v24 =	vld [tilespmem:s9+$0xFFFFFFD0];
	v15 =	vadd.f32 v29, v28;
	(v2sf) =	vpush v21, $0xF  }
0x61: {  	v30 =	vmul.f32 v5, v5;
	v51 =	vadd.f32 v7, v48;
	v28 =	vmul.f32 v7, v7;
	v21 =	vld [tilespmem:s6+$0xFFFFFFD0]  }
0x62: {  	v19 =	vadd.f32 v1, v5;
	(xrf2) =	vadd.scan.msk.f32 $0xffff, v49;
	v15 =	vadd.f32 v15, v26;
	v26 =	vmul.f32 v48, v48  }
0x63: {  	v13 =	vadd.f32 v50, v16;
	v16 =	vadd.f32 v20, v17;
	v31 =	vmul.f32 v1, v1  }
0x64: {  	v32 =	vld [tilespmem:s9+$0x0];
	v14 =	vadd.f32 v19, v51;
	v26 =	vadd.f32 v28, v26  }
0x65: {  	v17 =	vld [tilespmem:s9+$0x20];
	(xrf2) =	vadd.scan.msk.f32 $0xffff, v15;
	v15 =	vadd.f32 v25, v23;
	v23 =	vadd.f32 v31, v30  }
0x66: {  	v19 =	vadd.f32 v24, v21;
	v24 =	vld [tilespmem:s6+$0x20]  }
0x67: {  	(xrf2) =	vadd.scan.msk.f32 $0xffff, v14;
	v21 =	vadd.f32 v23, v26;
	v23 =	vld [tilespmem:s6+$0x30]  }
0x68: {  	v26 =	vld [tilespmem:s9+$0x30]  }
0x69: {  	v52 =	vld [tilespmem:s9+$0x10]  }
0x6a: {  	v28 =	vld [tilespmem:s6+$0x10];
	v30 =	vmul.f32 v15, v15;
	v31 =	vmul.f32 v19, v19  }
0x6b: {  	v29 =	vld [tilespmem:s6+$0x0];
	v20 =	vadd.f32 v19, v15  }
0x6c: {  	v36 =	vld [tilespmem:s9+$0x40];
	v33 =	vmul.f32 v13, v13;
	v30 =	vadd.f32 v31, v30;
	v25, _, _ =	vpop (xrf2);
	(xrf2) =	vadd.scan.msk.f32 $0xffff, v21;
	v21 =	vadd.f32 v16, v13  }
0x6d: {  	v53 =	vld [tilespmem:s9+$0x50];
	v34 =	vmul.f32 v16, v16;
	v14 =	vadd.f32 v17, v24;
	v17 =	vadd.f32 v26, v23  }
0x6e: {  	v55 =	vld [tilespmem:s9+$0x70];
	(v2sf) =	vpush v25, $0xF;
	v35 =	vadd.f32 v21, v20;
	s10 =	spop (v2sf)  }
0x6f: {  	v26 =	vld [tilespmem:s9+$0x60];
	v20 =	vadd.f32 v52, v28;
	v28 =	vadd.f32 v34, v33;
	s8 =	smul.f32 $1.562500000e-02, s10;
	s12 =	spop (v2sf)  }
0x70: {  	v25 =	vld [tilespmem:s6+$0x40];
	v21 =	vadd.f32 v32, v29;
	v31, _, _ =	vpop (xrf2);
	(xrf2) =	vadd.scan.msk.f32 $0xffff, v35;
	s1 =	smul.f32 $1.562500000e-02, s12  }
0x71: {  	v29 =	vld [tilespmem:s6+$0x50];
	(v2sf) =	vpush v31, $0xF;
	v23, _, _ =	vpop (xrf2);
	v24 =	vadd.f32 v28, v30;
	s13 =	smul.f32 s8, s8  }
0x72: {  	v37 =	vmul.f32 v14, v14;
	v31 =	vld [tilespmem:s6+$0x60];
	(v2sf) =	vpush v23, $0xF  }
0x73: {  	v38 =	vmul.f32 v17, v17;
	v23 =	vld [tilespmem:s6+$0x70];
	v54 =	vadd.f32 v20, v21;
	(xrf2) =	vadd.scan.msk.f32 $0xffff, v24;
	v24 =	vadd.f32 v17, v14;
	s1 =	ssub.f32 s1, s13  }
0x74: {  	v4 =	vld [tilespmem:s9+$0xFFFFFF00];
	v28 =	vmul.f32 v21, v21;
	v30 =	vmul.f32 v20, v20  }
0x75: {  	v8 =	vld [tilespmem:s6+$0xFFFFFF10];
	v57 =	vadd.f32 v38, v37;
	v33 =	vadd.f32 v24, v54;
	s1 =	sadd.f32 $9.999999960e-13, s1  }
0x76: {  	v22 =	vld [tilespmem:s9+$0xFFFFFF10];
	v28 =	vadd.f32 v30, v28;
	v25 =	vadd.f32 v36, v25  }
0x77: {  	v27 =	vld [tilespmem:s6+$0xFFFFFF20];
	v24 =	vadd.f32 v53, v29;
	v26 =	vadd.f32 v26, v31;
	v39, _, _ =	vpop (xrf2);
	(xrf2) =	vadd.scan.msk.f32 $0xffff, v33;
	s14 =	sshrl.u32 s1, $0x1;
	s1 =	smul.f32 $5.000000000e-01, s1  }
0x78: {  	v56 =	vld [tilespmem:s9+$0xFFFFFF20];
	v23 =	vadd.f32 v55, v23;
	(v2sf) =	vpush v39, $0xF;
	s2 =	ssub.s32 $0x5F3759DF, s14  }
0x79: {  	v40 =	vld [tilespmem:s9+$0xFFFFFF30];
	v31 =	vmul.f32 v25, v25;
	v28 =	vadd.f32 v57, v28;
	s15 =	smul.f32 s2, s1  }
0x7a: {  	v58 =	vld [tilespmem:s9+$0x80];
	v59 =	vadd.f32 v24, v25;
	v63 =	vmul.f32 v24, v24;
	v45 =	vadd.f32 v23, v26;
	v62, _, _ =	vpop (xrf2)  }
0x7b: {  	v30 =	vld [tilespmem:s6+$0xFFFFFF30];
	v46 =	vmul.f32 v26, v26;
	(xrf2) =	vadd.scan.msk.f32 $0xffff, v28;
	v28 =	vmul.f32 v23, v23;
	(v2sf) =	vpush v62, $0xF;
	s3 =	smul.f32 s2, s15  }
0x7c: {  	v60 =	vld [tilespmem:s6+$0x90];
	v32 =	vadd.f32 v45, v59  }
0x7d: {  	v42 =	vld [tilespmem:s6+$0xFFFFFF00];
	v49 =	vadd.f32 v63, v31;
	s16 =	spop (v2sf);
	v50 =	vadd.f32 v28, v46;
	s3 =	ssub.f32 $1.500000000e+00, s3  }
0x7e: {  	v51 =	vld [tilespmem:s6+$0xB0];
	v31, _, _ =	vpop (xrf2);
	(xrf2) =	vadd.scan.msk.f32 $0xffff, v32;
	s14 =	smul.f32 $1.562500000e-02, s16  }
0x7f: {  	v29 =	vld [tilespmem:s6+$0x80];
	v52 =	vadd.f32 v50, v49;
	s2 =	smul.f32 s2, s3  }
0x80: {  	(v2sf) =	vpush v31, $0xF;
	v31 =	vadd.f32 v40, v30;
	v30 =	vld [tilespmem:s9+$0xB0];
	s17 =	smul.f32 s14, s14  }
0x81: {  	v12 =	vld [tilespmem:s9+$0x90];
	v28 =	vadd.f32 v56, v27;
	v27 =	vadd.f32 v22, v8;
	s19 =	spop (v2sf);
	v22, _, _ =	vpop (xrf2);
	(xrf2) =	vadd.scan.msk.f32 $0xffff, v52;
	s18 =	smul.f32 s2, s1  }
0x82: {  	s4 =	smul.f32 $1.562500000e-02, s19  }
0x83: {  	v43 =	vld [tilespmem:s9+$0xA0];
	v36 =	vadd.f32 v4, v42;
	s9 =	spop (v2sf);
	s0 =	smul.f32 s18, s2  }
0x84: {  	v32 =	vadd.f32 v58, v29;
	(v2sf) =	vpush v22, $0xF;
	s18 =	smul.f32 $1.562500000e-02, s9  }
0x85: {  	v41 =	vld [tilespmem:s6+$0xA0];
	v29 =	vmul.f32 v28, v28;
	v35 =	vadd.f32 v30, v51;
	v30 =	vmul.f32 v31, v31;
	s0 =	ssub.f32 $1.500000000e+00, s0  }
0x86: {  	v55 =	vmul.f32 v36, v36;
	v33 =	vadd.f32 v12, v60;
	v53 =	vmul.f32 v27, v27;
	s3 =	ssub.f32 s4, s17;
	s20 =	smul.f32 s18, s18  }
0x87: {  	v8 =	vadd.f32 v31, v28;
	v54, _, _ =	vpop (xrf2);
	v29 =	vadd.f32 v30, v29;
	s21 =	spop (v2sf);
	s0 =	smul.f32 s0, s2  }
0x88: {  	v4 =	vadd.f32 v53, v55;
	s3 =	sadd.f32 $9.999999960e-13, s3;
	(v2sf) =	vpush v54, $0xF;
	v56, _, _ =	vpop (xrf2);
	s2 =	smul.f32 $1.562500000e-02, s21  }
0x89: {  	v22 =	vadd.f32 v27, v36;
	(v2sf) =	vpush v56, $0xF;
	s22 =	smul.f32 s0, s1  }
0x8a: {  	v34 =	vadd.f32 v43, v41;
	v37 =	vadd.f32 v33, v32;
	s1 =	smul.f32 $5.000000000e-01, s3;
	s10 =	spop (v2sf)  }
0x8b: {  	v8 =	vadd.f32 v8, v22;
	v4 =	vadd.f32 v29, v4;
	s3 =	sshrl.u32 s3, $0x1;
	s2 =	ssub.f32 s2, s20;
	v29, _, _ =	vpop (xrf2);
	s25 =	smul.f32 $1.562500000e-02, s10  }
0x8c: {  	v22 =	vadd.f32 v35, v34;
	s3 =	ssub.s32 $0x5F3759DF, s3;
	(v2sf) =	vpush v29, $0xF;
	s9 =	smul.f32 s22, s0  }
0x8d: {  	v57 =	vmul.f32 v34, v34;
	v30 =	vmul.f32 v32, v32;
	(xrf2) =	vadd.scan.msk.f32 $0xffff, v8;
	s23 =	smul.f32 s3, s1;
	s2 =	sadd.f32 $9.999999960e-13, s2  }
0x8e: {  	v58 =	vmul.f32 v35, v35;
	v8 =	vmul.f32 v33, v33;
	v22 =	vadd.f32 v22, v37;
	s10 =	smul.f32 s25, s25  }
0x8f: {  	v9 =	vld [tilespmem:$0x12F40];
	s9 =	ssub.f32 $1.500000000e+00, s9;
	s12 =	sshrl.u32 s2, $0x1;
	s2 =	smul.f32 $5.000000000e-01, s2  }
0x90: {  	v8 =	vadd.f32 v8, v30;
	(xrf2) =	vadd.scan.msk.f32 $0xffff, v22;
	v22 =	vadd.f32 v58, v57;
	s4 =	smul.f32 s3, s23  }
0x91: {  	s24 =	spop (v2sf);
	s20 =	smul.f32 s9, s0  }
0x92: {  	v59 =	vadd.f32 v22, v8;
	s12 =	ssub.s32 $0x5F3759DF, s12;
	s9 =	smul.f32 $1.562500000e-02, s24  }
0x93: {  	v12 =	vld [tilespmem:$0x12F80];
	v37 =	vmov s8;
	(xrf2) =	vadd.scan.msk.f32 $0xffff, v4;
	s26 =	smul.f32 s12, s2;
	s13 =	spop (v2sf)  }
0x94: {  	v18 =	vsub.f32 v18, v37;
	(xrf2) =	vadd.scan.msk.f32 $0xffff, v59;
	s28 =	smul.f32 $1.562500000e-02, s13;
	v22 =	vmul.f32 s20, v9  }
0x95: {  	s9 =	ssub.f32 s9, s10;
	s10 =	smul.f32 s12, s26  }
0x96: {  	s15 =	smul.f32 s28, s28;
	v18 =	vmul.f32 v22, v18  }
0x97: {  	v60, _, _ =	vpop (xrf2);
	s9 =	sadd.f32 $9.999999960e-13, s9;
	s29 =	spop (v2sf)  }
0x98: {  	(v2sf) =	vpush v60, $0xF;
	s16 =	smul.f32 $1.562500000e-02, s29;
	v18 =	vadd.f32 v18, v12;
	s0 =	spop (v2sf)  }
0x99: {  	s21 =	smul.f32 $1.562500000e-02, s0  }
0x9a: {  	s4 =	ssub.f32 $1.500000000e+00, s4;
	s8 =	smul.f32 $5.000000000e-01, s9;
	[tilespmem:s6+$0xC0] =	vst v18  }
0x9b: {  	v18 =	vld [tilespmem:$0x12F50];
	s22 =	smul.f32 s21, s21;
	s23 =	spop (v2sf)  }
0x9c: {  	v29, _, _ =	vpop (xrf2);
	s30 =	sshrl.u32 s9, $0x1;
	s31 =	ssub.f32 s16, s15;
	s16 =	smul.f32 $1.562500000e-02, s23  }
0x9d: {  	s13 =	smul.f32 s3, s4;
	(v2sf) =	vpush v29, $0xF;
	v22, _, _ =	vpop (xrf2);
	s3 =	ssub.s32 $0x5F3759DF, s30  }
0x9e: {  	(v2sf) =	vpush v22, $0xF;
	v22, _, _ =	vpop (xrf2);
	s15 =	smul.f32 s3, s8;
	s24 =	ssub.f32 s16, s22  }
0x9f: {  	s17 =	ssub.f32 $1.500000000e+00, s10;
	(v2sf) =	vpush v22, $0xF;
	v22 =	vld [tilespmem:$0x12F90]  }
0xa0: {  	v11 =	vsub.f32 v11, v37;
	s9 =	smul.f32 s3, s15;
	v18 =	vmul.f32 s20, v18;
	s29 =	sadd.f32 $9.999999960e-13, s24  }
0xa1: {  	s16 =	smul.f32 s12, s17  }
0xa2: {  	s4 =	sadd.f32 $9.999999960e-13, s31;
	v11 =	vmul.f32 v18, v11;
	s12 =	smul.f32 $5.000000000e-01, s29  }
0xa3: {  	s31 =	sshrl.u32 s29, $0x1;
	s29 =	ssub.f32 $1.500000000e+00, s9;
	s9 =	simm.s32 $0x640  }
0xa4: {  	s19 =	sshrl.u32 s4, $0x1;
	s10 =	smul.f32 $5.000000000e-01, s4;
	v11 =	vadd.f32 v11, v22;
	v22 =	vld [tilespmem:s9+$0xC0]  }
0xa5: {  	s19 =	ssub.s32 $0x5F3759DF, s19;
	v30 =	vld [tilespmem:s9+$0xD0]  }
0xa6: {  	s26 =	smul.f32 s19, s10;
	s24 =	ssub.s32 $0x5F3759DF, s31;
	v41 =	vld [tilespmem:s9+$0xE0]  }
0xa7: {  	s30 =	spop (v2sf);
	v46 =	vld [tilespmem:s9+$0xF0];
	s15 =	smul.f32 s24, s12;
	[tilespmem:s6+$0xD0] =	vst v11  }
0xa8: {  	s4 =	smul.f32 $1.562500000e-02, s30;
	v38 =	vld [tilespmem:$0x12F60]  }
0xa9: {  	v44 =	vmov s14;
	v39 =	vld [tilespmem:$0x12FA0];
	s30 =	smul.f32 s24, s15;
	s15 =	simm.s32 $0xCE40  }
0xaa: {  	v59 =	vsub.f32 v47, v44;
	v29 =	vld [tilespmem:s15+$0xC0]  }
0xab: {  	s22 =	smul.f32 s19, s26;
	v62 =	vld [tilespmem:s15+$0xD0]  }
0xac: {  	v2 =	vsub.f32 v2, v44;
	v47 =	vmov s25;
	s0 =	smul.f32 s4, s4;
	s23 =	spop (v2sf);
	v63 =	vld [tilespmem:s15+$0xE0];
	[tilespmem:$0x1FF30] =	vst v59  }
0xad: {  	v45 =	vmov s18;
	v60 =	vsub.f32 v19, v47;
	s26 =	smul.f32 $1.562500000e-02, s23;
	s31 =	spop (v2sf);
	v49 =	vld [tilespmem:s15+$0xF0]  }
0xae: {  	s22 =	ssub.f32 $1.500000000e+00, s22;
	s23 =	smul.f32 $1.562500000e-02, s31;
	v51 =	vld [tilespmem:s9+$0xFFFFFF10];
	[tilespmem:$0x1FF70] =	vst v2;
	v2 =	vsub.f32 v5, v45  }
0xaf: {  	v57 =	vmov s28;
	s28 =	smul.f32 s16, s2;
	[tilespmem:$0x1FF40] =	vst v60  }
0xb0: {  	s19 =	smul.f32 s19, s22;
	v55 =	vld [tilespmem:s15+$0xFFFFFF10];
	s17 =	ssub.f32 s23, s0;
	[tilespmem:$0x1FF80] =	vst v2;
	v2 =	vsub.f32 v13, v47  }
0xb1: {  	s0 =	spop (v2sf);
	s23 =	smul.f32 s3, s29;
	v62 =	vadd.f32 v62, v30  }
0xb2: {  	s30 =	ssub.f32 $1.500000000e+00, s30;
	s31 =	smul.f32 $1.562500000e-02, s0;
	[tilespmem:$0x1FF90] =	vst v2;
	v63 =	vadd.f32 v63, v41  }
0xb3: {  	v50 =	vsub.f32 v6, v44;
	s0 =	smul.f32 s26, s26;
	s17 =	sadd.f32 $9.999999960e-13, s17;
	v43 =	vld [tilespmem:s9+$0xFFFFFF20];
	[tilespmem:$0x1FF60] =	vst v62  }
0xb4: {  	v0 =	vsub.f32 v0, v44;
	v48 =	vsub.f32 v48, v45;
	s24 =	smul.f32 s24, s30;
	v56 =	vld [tilespmem:s15+$0xFFFFFF20];
	[tilespmem:$0x1FFC0] =	vst v63  }
0xb5: {  	v1 =	vsub.f32 v1, v45;
	s0 =	ssub.f32 s31, s0;
	v2 =	vadd.f32 v49, v46;
	s29 =	sshrl.u32 s17, $0x1;
	s22 =	smul.f32 $5.000000000e-01, s17;
	v40 =	vld [tilespmem:s9+$0xFFFFFF30]  }
0xb6: {  	v52 =	vsub.f32 v15, v47;
	v19 =	vadd.f32 v29, v22;
	s17 =	smul.f32 s13, s1;
	s31 =	ssub.s32 $0x5F3759DF, s29;
	v42 =	vld [tilespmem:s15+$0xFFFFFF30]  }
0xb7: {  	s0 =	sadd.f32 $9.999999960e-13, s0;
	v29 =	vmul.f32 v2, v2;
	v46 =	vadd.f32 v2, v63;
	s18 =	smul.f32 s31, s22;
	v41 =	vld [tilespmem:s9+$0xFFFFFF40];
	[tilespmem:$0x1FF00] =	vst v2;
	v2 =	vsub.f32 v14, v57  }
0xb8: {  	v53 =	vsub.f32 v21, v57;
	v18 =	vsub.f32 v7, v45;
	s17 =	smul.f32 s17, s13;
	v49 =	vld [tilespmem:s15+$0xFFFFFF40]  }
0xb9: {  	v22 =	vsub.f32 v20, v57;
	v15 =	vmul.f32 v19, v19;
	v21 =	vmul.f32 v62, v62;
	s14 =	smul.f32 $5.000000000e-01, s0;
	s0 =	sshrl.u32 s0, $0x1;
	v58 =	vld [tilespmem:s9+$0xFFFFFF50];
	[tilespmem:$0x1FFA0] =	vst v2  }
0xba: {  	v30 =	vadd.f32 v62, v19;
	s25 =	smul.f32 s31, s18;
	s0 =	ssub.s32 $0x5F3759DF, s0;
	v2 =	vsub.f32 v16, v47;
	v59 =	vld [tilespmem:s15+$0xFFFFFF50];
	[tilespmem:$0x1FFD0] =	vst v0;
	v0 =	vmov s21  }
0xbb: {  	v20 =	vmul.f32 v63, v63;
	s29 =	smul.f32 s0, s14;
	v44 =	vld [tilespmem:s9+$0xFFFFFF60];
	[tilespmem:$0x1FFE0] =	vst v1;
	v54 =	vsub.f32 v25, v0;
	v24 =	vsub.f32 v24, v0  }
0xbc: {  	v25 =	vsub.f32 v26, v0;
	v0 =	vsub.f32 v23, v0;
	v23 =	vmov s26;
	s26 =	smul.f32 s28, s16;
	v45 =	vld [tilespmem:s15+$0xFFFFFF60]  }
0xbd: {  	v15 =	vadd.f32 v21, v15;
	s18 =	ssub.f32 $1.500000000e+00, s25;
	s30 =	smul.f32 s0, s29;
	v26 =	vld [tilespmem:s9+$0xFFFFFF70];
	[tilespmem:$0x1FFF0] =	vst v2  }
0xbe: {  	v21 =	vadd.f32 v29, v20;
	v30 =	vadd.f32 v46, v30;
	s29 =	smul.f32 s23, s8;
	v47 =	vld [tilespmem:s15+$0xFFFFFF70];
	[tilespmem:$0x1FF10] =	vst v0  }
0xbf: {  	v3 =	vsub.f32 v3, v37;
	v29 =	vsub.f32 v17, v57;
	v17 =	vmul.f32 s20, v38;
	s18 =	smul.f32 s31, s18;
	v57 =	vld [tilespmem:s9+$0xFFFFFF80]  }
0xc0: {  	v21 =	vadd.f32 v21, v15;
	(xrf2) =	vadd.scan.msk.f32 $0xffff, v30;
	v1 =	vmov s4;
	v0 =	vsub.f32 v35, v23;
	s3 =	ssub.f32 $1.500000000e+00, s30;
	s30 =	smul.f32 s24, s12;
	v60 =	vld [tilespmem:s15+$0xFFFFFF80]  }
0xc1: {  	v46 =	vsub.f32 v36, v1;
	v16 =	vsub.f32 v28, v1;
	v28 =	vld [tilespmem:s9+$0xFFFFFF90];
	s29 =	smul.f32 s29, s23  }
0xc2: {  	v27 =	vsub.f32 v27, v1;
	v30 =	vsub.f32 v31, v1;
	v1 =	vmul.f32 v17, v3;
	v3 =	vld [tilespmem:s15+$0xFFFFFF90];
	s31 =	smul.f32 s18, s22;
	[tilespmem:$0x1FF20] =	vst v0  }
0xc3: {  	v14 =	vsub.f32 v61, v37;
	(xrf2) =	vadd.scan.msk.f32 $0xffff, v21;
	s3 =	smul.f32 s0, s3;
	v31 =	vld [tilespmem:s9+$0xFFFFFFA0]  }
0xc4: {  	v15 =	vsub.f32 v32, v23;
	v36 =	vsub.f32 v33, v23;
	s0 =	smul.f32 s19, s10;
	v32 =	vld [tilespmem:s15+$0xFFFFFFA0]  }
0xc5: {  	v41 =	vadd.f32 v49, v41;
	v38 =	vadd.f32 v59, v58;
	s30 =	smul.f32 s30, s24;
	v33 =	vld [tilespmem:s9+$0xFFFFFFB0]  }
0xc6: {  	v21 =	vsub.f32 v34, v23;
	v23 =	vadd.f32 v55, v51;
	v49 =	vld [tilespmem:s9+$0xFFFFFFC0];
	s25 =	smul.f32 s31, s18  }
0xc7: {  	v17 =	vadd.f32 v1, v39;
	v55 =	vmul.f32 v41, v41;
	v51 =	vld [tilespmem:s15+$0xFFFFFFC0];
	v59 =	vmul.f32 v38, v38;
	s31 =	smul.f32 s3, s14  }
0xc8: {  	v13 =	vadd.f32 v45, v44;
	v44 =	vld [tilespmem:s15+$0xFFFFFFB0];
	v35 =	vadd.f32 v38, v41;
	s0 =	smul.f32 s0, s19;
	s25 =	ssub.f32 $1.500000000e+00, s25  }
0xc9: {  	s17 =	ssub.f32 $1.500000000e+00, s17;
	v37 =	vadd.f32 v47, v26;
	v34 =	vadd.f32 v59, v55;
	v59 =	vld [tilespmem:s9+$0xFFFFFFD0];
	s4 =	smul.f32 s31, s3  }
0xca: {  	v55 =	vmul.f32 v13, v13;
	v47 =	vadd.f32 v60, v57;
	v45 =	vadd.f32 v3, v28;
	v3 =	vld [tilespmem:s15+$0xFFFFFFD0];
	v58, _, _ =	vpop (xrf2);
	s21 =	smul.f32 s25, s18;
	s18 =	ssub.f32 $1.500000000e+00, s26  }
0xcb: {  	v28 =	vld [tilespmem:s9+$0xFFFFFFE0];
	v61 =	vmul.f32 v37, v37;
	s26 =	ssub.f32 $1.500000000e+00, s29;
	s25 =	smul.f32 s17, s13;
	(v2sf) =	vpush v58, $0xF;
	v58 =	vadd.f32 v37, v13  }
0xcc: {  	v57 =	vld [tilespmem:s9+$0xFFFFFFF0];
	s0 =	ssub.f32 $1.500000000e+00, s0;
	v39 =	vadd.f32 v32, v31;
	v62 =	vadd.f32 v45, v47;
	s13 =	smul.f32 s18, s16  }
0xcd: {  	s31 =	ssub.f32 $1.500000000e+00, s30;
	v31 =	vadd.f32 v56, v43;
	v43 =	vld [tilespmem:s15+$0xFFFFFFF0];
	v26, _, _ =	vpop (xrf2);
	v61 =	vadd.f32 v61, v55;
	s23 =	smul.f32 s26, s23  }
0xce: {  	v55 =	vld [tilespmem:s9+$0x0];
	(v2sf) =	vpush v26, $0xF;
	s18 =	smul.f32 s0, s19;
	v26 =	vadd.f32 v44, v33  }
0xcf: {  	v56 =	vmul.f32 v47, v47;
	s4 =	ssub.f32 $1.500000000e+00, s4;
	s19 =	smul.f32 s31, s24;
	v60 =	vadd.f32 v58, v35;
	v35 =	vld [tilespmem:s15+$0xFFFFFFE0];
	v4 =	vadd.f32 v61, v34  }
0xd0: {  	s1 =	smul.f32 s25, s1;
	v58 =	vmul.f32 v45, v45;
	v34 =	vadd.f32 v51, v49;
	v49 =	vld [tilespmem:s15+$0x0];
	v32 =	vadd.f32 v3, v59  }
0xd1: {  	s16 =	smul.f32 s4, s3;
	v3 =	vld [tilespmem:s9+$0x10];
	v63 =	vadd.f32 v26, v39;
	(xrf2) =	vadd.scan.msk.f32 $0xffff, v60;
	v60 =	vmul.f32 v39, v39;
	v61 =	vmul.f32 v26, v26  }
0xd2: {  	s4 =	smul.f32 s21, s22;
	v51 =	vld [tilespmem:s15+$0x10];
	v5 =	vadd.f32 v58, v56  }
0xd3: {  	v59 =	vld [tilespmem:s9+$0x30];
	s2 =	smul.f32 s13, s2;
	(xrf2) =	vadd.scan.msk.f32 $0xffff, v4;
	v44 =	vadd.f32 v63, v62;
	v63 =	vadd.f32 v61, v60  }
0xd4: {  	v33 =	vadd.f32 v42, v40;
	s8 =	smul.f32 s23, s8;
	v60 =	vld [tilespmem:s15+$0x40];
	v35 =	vadd.f32 v35, v28  }
0xd5: {  	s10 =	smul.f32 s18, s10;
	v28 =	vadd.f32 v43, v57;
	v43 =	vld [tilespmem:s9+$0x20];
	(xrf2) =	vadd.scan.msk.f32 $0xffff, v44;
	v40 =	vadd.f32 v63, v5  }
0xd6: {  	s17 =	smul.f32 s19, s12;
	v4 =	vmul.f32 v32, v32;
	v62 =	vmul.f32 v34, v34;
	v57 =	vadd.f32 v32, v34;
	v44 =	vld [tilespmem:s15+$0x20]  }
0xd7: {  	s29 =	smul.f32 s1, s25;
	v42 =	vadd.f32 v28, v35;
	(xrf2) =	vadd.scan.msk.f32 $0xffff, v40;
	v40 =	vadd.f32 v49, v55;
	v49 =	vld [tilespmem:s15+$0x30]  }
0xd8: {  	s0 =	smul.f32 s4, s21;
	v58 =	vadd.f32 v4, v62;
	v62 =	vld [tilespmem:s9+$0x40];
	v5 =	vmul.f32 v35, v35;
	v4 =	vmul.f32 v28, v28  }
0xd9: {  	s30 =	smul.f32 s2, s13;
	v61 =	vmul.f32 v33, v33;
	v55 =	vmul.f32 v31, v31;
	v57 =	vadd.f32 v42, v57  }
0xda: {  	s31 =	smul.f32 s8, s23;
	v42 =	vadd.f32 v51, v3;
	v3 =	vadd.f32 v4, v5  }
0xdb: {  	s0 =	ssub.f32 $1.500000000e+00, s0;
	v56 =	vadd.f32 v61, v55;
	v55 =	vld [tilespmem:s9+$0x50];
	v43 =	vadd.f32 v44, v43;
	s2 =	spop (v2sf)  }
0xdc: {  	s12 =	ssub.f32 $1.500000000e+00, s29;
	v51 =	vmul.f32 v40, v40;
	v3 =	vadd.f32 v3, v58;
	v58 =	vld [tilespmem:s15+$0x50];
	v5, _, _ =	vpop (xrf2);
	v44 =	vadd.f32 v49, v59;
	s1 =	smul.f32 $1.562500000e-02, s2  }
0xdd: {  	s28 =	ssub.f32 $1.500000000e+00, s30;
	v4 =	vld [tilespmem:s15+$0x70];
	(v2sf) =	vpush v5, $0xF;
	v63, _, _ =	vpop (xrf2);
	v5 =	vmul.f32 v42, v42;
	v49 =	vadd.f32 v60, v62;
	s2 =	smul.f32 s0, s21  }
0xde: {  	s12 =	smul.f32 s12, s25;
	(xrf2) =	vadd.scan.msk.f32 $0xffff, v57;
	v57 =	vld [tilespmem:s15+$0x60];
	(v2sf) =	vpush v63, $0xF;
	v63 =	vadd.f32 v44, v43  }
0xdf: {  	s13 =	smul.f32 s28, s13;
	v59 =	vld [tilespmem:s9+$0x60];
	(xrf2) =	vadd.scan.msk.f32 $0xffff, v3;
	v60 =	vmul.f32 v43, v43;
	s4 =	spop (v2sf);
	v51 =	vadd.f32 v5, v51;
	v61, _, _ =	vpop (xrf2);
	v3 =	vmul.f32 s2, v9  }
0xe0: {  	v5 =	vld [tilespmem:s9+$0x70];
	v62 =	vmul.f32 v44, v44;
	s22 =	smul.f32 $1.562500000e-02, s4;
	(v2sf) =	vpush v61, $0xF;
	v61 =	vadd.f32 v42, v40  }
0xe1: {  	s24 =	smul.f32 s1, s1;
	v8 =	vmul.f32 v3, v46;
	v46 =	vadd.f32 v58, v55  }
0xe2: {  	v6 =	vld [tilespmem:s9+$0x80];
	s8 =	smul.f32 s10, s18;
	s30 =	ssub.f32 $1.500000000e+00, s31;
	v58 =	vadd.f32 v62, v60;
	v60 =	vmul.f32 s12, v9;
	v61 =	vadd.f32 v63, v61;
	v63, _, _ =	vpop (xrf2)  }
0xe3: {  	s3 =	smul.f32 s16, s14;
	s26 =	ssub.f32 s22, s24;
	v62 =	vmul.f32 s13, v9;
	v3 =	vld [tilespmem:s15+$0x80];
	(v2sf) =	vpush v63, $0xF  }
0xe4: {  	s10 =	smul.f32 s17, s19;
	s8 =	ssub.f32 $1.500000000e+00, s8;
	v60 =	vmul.f32 v60, v50;
	v50 =	vadd.f32 v57, v59;
	v57 =	vadd.f32 v58, v51;
	v58 =	vld [tilespmem:s9+$0x90]  }
0xe5: {  	s14 =	smul.f32 s30, s23;
	s0 =	sadd.f32 $9.999999960e-13, s26;
	v63 =	vmul.f32 v49, v49;
	v0 =	vmul.f32 v46, v46;
	v51 =	vadd.f32 v4, v5;
	v4 =	vld [tilespmem:s15+$0x90]  }
0xe6: {  	[tilespmem:s6+$0xE0] =	vst v17;
	v17 =	vld [tilespmem:s15+$0xB0];
	s10 =	ssub.f32 $1.500000000e+00, s10;
	s18 =	smul.f32 s8, s18;
	v59 =	vmul.f32 v62, v48;
	(xrf2) =	vadd.scan.msk.f32 $0xffff, v61  }
0xe7: {  	v55 =	vld [tilespmem:s15+$0xFFFFFF00];
	v5 =	vmul.f32 s14, v9;
	v61 =	vadd.f32 v46, v49;
	s29 =	sshrl.u32 s0, $0x1;
	s4 =	smul.f32 $5.000000000e-01, s0;
	v7 =	vadd.f32 v0, v63  }
0xe8: {  	s22 =	smul.f32 s10, s19;
	v48 =	vld [tilespmem:s15+$0xA0];
	v62, _, _ =	vpop (xrf2);
	v63 =	vmul.f32 v50, v50;
	v0 =	vadd.f32 v51, v50;
	v1 =	vmul.f32 v51, v51;
	s31 =	ssub.s32 $0x5F3759DF, s29  }
0xe9: {  	v5 =	vmul.f32 v5, v52;
	(v2sf) =	vpush v62, $0xF;
	v62 =	vld [tilespmem:s9+$0xA0];
	v20 =	vadd.f32 v3, v6;
	s24 =	smul.f32 s31, s4  }
0xea: {  	s3 =	smul.f32 s3, s16;
	v6 =	vadd.f32 v8, v12;
	v8 =	vmul.f32 s18, v9;
	v52 =	vadd.f32 v4, v58;
	v4 =	vld [tilespmem:s9+$0xFFFFFF00]  }
0xeb: {  	(xrf2) =	vadd.scan.msk.f32 $0xffff, v57;
	v3 =	vld [tilespmem:s9+$0xB0];
	v0 =	vadd.f32 v0, v61;
	v1 =	vadd.f32 v1, v63;
	v63 =	vmul.f32 s22, v9;
	v61, _, _ =	vpop (xrf2);
	s25 =	smul.f32 s31, s24  }
0xec: {  	s3 =	ssub.f32 $1.500000000e+00, s3;
	v5 =	vadd.f32 v5, v12;
	[tilespmem:s6+$0xFFFFFF00] =	vst v6;
	v6 =	vmul.f32 v8, v53;
	(v2sf) =	vpush v61, $0xF  }
0xed: {  	v8 =	vld [tilespmem:$0x12F70];
	v58 =	vmul.f32 v20, v20;
	v1 =	vadd.f32 v1, v7;
	v7 =	vadd.f32 v60, v12;
	(xrf2) =	vadd.scan.msk.f32 $0xffff, v0;
	s0 =	ssub.f32 $1.500000000e+00, s25  }
0xee: {  	s16 =	smul.f32 s3, s16;
	v0 =	vadd.f32 v59, v12;
	v60 =	vmul.f32 v63, v54;
	[tilespmem:s6+$0xFFFFFFC0] =	vst v5;
	v5 =	vadd.f32 v6, v12  }
0xef: {  	v57 =	vld [tilespmem:$0x12FB0];
	v59 =	vmul.f32 v52, v52;
	v53 =	vadd.f32 v48, v62;
	s0 =	smul.f32 s31, s0;
	v55 =	vadd.f32 v55, v4  }
0xf0: {  	v10 =	vld [tilespmem:$0x12F50];
	v6 =	vmul.f32 v23, v23;
	[tilespmem:s6+$0xFFFFFF40] =	vst v7;
	v54 =	vadd.f32 v17, v3;
	v62 =	vadd.f32 v33, v31;
	v3, _, _ =	vpop (xrf2)  }
0xf1: {  	[tilespmem:s6+$0xFFFFFF80] =	vst v0;
	v48 =	vld [tilespmem:$0x12F50];
	s28 =	smul.f32 s0, s4;
	(v2sf) =	vpush v3, $0xF;
	v3 =	vmul.f32 s16, v9;
	v0 =	vadd.f32 v23, v55  }
0xf2: {  	(xrf2) =	vadd.scan.msk.f32 $0xffff, v1;
	v7 =	vadd.f32 v59, v58;
	v11 =	vld [tilespmem:$0x12F50];
	v8 =	vmul.f32 s20, v8;
	v1 =	vmul.f32 v55, v55  }
0xf3: {  	v58 =	vld [tilespmem:$0x12F90];
	v59 =	vadd.f32 v54, v53;
	s29 =	smul.f32 s28, s0;
	v3 =	vmul.f32 v3, v15;
	v0 =	vadd.f32 v62, v0  }
0xf4: {  	v63 =	vld [tilespmem:$0x12F90];
	v1 =	vadd.f32 v6, v1;
	v6 =	vmul.f32 v8, v14;
	v8 =	vadd.f32 v60, v12  }
0xf5: {  	[tilespmem:s6+$0x0] =	vst v5;
	v5 =	vld [tilespmem:$0x12F90];
	v9 =	vadd.f32 v52, v20;
	v60, _, _ =	vpop (xrf2);
	s3 =	ssub.f32 $1.500000000e+00, s29;
	(xrf2) =	vadd.scan.msk.f32 $0xffff, v0;
	v0 =	vadd.f32 v3, v12  }
0xf6: {  	v4 =	vld [tilespmem:$0x12F50];
	v17 =	vmul.f32 v53, v53;
	v61 =	vmul.f32 v54, v54;
	[tilespmem:s6+$0x40] =	vst v8  }
0xf7: {  	v9 =	vadd.f32 v59, v9;
	v59 =	vld [tilespmem:$0x12F90];
	s3 =	smul.f32 s3, s0;
	[tilespmem:s6+$0x80] =	vst v0  }
0xf8: {  	s26 =	spop (v2sf);
	v17 =	vadd.f32 v61, v17;
	v2 =	vld [tilespmem:$0x1FF30]  }
0xf9: {  	s30 =	spop (v2sf);
	v15 =	vld [tilespmem:$0x12F50];
	s4 =	smul.f32 s3, s4  }
0xfa: {  	s19 =	spop (v2sf);
	v7 =	vadd.f32 v17, v7;
	v17 =	vld [tilespmem:$0x12F40];
	(v2sf) =	vpush v60, $0xF;
	v3 =	vmul.f32 s2, v10;
	v10, _, _ =	vpop (xrf2)  }
0xfb: {  	s21 =	spop (v2sf);
	v8 =	vmul.f32 s12, v11;
	(v2sf) =	vpush v10, $0xF;
	v10 =	vld [tilespmem:$0x12F90];
	s4 =	smul.f32 s4, s3  }
0xfc: {  	(xrf2) =	vadd.scan.msk.f32 $0xffff, v9;
	v9 =	vld [tilespmem:$0x12F50]  }
0xfd: {  	v3 =	vmul.f32 v3, v27;
	v27 =	vmov s1;
	s4 =	ssub.f32 $1.500000000e+00, s4;
	v11 =	vmul.f32 v8, v2;
	v2 =	vld [tilespmem:$0x1FF40]  }
0xfe: {  	v1 =	vadd.f32 v56, v1;
	v62 =	vmul.f32 s18, v15;
	v15 =	vsub.f32 v19, v27;
	v19 =	vld [tilespmem:$0x12F90];
	v0, _, _ =	vpop (xrf2)  }
0xff: {  	v4 =	vmul.f32 s13, v4;
	v3 =	vadd.f32 v3, v58;
	(v2sf) =	vpush v0, $0xF;
	v0 =	vld [tilespmem:$0x12F50];
	s25 =	smul.f32 s4, s3  }
0x100: {  	v61 =	vmul.f32 s14, v48;
	(xrf2) =	vadd.scan.msk.f32 $0xffff, v1;
	v8 =	vld [tilespmem:$0x12F80];
	v1 =	vadd.f32 v11, v63;
	v11 =	vmul.f32 v62, v22  }
0x101: {  	v56 =	vadd.f32 v6, v57;
	v4 =	vmul.f32 v4, v18;
	[tilespmem:s6+$0xFFFFFF10] =	vst v3;
	v3 =	vld [tilespmem:$0x12F90];
	v18 =	vmul.f32 s25, v17  }
0x102: {  	(xrf2) =	vadd.scan.msk.f32 $0xffff, v7;
	v6 =	vmul.f32 s22, v9;
	v7 =	vld [tilespmem:$0x12F60];
	v9 =	vadd.f32 v11, v10;
	v12 =	vmul.f32 v61, v2  }
0x103: {  	s8 =	smul.f32 $1.562500000e-02, s26;
	v4 =	vadd.f32 v4, v59;
	[tilespmem:s6+$0xFFFFFF50] =	vst v1;
	v1 =	vld [tilespmem:$0x12FA0];
	v63 =	vmul.f32 v18, v15  }
0x104: {  	v0 =	vmul.f32 s16, v0;
	[tilespmem:s6+$0x10] =	vst v9;
	v5 =	vadd.f32 v12, v5;
	v12 =	vld [tilespmem:$0x12F60]  }
0x105: {  	[tilespmem:s6+$0xFFFFFF90] =	vst v4;
	v4 =	vmov s8;
	v6 =	vmul.f32 v6, v24;
	v24 =	vld [tilespmem:$0x12F60];
	v10 =	vadd.f32 v63, v8  }
0x106: {  	v0 =	vmul.f32 v0, v36;
	v2 =	vsub.f32 v38, v4;
	[tilespmem:s6+$0xFFFFFFD0] =	vst v5;
	v5 =	vld [tilespmem:$0x12F60]  }
0x107: {  	v6 =	vadd.f32 v6, v19;
	[tilespmem:s9+$0xC0] =	vst v10;
	v48 =	vld [tilespmem:$0x12F60]  }
0x108: {  	v0 =	vadd.f32 v0, v3;
	v19 =	vld [tilespmem:$0x12F50];
	[tilespmem:$0x1FF50] =	vst v2  }
0x109: {  	[tilespmem:s6+$0x50] =	vst v6  }
0x10a: {  	[tilespmem:s6+$0x90] =	vst v0  }
0x10b: {  	v2 =	vld [tilespmem:$0x1FF60];
	_ =	sdelay $0x2  }
0x10c: {  	v7 =	vmul.f32 s2, v7;
	_ =	sdelay $0x1  }
0x10d: {  	s10 =	smul.f32 $1.562500000e-02, s30;
	v7 =	vmul.f32 v7, v16;
	v16 =	vsub.f32 v2, v27;
	v2 =	vld [tilespmem:$0x1FF70]  }
0x10e: {  	s31 =	smul.f32 s8, s8;
	_ =	sdelay $0x1  }
0x10f: {  	s10 =	ssub.f32 s10, s31;
	v12 =	vmul.f32 s12, v12  }
0x110: {  	s0 =	smul.f32 $1.562500000e-02, s19  }
0x111: {  	s10 =	sadd.f32 $9.999999960e-13, s10;
	s19 =	smul.f32 $1.562500000e-02, s21;
	v12 =	vmul.f32 v12, v2;
	v2 =	vld [tilespmem:$0x1FF80]  }
0x112: {  	s20 =	smul.f32 s0, s0;
	v1 =	vadd.f32 v7, v1;
	v3 =	vld [tilespmem:$0x12FA0]  }
0x113: {  	s24 =	smul.f32 $5.000000000e-01, s10;
	s10 =	sshrl.u32 s10, $0x1;
	v15 =	vmov s0;
	v0 =	vld [tilespmem:$0x12F90]  }
0x114: {  	s23 =	spop (v2sf);
	s17 =	ssub.f32 s19, s20;
	s19 =	ssub.s32 $0x5F3759DF, s10;
	v22 =	vsub.f32 v47, v15;
	v58 =	vld [tilespmem:$0x12FA0];
	v59 =	vmul.f32 s13, v5;
	[tilespmem:s6+$0xFFFFFF20] =	vst v1  }
0x115: {  	s29 =	spop (v2sf);
	s10 =	smul.f32 s19, s24;
	v60 =	vsub.f32 v39, v15;
	v63 =	vsub.f32 v45, v15;
	v7 =	vmul.f32 s14, v48;
	v1 =	vld [tilespmem:$0x1FF90]  }
0x116: {  	s30 =	smul.f32 $1.562500000e-02, s29;
	v48 =	vsub.f32 v26, v15;
	v19 =	vmul.f32 s25, v19;
	v15 =	vmul.f32 v59, v2;
	v2 =	vld [tilespmem:$0x1FFA0]  }
0x117: {  	s26 =	sadd.f32 $9.999999960e-13, s17;
	s20 =	smul.f32 s19, s10;
	v57 =	vsub.f32 v13, v4;
	v11, _, _ =	vpop (xrf2);
	v13 =	vld [tilespmem:$0x12F60]  }
0x118: {  	s3 =	smul.f32 $1.562500000e-02, s23;
	(v2sf) =	vpush v11, $0xF;
	v16 =	vmul.f32 v19, v16;
	v19 =	vld [tilespmem:$0x12FA0]  }
0x119: {  	s31 =	sshrl.u32 s26, $0x1;
	s26 =	smul.f32 $5.000000000e-01, s26;
	v61 =	vmul.f32 s18, v24;
	v62 =	vld [tilespmem:$0x12FA0]  }
0x11a: {  	s4 =	ssub.s32 $0x5F3759DF, s31;
	s1 =	ssub.f32 $1.500000000e+00, s20;
	s28 =	smul.f32 s3, s3;
	v47 =	vsub.f32 v37, v4;
	v37 =	vmov s3;
	v45 =	vld [tilespmem:$0x12F60];
	v0 =	vadd.f32 v16, v0  }
0x11b: {  	s23 =	smul.f32 s4, s26;
	v39 =	vld [tilespmem:$0x12FA0];
	v1 =	vmul.f32 v7, v1;
	v7 =	vmul.f32 v61, v2;
	v2 =	vsub.f32 v32, v37  }
0x11c: {  	s1 =	smul.f32 s19, s1;
	v18 =	vsub.f32 v41, v4;
	v4 =	vld [tilespmem:$0x12FA0];
	[tilespmem:s9+$0xD0] =	vst v0;
	v0 =	vmul.f32 s22, v13;
	v38 =	vadd.f32 v15, v58  }
0x11d: {  	s17 =	ssub.f32 s30, s28;
	s28 =	spop (v2sf);
	v13 =	vld [tilespmem:$0x12F70];
	v1 =	vadd.f32 v1, v19;
	[tilespmem:$0x1FFB0] =	vst v2  }
0x11e: {  	s10 =	smul.f32 $1.562500000e-02, s28;
	s30 =	spop (v2sf);
	v0 =	vmul.f32 v0, v25;
	[tilespmem:s6+$0xFFFFFFA0] =	vst v38  }
0x11f: {  	s17 =	sadd.f32 $9.999999960e-13, s17;
	v9, _, _ =	vpop (xrf2);
	s19 =	smul.f32 $1.562500000e-02, s30;
	v3 =	vadd.f32 v12, v3;
	[tilespmem:s6+$0xFFFFFFE0] =	vst v1;
	v1 =	vld [tilespmem:$0x12F70]  }
0x120: {  	s29 =	smul.f32 s10, s10;
	(v2sf) =	vpush v9, $0xF;
	v0 =	vadd.f32 v0, v39  }
0x121: {  	s31 =	spop (v2sf);
	s0 =	smul.f32 $5.000000000e-01, s17;
	s17 =	sshrl.u32 s17, $0x1;
	v25 =	vadd.f32 v7, v62;
	[tilespmem:s6+$0xFFFFFF60] =	vst v3  }
0x122: {  	s28 =	ssub.s32 $0x5F3759DF, s17;
	s17 =	smul.f32 $1.562500000e-02, s31;
	[tilespmem:s6+$0x60] =	vst v0  }
0x123: {  	s8 =	smul.f32 s4, s23;
	v9, _, _ =	vpop (xrf2);
	s19 =	ssub.f32 s19, s29;
	v45 =	vmul.f32 s16, v45;
	v3 =	vmov s10;
	v15 =	vld [tilespmem:$0x12F60];
	[tilespmem:s6+$0x20] =	vst v25  }
0x124: {  	(v2sf) =	vpush v9, $0xF;
	v9, _, _ =	vpop (xrf2);
	s30 =	spop (v2sf);
	s29 =	smul.f32 s17, s17;
	v62 =	vsub.f32 v42, v3;
	v42 =	vmul.f32 s13, v1;
	v1 =	vld [tilespmem:$0x1FFC0]  }
0x125: {  	(v2sf) =	vpush v9, $0xF;
	v24 =	vsub.f32 v34, v37;
	s23 =	smul.f32 $1.562500000e-02, s30;
	v36 =	vmul.f32 v45, v21  }
0x126: {  	s20 =	smul.f32 s28, s0;
	v58 =	vsub.f32 v35, v37;
	v19 =	vsub.f32 v28, v37;
	v28 =	vmov s17  }
0x127: {  	s21 =	ssub.f32 s23, s29;
	s29 =	spop (v2sf);
	v21 =	vsub.f32 v46, v28;
	v32 =	vsub.f32 v49, v28;
	v25 =	vld [tilespmem:$0x12FA0]  }
0x128: {  	s19 =	sadd.f32 $9.999999960e-13, s19;
	s30 =	smul.f32 $1.562500000e-02, s29;
	v61 =	vsub.f32 v50, v28;
	v0 =	vadd.f32 v36, v4;
	v49 =	vld [tilespmem:$0x12F70]  }
0x129: {  	s3 =	smul.f32 s28, s20;
	v41 =	vld [tilespmem:$0x12F70];
	v26 =	vsub.f32 v40, v3;
	v5 =	vmul.f32 s25, v15;
	v1 =	vsub.f32 v1, v27  }
0x12a: {  	s8 =	ssub.f32 $1.500000000e+00, s8;
	s31 =	sshrl.u32 s19, $0x1;
	s19 =	smul.f32 $5.000000000e-01, s19;
	v59 =	vsub.f32 v43, v3;
	v37 =	vsub.f32 v44, v3;
	v3 =	vmov s30;
	[tilespmem:s6+$0xA0] =	vst v0  }
0x12b: {  	s20 =	ssub.f32 $1.500000000e+00, s3;
	s3 =	ssub.s32 $0x5F3759DF, s31;
	v40 =	vsub.f32 v51, v28;
	v39 =	vsub.f32 v55, v3;
	v2 =	vld [tilespmem:$0x1FFD0];
	v1 =	vmul.f32 v5, v1  }
0x12c: {  	s23 =	smul.f32 s3, s19;
	v28 =	vsub.f32 v23, v3;
	v23 =	vsub.f32 v31, v3  }
0x12d: {  	s8 =	smul.f32 s4, s8;
	v36 =	vmul.f32 s22, v49;
	v49 =	vsub.f32 v33, v3;
	v3 =	vadd.f32 v1, v25  }
0x12e: {  	s23 =	smul.f32 s3, s23;
	v34 =	vmul.f32 s12, v41  }
0x12f: {  	s31 =	spop (v2sf);
	s17 =	smul.f32 s30, s30;
	[tilespmem:s9+$0xE0] =	vst v3  }
0x130: {  	s10 =	smul.f32 s28, s20;
	s28 =	sadd.f32 $9.999999960e-13, s21;
	v41 =	vmul.f32 v34, v2;
	v2 =	vld [tilespmem:$0x1FFE0]  }
0x131: {  	v38 =	vmul.f32 s2, v13;
	s2 =	smul.f32 $1.562500000e-02, s31  }
0x132: {  	v35 =	vld [tilespmem:$0x12F70];
	s21 =	smul.f32 $5.000000000e-01, s28;
	s4 =	sshrl.u32 s28, $0x1  }
0x133: {  	v13 =	vld [tilespmem:$0x12F70];
	s29 =	smul.f32 s2, s2;
	s4 =	ssub.s32 $0x5F3759DF, s4  }
0x134: {  	s30 =	spop (v2sf);
	s20 =	smul.f32 s4, s21;
	v55 =	vld [tilespmem:$0x12F70];
	[tilespmem:s6+$0xF0] =	vst v56  }
0x135: {  	v12 =	vmov s2;
	s2 =	smul.f32 $1.562500000e-02, s30;
	v42 =	vmul.f32 v42, v2;
	v2 =	vld [tilespmem:$0x1FFF0]  }
0x136: {  	s28 =	ssub.f32 $1.500000000e+00, s23;
	s12 =	smul.f32 s4, s20;
	v0 =	vld [tilespmem:$0x12FB0]  }
0x137: {  	s31 =	spop (v2sf);
	s17 =	ssub.f32 s2, s17;
	v14 =	vmul.f32 s14, v35;
	v35 =	vld [tilespmem:$0x12FB0]  }
0x138: {  	v43 =	vmul.f32 v38, v30;
	v38 =	vsub.f32 v20, v12;
	s14 =	smul.f32 $1.562500000e-02, s31;
	s12 =	ssub.f32 $1.500000000e+00, s12;
	v34 =	vld [tilespmem:$0x12FB0]  }
0x139: {  	s23 =	simm.s32 $0x840;
	v20 =	vsub.f32 v53, v12;
	s2 =	smul.f32 s3, s28;
	v33 =	vsub.f32 v54, v12;
	s13 =	sadd.f32 $9.999999960e-13, s17;
	v31 =	vmul.f32 s18, v13;
	v1 =	vld [tilespmem:$0x12FB0]  }
0x13a: {  	s22 =	simm.s32 $0x8;
	s12 =	smul.f32 s4, s12;
	s4 =	ssub.f32 s14, s29;
	v30 =	vmul.f32 s16, v55;
	v25 =	vsub.f32 v52, v12;
	v45 =	vld [tilespmem:$0x12F70];
	v44 =	vmul.f32 v14, v2  }
.LBB2_2:
0x13b: {  	v2 =	vmul.f32 v31, v29;
	_ =	sdelay $0x1  }
0x13c: {  	[tilespmem:$0x1FE90] =	vst v2;
	v2 =	vld [tilespmem:$0x1FF10];
	_ =	sdelay $0x2  }
0x13d: {  	v3 =	vld [tilespmem:s23+$0xC0]  }
0x13e: {  	v13 =	vld [tilespmem:s23+$0xD0]  }
0x13f: {  	[tilespmem:$0x1FE50] =	vst v60;
	v14 =	vld [tilespmem:$0x12FB0];
	s31 =	smul.f32 s10, s0;
	v5 =	vmul.f32 v36, v2;
	v2 =	vmov v37  }
0x140: {  	s14 =	smul.f32 $5.000000000e-01, s13;
	[tilespmem:$0x1FE40] =	vst v2;
	v2 =	vld [tilespmem:$0x1FF20]  }
0x141: {  	[tilespmem:$0x1FEE0] =	vst v48;
	s15 =	sadd.s32 $0x200, s15;
	v48 =	vld [tilespmem:s23+$0xF0];
	s3 =	sshrl.u32 s13, $0x1;
	s20 =	smul.f32 s12, s21;
	v0 =	vadd.f32 v43, v0  }
0x142: {  	[tilespmem:$0x1FEC0] =	vst v49;
	v60 =	vld [tilespmem:s15+$0xC0];
	s4 =	sadd.f32 $9.999999960e-13, s4;
	s16 =	ssub.s32 $0x5F3759DF, s3;
	s3 =	smul.f32 s1, s24;
	v1 =	vadd.f32 v41, v1  }
0x143: {  	v49 =	vld [tilespmem:s15+$0xF0];
	s17 =	smul.f32 s16, s14;
	[tilespmem:s6+$0xFFFFFF30] =	vst v0;
	v0 =	vadd.f32 v42, v34  }
0x144: {  	s18 =	sshrl.u32 s4, $0x1;
	s13 =	smul.f32 $5.000000000e-01, s4;
	[tilespmem:s6+$0xFFFFFF70] =	vst v1;
	v50 =	vld [tilespmem:s23+$0xFFFFFF10]  }
0x145: {  	s30 =	ssub.s32 $0x5F3759DF, s18;
	s29 =	smul.f32 s16, s17;
	v1 =	vadd.f32 v44, v35;
	[tilespmem:s6+$0xFFFFFFB0] =	vst v0;
	v0 =	vld [tilespmem:s23+$0xE0];
	v12 =	vmul.f32 v30, v2;
	v2 =	vmov v33  }
0x146: {  	s18 =	smul.f32 s30, s13;
	[tilespmem:$0x1FF20] =	vst v2;
	v2 =	vld [tilespmem:$0x1FF00]  }
0x147: {  	s3 =	smul.f32 s3, s1;
	s4 =	ssub.f32 $1.500000000e+00, s29;
	[tilespmem:s6+$0xFFFFFFF0] =	vst v1;
	v1 =	vld [tilespmem:s15+$0xE0]  }
0x148: {  	s18 =	smul.f32 s30, s18;
	v51 =	vld [tilespmem:s15+$0xFFFFFF10]  }
0x149: {  	v52 =	vld [tilespmem:s23+$0xFFFFFF20];
	s4 =	smul.f32 s16, s4  }
0x14a: {  	v53 =	vld [tilespmem:s15+$0xFFFFFF30];
	s18 =	ssub.f32 $1.500000000e+00, s18;
	s16 =	smul.f32 s31, s10  }
0x14b: {  	v37 =	vld [tilespmem:s15+$0xD0];
	s29 =	smul.f32 s4, s14;
	v2 =	vsub.f32 v2, v27;
	v27 =	vmul.f32 s25, v45  }
0x14c: {  	s28 =	smul.f32 s30, s18;
	v33 =	vadd.f32 v1, v0;
	v0 =	vld [tilespmem:s23+$0xFFFFFF30]  }
0x14d: {  	v4 =	vmov v40;
	v40 =	vadd.f32 v60, v3;
	v3 =	vld [tilespmem:s15+$0xFFFFFF20];
	s18 =	smul.f32 s2, s19;
	v2 =	vmul.f32 v27, v2  }
0x14e: {  	v43 =	vld [tilespmem:s23+$0xFFFFFF40];
	s30 =	smul.f32 s28, s13  }
0x14f: {  	v60 =	vld [tilespmem:s15+$0xFFFFFF40];
	s29 =	smul.f32 s29, s4;
	v2 =	vadd.f32 v2, v14  }
0x150: {  	s16 =	ssub.f32 $1.500000000e+00, s16;
	v34 =	vadd.f32 v51, v50;
	v50 =	vld [tilespmem:s15+$0xFFFFFF60];
	s17 =	smul.f32 s18, s2;
	v37 =	vadd.f32 v37, v13  }
0x151: {  	s18 =	smul.f32 s20, s12;
	v35 =	vadd.f32 v53, v0;
	v0 =	vld [tilespmem:s23+$0xFFFFFF60];
	[tilespmem:s9+$0xF0] =	vst v2;
	v2 =	vadd.f32 v49, v48  }
0x152: {  	[tilespmem:$0x1FE70] =	vst v59;
	v55 =	vmul.f32 v40, v40;
	v42 =	vld [tilespmem:s23+$0xFFFFFF80];
	v36 =	vadd.f32 v3, v52;
	s16 =	smul.f32 s16, s10;
	v56 =	vmul.f32 v37, v37  }
0x153: {  	[tilespmem:$0x1FE60] =	vst v58;
	v3 =	vld [tilespmem:s15+$0xFFFFFF50];
	v1 =	vadd.f32 v37, v40;
	v58 =	vmul.f32 v33, v33;
	s25 =	smul.f32 s8, s26;
	v59 =	vmul.f32 v2, v2  }
0x154: {  	v51 =	vld [tilespmem:s15+$0xFFFFFFA0];
	s17 =	ssub.f32 $1.500000000e+00, s17;
	s30 =	smul.f32 s30, s28;
	v41 =	vadd.f32 v56, v55;
	v54 =	vadd.f32 v2, v33  }
0x155: {  	s29 =	ssub.f32 $1.500000000e+00, s29;
	[tilespmem:$0x1FEB0] =	vst v12;
	v12 =	vld [tilespmem:s23+$0xFFFFFF50];
	v56 =	vmul.f32 v35, v35;
	s25 =	smul.f32 s25, s8;
	v14 =	vmul.f32 v36, v36;
	v13 =	vadd.f32 v59, v58  }
0x156: {  	s3 =	ssub.f32 $1.500000000e+00, s3;
	s10 =	smul.f32 s17, s2;
	v44 =	vadd.f32 v50, v0;
	v50 =	vld [tilespmem:s15+$0xFFFFFF90];
	v1 =	vadd.f32 v54, v1  }
0x157: {  	s31 =	ssub.f32 $1.500000000e+00, s25;
	s25 =	smul.f32 s29, s4;
	v52 =	vadd.f32 v56, v14;
	v14 =	vld [tilespmem:s23+$0xFFFFFF90];
	v41 =	vadd.f32 v13, v41  }
0x158: {  	s4 =	smul.f32 s3, s1;
	v58 =	vld [tilespmem:s23+$0xFFFFFF70];
	(xrf2) =	vadd.scan.msk.f32 $0xffff, v1  }
0x159: {  	s20 =	ssub.f32 $1.500000000e+00, s18;
	s29 =	smul.f32 s10, s19;
	v59 =	vld [tilespmem:s15+$0xFFFFFF70];
	(xrf2) =	vadd.scan.msk.f32 $0xffff, v41  }
0x15a: {  	s3 =	ssub.f32 $1.500000000e+00, s30;
	s18 =	smul.f32 s31, s8;
	v1 =	vadd.f32 v60, v43;
	v60 =	vld [tilespmem:s15+$0xFFFFFF80]  }
0x15b: {  	[tilespmem:$0x1FEA0] =	vst v5;
	v5 =	vld [tilespmem:s23+$0xFFFFFFA0];
	s8 =	smul.f32 s20, s12  }
0x15c: {  	v30 =	vmov v61;
	v61 =	vld [tilespmem:s23+$0x10];
	s1 =	smul.f32 s3, s28  }
0x15d: {  	[tilespmem:$0x1FED0] =	vst v47;
	v47 =	vadd.f32 v3, v12;
	s20 =	smul.f32 s25, s14;
	v56 =	vadd.f32 v50, v14;
	v50 =	vld [tilespmem:s23+$0xFFFFFFC0]  }
0x15e: {  	s3 =	smul.f32 s4, s24;
	v41 =	vadd.f32 v59, v58;
	v58 =	vld [tilespmem:s15+$0xFFFFFFB0]  }
0x15f: {  	s28 =	smul.f32 s16, s0;
	v13 =	vmul.f32 v47, v47;
	v60 =	vadd.f32 v60, v42;
	v42 =	vld [tilespmem:s23+$0xFFFFFFB0]  }
0x160: {  	s14 =	smul.f32 s29, s10;
	v14 =	vld [tilespmem:s15+$0xFFFFFFC0];
	v3 =	vmul.f32 v1, v1;
	v0 =	vadd.f32 v47, v1;
	v55 =	vadd.f32 v41, v44  }
0x161: {  	v45 =	vadd.f32 v51, v5;
	v51 =	vld [tilespmem:s23+$0xFFFFFFE0];
	s26 =	smul.f32 s18, s26;
	v43 =	vmul.f32 v44, v44;
	v12 =	vmul.f32 v41, v41  }
0x162: {  	v27 =	vld [tilespmem:s15+$0xFFFFFF00];
	s13 =	smul.f32 s1, s13;
	v3 =	vadd.f32 v13, v3;
	v0 =	vadd.f32 v55, v0;
	v54, _, _ =	vpop (xrf2)  }
0x163: {  	v31 =	vmov v57;
	s2 =	smul.f32 s20, s25;
	v55 =	vld [tilespmem:s23+$0xFFFFFFD0];
	v57 =	vadd.f32 v12, v43;
	(v2sf) =	vpush v54, $0xF;
	v13, _, _ =	vpop (xrf2)  }
0x164: {  	[tilespmem:$0x1FE80] =	vst v20;
	v20 =	vmov v63;
	s3 =	smul.f32 s3, s4;
	v12 =	vld [tilespmem:s15+$0xFFFFFFD0];
	v43 =	vadd.f32 v58, v42;
	(v2sf) =	vpush v13, $0xF  }
0x165: {  	v49 =	vmul.f32 v45, v45;
	s0 =	smul.f32 s28, s16;
	s20 =	ssub.f32 $1.500000000e+00, s14;
	v5 =	vmul.f32 v56, v56;
	v63 =	vadd.f32 v14, v50;
	v50 =	vld [tilespmem:s23+$0xFFFFFFF0];
	(xrf2) =	vadd.scan.msk.f32 $0xffff, v0  }
0x166: {  	[tilespmem:$0x1FF10] =	vst v4;
	s2 =	ssub.f32 $1.500000000e+00, s2;
	s12 =	smul.f32 s26, s18;
	v14 =	vld [tilespmem:s15+$0xFFFFFFF0];
	v4 =	vmul.f32 v60, v60;
	v48 =	vadd.f32 v56, v60;
	v58 =	vmul.f32 v43, v43  }
0x167: {  	s3 =	ssub.f32 $1.500000000e+00, s3;
	s24 =	smul.f32 s13, s1;
	v0 =	vadd.f32 v57, v3;
	v3 =	vld [tilespmem:s15+$0xFFFFFFE0];
	v13 =	vadd.f32 v43, v45  }
0x168: {  	s0 =	ssub.f32 $1.500000000e+00, s0;
	s13 =	smul.f32 s2, s25;
	v42 =	vadd.f32 v5, v4;
	v57 =	vld [tilespmem:s23+$0x0];
	v49 =	vadd.f32 v58, v49  }
0x169: {  	s31 =	ssub.f32 $1.500000000e+00, s12;
	s12 =	smul.f32 s3, s4;
	(xrf2) =	vadd.scan.msk.f32 $0xffff, v0;
	v0 =	vadd.f32 v12, v55;
	v58 =	vld [tilespmem:s15+$0x0];
	v48 =	vadd.f32 v13, v48  }
0x16a: {  	s2 =	smul.f32 s0, s16;
	v13 =	vadd.f32 v49, v42;
	v49 =	vld [tilespmem:s15+$0x10]  }
0x16b: {  	v53 =	vadd.f32 v35, v36;
	s16 =	smul.f32 s20, s10;
	v5 =	vld [tilespmem:s15+$0x30];
	v12 =	vmul.f32 v63, v63;
	v59 =	vmul.f32 v0, v0;
	(xrf2) =	vadd.scan.msk.f32 $0xffff, v48  }
0x16c: {  	v6 =	vmul.f32 s12, v17;
	v55 =	vld [tilespmem:s23+$0x20];
	v42 =	vadd.f32 v14, v50;
	v51 =	vadd.f32 v3, v51  }
0x16d: {  	[tilespmem:$0x1FEF0] =	vst v19;
	v19 =	vmovc v21;
	v11 =	vmul.f32 s16, v17;
	v14 =	vld [tilespmem:s15+$0x20];
	v3 =	vadd.f32 v0, v63;
	v50 =	vadd.f32 v59, v12  }
0x16e: {  	v21 =	vmovc v62;
	v29 =	vmul.f32 v42, v42;
	v54 =	vmul.f32 v51, v51;
	v57 =	vadd.f32 v58, v57;
	v58 =	vld [tilespmem:s23+$0x30]  }
0x16f: {  	s18 =	smul.f32 s31, s18;
	v11 =	vmul.f32 v11, v26;
	v62 =	vadd.f32 v49, v61;
	v49 =	vld [tilespmem:s23+$0x40];
	v12, _, _ =	vpop (xrf2);
	(xrf2) =	vadd.scan.msk.f32 $0xffff, v13;
	v13 =	vadd.f32 v42, v51  }
0x170: {  	s30 =	smul.f32 s8, s21;
	v10 =	vmul.f32 s2, v17;
	v29 =	vadd.f32 v29, v54;
	v54 =	vld [tilespmem:s15+$0x40];
	(v2sf) =	vpush v12, $0xF  }
0x171: {  	v7 =	vmul.f32 s18, v17;
	v11 =	vadd.f32 v11, v8;
	v12 =	vld [tilespmem:s23+$0x50];
	v3 =	vadd.f32 v13, v3  }
0x172: {  	s17 =	smul.f32 s30, s8;
	v4 =	vmul.f32 v57, v57;
	v61 =	vadd.f32 v14, v55;
	v59 =	vmul.f32 v62, v62;
	v13 =	vld [tilespmem:s15+$0x70];
	s29 =	spop (v2sf)  }
0x173: {  	v48 =	vmul.f32 s13, v17;
	v55 =	vadd.f32 v62, v57;
	v9, _, _ =	vpop (xrf2);
	(xrf2) =	vadd.scan.msk.f32 $0xffff, v3;
	v3 =	vadd.f32 v29, v50;
	v29 =	vld [tilespmem:s15+$0x50];
	s0 =	smul.f32 $1.562500000e-02, s29;
	s30 =	spop (v2sf)  }
0x174: {  	s14 =	ssub.f32 $1.500000000e+00, s17;
	v7 =	vmul.f32 v7, v22;
	v4 =	vadd.f32 v59, v4;
	v59 =	vld [tilespmem:s15+$0x60];
	(v2sf) =	vpush v9, $0xF;
	s4 =	smul.f32 $1.562500000e-02, s30  }
0x175: {  	v54 =	vadd.f32 v54, v49;
	v49 =	vld [tilespmem:s23+$0x70];
	v14, _, _ =	vpop (xrf2);
	v9 =	vmul.f32 v48, v39;
	v39 =	vadd.f32 v5, v58;
	s31 =	smul.f32 s0, s0  }
0x176: {  	s26 =	ssub.f32 $1.500000000e+00, s24;
	s28 =	smul.f32 s14, s8;
	v5 =	vmul.f32 v61, v61;
	v48 =	vld [tilespmem:s23+$0x60];
	(xrf2) =	vadd.scan.msk.f32 $0xffff, v3;
	v3 =	vmul.f32 v6, v18;
	(v2sf) =	vpush v14, $0xF  }
0x177: {  	v22 =	vld [tilespmem:s23+$0x80];
	v18 =	vadd.f32 v39, v61;
	v50 =	vmul.f32 v39, v39;
	v9 =	vadd.f32 v9, v8;
	s4 =	ssub.f32 s4, s31  }
0x178: {  	v6 =	vmul.f32 s28, v17;
	v3 =	vadd.f32 v3, v8;
	v58 =	vadd.f32 v29, v12;
	v29 =	vld [tilespmem:s15+$0x80]  }
0x179: {  	[tilespmem:$0x1FF00] =	vst v2;
	v26 =	vld [tilespmem:s15+$0xA0];
	s31 =	smul.f32 s26, s1;
	v12 =	vmul.f32 v54, v54;
	v2, _, _ =	vpop (xrf2);
	v18 =	vadd.f32 v18, v55;
	v5 =	vadd.f32 v50, v5;
	s17 =	sadd.f32 $9.999999960e-13, s4  }
0x17a: {  	[tilespmem:s9+$0xFFFFFF00] =	vst v9;
	v55 =	vadd.f32 v13, v49;
	(v2sf) =	vpush v2, $0xF;
	v2 =	vmul.f32 v10, v24;
	v24 =	vld [tilespmem:s23+$0x90]  }
0x17b: {  	v17 =	vmul.f32 s31, v17;
	v59 =	vadd.f32 v59, v48;
	(xrf2) =	vadd.scan.msk.f32 $0xffff, v18;
	v4 =	vadd.f32 v5, v4;
	v5 =	vld [tilespmem:s15+$0x90];
	s19 =	sshrl.u32 s17, $0x1;
	s1 =	smul.f32 $5.000000000e-01, s17  }
0x17c: {  	v13 =	vld [tilespmem:s23+$0xA0];
	[tilespmem:s9+$0xFFFFFF40] =	vst v3;
	v3 =	vadd.f32 v7, v8;
	v9 =	vadd.f32 v58, v54;
	v10 =	vmul.f32 v58, v58;
	s3 =	ssub.s32 $0x5F3759DF, s19  }
0x17d: {  	v18, _, _ =	vpop (xrf2);
	(xrf2) =	vadd.scan.msk.f32 $0xffff, v4;
	v4 =	vmul.f32 v17, v38;
	v17 =	vadd.f32 v55, v59;
	v38 =	vadd.f32 v29, v22;
	v22 =	vld [tilespmem:s23+$0xB0];
	s20 =	smul.f32 s3, s1  }
0x17e: {  	v10 =	vadd.f32 v10, v12;
	v12 =	vmul.f32 v59, v59;
	v29 =	vld [tilespmem:s15+$0xB0];
	(v2sf) =	vpush v18, $0xF  }
0x17f: {  	v7 =	vld [tilespmem:s23+$0xFFFFFF00];
	[tilespmem:s9+$0xFFFFFF80] =	vst v3;
	v2 =	vadd.f32 v2, v8;
	v18 =	vmul.f32 v55, v55;
	s21 =	spop (v2sf);
	v9 =	vadd.f32 v17, v9;
	s4 =	smul.f32 s3, s20  }
0x180: {  	v6 =	vmul.f32 v6, v32;
	v15 =	vld [tilespmem:$0x12F90];
	v49, _, _ =	vpop (xrf2);
	v4 =	vadd.f32 v4, v8;
	s8 =	smul.f32 $1.562500000e-02, s21;
	v48 =	vadd.f32 v5, v24  }
0x181: {  	[tilespmem:s9+$0xFFFFFFC0] =	vst v2;
	v17 =	vld [tilespmem:$0x12F50];
	v5 =	vmul.f32 v38, v38;
	v12 =	vadd.f32 v18, v12;
	(v2sf) =	vpush v49, $0xF;
	s4 =	ssub.f32 $1.500000000e+00, s4  }
0x182: {  	v16 =	vld [tilespmem:$0x12F90];
	v49 =	vadd.f32 v26, v13;
	s24 =	smul.f32 s8, s8;
	v32 =	vmov s8;
	v13 =	vadd.f32 v48, v38  }
0x183: {  	v24 =	vld [tilespmem:$0x12F50];
	(xrf2) =	vadd.scan.msk.f32 $0xffff, v9;
	v14 =	vmul.f32 v48, v48;
	v10 =	vadd.f32 v12, v10;
	v50 =	vadd.f32 v29, v22;
	s3 =	smul.f32 s3, s4;
	s26 =	spop (v2sf)  }
0x184: {  	v26 =	vld [tilespmem:$0x12F90];
	v18 =	vsub.f32 v1, v32;
	v1 =	vadd.f32 v27, v7;
	s10 =	smul.f32 $1.562500000e-02, s26  }
0x185: {  	v46 =	vmul.f32 v34, v34;
	v9 =	vld [tilespmem:$0x12F50];
	v2 =	vadd.f32 v14, v5;
	s29 =	spop (v2sf);
	v3, _, _ =	vpop (xrf2);
	(xrf2) =	vadd.scan.msk.f32 $0xffff, v10;
	v10 =	vadd.f32 v50, v49;
	s25 =	smul.f32 s3, s1  }
0x186: {  	v12 =	vld [tilespmem:$0x12F50];
	v5 =	vmul.f32 v49, v49;
	v27 =	vadd.f32 v34, v1;
	v29 =	vmul.f32 v1, v1;
	s30 =	smul.f32 $1.562500000e-02, s29;
	s4 =	ssub.f32 s10, s24  }
0x187: {  	v7 =	vld [tilespmem:$0x12F90];
	v22 =	vmul.f32 v50, v50;
	(v2sf) =	vpush v3, $0xF;
	v10 =	vadd.f32 v10, v13;
	s8 =	smul.f32 s25, s3  }
0x188: {  	[tilespmem:s9+$0x0] =	vst v11;
	v13 =	vmul.f32 s13, v17;
	v17 =	vadd.f32 v46, v29;
	v29 =	vadd.f32 v6, v8;
	v8 =	vld [tilespmem:$0x1FF50];
	s4 =	sadd.f32 $9.999999960e-13, s4  }
0x189: {  	v5 =	vadd.f32 v22, v5;
	v11 =	vadd.f32 v53, v27;
	v27 =	vld [tilespmem:$0x12F50];
	s14 =	smul.f32 s30, s30;
	s8 =	ssub.f32 $1.500000000e+00, s8  }
0x18a: {  	v46 =	vld [tilespmem:$0x12FB0];
	s24 =	smul.f32 $5.000000000e-01, s4  }
0x18b: {  	v9 =	vmul.f32 s12, v9;
	v14, _, _ =	vpop (xrf2);
	v2 =	vadd.f32 v5, v2;
	v5 =	vmul.f32 s18, v12;
	v12 =	vld [tilespmem:$0x12F90];
	s10 =	spop (v2sf);
	s3 =	smul.f32 s8, s3  }
0x18c: {  	(v2sf) =	vpush v14, $0xF;
	v14 =	vadd.f32 v52, v17;
	v13 =	vmul.f32 v13, v28;
	v28 =	vld [tilespmem:$0x12FB0];
	s8 =	smul.f32 $1.562500000e-02, s10  }
0x18d: {  	(xrf2) =	vadd.scan.msk.f32 $0xffff, v11;
	v11 =	vmul.f32 s2, v24;
	v17 =	vld [tilespmem:$0x12F40];
	v24, _, _ =	vpop (xrf2);
	v9 =	vmul.f32 v9, v8;
	v8 =	vsub.f32 v47, v32;
	s20 =	spop (v2sf);
	s1 =	smul.f32 s3, s1  }
0x18e: {  	v3 =	vmov s30;
	[tilespmem:s9+$0x40] =	vst v29;
	v5 =	vmul.f32 v5, v20;
	v20 =	vld [tilespmem:$0x1FFB0];
	s17 =	sshrl.u32 s4, $0x1;
	(v2sf) =	vpush v24, $0xF;
	s19 =	ssub.f32 s8, s14;
	s8 =	smul.f32 $1.562500000e-02, s20  }
0x18f: {  	v29 =	vld [tilespmem:$0x12F50];
	s10 =	ssub.s32 $0x5F3759DF, s17;
	[tilespmem:$0x1FF50] =	vst v8;
	v8 =	vsub.f32 v56, v3;
	v9 =	vadd.f32 v9, v26;
	s1 =	smul.f32 s1, s3  }
0x190: {  	(xrf2) =	vadd.scan.msk.f32 $0xffff, v10;
	v47 =	vld [tilespmem:$0x12FB0];
	s21 =	smul.f32 s10, s24;
	v52 =	vmov s8  }
0x191: {  	[tilespmem:s9+$0xFFFFFF50] =	vst v9;
	v24 =	vsub.f32 v63, v52;
	v63 =	vmov v8;
	v8 =	vld [tilespmem:$0x12F80];
	s1 =	ssub.f32 $1.500000000e+00, s1  }
0x192: {  	v10 =	vmul.f32 s16, v27;
	[tilespmem:s9+$0x80] =	vst v4;
	s17 =	smul.f32 s10, s21;
	v0 =	vsub.f32 v0, v52;
	v9 =	vld [tilespmem:$0x12F60]  }
0x193: {  	v27 =	vmov s0;
	v6, _, _ =	vpop (xrf2);
	(xrf2) =	vadd.scan.msk.f32 $0xffff, v14;
	v14 =	vsub.f32 v45, v3;
	v45 =	vsub.f32 v41, v32;
	s4 =	sadd.f32 $9.999999960e-13, s19;
	v41 =	vld [tilespmem:$0x12FA0];
	s25 =	smul.f32 s1, s3  }
0x194: {  	v11 =	vmul.f32 v11, v20;
	s30 =	smul.f32 s8, s8;
	[tilespmem:$0x1FFB0] =	vst v0;
	v0 =	vadd.f32 v13, v7;
	v13 =	vld [tilespmem:$0x12F90];
	s3 =	spop (v2sf);
	(v2sf) =	vpush v6, $0xF  }
0x195: {  	v56 =	vmul.f32 v10, v21;
	s29 =	sshrl.u32 s4, $0x1;
	s26 =	smul.f32 $5.000000000e-01, s4;
	v7 =	vsub.f32 v40, v27;
	v6 =	vld [tilespmem:$0x12F50];
	v10 =	vmul.f32 s25, v17  }
0x196: {  	s8 =	ssub.s32 $0x5F3759DF, s29;
	v40 =	vadd.f32 v11, v16;
	v11 =	vld [tilespmem:$0x12F90];
	s1 =	smul.f32 $1.562500000e-02, s3;
	[tilespmem:s9+$0xFFFFFF10] =	vst v0  }
0x197: {  	(xrf2) =	vadd.scan.msk.f32 $0xffff, v2;
	s19 =	smul.f32 s8, s26;
	v0 =	vadd.f32 v5, v15;
	v2 =	vld [tilespmem:$0x12F60];
	v7 =	vmul.f32 v10, v7  }
0x198: {  	v4 =	vadd.f32 v56, v12;
	s20 =	spop (v2sf);
	v16 =	vld [tilespmem:$0x12FA0];
	s1 =	ssub.f32 s1, s30  }
0x199: {  	s14 =	ssub.f32 $1.500000000e+00, s17;
	v15, _, _ =	vpop (xrf2);
	s4 =	smul.f32 $1.562500000e-02, s20;
	v9 =	vmul.f32 s12, v9;
	[tilespmem:s9+$0xFFFFFF90] =	vst v0;
	v10 =	vmul.f32 s28, v29;
	v29 =	vld [tilespmem:$0x1FE40];
	v7 =	vadd.f32 v7, v8  }
0x19a: {  	[tilespmem:s9+$0x10] =	vst v4;
	s21 =	smul.f32 s8, s19;
	(v2sf) =	vpush v15, $0xF;
	v21 =	vld [tilespmem:$0x12F60];
	s1 =	sadd.f32 $9.999999960e-13, s1;
	v20 =	vmul.f32 s31, v6;
	v6, _, _ =	vpop (xrf2)  }
0x19b: {  	s30 =	smul.f32 s4, s4;
	s20 =	spop (v2sf);
	v9 =	vmul.f32 v9, v31;
	(v2sf) =	vpush v6, $0xF;
	v6 =	vld [tilespmem:$0x12F60];
	[tilespmem:s23+$0xC0] =	vst v7  }
0x19c: {  	v56 =	vmul.f32 v20, v25;
	s0 =	smul.f32 $5.000000000e-01, s1;
	v25 =	vld [tilespmem:$0x12F50]  }
0x19d: {  	[tilespmem:s9+$0xFFFFFFD0] =	vst v40;
	v15 =	vmov s4;
	v0 =	vmul.f32 v10, v19;
	v19 =	vld [tilespmem:$0x1FE50];
	v9 =	vadd.f32 v9, v41;
	s29 =	sshrl.u32 s1, $0x1;
	s1 =	smul.f32 s10, s14  }
0x19e: {  	v53 =	vsub.f32 v44, v32;
	v26 =	vsub.f32 v57, v15;
	v2 =	vmul.f32 s13, v2;
	s10 =	smul.f32 $1.562500000e-02, s20;
	s4 =	ssub.s32 $0x5F3759DF, s29;
	v7 =	vld [tilespmem:$0x12F60];
	s29 =	spop (v2sf)  }
0x19f: {  	s3 =	ssub.f32 $1.500000000e+00, s21;
	v10 =	vsub.f32 v51, v52;
	[tilespmem:s9+$0xFFFFFF60] =	vst v9;
	v9 =	vld [tilespmem:$0x1FE80];
	v5 =	vadd.f32 v56, v11;
	v11, _, _ =	vpop (xrf2);
	s17 =	smul.f32 $1.562500000e-02, s29  }
0x1a0: {  	v0 =	vadd.f32 v0, v13;
	s21 =	smul.f32 s4, s0;
	v2 =	vmul.f32 v2, v23;
	s10 =	ssub.f32 s10, s30;
	v51 =	vld [tilespmem:$0x12F90];
	(v2sf) =	vpush v11, $0xF  }
0x1a1: {  	v57 =	vmovc v53;
	v56 =	vld [tilespmem:$0x1FED0];
	v11 =	vsub.f32 v37, v27;
	v53 =	vmul.f32 s25, v25;
	v25 =	vmov s17  }
0x1a2: {  	[tilespmem:s9+$0x50] =	vst v0;
	v0 =	vmul.f32 s18, v21;
	v2 =	vadd.f32 v2, v16;
	s14 =	smul.f32 s4, s21;
	s10 =	sadd.f32 $9.999999960e-13, s10;
	v21 =	vsub.f32 v58, v25;
	v58 =	vmovc v10;
	v10 =	vld [tilespmem:$0x1FE70]  }
0x1a3: {  	v22 =	vsub.f32 v60, v3;
	v44 =	vsub.f32 v43, v3;
	v3 =	vld [tilespmem:$0x12F60];
	[tilespmem:s9+$0x90] =	vst v5;
	s30 =	smul.f32 s17, s17;
	s19 =	spop (v2sf)  }
0x1a4: {  	[tilespmem:s9+$0xFFFFFF20] =	vst v2;
	v2 =	vld [tilespmem:$0x12FA0];
	s17 =	smul.f32 $1.562500000e-02, s19;
	v11 =	vmul.f32 v53, v11  }
0x1a5: {  	v16, _, _ =	vpop (xrf2);
	v6 =	vmul.f32 s16, v6;
	v23 =	vld [tilespmem:$0x12F60];
	s20 =	sshrl.u32 s10, $0x1;
	s19 =	smul.f32 $5.000000000e-01, s10  }
0x1a6: {  	s29 =	ssub.f32 $1.500000000e+00, s14;
	s14 =	ssub.s32 $0x5F3759DF, s20;
	(v2sf) =	vpush v16, $0xF;
	v16 =	vld [tilespmem:$0x1FE60];
	v5 =	vadd.f32 v11, v51  }
0x1a7: {  	v0 =	vmul.f32 v0, v19;
	s21 =	ssub.f32 s17, s30;
	s30 =	smul.f32 s14, s19;
	v6 =	vmul.f32 v6, v10;
	v10 =	vld [tilespmem:$0x12FA0]  }
0x1a8: {  	v4 =	vsub.f32 v42, v52;
	v52 =	vld [tilespmem:$0x12F70];
	v3 =	vmul.f32 s28, v3;
	s10 =	smul.f32 s4, s29;
	[tilespmem:s23+$0xD0] =	vst v5  }
0x1a9: {  	v7 =	vmul.f32 s2, v7;
	s29 =	spop (v2sf);
	v0 =	vadd.f32 v0, v2;
	s17 =	smul.f32 s14, s30;
	v2 =	vld [tilespmem:$0x12F60]  }
0x1aa: {  	v32 =	vsub.f32 v54, v25;
	v54 =	vld [tilespmem:$0x12FA0];
	v3 =	vmul.f32 v3, v30;
	s30 =	smul.f32 $1.562500000e-02, s29  }
0x1ab: {  	v7 =	vmul.f32 v7, v16;
	v16 =	vld [tilespmem:$0x12FA0]  }
0x1ac: {  	v53 =	vld [tilespmem:$0x12F70];
	v3 =	vadd.f32 v3, v10;
	v10 =	vmov s30  }
0x1ad: {  	v37 =	vsub.f32 v39, v15;
	[tilespmem:s9+$0xFFFFFFA0] =	vst v0;
	v39 =	vsub.f32 v1, v10;
	v1 =	vld [tilespmem:$0x12FA0]  }
0x1ae: {  	v11 =	vld [tilespmem:$0x12FA0];
	v2 =	vmul.f32 s25, v2;
	[tilespmem:s9+$0x60] =	vst v3;
	v3 =	vsub.f32 v33, v27  }
0x1af: {  	v51 =	vmul.f32 s31, v23;
	v7 =	vadd.f32 v7, v54;
	v54 =	vld [tilespmem:$0x12F70]  }
0x1b0: {  	v40 =	vsub.f32 v61, v15;
	v0 =	vadd.f32 v6, v16;
	v6 =	vld [tilespmem:$0x1FE90];
	v2 =	vmul.f32 v2, v3  }
0x1b1: {  	v43 =	vsub.f32 v59, v25;
	s21 =	sadd.f32 $9.999999960e-13, s21;
	v9 =	vmul.f32 v51, v9;
	[tilespmem:s9+$0xFFFFFFE0] =	vst v7;
	v7 =	vld [tilespmem:$0x1FEA0]  }
0x1b2: {  	s8 =	smul.f32 s8, s3;
	v59 =	vmov v40;
	v40 =	vsub.f32 v55, v25;
	v55 =	vld [tilespmem:$0x12F70];
	v2 =	vadd.f32 v2, v1  }
0x1b3: {  	s20 =	sshrl.u32 s21, $0x1;
	s21 =	smul.f32 $5.000000000e-01, s21;
	[tilespmem:s9+$0x20] =	vst v0;
	v0 =	vadd.f32 v9, v11;
	v9 =	vld [tilespmem:$0x1FEB0]  }
0x1b4: {  	s4 =	ssub.f32 $1.500000000e+00, s17;
	s29 =	smul.f32 s30, s30;
	s3 =	ssub.s32 $0x5F3759DF, s20;
	[tilespmem:s23+$0xE0] =	vst v2;
	v2 =	vld [tilespmem:$0x1FEE0]  }
0x1b5: {  	v5 =	vmul.f32 s13, v52;
	s13 =	smul.f32 s3, s21;
	s30 =	spop (v2sf);
	v11 =	vld [tilespmem:$0x12F70];
	v6 =	vadd.f32 v6, v46  }
0x1b6: {  	s17 =	smul.f32 $1.562500000e-02, s30;
	s20 =	spop (v2sf);
	v16 =	vld [tilespmem:$0x12F70];
	[tilespmem:s9+$0xA0] =	vst v0  }
0x1b7: {  	s20 =	smul.f32 $1.562500000e-02, s20;
	v3 =	vld [tilespmem:$0x12F70];
	[tilespmem:s6+$0x30] =	vst v6;
	v6 =	vmul.f32 s18, v54  }
0x1b8: {  	s22 =	sadd.s32 $0x8, s22;
	v62 =	vsub.f32 v62, v15;
	v12 =	vmul.f32 s12, v53;
	v23 =	vsub.f32 v36, v10;
	s13 =	smul.f32 s3, s13;
	v1 =	vld [tilespmem:$0x1FEC0]  }
0x1b9: {  	p0 =	slt.u32 s22, $0x188;
	s30 =	smul.f32 s17, s17;
	v15 =	vmov s17;
	v7 =	vadd.f32 v7, v28;
	s17 =	ssub.f32 s20, s29;
	v42 =	vmul.f32 v6, v2;
	v2 =	vld [tilespmem:$0x1FEF0]  }
.Ltmp0:
0x1ba: {  	v41 =	vmul.f32 v12, v56;
	v28 =	vsub.f32 v34, v10;
	v10 =	vsub.f32 v35, v10;
	v0 =	vld [tilespmem:$0x12FB0];
	s20 =	ssub.f32 $1.500000000e+00, s13;
	(pc) =	sbr.rel @p0 .LBB2_2-.Ltmp0, $4  }
0x1bb: {  	v38 =	vsub.f32 v38, v15;
	v34 =	vld [tilespmem:$0x12FB0];
	[tilespmem:s6+$0x70] =	vst v7;
	v7 =	vmul.f32 s2, v55;
	s2 =	smul.f32 s14, s4;
	v9 =	vadd.f32 v9, v47;
	s18 =	spop (v2sf)  }
0x1bc: {  	v60 =	vmovc v14;
	v25 =	vsub.f32 v48, v15;
	v20 =	vsub.f32 v49, v15;
	v35 =	vld [tilespmem:$0x12FB0];
	s29 =	smul.f32 $1.562500000e-02, s18;
	v31 =	vmul.f32 s16, v11  }
0x1bd: {  	v19 =	vmovc v4;
	v33 =	vsub.f32 v50, v15;
	s13 =	sadd.f32 $9.999999960e-13, s17;
	s12 =	smul.f32 s3, s20;
	v47 =	vmovc v45;
	v36 =	vmul.f32 s28, v16;
	[tilespmem:s6+$0xB0] =	vst v9;
	s6 =	smov.u32 s9;
	v45 =	vld [tilespmem:$0x12F70];
	v30 =	vmul.f32 s31, v3  }
0x1be: {  	v61 =	vmovc v43;
	v48 =	vmovc v44;
	v49 =	vmov v10;
	s9 =	smov.u32 s23;
	s23 =	sadd.s32 $0x200, s23;
	s4 =	ssub.f32 s29, s30;
	v43 =	vmul.f32 v5, v1;
	v1 =	vld [tilespmem:$0x12FB0];
	v44 =	vmul.f32 v7, v2  }
0x1bf: {  	s3 =	sshrl.u32 s13, $0x1;
	s13 =	smul.f32 $5.000000000e-01, s13  }
0x1c0: {  	s16 =	smul.f32 s1, s24  }
0x1c1: {  	s18 =	smul.f32 s8, s26  }
0x1c2: {  	s22 =	smul.f32 s10, s0  }
0x1c3: {  	s30 =	smul.f32 s2, s19  }
0x1c4: {  	s23 =	smul.f32 s12, s21;
	s3 =	ssub.s32 $0x5F3759DF, s3  }
0x1c5: {  	s14 =	smul.f32 s3, s13  }
0x1c6: {  	s16 =	smul.f32 s16, s1  }
0x1c7: {  	s18 =	smul.f32 s18, s8  }
0x1c8: {  	s4 =	sadd.f32 $9.999999960e-13, s4;
	s22 =	smul.f32 s22, s10  }
0x1c9: {  	s23 =	smul.f32 s23, s12  }
0x1ca: {  	s15 =	smul.f32 $5.000000000e-01, s4;
	s4 =	sshrl.u32 s4, $0x1  }
0x1cb: {  	s14 =	smul.f32 s3, s14;
	s4 =	ssub.s32 $0x5F3759DF, s4;
	s16 =	ssub.f32 $1.500000000e+00, s16  }
0x1cc: {  	s18 =	ssub.f32 $1.500000000e+00, s18;
	s17 =	smul.f32 s4, s15  }
0x1cd: {  	s22 =	ssub.f32 $1.500000000e+00, s22;
	s16 =	smul.f32 s16, s1  }
0x1ce: {  	s20 =	ssub.f32 $1.500000000e+00, s23;
	s18 =	smul.f32 s18, s8  }
0x1cf: {  	s22 =	smul.f32 s22, s10  }
0x1d0: {  	s14 =	ssub.f32 $1.500000000e+00, s14;
	s12 =	smul.f32 s20, s12  }
0x1d1: {  	s28 =	smul.f32 s4, s17  }
0x1d2: {  	s3 =	smul.f32 s3, s14  }
0x1d3: {  	s24 =	smul.f32 s16, s24  }
0x1d4: {  	s26 =	smul.f32 s18, s26  }
0x1d5: {  	s14 =	ssub.f32 $1.500000000e+00, s28;
	s28 =	smul.f32 s22, s0  }
0x1d6: {  	s29 =	smul.f32 s3, s13  }
0x1d7: {  	s8 =	smul.f32 s24, s16  }
0x1d8: {  	s4 =	smul.f32 s4, s14  }
0x1d9: {  	s14 =	smul.f32 s30, s2  }
0x1da: {  	s30 =	smul.f32 s12, s21  }
0x1db: {  	s0 =	smul.f32 s28, s22  }
0x1dc: {  	s17 =	smul.f32 s29, s3  }
0x1dd: {  	s31 =	smul.f32 s4, s15;
	s14 =	ssub.f32 $1.500000000e+00, s14  }
0x1de: {  	s0 =	ssub.f32 $1.500000000e+00, s0;
	s24 =	smul.f32 s30, s12  }
0x1df: {  	s17 =	ssub.f32 $1.500000000e+00, s17;
	s14 =	smul.f32 s14, s2  }
0x1e0: {  	s0 =	smul.f32 s0, s22  }
0x1e1: {  	s3 =	smul.f32 s17, s3  }
0x1e2: {  	s17 =	smul.f32 s31, s4  }
0x1e3: {  	s23 =	smul.f32 s3, s13  }
0x1e4: {  	s31 =	ssub.f32 $1.500000000e+00, s8;
	s13 =	smul.f32 s26, s18  }
0x1e5: {  	s29 =	smul.f32 s14, s19  }
0x1e6: {  	s20 =	smul.f32 s31, s16;
	s13 =	ssub.f32 $1.500000000e+00, s13  }
0x1e7: {  	s28 =	ssub.f32 $1.500000000e+00, s24;
	s2 =	smul.f32 s23, s3  }
0x1e8: {  	v3 =	vmul.f32 s20, v17;
	s21 =	smul.f32 s13, s18  }
0x1e9: {  	s17 =	ssub.f32 $1.500000000e+00, s17;
	s13 =	smul.f32 s28, s12  }
0x1ea: {  	s22 =	smul.f32 s29, s14;
	s2 =	ssub.f32 $1.500000000e+00, s2;
	v3 =	vmul.f32 v3, v18;
	v4 =	vmul.f32 s21, v17  }
0x1eb: {  	s4 =	smul.f32 s17, s4;
	v9 =	vmul.f32 s13, v17  }
0x1ec: {  	v5 =	vmul.f32 s0, v17;
	s2 =	smul.f32 s2, s3;
	v6 =	vadd.f32 v3, v8;
	v4 =	vmul.f32 v4, v22  }
0x1ed: {  	s23 =	smul.f32 s4, s15;
	v9 =	vmul.f32 v9, v32  }
0x1ee: {  	v5 =	vmul.f32 v5, v24;
	v3 =	vld [tilespmem:$0x12FB0];
	v2 =	vmul.f32 s2, v17;
	[tilespmem:s9+$0xFFFFFF40] =	vst v6;
	v24 =	vadd.f32 v4, v8  }
0x1ef: {  	s3 =	ssub.f32 $1.500000000e+00, s22;
	s15 =	smul.f32 s23, s4;
	v51 =	vld [tilespmem:$0x12F50];
	v9 =	vadd.f32 v9, v8  }
0x1f0: {  	v12 =	vld [tilespmem:$0x12F90];
	v2 =	vmul.f32 v2, v39;
	v39 =	vadd.f32 v5, v8;
	[tilespmem:s9+$0xFFFFFF80] =	vst v24  }
0x1f1: {  	s26 =	smul.f32 s3, s14;
	s29 =	ssub.f32 $1.500000000e+00, s15;
	[tilespmem:s9+$0x40] =	vst v9;
	v9 =	vld [tilespmem:$0x12FB0]  }
0x1f2: {  	[tilespmem:s9+$0xFFFFFFC0] =	vst v39;
	v7 =	vld [tilespmem:$0x12F50]  }
0x1f3: {  	v50 =	vmul.f32 s26, v17;
	s30 =	smul.f32 s29, s4;
	v53 =	vld [tilespmem:$0x12F50]  }
0x1f4: {  	v2 =	vadd.f32 v2, v8;
	v13 =	vld [tilespmem:$0x12F90]  }
0x1f5: {  	v52 =	vmul.f32 v50, v26;
	v11 =	vmul.f32 s30, v17;
	v14 =	vld [tilespmem:$0x12F90]  }
0x1f6: {  	v15 =	vld [tilespmem:$0x12F50];
	[tilespmem:s9+$0xFFFFFF00] =	vst v2  }
0x1f7: {  	v4 =	vadd.f32 v52, v8;
	v11 =	vmul.f32 v11, v38;
	v46 =	vld [tilespmem:$0x12F50]  }
0x1f8: {  	v56 =	vld [tilespmem:$0x12F90]  }
0x1f9: {  	v10 =	vld [tilespmem:$0x12F90];
	[tilespmem:s9+$0x0] =	vst v4;
	v54 =	vadd.f32 v11, v8  }
0x1fa: {  	v4 =	vld [tilespmem:$0x12F50];
	v7 =	vmul.f32 s21, v7  }
0x1fb: {  	v55 =	vld [tilespmem:$0x12F90];
	[tilespmem:s9+$0x80] =	vst v54;
	v22 =	vmul.f32 s13, v15  }
0x1fc: {  	v16 =	vld [tilespmem:$0x1FF50];
	v5 =	vmul.f32 s2, v46;
	v7 =	vmul.f32 v7, v63  }
0x1fd: {  	v8 =	vld [tilespmem:$0x12F50]  }
0x1fe: {  	v63 =	vld [tilespmem:$0x1FFB0];
	v32 =	vmul.f32 v22, v21;
	v5 =	vmul.f32 v5, v28;
	v7 =	vadd.f32 v7, v13  }
0x1ff: {  	v2 =	vmul.f32 s20, v51;
	v17 =	vld [tilespmem:$0x12F90]  }
0x200: {  	v4 =	vmul.f32 s26, v4;
	v39 =	vadd.f32 v32, v56;
	v5 =	vadd.f32 v5, v10;
	v10 =	vld [tilespmem:$0x12FB0];
	[tilespmem:s9+$0xFFFFFF90] =	vst v7  }
0x201: {  	v6 =	vmul.f32 s0, v53;
	v2 =	vmul.f32 v2, v16;
	v38 =	vld [tilespmem:$0x12F60]  }
0x202: {  	v4 =	vmul.f32 v4, v62;
	[tilespmem:s9+$0x50] =	vst v39;
	v53 =	vld [tilespmem:$0x12FA0]  }
0x203: {  	v6 =	vmul.f32 v6, v63;
	v56 =	vld [tilespmem:$0x12FA0];
	v2 =	vadd.f32 v2, v12;
	[tilespmem:s9+$0xFFFFFF10] =	vst v5  }
0x204: {  	v4 =	vadd.f32 v4, v55;
	v18 =	vld [tilespmem:$0x12F60]  }
0x205: {  	v6 =	vadd.f32 v6, v14;
	v24 =	vld [tilespmem:$0x12FA0];
	[tilespmem:s9+$0xFFFFFF50] =	vst v2  }
0x206: {  	v26 =	vmul.f32 s30, v8;
	[tilespmem:s9+$0x10] =	vst v4;
	v28 =	vld [tilespmem:$0x12F60]  }
0x207: {  	[tilespmem:s9+$0xFFFFFFD0] =	vst v6;
	v46 =	vld [tilespmem:$0x12F60]  }
0x208: {  	v2 =	vmul.f32 v26, v25;
	v6 =	vld [tilespmem:$0x12F60]  }
0x209: {  	v4 =	vld [tilespmem:$0x12F60];
	v11 =	vmul.f32 s21, v38  }
0x20a: {  	v50 =	vld [tilespmem:$0x12FA0];
	v2 =	vadd.f32 v2, v17;
	v51 =	vmul.f32 s2, v18  }
0x20b: {  	v55 =	vld [tilespmem:$0x12FA0];
	v11 =	vmul.f32 v11, v60  }
0x20c: {  	v54 =	vld [tilespmem:$0x12FA0];
	[tilespmem:s9+$0x90] =	vst v2;
	v8 =	vmul.f32 s20, v28;
	v2 =	vmul.f32 v51, v23  }
0x20d: {  	v52 =	vld [tilespmem:$0x12F60];
	v7 =	vmul.f32 s26, v46;
	v11 =	vadd.f32 v11, v53;
	v6 =	vmul.f32 s0, v6  }
0x20e: {  	v4 =	vmul.f32 s13, v4;
	v8 =	vmul.f32 v8, v57;
	v57 =	vld [tilespmem:$0x12FA0]  }
0x20f: {  	v2 =	vadd.f32 v2, v24;
	v60 =	vmul.f32 v7, v59;
	[tilespmem:s9+$0xFFFFFFA0] =	vst v11;
	v6 =	vmul.f32 v6, v58;
	v58 =	vld [tilespmem:$0x12FB0]  }
0x210: {  	v11 =	vld [tilespmem:$0x12F70];
	v5 =	vadd.f32 v8, v50  }
0x211: {  	v4 =	vmul.f32 v4, v61;
	v46 =	vld [tilespmem:$0x12FB0];
	[tilespmem:s9+$0xFFFFFF20] =	vst v2;
	v2 =	vadd.f32 v60, v55  }
0x212: {  	v62 =	vmul.f32 s30, v52;
	v63 =	vld [tilespmem:$0x12F70];
	v18 =	vadd.f32 v6, v54;
	[tilespmem:s9+$0xFFFFFF60] =	vst v5  }
0x213: {  	v4 =	vadd.f32 v4, v56;
	[tilespmem:s9+$0x20] =	vst v2;
	v22 =	vld [tilespmem:$0x12F70]  }
0x214: {  	v0 =	vadd.f32 v43, v0;
	v21 =	vmul.f32 v62, v20;
	[tilespmem:s9+$0xFFFFFFE0] =	vst v18;
	v26 =	vld [tilespmem:$0x12F70]  }
0x215: {  	v1 =	vadd.f32 v41, v1;
	v24 =	vld [tilespmem:$0x1FF00];
	[tilespmem:s9+$0x60] =	vst v4  }
0x216: {  	v43 =	vld [tilespmem:$0x12FB0];
	v23 =	vadd.f32 v21, v57;
	[tilespmem:s6+$0xFFFFFF30] =	vst v0  }
0x217: {  	v28 =	vadd.f32 v42, v34;
	v55 =	vld [tilespmem:$0x12FB0];
	[tilespmem:s6+$0xFFFFFF70] =	vst v1  }
0x218: {  	v5 =	vld [tilespmem:$0x12F70];
	[tilespmem:s9+$0xA0] =	vst v23  }
0x219: {  	v25 =	vmul.f32 s25, v45;
	v51 =	vmul.f32 s21, v11;
	v39 =	vld [tilespmem:$0x1FF10];
	[tilespmem:s6+$0xFFFFFFB0] =	vst v28  }
0x21a: {  	v35 =	vadd.f32 v44, v35;
	v34 =	vmul.f32 v31, v29;
	v44 =	vld [tilespmem:$0x1FF20];
	v7 =	vmul.f32 s20, v22  }
0x21b: {  	v52 =	vld [tilespmem:$0x12FB0];
	v57 =	vmul.f32 v51, v48;
	v56 =	vmul.f32 s26, v26  }
0x21c: {  	v45 =	vadd.f32 v34, v9;
	v32 =	vld [tilespmem:$0x12F70];
	v6 =	vsub.f32 v24, v27;
	v54 =	vmul.f32 v7, v47  }
0x21d: {  	[tilespmem:s6+$0xFFFFFFF0] =	vst v35;
	v60 =	vadd.f32 v57, v46;
	v27 =	vld [tilespmem:$0x12F70];
	v53 =	vmul.f32 s0, v5;
	v0 =	vmul.f32 v56, v37  }
0x21e: {  	[tilespmem:s6+$0x30] =	vst v45;
	v6 =	vmul.f32 v25, v6;
	v5 =	vadd.f32 v54, v43  }
0x21f: {  	v38 =	vld [tilespmem:$0x12FB0];
	[tilespmem:s9+$0xFFFFFFB0] =	vst v60;
	v1 =	vmul.f32 v53, v19;
	v0 =	vadd.f32 v0, v55;
	v12 =	vmul.f32 v30, v44  }
0x220: {  	v42 =	vmul.f32 s2, v63;
	v59 =	vld [tilespmem:$0x12FB0];
	v15 =	vmul.f32 v36, v39;
	v41 =	vadd.f32 v6, v3;
	[tilespmem:s9+$0xFFFFFF70] =	vst v5  }
0x221: {  	v8 =	vmul.f32 s30, v32;
	v1 =	vadd.f32 v1, v52;
	[tilespmem:s9+$0x30] =	vst v0;
	v12 =	vadd.f32 v12, v58;
	v58 =	vld [tilespmem:$0x12FB0]  }
0x222: {  	v3 =	vmul.f32 v42, v49;
	v50 =	vadd.f32 v15, v10;
	v2 =	vmul.f32 s13, v27;
	[tilespmem:s9+$0xF0] =	vst v41  }
0x223: {  	v61 =	vmul.f32 v8, v33;
	[tilespmem:s9+$0xFFFFFFF0] =	vst v1  }
0x224: {  	v3 =	vadd.f32 v3, v38;
	[tilespmem:s6+$0x70] =	vst v50;
	v2 =	vmul.f32 v2, v40  }
0x225: {  	v63 =	vadd.f32 v61, v59;
	[tilespmem:s6+$0xB0] =	vst v12  }
0x226: {  	[tilespmem:s9+$0xFFFFFF30] =	vst v3;
	v62 =	vadd.f32 v2, v58  }
0x227: {  	[tilespmem:s9+$0xB0] =	vst v63  }
0x228: {  	[tilespmem:s9+$0x70] =	vst v62  }
0x229: {  	s9 =	simm.s32 $0x0;
	s31 =	rddreg [dreg:$0x9]  }
0x22a: {  	[hbm4b:s31+s9] =	stream.linear.scatter [tilespmem:s7], [sflag:$0x3], $0x6400, $0x38;
	[tilespmem:$0x12FC0] =	vst v63  }
.LBB2_4:
0x22b: {  	s15 =	sshll.u32 s9, $0x1;
	s0 =	rddreg [dreg:$0xa]  }
0x22c: {  	s1 =	simm.s32 $0x3;
	s0 =	sadd.s32 s15, s0  }
0x22d: {  	_ =	swait.ge [sflag:s1], $0x6400;
	[dreg:$0xf] =	wrdreg s0;
	s0 =	smul.u32 $0x34, s0  }
0x22e: {  	[sflag:s1] =	ssyncset.done $0x0;
	s18 =	rddreg [dreg:$0x3]  }
0x22f: {  	s19 =	simm.s32 $0x5;
	[sflag:s1] =	ssyncadd.s32 $0xFFFF9C00;
	s0 =	sadd.s32 s18, s0  }
0x230: {  	[tilespmem:s11], [sflag:$0x5] =	stream.linear.gather [hbm4b:s0+s11], $0x1A0, $0x38;
	[tilespmem:$0x12FC0] =	vst v63  }
0x231: {  	_ =	swait.ge [sflag:s19], $0x1A0  }
0x232: {  	[sflag:s19] =	ssyncset.done $0x0  }
0x233: {  	s20 =	simm.s32 $0x64;
	[sflag:s19] =	ssyncadd.s32 $0xFFFFFE60  }
0x234: {  	[tilespmem:s7], [sflag:$0x1] =	stream.indirect.gather [hbm4b:s5+s20], $0x40, s11, s20, $0xb8;
	[tilespmem:$0x12FC0] =	vst v63  }
0x235: {  	s21 =	simm.s32 $0x68;
	s2 =	simm.s32 $0x1C40  }
0x236: {  	[tilespmem:s2], [sflag:$0x1] =	stream.indirect.gather [hbm4b:s5+s20], $0x40, s21, s20, $0xb8;
	[tilespmem:$0x12FC0] =	vst v63  }
0x237: {  	s22 =	simm.s32 $0xD0;
	s23 =	simm.s32 $0x3540  }
0x238: {  	[tilespmem:s23], [sflag:$0x1] =	stream.indirect.gather [hbm4b:s5+s20], $0x40, s22, s20, $0xb8;
	[tilespmem:$0x12FC0] =	vst v63  }
0x239: {  	s24 =	simm.s32 $0x138;
	s25 =	simm.s32 $0x4E40;
	s26 =	simm.s32 $0x2  }
0x23a: {  	[tilespmem:s25], [sflag:$0x1] =	stream.indirect.gather [hbm4b:s5+s20], $0x40, s24, s20, $0xb8;
	[tilespmem:$0x12FC0] =	vst v63  }
0x23b: {  	_ =	swait.ge [sflag:s26], $0x1900  }
0x23c: {  	[sflag:s26] =	ssyncset.done $0x0  }
0x23d: {  	[sflag:s26] =	ssyncadd.s32 $0xFFFFE700  }
0x23e: {  	_ =	swait.ge [sflag:s26], $0x1900  }
0x23f: {  	[sflag:s26] =	ssyncset.done $0x0  }
0x240: {  	[sflag:s26] =	ssyncadd.s32 $0xFFFFE700  }
0x241: {  	_ =	swait.ge [sflag:s26], $0x1900  }
0x242: {  	[sflag:s26] =	ssyncset.done $0x0  }
0x243: {  	[sflag:s26] =	ssyncadd.s32 $0xFFFFE700  }
0x244: {  	_ =	swait.ge [sflag:s26], $0x1900  }
0x245: {  	[sflag:s26] =	ssyncset.done $0x0  }
0x246: {  	s22 =	simm.s32 $0x6840;
	[sflag:s26] =	ssyncadd.s32 $0xFFFFE700  }
0x247: {  	s29 =	simm.s32 $0xCC40;
	v0 =	vld [tilespmem:s22+$0xC0]  }
0x248: {  	v1 =	vld [tilespmem:s29+$0xC0]  }
0x249: {  	v2 =	vld [tilespmem:s22+$0xD0]  }
0x24a: {  	v3 =	vld [tilespmem:s29+$0xD0]  }
0x24b: {  	v5 =	vld [tilespmem:s22+$0xE0]  }
0x24c: {  	v6 =	vld [tilespmem:s29+$0xE0]  }
0x24d: {  	v7 =	vld [tilespmem:s22+$0xF0]  }
0x24e: {  	v9 =	vld [tilespmem:s29+$0xF0]  }
0x24f: {  	v4 =	vld [tilespmem:s29+$0xFFFFFF00]  }
0x250: {  	v12 =	vld [tilespmem:s29+$0xFFFFFF40]  }
0x251: {  	v13 =	vld [tilespmem:s22+$0xFFFFFF50]  }
0x252: {  	v14 =	vld [tilespmem:s22+$0xFFFFFF70];
	v18 =	vadd.f32 v1, v0  }
0x253: {  	v15 =	vld [tilespmem:s22+$0xFFFFFF80];
	v11 =	vadd.f32 v3, v2;
	v3 =	vadd.f32 v6, v5  }
0x254: {  	v16 =	vld [tilespmem:s29+$0xFFFFFF80];
	v61 =	vadd.f32 v9, v7;
	v0 =	vmul.f32 v18, v18  }
0x255: {  	v17 =	vld [tilespmem:s22+$0xFFFFFF90];
	v1 =	vmul.f32 v11, v11;
	v5 =	vmul.f32 v3, v3  }
0x256: {  	v19 =	vld [tilespmem:s29+$0xFFFFFF90];
	v7 =	vmul.f32 v61, v61;
	v9 =	vadd.f32 v11, v18;
	v10 =	vadd.f32 v61, v3  }
0x257: {  	v20 =	vld [tilespmem:s22+$0xFFFFFFA0];
	v0 =	vadd.f32 v1, v0  }
0x258: {  	v2 =	vld [tilespmem:s22+$0xFFFFFF40];
	v1 =	vadd.f32 v7, v5;
	v45 =	vadd.f32 v10, v9  }
0x259: {  	v9 =	vld [tilespmem:s29+$0xFFFFFF50]  }
0x25a: {  	v10 =	vld [tilespmem:s22+$0xFFFFFF60];
	v0 =	vadd.f32 v1, v0;
	(xrf2) =	vadd.scan.msk.f32 $0xffff, v45  }
0x25b: {  	v1 =	vld [tilespmem:s29+$0xFFFFFF60]  }
0x25c: {  	(xrf2) =	vadd.scan.msk.f32 $0xffff, v0;
	v0 =	vld [tilespmem:s29+$0xFFFFFF70]  }
0x25d: {  	v21 =	vld [tilespmem:s29+$0xFFFFFFB0]  }
0x25e: {  	v5 =	vadd.f32 v12, v2;
	v47 =	vadd.f32 v9, v13;
	v9 =	vld [tilespmem:s29+$0xFFFFFFA0]  }
0x25f: {  	v24 =	vld [tilespmem:s22+$0xFFFFFFC0]  }
0x260: {  	v2 =	vadd.f32 v1, v10;
	v1 =	vld [tilespmem:s22+$0xFFFFFFB0];
	v10 =	vmul.f32 v5, v5;
	v46 =	vmul.f32 v47, v47  }
0x261: {  	v29 =	vld [tilespmem:s29+$0xFFFFFFC0];
	v7 =	vadd.f32 v19, v17;
	v0 =	vadd.f32 v0, v14  }
0x262: {  	v51 =	vld [tilespmem:s22+$0xFFFFFFE0];
	v25 =	vadd.f32 v46, v10;
	v10 =	vadd.f32 v16, v15  }
0x263: {  	v17 =	vld [tilespmem:s29+$0xFFFFFFD0];
	v13 =	vadd.f32 v47, v5;
	v26 =	vmul.f32 v2, v2;
	v6 =	vadd.f32 v9, v20  }
0x264: {  	v16 =	vld [tilespmem:s22+$0xFFFFFFD0];
	v23 =	vadd.f32 v0, v2;
	v50 =	vmul.f32 v0, v0;
	v15 =	vadd.f32 v7, v10;
	v48, _, _ =	vpop (xrf2)  }
0x265: {  	v20 =	vld [tilespmem:s29+$0xFFFFFFE0];
	v1 =	vadd.f32 v21, v1;
	(v2sf) =	vpush v48, $0xF  }
0x266: {  	v21 =	vld [tilespmem:s22+$0xFFFFFFF0];
	v30 =	vmul.f32 v6, v6;
	v13 =	vadd.f32 v23, v13;
	v14 =	vadd.f32 v50, v26;
	v49, _, _ =	vpop (xrf2)  }
0x267: {  	v23 =	vmul.f32 v10, v10;
	v26 =	vld [tilespmem:s29+$0xFFFFFFF0];
	v19 =	vadd.f32 v1, v6;
	(v2sf) =	vpush v49, $0xF  }
0x268: {  	v8 =	vld [tilespmem:s22+$0xFFFFFF10];
	v31 =	vmul.f32 v1, v1;
	(xrf2) =	vadd.scan.msk.f32 $0xffff, v13;
	v14 =	vadd.f32 v14, v25;
	v25 =	vmul.f32 v7, v7  }
0x269: {  	v32 =	vld [tilespmem:s22+$0x0];
	v52 =	vadd.f32 v19, v15;
	v15 =	vadd.f32 v29, v24  }
0x26a: {  	v53 =	vld [tilespmem:s29+$0x10];
	v24 =	vadd.f32 v31, v30;
	v23 =	vadd.f32 v25, v23  }
0x26b: {  	v33 =	vld [tilespmem:s29+$0x30];
	v13 =	vadd.f32 v20, v51;
	v19 =	vadd.f32 v17, v16  }
0x26c: {  	v29 =	vld [tilespmem:s22+$0x10];
	(xrf2) =	vadd.scan.msk.f32 $0xffff, v14;
	v16 =	vadd.f32 v26, v21;
	v17 =	vadd.f32 v24, v23  }
0x26d: {  	v25 =	vld [tilespmem:s29+$0x0];
	(xrf2) =	vadd.scan.msk.f32 $0xffff, v52  }
0x26e: {  	v20 =	vadd.f32 v19, v15;
	v23 =	vld [tilespmem:s22+$0x20];
	(xrf2) =	vadd.scan.msk.f32 $0xffff, v17;
	v17 =	vadd.f32 v16, v13  }
0x26f: {  	v30 =	vmul.f32 v15, v15;
	v31 =	vmul.f32 v19, v19;
	v24 =	vld [tilespmem:s29+$0x20]  }
0x270: {  	v34 =	vmul.f32 v13, v13;
	v26 =	vld [tilespmem:s22+$0x30];
	v35 =	vmul.f32 v16, v16;
	v17 =	vadd.f32 v17, v20  }
0x271: {  	v22 =	vld [tilespmem:s29+$0xFFFFFF10];
	v30 =	vadd.f32 v31, v30  }
0x272: {  	v36 =	vld [tilespmem:s22+$0x40];
	v20 =	vadd.f32 v53, v29;
	v29 =	vadd.f32 v35, v34;
	v21, _, _ =	vpop (xrf2);
	(xrf2) =	vadd.scan.msk.f32 $0xffff, v17  }
0x273: {  	v54 =	vld [tilespmem:s22+$0x50];
	(v2sf) =	vpush v21, $0xF  }
0x274: {  	v55 =	vld [tilespmem:s29+$0x70];
	v14 =	vadd.f32 v24, v23;
	v24 =	vadd.f32 v29, v30  }
0x275: {  	v17 =	vadd.f32 v33, v26;
	v21 =	vadd.f32 v25, v32;
	v25 =	vld [tilespmem:s29+$0x40];
	s2 =	spop (v2sf)  }
0x276: {  	v23 =	vld [tilespmem:s29+$0x50];
	v37 =	vmul.f32 v20, v20;
	v31, _, _ =	vpop (xrf2);
	s8 =	smul.f32 $1.562500000e-02, s2;
	s3 =	spop (v2sf)  }
0x277: {  	(xrf2) =	vadd.scan.msk.f32 $0xffff, v24;
	v24 =	vadd.f32 v17, v14;
	(v2sf) =	vpush v31, $0xF;
	v29, _, _ =	vpop (xrf2);
	v31 =	vld [tilespmem:s22+$0x70];
	v57 =	vmul.f32 v21, v21;
	s1 =	smul.f32 $1.562500000e-02, s3  }
0x278: {  	v26 =	vld [tilespmem:s22+$0x60];
	(v2sf) =	vpush v29, $0xF;
	v29 =	vadd.f32 v20, v21;
	s4 =	smul.f32 s8, s8  }
0x279: {  	v30 =	vld [tilespmem:s29+$0x60];
	v40 =	vmul.f32 v14, v14;
	v35 =	vadd.f32 v37, v57  }
0x27a: {  	v27 =	vld [tilespmem:s22+$0xFFFFFF20];
	v41 =	vmul.f32 v17, v17;
	v38, _, _ =	vpop (xrf2);
	v29 =	vadd.f32 v24, v29;
	v24 =	vadd.f32 v25, v36;
	s1 =	ssub.f32 s1, s4  }
0x27b: {  	v28 =	vld [tilespmem:s29+$0xFFFFFF20];
	v25 =	vadd.f32 v23, v54;
	(v2sf) =	vpush v38, $0xF  }
0x27c: {  	v56 =	vld [tilespmem:s22+$0xFFFFFF30];
	(xrf2) =	vadd.scan.msk.f32 $0xffff, v29;
	v29 =	vadd.f32 v41, v40;
	v23 =	vadd.f32 v55, v31;
	s1 =	sadd.f32 $9.999999960e-13, s1;
	v31, _, _ =	vpop (xrf2)  }
0x27d: {  	v39 =	vld [tilespmem:s29+$0xFFFFFF30];
	(v2sf) =	vpush v31, $0xF  }
0x27e: {  	v58 =	vld [tilespmem:s22+$0x80];
	v26 =	vadd.f32 v30, v26;
	v29 =	vadd.f32 v29, v35;
	s6 =	sshrl.u32 s1, $0x1;
	s1 =	smul.f32 $5.000000000e-01, s1  }
0x27f: {  	v59 =	vld [tilespmem:s29+$0x80];
	s2 =	ssub.s32 $0x5F3759DF, s6  }
0x280: {  	v62 =	vld [tilespmem:s29+$0x90];
	v49 =	vmul.f32 v26, v26;
	(xrf2) =	vadd.scan.msk.f32 $0xffff, v29;
	v29 =	vmul.f32 v23, v23;
	s3 =	smul.f32 s2, s1  }
0x281: {  	v43 =	vld [tilespmem:s22+$0xFFFFFF00];
	v60 =	vmul.f32 v24, v24;
	v48 =	vadd.f32 v23, v26  }
0x282: {  	v44 =	vld [tilespmem:s22+$0xB0];
	v63 =	vmul.f32 v25, v25;
	v31 =	vadd.f32 v25, v24;
	v29 =	vadd.f32 v29, v49;
	s3 =	smul.f32 s2, s3;
	s4 =	spop (v2sf)  }
0x283: {  	v51 =	vld [tilespmem:s29+$0xB0];
	s14 =	smul.f32 $1.562500000e-02, s4  }
0x284: {  	v42 =	vld [tilespmem:s29+$0xA0];
	v33 =	vadd.f32 v63, v60;
	v50, _, _ =	vpop (xrf2);
	v40 =	vadd.f32 v48, v31;
	s3 =	ssub.f32 $1.500000000e+00, s3  }
0x285: {  	v28 =	vadd.f32 v28, v27;
	v30 =	vld [tilespmem:s22+$0x90];
	(v2sf) =	vpush v50, $0xF;
	s7 =	smul.f32 s14, s14  }
0x286: {  	v27 =	vadd.f32 v22, v8;
	v12 =	vld [tilespmem:s22+$0xA0];
	(xrf2) =	vadd.scan.msk.f32 $0xffff, v40;
	v8 =	vadd.f32 v29, v33;
	s12 =	spop (v2sf);
	v29, _, _ =	vpop (xrf2);
	s2 =	smul.f32 s2, s3  }
0x287: {  	s4 =	smul.f32 $1.562500000e-02, s12;
	(v2sf) =	vpush v29, $0xF  }
0x288: {  	v34 =	vadd.f32 v51, v44;
	v36 =	vadd.f32 v4, v43;
	s10 =	spop (v2sf);
	s11 =	smul.f32 s2, s1  }
0x289: {  	v32 =	vadd.f32 v59, v58;
	v31 =	vadd.f32 v39, v56;
	s19 =	smul.f32 $1.562500000e-02, s10  }
0x28a: {  	v54 =	vmul.f32 v36, v36;
	v35 =	vadd.f32 v62, v30;
	(xrf2) =	vadd.scan.msk.f32 $0xffff, v8;
	v8 =	vmul.f32 v27, v27;
	s0 =	smul.f32 s11, s2  }
0x28b: {  	v52 =	vmul.f32 v28, v28;
	v22 =	vadd.f32 v31, v28;
	v33 =	vadd.f32 v42, v12;
	s13 =	smul.f32 s19, s19;
	s16 =	spop (v2sf)  }
0x28c: {  	v53 =	vmul.f32 v31, v31;
	v29 =	vadd.f32 v27, v36;
	v8 =	vadd.f32 v8, v54;
	s0 =	ssub.f32 $1.500000000e+00, s0;
	s12 =	spop (v2sf)  }
0x28d: {  	v30 =	vadd.f32 v35, v32;
	v56 =	vadd.f32 v34, v33;
	s26 =	smul.f32 $1.562500000e-02, s12  }
0x28e: {  	v4 =	vadd.f32 v53, v52;
	s3 =	ssub.f32 s4, s7;
	v22 =	vadd.f32 v22, v29;
	v57, _, _ =	vpop (xrf2);
	s0 =	smul.f32 s0, s2  }
0x28f: {  	v30 =	vadd.f32 v56, v30;
	(v2sf) =	vpush v57, $0xF;
	s2 =	smul.f32 $1.562500000e-02, s16  }
0x290: {  	v4 =	vadd.f32 v4, v8;
	s3 =	sadd.f32 $9.999999960e-13, s3;
	(xrf2) =	vadd.scan.msk.f32 $0xffff, v22;
	v8, _, _ =	vpop (xrf2);
	s12 =	smul.f32 s26, s26  }
0x291: {  	(xrf2) =	vadd.scan.msk.f32 $0xffff, v30;
	(v2sf) =	vpush v8, $0xF;
	s17 =	smul.f32 s0, s1;
	s2 =	ssub.f32 s2, s13  }
0x292: {  	v55 =	vmul.f32 v32, v32;
	v29 =	vmul.f32 v35, v35;
	s1 =	smul.f32 $5.000000000e-01, s3;
	s3 =	sshrl.u32 s3, $0x1  }
0x293: {  	v59 =	vmul.f32 v34, v34;
	v58 =	vmul.f32 v33, v33;
	s3 =	ssub.s32 $0x5F3759DF, s3;
	s10 =	smul.f32 s17, s0;
	s2 =	sadd.f32 $9.999999960e-13, s2  }
0x294: {  	v22 =	vadd.f32 v29, v55;
	(xrf2) =	vadd.scan.msk.f32 $0xffff, v4;
	v8, _, _ =	vpop (xrf2);
	s20 =	spop (v2sf);
	s18 =	smul.f32 s3, s1  }
0x295: {  	v29 =	vadd.f32 v59, v58;
	(v2sf) =	vpush v8, $0xF;
	s10 =	ssub.f32 $1.500000000e+00, s10;
	s13 =	sshrl.u32 s2, $0x1;
	s2 =	smul.f32 $5.000000000e-01, s2  }
0x296: {  	s4 =	smul.f32 s3, s18;
	s23 =	spop (v2sf)  }
0x297: {  	v60 =	vadd.f32 v29, v22;
	s28 =	smul.f32 $1.562500000e-02, s23  }
0x298: {  	v9 =	vld [tilespmem:$0x12F40];
	s0 =	smul.f32 s10, s0  }
0x299: {  	(xrf2) =	vadd.scan.msk.f32 $0xffff, v60;
	s16 =	ssub.s32 $0x5F3759DF, s13;
	s10 =	smul.f32 $1.562500000e-02, s20  }
0x29a: {  	v22, _, _ =	vpop (xrf2);
	s21 =	smul.f32 s16, s2  }
0x29b: {  	(v2sf) =	vpush v22, $0xF;
	v29, _, _ =	vpop (xrf2);
	s4 =	ssub.f32 $1.500000000e+00, s4;
	s17 =	smul.f32 s28, s28  }
0x29c: {  	v37 =	vmov s8;
	v12 =	vld [tilespmem:$0x12F80];
	(v2sf) =	vpush v29, $0xF;
	s10 =	ssub.f32 s10, s12;
	s12 =	smul.f32 s16, s21  }
0x29d: {  	v18 =	vsub.f32 v18, v37;
	v22 =	vmul.f32 s0, v9;
	s13 =	smul.f32 s3, s4  }
0x29e: {  	v29, _, _ =	vpop (xrf2);
	s24 =	spop (v2sf);
	s10 =	sadd.f32 $9.999999960e-13, s10  }
0x29f: {  	(v2sf) =	vpush v29, $0xF;
	s3 =	smul.f32 $1.562500000e-02, s24;
	v18 =	vmul.f32 v22, v18  }
0x2a0: {  	s29 =	spop (v2sf);
	s8 =	smul.f32 $5.000000000e-01, s10;
	s10 =	sshrl.u32 s10, $0x1  }
0x2a1: {  	v18 =	vadd.f32 v18, v12;
	s21 =	smul.f32 $1.562500000e-02, s29;
	s25 =	ssub.s32 $0x5F3759DF, s10  }
0x2a2: {  	s12 =	ssub.f32 $1.500000000e+00, s12;
	s10 =	smul.f32 s25, s8  }
0x2a3: {  	s3 =	ssub.f32 s3, s17;
	v22, _, _ =	vpop (xrf2);
	[tilespmem:s22+$0xC0] =	vst v18;
	s17 =	smul.f32 s21, s21  }
0x2a4: {  	(v2sf) =	vpush v22, $0xF;
	v18 =	vld [tilespmem:$0x12F50];
	s10 =	smul.f32 s25, s10;
	s18 =	spop (v2sf)  }
0x2a5: {  	s3 =	sadd.f32 $9.999999960e-13, s3;
	s23 =	smul.f32 $1.562500000e-02, s18  }
0x2a6: {  	s18 =	smul.f32 s16, s12  }
0x2a7: {  	s6 =	sshrl.u32 s3, $0x1;
	s24 =	ssub.f32 $1.500000000e+00, s10;
	s10 =	smul.f32 $5.000000000e-01, s3  }
0x2a8: {  	v22 =	vld [tilespmem:$0x12F90];
	s3 =	ssub.s32 $0x5F3759DF, s6;
	s7 =	ssub.f32 s23, s17;
	s23 =	simm.s32 $0x6A40  }
0x2a9: {  	v11 =	vsub.f32 v11, v37;
	v18 =	vmul.f32 s0, v18;
	s11 =	smul.f32 s3, s10;
	v30 =	vld [tilespmem:s23+$0xD0]  }
0x2aa: {  	s29 =	spop (v2sf);
	s16 =	smul.f32 s25, s24;
	v41 =	vld [tilespmem:s23+$0xE0]  }
0x2ab: {  	s30 =	smul.f32 $1.562500000e-02, s29;
	s6 =	spop (v2sf);
	s24 =	simm.s32 $0xCE40;
	v46 =	vld [tilespmem:s23+$0xF0];
	v11 =	vmul.f32 v18, v11  }
0x2ac: {  	s4 =	smul.f32 $1.562500000e-02, s6;
	v29 =	vld [tilespmem:s24+$0xC0]  }
0x2ad: {  	s20 =	sadd.f32 $9.999999960e-13, s7;
	v62 =	vld [tilespmem:s24+$0xD0];
	s17 =	smul.f32 s3, s11;
	v11 =	vadd.f32 v11, v22  }
0x2ae: {  	v44 =	vmov s14;
	v63 =	vld [tilespmem:s24+$0xE0];
	s7 =	smul.f32 s30, s30;
	s25 =	spop (v2sf)  }
0x2af: {  	v59 =	vsub.f32 v47, v44;
	s25 =	smul.f32 $1.562500000e-02, s25;
	v22 =	vld [tilespmem:s23+$0xC0];
	[tilespmem:s22+$0xD0] =	vst v11  }
0x2b0: {  	s12 =	smul.f32 $5.000000000e-01, s20;
	s31 =	sshrl.u32 s20, $0x1;
	v38 =	vld [tilespmem:$0x12F60]  }
0x2b1: {  	v2 =	vsub.f32 v2, v44;
	v47 =	vmov s26;
	s20 =	smul.f32 s4, s4;
	s31 =	ssub.s32 $0x5F3759DF, s31;
	s25 =	ssub.f32 s25, s7;
	v39 =	vld [tilespmem:$0x12FA0];
	[tilespmem:$0x1FD70] =	vst v59  }
0x2b2: {  	v45 =	vmov s19;
	v60 =	vsub.f32 v19, v47;
	s6 =	smul.f32 s31, s12;
	v49 =	vld [tilespmem:s24+$0xF0]  }
0x2b3: {  	s29 =	spop (v2sf);
	s25 =	sadd.f32 $9.999999960e-13, s25;
	v51 =	vld [tilespmem:s23+$0xFFFFFF10];
	[tilespmem:$0x1FDB0] =	vst v2;
	v2 =	vsub.f32 v6, v45  }
0x2b4: {  	[tilespmem:$0x1FD80] =	vst v60;
	s29 =	smul.f32 $1.562500000e-02, s29  }
0x2b5: {  	s17 =	ssub.f32 $1.500000000e+00, s17;
	v55 =	vld [tilespmem:s24+$0xFFFFFF10];
	s11 =	sshrl.u32 s25, $0x1;
	s25 =	smul.f32 $5.000000000e-01, s25;
	[tilespmem:$0x1FDC0] =	vst v2;
	v2 =	vsub.f32 v13, v47  }
0x2b6: {  	v62 =	vadd.f32 v62, v30;
	s6 =	smul.f32 s31, s6;
	s20 =	ssub.f32 s29, s20;
	s7 =	ssub.s32 $0x5F3759DF, s11  }
0x2b7: {  	v63 =	vadd.f32 v63, v41;
	s29 =	smul.f32 s7, s25;
	[tilespmem:$0x1FDD0] =	vst v2  }
0x2b8: {  	s14 =	smul.f32 s3, s17;
	s19 =	sadd.f32 $9.999999960e-13, s20;
	v43 =	vld [tilespmem:s23+$0xFFFFFF20];
	[tilespmem:$0x1FDA0] =	vst v62  }
0x2b9: {  	v50 =	vsub.f32 v5, v44;
	v0 =	vsub.f32 v0, v44;
	s6 =	ssub.f32 $1.500000000e+00, s6;
	s11 =	smul.f32 s7, s29;
	v56 =	vld [tilespmem:s24+$0xFFFFFF20];
	[tilespmem:$0x1FE00] =	vst v63  }
0x2ba: {  	v48 =	vsub.f32 v10, v45;
	v2 =	vadd.f32 v49, v46;
	s20 =	sshrl.u32 s19, $0x1;
	s19 =	smul.f32 $5.000000000e-01, s19;
	v40 =	vld [tilespmem:s23+$0xFFFFFF30]  }
0x2bb: {  	v1 =	vsub.f32 v1, v45;
	v57 =	vmov s28;
	v19 =	vadd.f32 v29, v22;
	s29 =	smul.f32 s31, s6;
	v42 =	vld [tilespmem:s24+$0xFFFFFF30];
	s3 =	ssub.s32 $0x5F3759DF, s20;
	s26 =	ssub.f32 $1.500000000e+00, s11  }
0x2bc: {  	v41 =	vld [tilespmem:s23+$0xFFFFFF40];
	v29 =	vmul.f32 v2, v2;
	[tilespmem:$0x1FD40] =	vst v2;
	v46 =	vadd.f32 v2, v63;
	v2 =	vsub.f32 v14, v57;
	s11 =	smul.f32 s3, s19  }
0x2bd: {  	v52 =	vsub.f32 v15, v47;
	v53 =	vsub.f32 v21, v57;
	v49 =	vld [tilespmem:s24+$0xFFFFFF40];
	s6 =	smul.f32 s7, s26  }
0x2be: {  	v18 =	vsub.f32 v7, v45;
	v21 =	vmul.f32 v62, v62;
	v15 =	vmul.f32 v19, v19;
	v58 =	vld [tilespmem:s23+$0xFFFFFF50];
	[tilespmem:$0x1FDE0] =	vst v2;
	s20 =	smul.f32 s3, s11  }
0x2bf: {  	v22 =	vsub.f32 v20, v57;
	v30 =	vadd.f32 v62, v19;
	v59 =	vld [tilespmem:s24+$0xFFFFFF50];
	[tilespmem:$0x1FE10] =	vst v0;
	v0 =	vmov s21;
	s11 =	smul.f32 s13, s1  }
0x2c0: {  	v15 =	vadd.f32 v21, v15;
	v54 =	vsub.f32 v24, v0;
	s26 =	smul.f32 s6, s25  }
0x2c1: {  	v20 =	vmul.f32 v63, v63;
	v44 =	vld [tilespmem:s23+$0xFFFFFF60];
	[tilespmem:$0x1FE20] =	vst v1;
	v24 =	vsub.f32 v25, v0;
	v1 =	vsub.f32 v16, v47;
	s7 =	ssub.f32 $1.500000000e+00, s20;
	s20 =	smul.f32 s11, s13  }
0x2c2: {  	v25 =	vsub.f32 v26, v0;
	v0 =	vsub.f32 v23, v0;
	v45 =	vld [tilespmem:s24+$0xFFFFFF60];
	s17 =	smul.f32 s26, s6  }
0x2c3: {  	v21 =	vadd.f32 v29, v20;
	v30 =	vadd.f32 v46, v30;
	v26 =	vld [tilespmem:s23+$0xFFFFFF70];
	[tilespmem:$0x1FE30] =	vst v1;
	s31 =	smul.f32 s3, s7  }
0x2c4: {  	v3 =	vsub.f32 v3, v37;
	v14 =	vsub.f32 v61, v37;
	v47 =	vld [tilespmem:s24+$0xFFFFFF70];
	[tilespmem:$0x1FD50] =	vst v0;
	s3 =	smul.f32 s18, s2  }
0x2c5: {  	v29 =	vsub.f32 v17, v57;
	v21 =	vadd.f32 v21, v15;
	(xrf2) =	vadd.scan.msk.f32 $0xffff, v30;
	v23 =	vmov s4;
	s7 =	smul.f32 s14, s10;
	v57 =	vld [tilespmem:s23+$0xFFFFFF80]  }
0x2c6: {  	v17 =	vmul.f32 s0, v38;
	v1 =	vmov s30;
	v0 =	vsub.f32 v34, v23;
	v60 =	vld [tilespmem:s24+$0xFFFFFF80];
	s26 =	ssub.f32 $1.500000000e+00, s17;
	s17 =	smul.f32 s16, s8  }
0x2c7: {  	(xrf2) =	vadd.scan.msk.f32 $0xffff, v21;
	v46 =	vsub.f32 v36, v1;
	v16 =	vsub.f32 v28, v1;
	v28 =	vld [tilespmem:s23+$0xFFFFFF90];
	s20 =	ssub.f32 $1.500000000e+00, s20;
	s11 =	smul.f32 s31, s19  }
0x2c8: {  	v27 =	vsub.f32 v27, v1;
	v30 =	vsub.f32 v31, v1;
	v1 =	vmul.f32 v17, v3;
	v3 =	vld [tilespmem:s24+$0xFFFFFF90];
	[tilespmem:$0x1FD60] =	vst v0;
	s3 =	smul.f32 s3, s18  }
0x2c9: {  	v15 =	vsub.f32 v32, v23;
	v21 =	vsub.f32 v33, v23;
	v31 =	vld [tilespmem:s23+$0xFFFFFFA0];
	s28 =	smul.f32 s20, s13  }
0x2ca: {  	v41 =	vadd.f32 v49, v41;
	v38 =	vadd.f32 v59, v58;
	v32 =	vld [tilespmem:s24+$0xFFFFFFA0];
	s21 =	smul.f32 s26, s6  }
0x2cb: {  	v36 =	vsub.f32 v35, v23;
	v23 =	vadd.f32 v55, v51;
	v33 =	vld [tilespmem:s23+$0xFFFFFFB0];
	s26 =	smul.f32 s29, s12  }
0x2cc: {  	v55 =	vmul.f32 v41, v41;
	v13 =	vadd.f32 v45, v44;
	v44 =	vld [tilespmem:s24+$0xFFFFFFB0];
	v59 =	vmul.f32 v38, v38;
	s17 =	smul.f32 s17, s16  }
0x2cd: {  	v17 =	vadd.f32 v1, v39;
	v49 =	vld [tilespmem:s23+$0xFFFFFFC0];
	v35 =	vadd.f32 v38, v41;
	s6 =	smul.f32 s7, s14  }
0x2ce: {  	v51 =	vld [tilespmem:s24+$0xFFFFFFC0];
	v37 =	vadd.f32 v47, v26;
	v34 =	vadd.f32 v59, v55;
	s1 =	smul.f32 s28, s1  }
0x2cf: {  	v55 =	vmul.f32 v13, v13;
	v59 =	vld [tilespmem:s23+$0xFFFFFFD0];
	s7 =	smul.f32 s26, s29;
	v47 =	vadd.f32 v60, v57;
	v45 =	vadd.f32 v3, v28;
	v58, _, _ =	vpop (xrf2)  }
0x2d0: {  	s3 =	ssub.f32 $1.500000000e+00, s3;
	s26 =	smul.f32 s11, s31;
	v3 =	vld [tilespmem:s24+$0xFFFFFFD0];
	v61 =	vmul.f32 v37, v37;
	(v2sf) =	vpush v58, $0xF;
	v58 =	vadd.f32 v37, v13  }
0x2d1: {  	s4 =	ssub.f32 $1.500000000e+00, s17;
	v28 =	vld [tilespmem:s23+$0xFFFFFFE0];
	s17 =	smul.f32 s21, s25;
	v39 =	vadd.f32 v32, v31;
	v62 =	vadd.f32 v45, v47  }
0x2d2: {  	s6 =	ssub.f32 $1.500000000e+00, s6;
	v57 =	vld [tilespmem:s23+$0xFFFFFFF0];
	s13 =	smul.f32 s3, s18;
	v31 =	vadd.f32 v56, v43;
	v26, _, _ =	vpop (xrf2);
	v61 =	vadd.f32 v61, v55  }
0x2d3: {  	s18 =	smul.f32 s4, s16;
	v43 =	vld [tilespmem:s24+$0xFFFFFFF0];
	(v2sf) =	vpush v26, $0xF;
	v26 =	vadd.f32 v44, v33  }
0x2d4: {  	s11 =	ssub.f32 $1.500000000e+00, s26;
	s26 =	smul.f32 s6, s14;
	v56 =	vmul.f32 v47, v47;
	v60 =	vadd.f32 v58, v35;
	v35 =	vld [tilespmem:s24+$0xFFFFFFE0];
	v33 =	vadd.f32 v42, v40  }
0x2d5: {  	v6 =	vld [tilespmem:s23+$0x80];
	s7 =	ssub.f32 $1.500000000e+00, s7;
	s3 =	smul.f32 s17, s21;
	v58 =	vmul.f32 v45, v45;
	v4 =	vadd.f32 v61, v34;
	v34 =	vadd.f32 v51, v49  }
0x2d6: {  	s20 =	smul.f32 s13, s2;
	v55 =	vld [tilespmem:s23+$0x0];
	v63 =	vadd.f32 v26, v39;
	(xrf2) =	vadd.scan.msk.f32 $0xffff, v60;
	v60 =	vmul.f32 v39, v39;
	v61 =	vmul.f32 v26, v26  }
0x2d7: {  	s16 =	smul.f32 s7, s29;
	v49 =	vld [tilespmem:s24+$0x0];
	v32 =	vadd.f32 v3, v59;
	v5 =	vadd.f32 v58, v56  }
0x2d8: {  	s14 =	smul.f32 s11, s31;
	v3 =	vld [tilespmem:s23+$0x10];
	(xrf2) =	vadd.scan.msk.f32 $0xffff, v4;
	v44 =	vadd.f32 v63, v62;
	v63 =	vadd.f32 v61, v60  }
0x2d9: {  	s25 =	smul.f32 s18, s8;
	v51 =	vld [tilespmem:s24+$0x10];
	v35 =	vadd.f32 v35, v28;
	v28 =	vadd.f32 v43, v57  }
0x2da: {  	s29 =	smul.f32 s26, s10;
	v59 =	vld [tilespmem:s23+$0x30];
	v4 =	vmul.f32 v32, v32;
	v62 =	vmul.f32 v34, v34;
	v57 =	vadd.f32 v32, v34  }
0x2db: {  	s11 =	smul.f32 s1, s28;
	v60 =	vld [tilespmem:s24+$0x40];
	v40 =	vadd.f32 v63, v5;
	v42 =	vadd.f32 v28, v35  }
0x2dc: {  	s4 =	smul.f32 s20, s13;
	v43 =	vld [tilespmem:s23+$0x20];
	(xrf2) =	vadd.scan.msk.f32 $0xffff, v44;
	v58 =	vadd.f32 v4, v62;
	v5 =	vmul.f32 v35, v35;
	v4 =	vmul.f32 v28, v28  }
0x2dd: {  	s10 =	smul.f32 s16, s12;
	v61 =	vmul.f32 v33, v33;
	v44 =	vld [tilespmem:s24+$0x20];
	(xrf2) =	vadd.scan.msk.f32 $0xffff, v40;
	v40 =	vadd.f32 v49, v55;
	v57 =	vadd.f32 v42, v57  }
0x2de: {  	s3 =	ssub.f32 $1.500000000e+00, s3;
	s2 =	smul.f32 s14, s19;
	v62 =	vld [tilespmem:s23+$0x40];
	v55 =	vmul.f32 v31, v31;
	v42 =	vadd.f32 v51, v3;
	v3 =	vadd.f32 v4, v5  }
0x2df: {  	s6 =	smul.f32 s25, s18;
	v49 =	vld [tilespmem:s24+$0x30]  }
0x2e0: {  	s8 =	smul.f32 s3, s21;
	v56 =	vadd.f32 v61, v55;
	v55 =	vld [tilespmem:s23+$0x50];
	v3 =	vadd.f32 v3, v58  }
0x2e1: {  	s7 =	smul.f32 s29, s26;
	v58 =	vld [tilespmem:s24+$0x50];
	v5, _, _ =	vpop (xrf2);
	(xrf2) =	vadd.scan.msk.f32 $0xffff, v57;
	s17 =	spop (v2sf)  }
0x2e2: {  	v4 =	vld [tilespmem:s24+$0x70];
	v51 =	vmul.f32 v40, v40;
	v63, _, _ =	vpop (xrf2);
	(xrf2) =	vadd.scan.msk.f32 $0xffff, v3;
	v3 =	vmul.f32 s8, v9;
	s1 =	smul.f32 $1.562500000e-02, s17;
	s19 =	spop (v2sf)  }
0x2e3: {  	s4 =	ssub.f32 $1.500000000e+00, s4;
	v43 =	vadd.f32 v44, v43;
	v57 =	vld [tilespmem:s24+$0x60];
	(v2sf) =	vpush v5, $0xF;
	v5 =	vmul.f32 v42, v42;
	s12 =	smul.f32 $1.562500000e-02, s19  }
0x2e4: {  	s25 =	ssub.f32 $1.500000000e+00, s11;
	v44 =	vadd.f32 v49, v59;
	v49 =	vadd.f32 v60, v62;
	v8 =	vmul.f32 v3, v46;
	v3 =	vld [tilespmem:s24+$0x80];
	s20 =	smul.f32 s1, s1  }
0x2e5: {  	s13 =	smul.f32 s4, s13;
	v59 =	vld [tilespmem:s23+$0x60];
	v60 =	vmul.f32 v43, v43;
	(v2sf) =	vpush v63, $0xF;
	v51 =	vadd.f32 v5, v51  }
0x2e6: {  	v63 =	vadd.f32 v44, v43;
	v5 =	vld [tilespmem:s23+$0x70];
	v62 =	vmul.f32 v44, v44;
	v61, _, _ =	vpop (xrf2);
	v46 =	vadd.f32 v58, v55;
	s29 =	ssub.f32 s12, s20;
	s12 =	smul.f32 s25, s28  }
0x2e7: {  	s7 =	ssub.f32 $1.500000000e+00, s7;
	(v2sf) =	vpush v61, $0xF;
	v61 =	vadd.f32 v42, v40  }
0x2e8: {  	[tilespmem:s22+$0xE0] =	vst v17;
	v17 =	vld [tilespmem:s24+$0xB0];
	s19 =	ssub.f32 $1.500000000e+00, s6;
	v58 =	vadd.f32 v62, v60;
	v62 =	vmul.f32 s13, v9;
	v60 =	vmul.f32 s12, v9  }
0x2e9: {  	s21 =	smul.f32 s7, s26;
	v55 =	vld [tilespmem:s24+$0xFFFFFF00];
	v0 =	vmul.f32 v46, v46;
	v61 =	vadd.f32 v63, v61;
	s3 =	sadd.f32 $9.999999960e-13, s29;
	v20 =	vadd.f32 v3, v6  }
0x2ea: {  	s18 =	smul.f32 s19, s18;
	v60 =	vmul.f32 v60, v50;
	v50 =	vadd.f32 v57, v59;
	v57 =	vadd.f32 v58, v51;
	v58 =	vld [tilespmem:s23+$0x90]  }
0x2eb: {  	v63, _, _ =	vpop (xrf2);
	v6 =	vadd.f32 v8, v12;
	v8 =	vmul.f32 s21, v9;
	s11 =	sshrl.u32 s3, $0x1;
	s4 =	smul.f32 $5.000000000e-01, s3;
	v51 =	vadd.f32 v4, v5;
	v4 =	vld [tilespmem:s24+$0x90]  }
0x2ec: {  	s10 =	smul.f32 s10, s16;
	(v2sf) =	vpush v63, $0xF;
	v63 =	vmul.f32 v49, v49;
	v3 =	vld [tilespmem:s23+$0xB0];
	(xrf2) =	vadd.scan.msk.f32 $0xffff, v61;
	v59 =	vmul.f32 v62, v48;
	s20 =	ssub.s32 $0x5F3759DF, s11  }
0x2ed: {  	v61 =	vadd.f32 v46, v49;
	v5 =	vmul.f32 s18, v9;
	v48 =	vld [tilespmem:s24+$0xA0];
	[tilespmem:s22+$0xFFFFFF00] =	vst v6;
	v6 =	vmul.f32 v8, v53;
	s17 =	smul.f32 s20, s4  }
0x2ee: {  	s2 =	smul.f32 s2, s14;
	s10 =	ssub.f32 $1.500000000e+00, s10;
	v7 =	vadd.f32 v0, v63;
	v62, _, _ =	vpop (xrf2);
	v8 =	vld [tilespmem:$0x12F70];
	v63 =	vmul.f32 v50, v50;
	v1 =	vmul.f32 v51, v51  }
0x2ef: {  	(v2sf) =	vpush v62, $0xF;
	v62 =	vld [tilespmem:s23+$0xA0];
	v0 =	vadd.f32 v51, v50;
	v5 =	vmul.f32 v5, v52;
	s29 =	smul.f32 s20, s17  }
0x2f0: {  	s25 =	smul.f32 s10, s16;
	v1 =	vadd.f32 v1, v63;
	v52 =	vadd.f32 v4, v58;
	v4 =	vld [tilespmem:s23+$0xFFFFFF00]  }
0x2f1: {  	(xrf2) =	vadd.scan.msk.f32 $0xffff, v57;
	v0 =	vadd.f32 v0, v61;
	v61, _, _ =	vpop (xrf2);
	v5 =	vadd.f32 v5, v12;
	s3 =	ssub.f32 $1.500000000e+00, s29  }
0x2f2: {  	s2 =	ssub.f32 $1.500000000e+00, s2;
	v63 =	vmul.f32 s25, v9;
	(v2sf) =	vpush v61, $0xF;
	v1 =	vadd.f32 v1, v7  }
0x2f3: {  	v58 =	vmul.f32 v20, v20;
	v7 =	vadd.f32 v60, v12;
	(xrf2) =	vadd.scan.msk.f32 $0xffff, v0;
	v0 =	vadd.f32 v59, v12;
	s3 =	smul.f32 s20, s3  }
0x2f4: {  	s19 =	smul.f32 s2, s14;
	v60 =	vmul.f32 v63, v54;
	v53 =	vadd.f32 v48, v62;
	v54 =	vadd.f32 v17, v3  }
0x2f5: {  	v10 =	vld [tilespmem:$0x12F50];
	v8 =	vmul.f32 s0, v8;
	[tilespmem:s22+$0xFFFFFFC0] =	vst v5;
	v5 =	vadd.f32 v6, v12;
	s6 =	smul.f32 s3, s4;
	v55 =	vadd.f32 v55, v4  }
0x2f6: {  	v57 =	vld [tilespmem:$0x12FB0];
	v6 =	vmul.f32 v23, v23;
	v62 =	vadd.f32 v33, v31;
	v59 =	vmul.f32 v52, v52;
	[tilespmem:s22+$0xFFFFFF40] =	vst v7;
	v3, _, _ =	vpop (xrf2)  }
0x2f7: {  	v48 =	vld [tilespmem:$0x12F50];
	[tilespmem:s22+$0xFFFFFF80] =	vst v0;
	(v2sf) =	vpush v3, $0xF;
	v3 =	vmul.f32 s19, v9;
	s6 =	smul.f32 s6, s3;
	v0 =	vadd.f32 v23, v55  }
0x2f8: {  	(xrf2) =	vadd.scan.msk.f32 $0xffff, v1;
	[tilespmem:s22+$0x0] =	vst v5;
	v5 =	vld [tilespmem:$0x12F90];
	v7 =	vadd.f32 v59, v58;
	v1 =	vmul.f32 v55, v55  }
0x2f9: {  	v11 =	vld [tilespmem:$0x12F50];
	v59 =	vadd.f32 v54, v53;
	v3 =	vmul.f32 v3, v15;
	s6 =	ssub.f32 $1.500000000e+00, s6;
	v0 =	vadd.f32 v62, v0  }
0x2fa: {  	v58 =	vld [tilespmem:$0x12F90];
	v1 =	vadd.f32 v6, v1;
	v6 =	vmul.f32 v8, v14;
	v8 =	vadd.f32 v60, v12  }
0x2fb: {  	v63 =	vld [tilespmem:$0x12F90];
	v9 =	vadd.f32 v52, v20;
	v60, _, _ =	vpop (xrf2);
	s3 =	smul.f32 s6, s3;
	(xrf2) =	vadd.scan.msk.f32 $0xffff, v0;
	v0 =	vadd.f32 v3, v12  }
0x2fc: {  	v17 =	vmul.f32 v53, v53;
	v61 =	vmul.f32 v54, v54;
	v4 =	vld [tilespmem:$0x12F50];
	[tilespmem:s22+$0x40] =	vst v8  }
0x2fd: {  	v9 =	vadd.f32 v59, v9;
	v59 =	vld [tilespmem:$0x12F90];
	s17 =	smul.f32 s3, s4;
	[tilespmem:s22+$0x80] =	vst v0  }
0x2fe: {  	s7 =	spop (v2sf);
	v17 =	vadd.f32 v61, v17;
	v2 =	vld [tilespmem:$0x1FD70]  }
0x2ff: {  	s10 =	spop (v2sf);
	v15 =	vld [tilespmem:$0x12F50];
	s20 =	smul.f32 s17, s3  }
0x300: {  	s14 =	spop (v2sf);
	v7 =	vadd.f32 v17, v7;
	v17 =	vld [tilespmem:$0x12F40];
	(v2sf) =	vpush v60, $0xF;
	v3 =	vmul.f32 s8, v10;
	v10, _, _ =	vpop (xrf2)  }
0x301: {  	s29 =	spop (v2sf);
	v8 =	vmul.f32 s12, v11;
	(v2sf) =	vpush v10, $0xF;
	v10 =	vld [tilespmem:$0x12F90];
	s6 =	ssub.f32 $1.500000000e+00, s20  }
0x302: {  	v61 =	vmul.f32 s18, v48;
	v4 =	vmul.f32 s13, v4;
	v1 =	vadd.f32 v56, v1;
	(xrf2) =	vadd.scan.msk.f32 $0xffff, v9;
	v9 =	vld [tilespmem:$0x12F50]  }
0x303: {  	v3 =	vmul.f32 v3, v27;
	v27 =	vmov s1;
	v11 =	vmul.f32 v8, v2;
	s31 =	smul.f32 s6, s3;
	v2 =	vld [tilespmem:$0x1FD80]  }
0x304: {  	v4 =	vmul.f32 v4, v18;
	v62 =	vmul.f32 s21, v15;
	v15 =	vsub.f32 v19, v27;
	v0, _, _ =	vpop (xrf2);
	v8 =	vld [tilespmem:$0x12F80]  }
0x305: {  	v3 =	vadd.f32 v3, v58;
	(v2sf) =	vpush v0, $0xF;
	v0 =	vld [tilespmem:$0x12F50];
	v18 =	vmul.f32 s31, v17  }
0x306: {  	v19 =	vld [tilespmem:$0x12F90];
	v4 =	vadd.f32 v4, v59;
	(xrf2) =	vadd.scan.msk.f32 $0xffff, v1;
	v1 =	vadd.f32 v11, v63;
	v11 =	vmul.f32 v62, v22  }
0x307: {  	v56 =	vadd.f32 v6, v57;
	(xrf2) =	vadd.scan.msk.f32 $0xffff, v7;
	[tilespmem:s22+$0xFFFFFF10] =	vst v3;
	v3 =	vld [tilespmem:$0x12F90];
	v63 =	vmul.f32 v18, v15  }
0x308: {  	v6 =	vmul.f32 s25, v9;
	[tilespmem:s22+$0xFFFFFF90] =	vst v4;
	v7 =	vld [tilespmem:$0x12F60];
	v9 =	vadd.f32 v11, v10;
	v12 =	vmul.f32 v61, v2  }
0x309: {  	s2 =	smul.f32 $1.562500000e-02, s7;
	[tilespmem:s22+$0xFFFFFF50] =	vst v1;
	v1 =	vld [tilespmem:$0x12FA0];
	v10 =	vadd.f32 v63, v8  }
0x30a: {  	v0 =	vmul.f32 s19, v0;
	[tilespmem:s22+$0x10] =	vst v9;
	v5 =	vadd.f32 v12, v5;
	v12 =	vld [tilespmem:$0x12F60]  }
0x30b: {  	v4 =	vmov s2;
	v6 =	vmul.f32 v6, v24;
	v24 =	vld [tilespmem:$0x12F60];
	[tilespmem:s23+$0xC0] =	vst v10  }
0x30c: {  	v0 =	vmul.f32 v0, v36;
	v2 =	vsub.f32 v38, v4;
	[tilespmem:s22+$0xFFFFFFD0] =	vst v5;
	v5 =	vld [tilespmem:$0x12F60]  }
0x30d: {  	v6 =	vadd.f32 v6, v19;
	v19 =	vld [tilespmem:$0x12F50]  }
0x30e: {  	v0 =	vadd.f32 v0, v3;
	v48 =	vld [tilespmem:$0x12F60];
	[tilespmem:$0x1FD90] =	vst v2  }
0x30f: {  	[tilespmem:s22+$0x50] =	vst v6  }
0x310: {  	[tilespmem:s22+$0x90] =	vst v0  }
0x311: {  	v2 =	vld [tilespmem:$0x1FDA0];
	_ =	sdelay $0x2  }
0x312: {  	s7 =	smul.f32 $1.562500000e-02, s10;
	v7 =	vmul.f32 s8, v7  }
0x313: {  	s11 =	smul.f32 s2, s2  }
0x314: {  	v7 =	vmul.f32 v7, v16;
	v16 =	vsub.f32 v2, v27;
	v2 =	vld [tilespmem:$0x1FDB0]  }
0x315: {  	s16 =	ssub.f32 s7, s11;
	_ =	sdelay $0x1  }
0x316: {  	s0 =	sadd.f32 $9.999999960e-13, s16;
	s10 =	smul.f32 $1.562500000e-02, s29;
	v12 =	vmul.f32 s12, v12  }
0x317: {  	s4 =	smul.f32 $1.562500000e-02, s14  }
0x318: {  	s28 =	smul.f32 $5.000000000e-01, s0;
	s0 =	sshrl.u32 s0, $0x1;
	v12 =	vmul.f32 v12, v2;
	v2 =	vld [tilespmem:$0x1FDC0]  }
0x319: {  	s16 =	ssub.s32 $0x5F3759DF, s0;
	s26 =	smul.f32 s4, s4;
	v1 =	vadd.f32 v7, v1;
	v3 =	vld [tilespmem:$0x12FA0]  }
0x31a: {  	s17 =	smul.f32 s16, s28;
	v15 =	vmov s4;
	v0 =	vld [tilespmem:$0x12F90]  }
0x31b: {  	s11 =	spop (v2sf);
	v22 =	vsub.f32 v47, v15;
	v58 =	vld [tilespmem:$0x12FA0];
	v59 =	vmul.f32 s13, v5;
	[tilespmem:s22+$0xFFFFFF20] =	vst v1  }
0x31c: {  	s7 =	ssub.f32 s10, s26;
	s1 =	smul.f32 s16, s17;
	v60 =	vsub.f32 v39, v15;
	v63 =	vsub.f32 v45, v15;
	v19 =	vmul.f32 s31, v19;
	v1 =	vld [tilespmem:$0x1FDD0]  }
0x31d: {  	s26 =	spop (v2sf);
	s3 =	smul.f32 $1.562500000e-02, s11;
	v7 =	vmul.f32 s18, v48;
	v48 =	vsub.f32 v26, v15;
	v15 =	vmul.f32 v59, v2;
	v2 =	vld [tilespmem:$0x1FDE0]  }
0x31e: {  	s14 =	sadd.f32 $9.999999960e-13, s7;
	s7 =	smul.f32 $1.562500000e-02, s26;
	v57 =	vsub.f32 v13, v4;
	v11, _, _ =	vpop (xrf2);
	v13 =	vld [tilespmem:$0x12F60]  }
0x31f: {  	s26 =	ssub.f32 $1.500000000e+00, s1;
	s20 =	smul.f32 s3, s3;
	(v2sf) =	vpush v11, $0xF;
	v16 =	vmul.f32 v19, v16;
	v19 =	vld [tilespmem:$0x12FA0]  }
0x320: {  	s17 =	spop (v2sf);
	s0 =	smul.f32 $5.000000000e-01, s14;
	v62 =	vld [tilespmem:$0x12FA0];
	v61 =	vmul.f32 s21, v24  }
0x321: {  	s29 =	sshrl.u32 s14, $0x1;
	s14 =	smul.f32 $1.562500000e-02, s17;
	v47 =	vsub.f32 v37, v4;
	v37 =	vmov s3;
	v45 =	vld [tilespmem:$0x12F60];
	v0 =	vadd.f32 v16, v0  }
0x322: {  	s16 =	smul.f32 s16, s26;
	s10 =	ssub.s32 $0x5F3759DF, s29;
	s6 =	ssub.f32 s7, s20;
	v39 =	vld [tilespmem:$0x12FA0];
	v1 =	vmul.f32 v7, v1;
	v7 =	vmul.f32 v61, v2;
	v2 =	vsub.f32 v32, v37  }
0x323: {  	s11 =	smul.f32 s10, s0;
	v18 =	vsub.f32 v41, v4;
	v4 =	vld [tilespmem:$0x12FA0];
	[tilespmem:s23+$0xD0] =	vst v0;
	v0 =	vmul.f32 s25, v13;
	v38 =	vadd.f32 v15, v58  }
0x324: {  	s7 =	smul.f32 s14, s14;
	s20 =	sadd.f32 $9.999999960e-13, s6;
	v13 =	vld [tilespmem:$0x12F70];
	v1 =	vadd.f32 v1, v19;
	[tilespmem:$0x1FDF0] =	vst v2  }
0x325: {  	s2 =	smul.f32 s10, s11;
	s29 =	spop (v2sf);
	v0 =	vmul.f32 v0, v25;
	[tilespmem:s22+$0xFFFFFFA0] =	vst v38  }
0x326: {  	s6 =	smul.f32 $1.562500000e-02, s29;
	v3 =	vadd.f32 v12, v3;
	[tilespmem:s22+$0xFFFFFFE0] =	vst v1;
	v1 =	vld [tilespmem:$0x12F70]  }
0x327: {  	s1 =	smul.f32 $5.000000000e-01, s20;
	s4 =	sshrl.u32 s20, $0x1;
	s11 =	spop (v2sf);
	v0 =	vadd.f32 v0, v39  }
0x328: {  	v9, _, _ =	vpop (xrf2);
	s20 =	ssub.s32 $0x5F3759DF, s4;
	s4 =	smul.f32 $1.562500000e-02, s11;
	v25 =	vadd.f32 v7, v62;
	[tilespmem:s22+$0xFFFFFF60] =	vst v3  }
0x329: {  	(v2sf) =	vpush v9, $0xF;
	s11 =	ssub.f32 $1.500000000e+00, s2;
	s3 =	smul.f32 s20, s1;
	[tilespmem:s22+$0x60] =	vst v0  }
0x32a: {  	v9, _, _ =	vpop (xrf2);
	s6 =	ssub.f32 s6, s7;
	s26 =	smul.f32 s4, s4;
	v45 =	vmul.f32 s19, v45;
	v3 =	vmov s14;
	v15 =	vld [tilespmem:$0x12F60];
	[tilespmem:s22+$0x20] =	vst v25  }
0x32b: {  	(v2sf) =	vpush v9, $0xF;
	v9, _, _ =	vpop (xrf2);
	s30 =	smul.f32 s10, s11;
	s29 =	spop (v2sf);
	v62 =	vsub.f32 v42, v3;
	v42 =	vmul.f32 s13, v1;
	v1 =	vld [tilespmem:$0x1FE00]  }
0x32c: {  	(v2sf) =	vpush v9, $0xF;
	s6 =	sadd.f32 $9.999999960e-13, s6;
	v24 =	vsub.f32 v34, v37;
	s17 =	smul.f32 $1.562500000e-02, s29;
	v36 =	vmul.f32 v45, v21  }
0x32d: {  	s3 =	smul.f32 s20, s3;
	v58 =	vsub.f32 v35, v37;
	v19 =	vsub.f32 v28, v37;
	v28 =	vmov s4  }
0x32e: {  	s29 =	sshrl.u32 s6, $0x1;
	s7 =	ssub.f32 s17, s26;
	s26 =	spop (v2sf);
	v21 =	vsub.f32 v46, v28;
	v32 =	vsub.f32 v49, v28;
	v25 =	vld [tilespmem:$0x12FA0]  }
0x32f: {  	s10 =	ssub.f32 $1.500000000e+00, s3;
	s3 =	ssub.s32 $0x5F3759DF, s29;
	s29 =	smul.f32 $1.562500000e-02, s26;
	v61 =	vsub.f32 v50, v28;
	v0 =	vadd.f32 v36, v4;
	v49 =	vld [tilespmem:$0x12F70]  }
0x330: {  	v41 =	vld [tilespmem:$0x12F70];
	v26 =	vsub.f32 v40, v3;
	v5 =	vmul.f32 s31, v15;
	v1 =	vsub.f32 v1, v27  }
0x331: {  	v59 =	vsub.f32 v43, v3;
	v37 =	vsub.f32 v44, v3;
	v3 =	vmov s29;
	[tilespmem:s22+$0xA0] =	vst v0  }
0x332: {  	s2 =	smul.f32 $5.000000000e-01, s6;
	v40 =	vsub.f32 v51, v28;
	v39 =	vsub.f32 v55, v3;
	v2 =	vld [tilespmem:$0x1FE10];
	v1 =	vmul.f32 v5, v1  }
0x333: {  	v28 =	vsub.f32 v23, v3;
	v23 =	vsub.f32 v31, v3  }
0x334: {  	s11 =	smul.f32 s3, s2;
	v36 =	vmul.f32 s25, v49;
	v49 =	vsub.f32 v33, v3;
	v3 =	vadd.f32 v1, v25  }
0x335: {  	s4 =	smul.f32 s29, s29;
	v34 =	vmul.f32 s12, v41  }
0x336: {  	s17 =	sadd.f32 $9.999999960e-13, s7;
	s14 =	smul.f32 s20, s10;
	[tilespmem:s23+$0xE0] =	vst v3  }
0x337: {  	s20 =	smul.f32 s3, s11;
	v41 =	vmul.f32 v34, v2;
	v2 =	vld [tilespmem:$0x1FE20]  }
0x338: {  	s6 =	sshrl.u32 s17, $0x1;
	s10 =	smul.f32 $5.000000000e-01, s17;
	s11 =	spop (v2sf)  }
0x339: {  	s6 =	ssub.s32 $0x5F3759DF, s6;
	v38 =	vmul.f32 s8, v13;
	v35 =	vld [tilespmem:$0x12F70];
	s8 =	smul.f32 $1.562500000e-02, s11  }
0x33a: {  	s26 =	spop (v2sf);
	v13 =	vld [tilespmem:$0x12F70];
	s17 =	smul.f32 s6, s10  }
0x33b: {  	s7 =	ssub.f32 $1.500000000e+00, s20;
	s20 =	smul.f32 s8, s8;
	v55 =	vld [tilespmem:$0x12F70];
	[tilespmem:s22+$0xF0] =	vst v56  }
0x33c: {  	v12 =	vmov s8;
	s8 =	smul.f32 $1.562500000e-02, s26;
	v42 =	vmul.f32 v42, v2;
	v2 =	vld [tilespmem:$0x1FE30]  }
0x33d: {  	s12 =	smul.f32 s6, s17;
	v0 =	vld [tilespmem:$0x12FB0]  }
0x33e: {  	s29 =	spop (v2sf);
	s4 =	ssub.f32 s8, s4;
	v14 =	vmul.f32 s18, v35;
	v35 =	vld [tilespmem:$0x12FB0]  }
0x33f: {  	v43 =	vmul.f32 v38, v30;
	v38 =	vsub.f32 v20, v12;
	s17 =	smul.f32 $1.562500000e-02, s29;
	s12 =	ssub.f32 $1.500000000e+00, s12;
	v34 =	vld [tilespmem:$0x12FB0]  }
0x340: {  	s26 =	simm.s32 $0x6C40;
	v20 =	vsub.f32 v53, v12;
	s8 =	smul.f32 s3, s7;
	v33 =	vsub.f32 v54, v12;
	v31 =	vmul.f32 s21, v13;
	s13 =	sadd.f32 $9.999999960e-13, s4;
	v1 =	vld [tilespmem:$0x12FB0]  }
0x341: {  	s25 =	simm.s32 $0x8;
	s3 =	ssub.f32 s17, s20;
	s12 =	smul.f32 s6, s12;
	v30 =	vmul.f32 s19, v55;
	v25 =	vsub.f32 v52, v12;
	v45 =	vld [tilespmem:$0x12F70];
	v44 =	vmul.f32 v14, v2  }
.LBB2_5:
0x342: {  	v2 =	vmul.f32 v31, v29;
	_ =	sdelay $0x1  }
0x343: {  	[tilespmem:$0x1FCD0] =	vst v2;
	v2 =	vld [tilespmem:$0x1FD50];
	_ =	sdelay $0x1  }
0x344: {  	v3 =	vld [tilespmem:s26+$0xC0]  }
0x345: {  	v13 =	vld [tilespmem:s26+$0xD0]  }
0x346: {  	[tilespmem:$0x1FC90] =	vst v60;
	v14 =	vld [tilespmem:$0x12FB0]  }
0x347: {  	[tilespmem:$0x1FD20] =	vst v48;
	v48 =	vld [tilespmem:s26+$0xF0];
	v5 =	vmul.f32 v36, v2;
	v2 =	vmov v37  }
0x348: {  	s24 =	sadd.s32 $0x200, s24;
	s18 =	smul.f32 $5.000000000e-01, s13;
	v0 =	vadd.f32 v43, v0;
	[tilespmem:$0x1FC80] =	vst v2;
	v2 =	vld [tilespmem:$0x1FD60]  }
0x349: {  	[tilespmem:$0x1FD00] =	vst v49;
	s4 =	sshrl.u32 s13, $0x1;
	v60 =	vld [tilespmem:s24+$0xC0];
	s11 =	smul.f32 s8, s2;
	v1 =	vadd.f32 v41, v1  }
0x34a: {  	s3 =	sadd.f32 $9.999999960e-13, s3;
	v49 =	vld [tilespmem:s24+$0xF0];
	s6 =	ssub.s32 $0x5F3759DF, s4;
	s4 =	smul.f32 s16, s28;
	[tilespmem:s22+$0xFFFFFF30] =	vst v0;
	v0 =	vadd.f32 v42, v34  }
0x34b: {  	s7 =	smul.f32 s6, s18;
	[tilespmem:s22+$0xFFFFFF70] =	vst v1;
	v1 =	vadd.f32 v44, v35;
	v50 =	vld [tilespmem:s26+$0xFFFFFF10]  }
0x34c: {  	s13 =	smul.f32 $5.000000000e-01, s3;
	[tilespmem:s22+$0xFFFFFFB0] =	vst v0;
	v0 =	vld [tilespmem:s26+$0xE0]  }
0x34d: {  	s17 =	sshrl.u32 s3, $0x1;
	s4 =	smul.f32 s4, s16;
	[tilespmem:s22+$0xFFFFFFF0] =	vst v1;
	v1 =	vld [tilespmem:s24+$0xE0];
	v12 =	vmul.f32 v30, v2;
	v2 =	vmov v33  }
0x34e: {  	s21 =	ssub.s32 $0x5F3759DF, s17;
	s20 =	smul.f32 s6, s7;
	[tilespmem:$0x1FD60] =	vst v2;
	v2 =	vld [tilespmem:$0x1FD40]  }
0x34f: {  	s17 =	smul.f32 s21, s13;
	v51 =	vld [tilespmem:s24+$0xFFFFFF10]  }
0x350: {  	s7 =	smul.f32 s11, s8;
	s4 =	ssub.f32 $1.500000000e+00, s4;
	v52 =	vld [tilespmem:s26+$0xFFFFFF20]  }
0x351: {  	s3 =	ssub.f32 $1.500000000e+00, s20;
	s20 =	smul.f32 s30, s0;
	v53 =	vld [tilespmem:s24+$0xFFFFFF30]  }
0x352: {  	s17 =	smul.f32 s21, s17;
	v37 =	vld [tilespmem:s24+$0xD0]  }
0x353: {  	s4 =	smul.f32 s4, s16;
	v33 =	vadd.f32 v1, v0;
	v0 =	vld [tilespmem:s26+$0xFFFFFF30];
	v2 =	vsub.f32 v2, v27;
	v27 =	vmul.f32 s31, v45  }
0x354: {  	v4 =	vmov v40;
	v40 =	vadd.f32 v60, v3;
	v3 =	vld [tilespmem:s24+$0xFFFFFF20];
	s19 =	smul.f32 s6, s3  }
0x355: {  	v43 =	vld [tilespmem:s26+$0xFFFFFF40];
	s6 =	smul.f32 s14, s1;
	v2 =	vmul.f32 v27, v2  }
0x356: {  	v60 =	vld [tilespmem:s24+$0xFFFFFF40];
	s29 =	ssub.f32 $1.500000000e+00, s17;
	s20 =	smul.f32 s20, s30;
	v34 =	vadd.f32 v51, v50  }
0x357: {  	s17 =	smul.f32 s19, s18;
	v50 =	vld [tilespmem:s24+$0xFFFFFF60];
	v37 =	vadd.f32 v37, v13;
	v2 =	vadd.f32 v2, v14  }
0x358: {  	s3 =	smul.f32 s21, s29;
	v35 =	vadd.f32 v53, v0;
	v0 =	vld [tilespmem:s26+$0xFFFFFF60]  }
0x359: {  	v55 =	vmul.f32 v40, v40;
	v42 =	vld [tilespmem:s26+$0xFFFFFF80];
	s21 =	smul.f32 s12, s10;
	v56 =	vmul.f32 v37, v37;
	[tilespmem:s23+$0xF0] =	vst v2;
	v2 =	vadd.f32 v49, v48  }
0x35a: {  	[tilespmem:$0x1FCB0] =	vst v59;
	v36 =	vadd.f32 v3, v52;
	v3 =	vld [tilespmem:s24+$0xFFFFFF50];
	s29 =	smul.f32 s3, s13;
	v1 =	vadd.f32 v37, v40  }
0x35b: {  	[tilespmem:$0x1FCA0] =	vst v58;
	s6 =	smul.f32 s6, s14;
	v51 =	vld [tilespmem:s24+$0xFFFFFFA0];
	v58 =	vmul.f32 v33, v33;
	v41 =	vadd.f32 v56, v55;
	v59 =	vmul.f32 v2, v2  }
0x35c: {  	s29 =	smul.f32 s29, s3;
	[tilespmem:$0x1FCF0] =	vst v12;
	v12 =	vld [tilespmem:s26+$0xFFFFFF50];
	v56 =	vmul.f32 v35, v35;
	v14 =	vmul.f32 v36, v36;
	v54 =	vadd.f32 v2, v33  }
0x35d: {  	s17 =	smul.f32 s17, s19;
	s6 =	ssub.f32 $1.500000000e+00, s6;
	v44 =	vadd.f32 v50, v0;
	v50 =	vld [tilespmem:s24+$0xFFFFFF90];
	v13 =	vadd.f32 v59, v58  }
0x35e: {  	s21 =	smul.f32 s21, s12;
	s11 =	ssub.f32 $1.500000000e+00, s29;
	v52 =	vadd.f32 v56, v14;
	v14 =	vld [tilespmem:s26+$0xFFFFFF90];
	v1 =	vadd.f32 v54, v1  }
0x35f: {  	s17 =	ssub.f32 $1.500000000e+00, s17;
	s29 =	smul.f32 s6, s14;
	v58 =	vld [tilespmem:s26+$0xFFFFFF70];
	v41 =	vadd.f32 v13, v41  }
0x360: {  	s20 =	ssub.f32 $1.500000000e+00, s20;
	s14 =	smul.f32 s11, s3;
	v59 =	vld [tilespmem:s24+$0xFFFFFF70];
	(xrf2) =	vadd.scan.msk.f32 $0xffff, v1  }
0x361: {  	s7 =	ssub.f32 $1.500000000e+00, s7;
	s31 =	smul.f32 s17, s19;
	v1 =	vadd.f32 v60, v43;
	v60 =	vld [tilespmem:s24+$0xFFFFFF80];
	(xrf2) =	vadd.scan.msk.f32 $0xffff, v41  }
0x362: {  	[tilespmem:$0x1FCE0] =	vst v5;
	v5 =	vld [tilespmem:s26+$0xFFFFFFA0];
	s19 =	smul.f32 s20, s30  }
0x363: {  	s17 =	ssub.f32 $1.500000000e+00, s21;
	s21 =	smul.f32 s7, s8;
	v56 =	vadd.f32 v50, v14;
	v50 =	vld [tilespmem:s26+$0xFFFFFFC0]  }
0x364: {  	[tilespmem:$0x1FD10] =	vst v47;
	s20 =	smul.f32 s4, s28;
	v47 =	vadd.f32 v3, v12;
	v14 =	vld [tilespmem:s24+$0xFFFFFFC0]  }
0x365: {  	s8 =	smul.f32 s29, s1;
	v41 =	vadd.f32 v59, v58;
	v58 =	vld [tilespmem:s24+$0xFFFFFFB0]  }
0x366: {  	s16 =	smul.f32 s17, s12;
	v13 =	vmul.f32 v47, v47;
	v60 =	vadd.f32 v60, v42;
	v42 =	vld [tilespmem:s26+$0xFFFFFFB0]  }
0x367: {  	v45 =	vadd.f32 v51, v5;
	s18 =	smul.f32 s31, s18;
	v43 =	vmul.f32 v44, v44;
	v3 =	vmul.f32 v1, v1  }
0x368: {  	v30 =	vmovc v61;
	v61 =	vld [tilespmem:s26+$0x10];
	s7 =	smul.f32 s19, s0;
	v0 =	vadd.f32 v47, v1;
	v55 =	vadd.f32 v41, v44;
	v12 =	vmul.f32 v41, v41  }
0x369: {  	[tilespmem:$0x1FCC0] =	vst v20;
	v20 =	vmov v63;
	v51 =	vld [tilespmem:s26+$0xFFFFFFE0];
	s11 =	smul.f32 s21, s2;
	v3 =	vadd.f32 v13, v3;
	v63 =	vadd.f32 v14, v50  }
0x36a: {  	v31 =	vmov v57;
	s17 =	smul.f32 s14, s13;
	v50 =	vld [tilespmem:s26+$0xFFFFFFF0];
	v0 =	vadd.f32 v55, v0;
	v57 =	vadd.f32 v12, v43;
	v54, _, _ =	vpop (xrf2)  }
0x36b: {  	s6 =	smul.f32 s20, s4;
	v14 =	vld [tilespmem:s24+$0xFFFFFFF0];
	v43 =	vadd.f32 v58, v42;
	(v2sf) =	vpush v54, $0xF;
	v13, _, _ =	vpop (xrf2)  }
0x36c: {  	[tilespmem:$0x1FD50] =	vst v4;
	s1 =	smul.f32 s8, s29;
	v5 =	vmul.f32 v56, v56;
	v4 =	vmul.f32 v60, v60;
	v55 =	vld [tilespmem:s26+$0xFFFFFFD0];
	(v2sf) =	vpush v13, $0xF  }
0x36d: {  	s12 =	smul.f32 s16, s10;
	v49 =	vmul.f32 v45, v45;
	v48 =	vadd.f32 v56, v60;
	v12 =	vld [tilespmem:s24+$0xFFFFFFD0];
	(xrf2) =	vadd.scan.msk.f32 $0xffff, v0;
	v58 =	vmul.f32 v43, v43  }
0x36e: {  	s2 =	smul.f32 s11, s21;
	v42 =	vadd.f32 v5, v4;
	v0 =	vadd.f32 v57, v3;
	v3 =	vld [tilespmem:s24+$0xFFFFFFE0]  }
0x36f: {  	v27 =	vld [tilespmem:s24+$0xFFFFFF00];
	s3 =	smul.f32 s18, s31;
	s6 =	ssub.f32 $1.500000000e+00, s6;
	v13 =	vadd.f32 v43, v45;
	v49 =	vadd.f32 v58, v49  }
0x370: {  	s18 =	smul.f32 s17, s14;
	s2 =	ssub.f32 $1.500000000e+00, s2;
	v5 =	vld [tilespmem:s24+$0x30]  }
0x371: {  	s13 =	smul.f32 s6, s4;
	(xrf2) =	vadd.scan.msk.f32 $0xffff, v0;
	v48 =	vadd.f32 v13, v48;
	v13 =	vadd.f32 v49, v42;
	v49 =	vld [tilespmem:s24+$0x10]  }
0x372: {  	s6 =	ssub.f32 $1.500000000e+00, s18;
	s18 =	smul.f32 s2, s21;
	v57 =	vld [tilespmem:s26+$0x0];
	v0 =	vadd.f32 v12, v55  }
0x373: {  	s0 =	smul.f32 s7, s19;
	v12 =	vmul.f32 v63, v63;
	v58 =	vld [tilespmem:s24+$0x0];
	v42 =	vadd.f32 v14, v50;
	v51 =	vadd.f32 v3, v51;
	(xrf2) =	vadd.scan.msk.f32 $0xffff, v48  }
0x374: {  	v53 =	vadd.f32 v35, v36;
	s1 =	ssub.f32 $1.500000000e+00, s1;
	v11 =	vmul.f32 s18, v17;
	v55 =	vld [tilespmem:s26+$0x20];
	v59 =	vmul.f32 v0, v0  }
0x375: {  	[tilespmem:$0x1FD30] =	vst v19;
	s0 =	ssub.f32 $1.500000000e+00, s0;
	s7 =	smul.f32 s12, s16;
	v14 =	vld [tilespmem:s24+$0x20];
	v3 =	vadd.f32 v0, v63;
	v29 =	vmul.f32 v42, v42;
	v54 =	vmul.f32 v51, v51  }
0x376: {  	v19 =	vmovc v21;
	v21 =	vmovc v62;
	s12 =	smul.f32 s1, s29;
	v6 =	vmul.f32 s13, v17;
	v50 =	vadd.f32 v59, v12;
	v62 =	vadd.f32 v49, v61;
	v49 =	vld [tilespmem:s26+$0x40]  }
0x377: {  	s3 =	ssub.f32 $1.500000000e+00, s3;
	s19 =	smul.f32 s0, s19;
	v11 =	vmul.f32 v11, v26;
	v29 =	vadd.f32 v29, v54;
	v54 =	vld [tilespmem:s24+$0x40];
	v12, _, _ =	vpop (xrf2);
	(xrf2) =	vadd.scan.msk.f32 $0xffff, v13;
	v13 =	vadd.f32 v42, v51  }
0x378: {  	v10 =	vmul.f32 s12, v17;
	v57 =	vadd.f32 v58, v57;
	v58 =	vld [tilespmem:s26+$0x30];
	(v2sf) =	vpush v12, $0xF  }
0x379: {  	s8 =	smul.f32 s3, s31;
	v7 =	vmul.f32 s19, v17;
	v11 =	vadd.f32 v11, v8;
	v12 =	vld [tilespmem:s26+$0x50];
	v3 =	vadd.f32 v13, v3  }
0x37a: {  	s20 =	ssub.f32 $1.500000000e+00, s7;
	v4 =	vmul.f32 v57, v57;
	v61 =	vadd.f32 v14, v55;
	v59 =	vmul.f32 v62, v62;
	v13 =	vld [tilespmem:s24+$0x70];
	s7 =	spop (v2sf)  }
0x37b: {  	v48 =	vmul.f32 s8, v17;
	v55 =	vadd.f32 v62, v57;
	v9, _, _ =	vpop (xrf2);
	(xrf2) =	vadd.scan.msk.f32 $0xffff, v3;
	v3 =	vadd.f32 v29, v50;
	v29 =	vld [tilespmem:s24+$0x50];
	s0 =	smul.f32 $1.562500000e-02, s7;
	s10 =	spop (v2sf)  }
0x37c: {  	v7 =	vmul.f32 v7, v22;
	v4 =	vadd.f32 v59, v4;
	v59 =	vld [tilespmem:s24+$0x60];
	v54 =	vadd.f32 v54, v49;
	s1 =	smul.f32 $1.562500000e-02, s10  }
0x37d: {  	v49 =	vld [tilespmem:s26+$0x70];
	v14, _, _ =	vpop (xrf2);
	(v2sf) =	vpush v9, $0xF;
	v9 =	vmul.f32 v48, v39;
	v39 =	vadd.f32 v5, v58;
	s11 =	smul.f32 s0, s0  }
0x37e: {  	s21 =	smul.f32 s20, s16;
	v5 =	vmul.f32 v61, v61;
	v48 =	vld [tilespmem:s26+$0x60];
	(xrf2) =	vadd.scan.msk.f32 $0xffff, v3;
	v3 =	vmul.f32 v6, v18;
	(v2sf) =	vpush v14, $0xF  }
0x37f: {  	s29 =	smul.f32 s6, s14;
	v22 =	vld [tilespmem:s26+$0x80];
	v18 =	vadd.f32 v39, v61;
	v50 =	vmul.f32 v39, v39;
	v9 =	vadd.f32 v9, v8;
	s1 =	ssub.f32 s1, s11  }
0x380: {  	v6 =	vmul.f32 s21, v17;
	v3 =	vadd.f32 v3, v8;
	v58 =	vadd.f32 v29, v12;
	v29 =	vld [tilespmem:s24+$0x80]  }
0x381: {  	[tilespmem:$0x1FD40] =	vst v2;
	v26 =	vld [tilespmem:s24+$0xA0];
	v17 =	vmul.f32 s29, v17;
	v2, _, _ =	vpop (xrf2);
	v18 =	vadd.f32 v18, v55;
	v5 =	vadd.f32 v50, v5;
	s1 =	sadd.f32 $9.999999960e-13, s1  }
0x382: {  	[tilespmem:s23+$0xFFFFFF00] =	vst v9;
	v55 =	vadd.f32 v13, v49;
	(v2sf) =	vpush v2, $0xF;
	v2 =	vmul.f32 v10, v24;
	v24 =	vld [tilespmem:s26+$0x90]  }
0x383: {  	v12 =	vmul.f32 v54, v54;
	[tilespmem:s23+$0xFFFFFF40] =	vst v3;
	v59 =	vadd.f32 v59, v48;
	v4 =	vadd.f32 v5, v4;
	v5 =	vld [tilespmem:s24+$0x90];
	s14 =	sshrl.u32 s1, $0x1;
	s1 =	smul.f32 $5.000000000e-01, s1  }
0x384: {  	v13 =	vld [tilespmem:s26+$0xA0];
	v3 =	vadd.f32 v7, v8;
	v9 =	vadd.f32 v58, v54;
	v10 =	vmul.f32 v58, v58;
	(xrf2) =	vadd.scan.msk.f32 $0xffff, v18;
	s2 =	ssub.s32 $0x5F3759DF, s14  }
0x385: {  	v18, _, _ =	vpop (xrf2);
	(xrf2) =	vadd.scan.msk.f32 $0xffff, v4;
	v4 =	vmul.f32 v17, v38;
	v17 =	vadd.f32 v55, v59;
	v38 =	vadd.f32 v29, v22;
	v22 =	vld [tilespmem:s26+$0xB0];
	s16 =	smul.f32 s2, s1  }
0x386: {  	v10 =	vadd.f32 v10, v12;
	v12 =	vmul.f32 v59, v59;
	v29 =	vld [tilespmem:s24+$0xB0];
	(v2sf) =	vpush v18, $0xF  }
0x387: {  	v7 =	vld [tilespmem:s26+$0xFFFFFF00];
	[tilespmem:s23+$0xFFFFFF80] =	vst v3;
	v2 =	vadd.f32 v2, v8;
	v18 =	vmul.f32 v55, v55;
	s17 =	spop (v2sf);
	v9 =	vadd.f32 v17, v9;
	s3 =	smul.f32 s2, s16  }
0x388: {  	v6 =	vmul.f32 v6, v32;
	v15 =	vld [tilespmem:$0x12F90];
	v49, _, _ =	vpop (xrf2);
	v4 =	vadd.f32 v4, v8;
	s4 =	smul.f32 $1.562500000e-02, s17;
	v48 =	vadd.f32 v5, v24  }
0x389: {  	[tilespmem:s23+$0xFFFFFFC0] =	vst v2;
	v17 =	vld [tilespmem:$0x12F50];
	v5 =	vmul.f32 v38, v38;
	v12 =	vadd.f32 v18, v12;
	(v2sf) =	vpush v49, $0xF;
	s3 =	ssub.f32 $1.500000000e+00, s3  }
0x38a: {  	v16 =	vld [tilespmem:$0x12F90];
	v49 =	vadd.f32 v26, v13;
	v32 =	vmov s4;
	v13 =	vadd.f32 v48, v38  }
0x38b: {  	v24 =	vld [tilespmem:$0x12F50];
	v14 =	vmul.f32 v48, v48;
	v10 =	vadd.f32 v12, v10;
	v50 =	vadd.f32 v29, v22;
	s2 =	smul.f32 s2, s3  }
0x38c: {  	v26 =	vld [tilespmem:$0x12F90];
	(xrf2) =	vadd.scan.msk.f32 $0xffff, v9;
	v18 =	vsub.f32 v1, v32;
	v1 =	vadd.f32 v27, v7  }
0x38d: {  	v9 =	vld [tilespmem:$0x12F50];
	v2 =	vadd.f32 v14, v5;
	v5 =	vmul.f32 v49, v49;
	v22 =	vmul.f32 v50, v50;
	s7 =	smul.f32 s2, s1  }
0x38e: {  	v46 =	vmul.f32 v34, v34;
	s20 =	smul.f32 s4, s4;
	v12 =	vld [tilespmem:$0x12F50];
	s10 =	spop (v2sf);
	v3, _, _ =	vpop (xrf2);
	(xrf2) =	vadd.scan.msk.f32 $0xffff, v10;
	v10 =	vadd.f32 v50, v49;
	v27 =	vadd.f32 v34, v1  }
0x38f: {  	[tilespmem:s23+$0x0] =	vst v11;
	v7 =	vld [tilespmem:$0x12F90];
	s11 =	spop (v2sf);
	v29 =	vmul.f32 v1, v1;
	(v2sf) =	vpush v3, $0xF;
	v5 =	vadd.f32 v22, v5;
	s4 =	smul.f32 s7, s2  }
0x390: {  	s14 =	smul.f32 $1.562500000e-02, s11;
	v10 =	vadd.f32 v10, v13;
	v11 =	vadd.f32 v53, v27;
	v27 =	vld [tilespmem:$0x12F50]  }
0x391: {  	s6 =	smul.f32 $1.562500000e-02, s10;
	v13 =	vmul.f32 s8, v17;
	v17 =	vadd.f32 v46, v29;
	v29 =	vadd.f32 v6, v8;
	v8 =	vld [tilespmem:$0x1FD90];
	s4 =	ssub.f32 $1.500000000e+00, s4  }
0x392: {  	v46 =	vld [tilespmem:$0x12FB0];
	s7 =	smul.f32 s14, s14  }
0x393: {  	v14, _, _ =	vpop (xrf2);
	v2 =	vadd.f32 v5, v2;
	v5 =	vmul.f32 s19, v12;
	v12 =	vld [tilespmem:$0x12F90];
	s16 =	spop (v2sf);
	s4 =	smul.f32 s4, s2  }
0x394: {  	v9 =	vmul.f32 s13, v9;
	s3 =	ssub.f32 s6, s20;
	(v2sf) =	vpush v14, $0xF;
	v13 =	vmul.f32 v13, v28;
	v28 =	vld [tilespmem:$0x12FB0];
	s20 =	smul.f32 $1.562500000e-02, s16  }
0x395: {  	v3 =	vmov s14;
	v14 =	vadd.f32 v52, v17;
	(xrf2) =	vadd.scan.msk.f32 $0xffff, v11;
	v11 =	vmul.f32 s12, v24;
	v17 =	vld [tilespmem:$0x12F40];
	s14 =	spop (v2sf);
	s1 =	smul.f32 s4, s1  }
0x396: {  	[tilespmem:s23+$0x40] =	vst v29;
	v5 =	vmul.f32 v5, v20;
	v20 =	vld [tilespmem:$0x1FDF0];
	v24, _, _ =	vpop (xrf2);
	v9 =	vmul.f32 v9, v8;
	v8 =	vsub.f32 v47, v32;
	s6 =	smul.f32 $1.562500000e-02, s14  }
0x397: {  	s3 =	sadd.f32 $9.999999960e-13, s3;
	v47 =	vld [tilespmem:$0x12FB0];
	[tilespmem:s23+$0x80] =	vst v4;
	(v2sf) =	vpush v24, $0xF;
	s1 =	smul.f32 s1, s4  }
0x398: {  	v29 =	vld [tilespmem:$0x12F50];
	(xrf2) =	vadd.scan.msk.f32 $0xffff, v10;
	s11 =	ssub.f32 s20, s7;
	[tilespmem:$0x1FD90] =	vst v8;
	v8 =	vsub.f32 v56, v3;
	v9 =	vadd.f32 v9, v26;
	v6, _, _ =	vpop (xrf2);
	s20 =	smul.f32 s6, s6  }
0x399: {  	v52 =	vmov s6;
	s6 =	spop (v2sf);
	(v2sf) =	vpush v6, $0xF;
	v6 =	vld [tilespmem:$0x12F50];
	s1 =	ssub.f32 $1.500000000e+00, s1  }
0x39a: {  	s17 =	sshrl.u32 s3, $0x1;
	s28 =	smul.f32 $5.000000000e-01, s3;
	[tilespmem:s23+$0xFFFFFF50] =	vst v9;
	v24 =	vsub.f32 v63, v52;
	v63 =	vmov v8;
	v8 =	vld [tilespmem:$0x12F80];
	v0 =	vsub.f32 v0, v52  }
0x39b: {  	s2 =	ssub.s32 $0x5F3759DF, s17;
	v10 =	vmul.f32 s18, v27;
	v27 =	vmov s0;
	s3 =	sadd.f32 $9.999999960e-13, s11;
	(xrf2) =	vadd.scan.msk.f32 $0xffff, v14;
	v14 =	vsub.f32 v45, v3;
	v9 =	vld [tilespmem:$0x12F60];
	s31 =	smul.f32 s1, s4  }
0x39c: {  	s16 =	smul.f32 s2, s28;
	v11 =	vmul.f32 v11, v20;
	v45 =	vsub.f32 v41, v32;
	v41 =	vld [tilespmem:$0x12FA0];
	[tilespmem:$0x1FDF0] =	vst v0;
	v0 =	vadd.f32 v13, v7  }
0x39d: {  	v56 =	vmul.f32 v10, v21;
	s17 =	sshrl.u32 s3, $0x1;
	s0 =	smul.f32 $5.000000000e-01, s3;
	v7 =	vsub.f32 v40, v27;
	v13 =	vld [tilespmem:$0x12F90];
	v10 =	vmul.f32 s31, v17  }
0x39e: {  	s7 =	smul.f32 s2, s16;
	s10 =	ssub.s32 $0x5F3759DF, s17;
	v40 =	vadd.f32 v11, v16;
	v11 =	vld [tilespmem:$0x12F90];
	[tilespmem:s23+$0xFFFFFF10] =	vst v0  }
0x39f: {  	(xrf2) =	vadd.scan.msk.f32 $0xffff, v2;
	s11 =	smul.f32 s10, s0;
	v0 =	vadd.f32 v5, v15;
	v2 =	vld [tilespmem:$0x12F60];
	v7 =	vmul.f32 v10, v7  }
0x3a0: {  	v4 =	vadd.f32 v56, v12;
	s1 =	smul.f32 $1.562500000e-02, s6;
	s14 =	spop (v2sf);
	v16 =	vld [tilespmem:$0x12FA0]  }
0x3a1: {  	s7 =	ssub.f32 $1.500000000e+00, s7;
	v15, _, _ =	vpop (xrf2);
	v20 =	vmul.f32 s29, v6;
	s6 =	smul.f32 $1.562500000e-02, s14;
	[tilespmem:s23+$0xFFFFFF90] =	vst v0;
	v10 =	vmul.f32 s21, v29;
	v29 =	vld [tilespmem:$0x1FC80];
	v7 =	vadd.f32 v7, v8  }
0x3a2: {  	[tilespmem:s23+$0x10] =	vst v4;
	s16 =	smul.f32 s10, s11;
	s1 =	ssub.f32 s1, s20;
	(v2sf) =	vpush v15, $0xF;
	v6, _, _ =	vpop (xrf2);
	v9 =	vmul.f32 s13, v9;
	v21 =	vld [tilespmem:$0x12F60]  }
0x3a3: {  	v56 =	vmul.f32 v20, v25;
	s20 =	smul.f32 s6, s6;
	v15 =	vmov s6;
	s6 =	spop (v2sf);
	(v2sf) =	vpush v6, $0xF;
	v6 =	vld [tilespmem:$0x12F60];
	[tilespmem:s26+$0xC0] =	vst v7  }
0x3a4: {  	v9 =	vmul.f32 v9, v31;
	v25 =	vld [tilespmem:$0x12F50]  }
0x3a5: {  	v53 =	vsub.f32 v44, v32;
	s3 =	ssub.f32 $1.500000000e+00, s16;
	s16 =	smul.f32 s2, s7;
	v5 =	vadd.f32 v56, v11;
	v56 =	vld [tilespmem:$0x1FD10]  }
0x3a6: {  	[tilespmem:s23+$0xFFFFFFD0] =	vst v40;
	s2 =	smul.f32 $1.562500000e-02, s6;
	v0 =	vmul.f32 v10, v19;
	v19 =	vld [tilespmem:$0x1FC90];
	v9 =	vadd.f32 v9, v41;
	v2 =	vmul.f32 s8, v2;
	s7 =	spop (v2sf)  }
0x3a7: {  	s1 =	sadd.f32 $9.999999960e-13, s1;
	v26 =	vsub.f32 v57, v15;
	v11, _, _ =	vpop (xrf2);
	v10 =	vsub.f32 v51, v52;
	v7 =	vld [tilespmem:$0x12F60];
	s6 =	smul.f32 $1.562500000e-02, s7  }
0x3a8: {  	(v2sf) =	vpush v11, $0xF;
	v0 =	vadd.f32 v0, v13;
	[tilespmem:s23+$0xFFFFFF60] =	vst v9;
	v9 =	vld [tilespmem:$0x1FCC0];
	v2 =	vmul.f32 v2, v23  }
0x3a9: {  	v57 =	vmovc v53;
	s17 =	sshrl.u32 s1, $0x1;
	s1 =	smul.f32 $5.000000000e-01, s1;
	v11 =	vsub.f32 v37, v27;
	v51 =	vld [tilespmem:$0x12F90];
	v53 =	vmul.f32 s31, v25;
	v25 =	vmov s6  }
0x3aa: {  	s14 =	ssub.s32 $0x5F3759DF, s17;
	[tilespmem:s23+$0x50] =	vst v0;
	v0 =	vmul.f32 s19, v21;
	v2 =	vadd.f32 v2, v16;
	v21 =	vsub.f32 v58, v25;
	v58 =	vmovc v10;
	v10 =	vld [tilespmem:$0x1FCB0]  }
0x3ab: {  	v22 =	vsub.f32 v60, v3;
	v44 =	vsub.f32 v43, v3;
	[tilespmem:s23+$0x90] =	vst v5;
	s4 =	smul.f32 s14, s1;
	v3 =	vld [tilespmem:$0x12F60]  }
0x3ac: {  	[tilespmem:s23+$0xFFFFFF20] =	vst v2;
	v2 =	vld [tilespmem:$0x12FA0];
	v11 =	vmul.f32 v53, v11  }
0x3ad: {  	v23 =	vld [tilespmem:$0x12F60];
	v6 =	vmul.f32 s18, v6;
	s4 =	smul.f32 s14, s4;
	v16, _, _ =	vpop (xrf2)  }
0x3ae: {  	s11 =	spop (v2sf);
	(v2sf) =	vpush v16, $0xF;
	v16 =	vld [tilespmem:$0x1FCA0];
	v5 =	vadd.f32 v11, v51  }
0x3af: {  	s7 =	smul.f32 s6, s6;
	v0 =	vmul.f32 v0, v19;
	s17 =	ssub.f32 $1.500000000e+00, s4;
	v6 =	vmul.f32 v6, v10;
	v10 =	vld [tilespmem:$0x12FA0]  }
0x3b0: {  	v4 =	vsub.f32 v42, v52;
	s2 =	ssub.f32 s2, s20;
	s6 =	smul.f32 $1.562500000e-02, s11;
	v52 =	vld [tilespmem:$0x12F70];
	v3 =	vmul.f32 s21, v3;
	[tilespmem:s26+$0xD0] =	vst v5  }
0x3b1: {  	v7 =	vmul.f32 s12, v7;
	s14 =	smul.f32 s14, s17;
	s17 =	spop (v2sf);
	v0 =	vadd.f32 v0, v2;
	v2 =	vld [tilespmem:$0x12F60]  }
0x3b2: {  	v32 =	vsub.f32 v54, v25;
	v54 =	vld [tilespmem:$0x12FA0];
	s7 =	ssub.f32 s6, s7;
	v3 =	vmul.f32 v3, v30;
	s6 =	smul.f32 $1.562500000e-02, s17  }
0x3b3: {  	s2 =	sadd.f32 $9.999999960e-13, s2;
	v7 =	vmul.f32 v7, v16;
	v16 =	vld [tilespmem:$0x12FA0]  }
0x3b4: {  	v53 =	vld [tilespmem:$0x12F70];
	v3 =	vadd.f32 v3, v10;
	v10 =	vmov s6  }
0x3b5: {  	v37 =	vsub.f32 v39, v15;
	s20 =	sshrl.u32 s2, $0x1;
	s2 =	smul.f32 $5.000000000e-01, s2;
	[tilespmem:s23+$0xFFFFFFA0] =	vst v0;
	v39 =	vsub.f32 v1, v10;
	v1 =	vld [tilespmem:$0x12FA0]  }
0x3b6: {  	s30 =	smul.f32 s10, s3;
	s4 =	ssub.s32 $0x5F3759DF, s20;
	v11 =	vld [tilespmem:$0x12FA0];
	v2 =	vmul.f32 s31, v2;
	[tilespmem:s23+$0x60] =	vst v3;
	v3 =	vsub.f32 v33, v27  }
0x3b7: {  	s10 =	smul.f32 s4, s2;
	v51 =	vmul.f32 s29, v23;
	v7 =	vadd.f32 v7, v54;
	v54 =	vld [tilespmem:$0x12F70]  }
0x3b8: {  	v40 =	vsub.f32 v61, v15;
	s7 =	sadd.f32 $9.999999960e-13, s7;
	v0 =	vadd.f32 v6, v16;
	v6 =	vld [tilespmem:$0x1FCD0];
	v2 =	vmul.f32 v2, v3  }
0x3b9: {  	v43 =	vsub.f32 v59, v25;
	s11 =	smul.f32 s4, s10;
	v9 =	vmul.f32 v51, v9;
	[tilespmem:s23+$0xFFFFFFE0] =	vst v7;
	v7 =	vld [tilespmem:$0x1FCE0]  }
0x3ba: {  	v59 =	vmov v40;
	v40 =	vsub.f32 v55, v25;
	s20 =	sshrl.u32 s7, $0x1;
	s10 =	smul.f32 $5.000000000e-01, s7;
	v55 =	vld [tilespmem:$0x12F70];
	v2 =	vadd.f32 v2, v1  }
0x3bb: {  	s17 =	ssub.f32 $1.500000000e+00, s11;
	s7 =	smul.f32 s6, s6;
	s3 =	ssub.s32 $0x5F3759DF, s20;
	[tilespmem:s23+$0x20] =	vst v0;
	v0 =	vadd.f32 v9, v11;
	v9 =	vld [tilespmem:$0x1FCF0]  }
0x3bc: {  	s11 =	spop (v2sf);
	v5 =	vmul.f32 s8, v52;
	s8 =	smul.f32 s3, s10;
	[tilespmem:s26+$0xE0] =	vst v2;
	v2 =	vld [tilespmem:$0x1FD20]  }
0x3bd: {  	s6 =	smul.f32 $1.562500000e-02, s11;
	v11 =	vld [tilespmem:$0x12F70];
	v6 =	vadd.f32 v6, v46  }
0x3be: {  	s8 =	smul.f32 s3, s8;
	[tilespmem:s23+$0xA0] =	vst v0;
	v16 =	vld [tilespmem:$0x12F70]  }
0x3bf: {  	v62 =	vsub.f32 v62, v15;
	s20 =	spop (v2sf);
	s11 =	smul.f32 s6, s6;
	[tilespmem:s22+$0x30] =	vst v6;
	v3 =	vld [tilespmem:$0x12F70];
	v6 =	vmul.f32 s19, v54  }
0x3c0: {  	s25 =	sadd.s32 $0x8, s25;
	v12 =	vmul.f32 s13, v53;
	v23 =	vsub.f32 v36, v10;
	v15 =	vmov s6;
	s6 =	smul.f32 $1.562500000e-02, s20;
	v1 =	vld [tilespmem:$0x1FD00]  }
0x3c1: {  	p0 =	slt.u32 s25, $0x188;
	v7 =	vadd.f32 v7, v28;
	v28 =	vsub.f32 v34, v10;
	s20 =	ssub.f32 $1.500000000e+00, s8;
	s8 =	smul.f32 s4, s17;
	v42 =	vmul.f32 v6, v2;
	v2 =	vld [tilespmem:$0x1FD30]  }
.Ltmp1:
0x3c2: {  	v0 =	vld [tilespmem:$0x12FB0];
	v10 =	vsub.f32 v35, v10;
	v38 =	vsub.f32 v38, v15;
	(pc) =	sbr.rel @p0 .LBB2_5-.Ltmp1, $4  }
0x3c3: {  	v41 =	vmul.f32 v12, v56;
	v34 =	vld [tilespmem:$0x12FB0];
	v25 =	vsub.f32 v48, v15;
	v9 =	vadd.f32 v9, v47;
	s6 =	ssub.f32 s6, s7;
	s19 =	spop (v2sf)  }
0x3c4: {  	v60 =	vmovc v14;
	v35 =	vld [tilespmem:$0x12FB0];
	v20 =	vsub.f32 v49, v15;
	[tilespmem:s22+$0x70] =	vst v7;
	v7 =	vmul.f32 s12, v55;
	s7 =	smul.f32 $1.562500000e-02, s19;
	v31 =	vmul.f32 s18, v11  }
0x3c5: {  	v19 =	vmovc v4;
	v33 =	vsub.f32 v50, v15;
	v47 =	vmovc v45;
	s12 =	smul.f32 s3, s20;
	[tilespmem:s22+$0xB0] =	vst v9;
	s22 =	smov.u32 s23;
	s13 =	sadd.f32 $9.999999960e-13, s6;
	v36 =	vmul.f32 s21, v16;
	v45 =	vld [tilespmem:$0x12F70];
	v30 =	vmul.f32 s29, v3  }
0x3c6: {  	v61 =	vmovc v43;
	v48 =	vmovc v44;
	v49 =	vmov v10;
	s23 =	smov.u32 s26;
	s3 =	ssub.f32 s7, s11;
	s26 =	sadd.s32 $0x200, s26;
	v43 =	vmul.f32 v5, v1;
	v1 =	vld [tilespmem:$0x12FB0];
	v44 =	vmul.f32 v7, v2  }
0x3c7: {  	s6 =	smul.f32 $5.000000000e-01, s13  }
0x3c8: {  	s7 =	smul.f32 s16, s28  }
0x3c9: {  	s18 =	smul.f32 s30, s0  }
0x3ca: {  	s25 =	smul.f32 s14, s1  }
0x3cb: {  	s4 =	sshrl.u32 s13, $0x1;
	s26 =	smul.f32 s8, s2  }
0x3cc: {  	s20 =	smul.f32 s12, s10;
	s4 =	ssub.s32 $0x5F3759DF, s4  }
0x3cd: {  	s11 =	smul.f32 s4, s6  }
0x3ce: {  	s7 =	smul.f32 s7, s16  }
0x3cf: {  	s3 =	sadd.f32 $9.999999960e-13, s3;
	s18 =	smul.f32 s18, s30  }
0x3d0: {  	s20 =	smul.f32 s20, s12  }
0x3d1: {  	s24 =	sshrl.u32 s3, $0x1;
	s3 =	smul.f32 $5.000000000e-01, s3  }
0x3d2: {  	s11 =	smul.f32 s4, s11;
	s13 =	ssub.s32 $0x5F3759DF, s24;
	s7 =	ssub.f32 $1.500000000e+00, s7  }
0x3d3: {  	s17 =	smul.f32 s13, s3  }
0x3d4: {  	s11 =	ssub.f32 $1.500000000e+00, s11;
	s7 =	smul.f32 s7, s16  }
0x3d5: {  	s17 =	smul.f32 s13, s17  }
0x3d6: {  	s4 =	smul.f32 s4, s11  }
0x3d7: {  	s11 =	smul.f32 s25, s14;
	s25 =	ssub.f32 $1.500000000e+00, s20  }
0x3d8: {  	s17 =	ssub.f32 $1.500000000e+00, s17;
	s19 =	smul.f32 s4, s6  }
0x3d9: {  	s12 =	smul.f32 s25, s12  }
0x3da: {  	s13 =	smul.f32 s13, s17  }
0x3db: {  	s11 =	ssub.f32 $1.500000000e+00, s11;
	s17 =	smul.f32 s26, s8  }
0x3dc: {  	s19 =	smul.f32 s19, s4  }
0x3dd: {  	s18 =	ssub.f32 $1.500000000e+00, s18;
	s11 =	smul.f32 s11, s14  }
0x3de: {  	s21 =	smul.f32 s13, s3  }
0x3df: {  	s24 =	ssub.f32 $1.500000000e+00, s17;
	s17 =	smul.f32 s18, s30  }
0x3e0: {  	s18 =	smul.f32 s7, s28  }
0x3e1: {  	s20 =	smul.f32 s11, s1  }
0x3e2: {  	s21 =	smul.f32 s21, s13  }
0x3e3: {  	s19 =	ssub.f32 $1.500000000e+00, s19;
	s16 =	smul.f32 s24, s8  }
0x3e4: {  	s24 =	smul.f32 s12, s10  }
0x3e5: {  	s4 =	smul.f32 s19, s4  }
0x3e6: {  	s19 =	smul.f32 s17, s0  }
0x3e7: {  	s1 =	smul.f32 s20, s11  }
0x3e8: {  	s26 =	ssub.f32 $1.500000000e+00, s21;
	s21 =	smul.f32 s16, s2  }
0x3e9: {  	s6 =	smul.f32 s4, s6  }
0x3ea: {  	s0 =	smul.f32 s19, s17  }
0x3eb: {  	s14 =	smul.f32 s26, s13  }
0x3ec: {  	s26 =	smul.f32 s18, s7  }
0x3ed: {  	s25 =	smul.f32 s6, s4  }
0x3ee: {  	s20 =	smul.f32 s21, s16;
	s6 =	ssub.f32 $1.500000000e+00, s26  }
0x3ef: {  	s21 =	smul.f32 s24, s12;
	s2 =	ssub.f32 $1.500000000e+00, s25  }
0x3f0: {  	s7 =	smul.f32 s6, s7  }
0x3f1: {  	s25 =	ssub.f32 $1.500000000e+00, s21;
	s8 =	smul.f32 s2, s4  }
0x3f2: {  	s3 =	smul.f32 s14, s3;
	v3 =	vmul.f32 s7, v17  }
0x3f3: {  	s0 =	ssub.f32 $1.500000000e+00, s0;
	s26 =	smul.f32 s25, s12;
	v2 =	vmul.f32 s8, v17  }
0x3f4: {  	s3 =	smul.f32 s3, s14;
	s2 =	ssub.f32 $1.500000000e+00, s1;
	v3 =	vmul.f32 v3, v18  }
0x3f5: {  	s18 =	smul.f32 s0, s17;
	s4 =	ssub.f32 $1.500000000e+00, s20;
	v9 =	vmul.f32 s26, v17;
	v2 =	vmul.f32 v2, v39  }
0x3f6: {  	s3 =	ssub.f32 $1.500000000e+00, s3;
	s19 =	smul.f32 s2, s11;
	v6 =	vadd.f32 v3, v8  }
0x3f7: {  	v4 =	vmul.f32 s18, v17;
	s24 =	smul.f32 s4, s16;
	v9 =	vmul.f32 v9, v32;
	v2 =	vadd.f32 v2, v8  }
0x3f8: {  	s3 =	smul.f32 s3, s14;
	v5 =	vmul.f32 s19, v17;
	[tilespmem:s23+$0xFFFFFF40] =	vst v6  }
0x3f9: {  	v4 =	vmul.f32 v4, v22;
	v9 =	vadd.f32 v9, v8;
	v6 =	vmul.f32 s24, v17;
	[tilespmem:s23+$0xFFFFFF00] =	vst v2;
	v12 =	vld [tilespmem:$0x12F90]  }
0x3fa: {  	v11 =	vmul.f32 s3, v17;
	v5 =	vmul.f32 v5, v24;
	v39 =	vld [tilespmem:$0x12F50]  }
0x3fb: {  	v2 =	vadd.f32 v4, v8;
	[tilespmem:s23+$0x40] =	vst v9;
	v46 =	vmul.f32 v6, v26;
	v10 =	vld [tilespmem:$0x12F90]  }
0x3fc: {  	v11 =	vmul.f32 v11, v38;
	v14 =	vadd.f32 v5, v8;
	v9 =	vld [tilespmem:$0x12F50]  }
0x3fd: {  	[tilespmem:s23+$0xFFFFFF80] =	vst v2;
	v2 =	vld [tilespmem:$0x12F50];
	v4 =	vadd.f32 v46, v8  }
0x3fe: {  	[tilespmem:s23+$0xFFFFFFC0] =	vst v14;
	v7 =	vld [tilespmem:$0x12F50];
	v8 =	vadd.f32 v11, v8  }
0x3ff: {  	v6 =	vld [tilespmem:$0x12F50];
	[tilespmem:s23+$0x0] =	vst v4  }
0x400: {  	v13 =	vld [tilespmem:$0x12F90];
	[tilespmem:s23+$0x80] =	vst v8  }
0x401: {  	v17 =	vld [tilespmem:$0x1FD90]  }
0x402: {  	v14 =	vld [tilespmem:$0x12F90];
	v5 =	vmul.f32 s8, v39  }
0x403: {  	v4 =	vld [tilespmem:$0x12F50];
	v7 =	vmul.f32 s18, v7  }
0x404: {  	v15 =	vld [tilespmem:$0x12F90];
	v2 =	vmul.f32 s7, v2;
	v5 =	vmul.f32 v5, v28  }
0x405: {  	v8 =	vld [tilespmem:$0x12F50];
	v7 =	vmul.f32 v7, v63  }
0x406: {  	v5 =	vadd.f32 v5, v10;
	v2 =	vmul.f32 v2, v17;
	v17 =	vld [tilespmem:$0x1FDF0]  }
0x407: {  	v50 =	vld [tilespmem:$0x12F90];
	v7 =	vadd.f32 v7, v13  }
0x408: {  	v10 =	vld [tilespmem:$0x12F90];
	v4 =	vmul.f32 s24, v4;
	[tilespmem:s23+$0xFFFFFF10] =	vst v5;
	v2 =	vadd.f32 v2, v12  }
0x409: {  	v9 =	vmul.f32 s26, v9;
	v6 =	vmul.f32 s19, v6;
	v51 =	vld [tilespmem:$0x12F60];
	[tilespmem:s23+$0xFFFFFF90] =	vst v7  }
0x40a: {  	v4 =	vmul.f32 v4, v62;
	v52 =	vld [tilespmem:$0x12FA0];
	[tilespmem:s23+$0xFFFFFF50] =	vst v2;
	v2 =	vmul.f32 s3, v8  }
0x40b: {  	v7 =	vmul.f32 v9, v21;
	v9 =	vld [tilespmem:$0x12F60];
	v6 =	vmul.f32 v6, v17  }
0x40c: {  	v4 =	vadd.f32 v4, v15;
	v55 =	vld [tilespmem:$0x12FA0];
	v2 =	vmul.f32 v2, v25  }
0x40d: {  	v8 =	vld [tilespmem:$0x12F60];
	v6 =	vadd.f32 v6, v14  }
0x40e: {  	v54 =	vld [tilespmem:$0x12FA0];
	[tilespmem:s23+$0x10] =	vst v4;
	v2 =	vadd.f32 v2, v50  }
0x40f: {  	v53 =	vadd.f32 v7, v10;
	v7 =	vld [tilespmem:$0x12F60];
	[tilespmem:s23+$0xFFFFFFD0] =	vst v6  }
0x410: {  	v6 =	vld [tilespmem:$0x12F60];
	[tilespmem:s23+$0x90] =	vst v2;
	v2 =	vmul.f32 s8, v51  }
0x411: {  	[tilespmem:s23+$0x50] =	vst v53;
	v15 =	vld [tilespmem:$0x12FA0]  }
0x412: {  	v4 =	vld [tilespmem:$0x12F60];
	v9 =	vmul.f32 s18, v9;
	v2 =	vmul.f32 v2, v23  }
0x413: {  	v8 =	vmul.f32 s7, v8;
	v10 =	vld [tilespmem:$0x12F60]  }
0x414: {  	v56 =	vld [tilespmem:$0x12FA0];
	v9 =	vmul.f32 v9, v60;
	v7 =	vmul.f32 s24, v7;
	v2 =	vadd.f32 v2, v52  }
0x415: {  	v8 =	vmul.f32 v8, v57;
	v6 =	vmul.f32 s19, v6  }
0x416: {  	v57 =	vld [tilespmem:$0x12FA0];
	v9 =	vadd.f32 v9, v55;
	[tilespmem:s23+$0xFFFFFF20] =	vst v2;
	v2 =	vmul.f32 v7, v59  }
0x417: {  	v5 =	vadd.f32 v8, v54;
	v8 =	vld [tilespmem:$0x12FA0];
	v6 =	vmul.f32 v6, v58  }
0x418: {  	v4 =	vmul.f32 s26, v4;
	[tilespmem:s23+$0xFFFFFFA0] =	vst v9;
	v7 =	vmul.f32 s3, v10;
	v2 =	vadd.f32 v2, v15  }
0x419: {  	v16 =	vld [tilespmem:$0x12FB0];
	[tilespmem:s23+$0xFFFFFF60] =	vst v5;
	v60 =	vadd.f32 v6, v56  }
0x41a: {  	v3 =	vld [tilespmem:$0x12FB0];
	v4 =	vmul.f32 v4, v61;
	v6 =	vmul.f32 v7, v20;
	[tilespmem:s23+$0x20] =	vst v2  }
0x41b: {  	v11 =	vld [tilespmem:$0x12FB0];
	[tilespmem:s23+$0xFFFFFFE0] =	vst v60  }
0x41c: {  	v4 =	vadd.f32 v4, v57;
	v2 =	vadd.f32 v6, v8;
	v6 =	vld [tilespmem:$0x1FD40]  }
0x41d: {  	v0 =	vadd.f32 v43, v0;
	v17 =	vld [tilespmem:$0x12FB0]  }
0x41e: {  	v1 =	vadd.f32 v41, v1;
	v9 =	vld [tilespmem:$0x12F70];
	[tilespmem:s23+$0x60] =	vst v4  }
0x41f: {  	v10 =	vld [tilespmem:$0x12F70];
	[tilespmem:s22+$0xFFFFFF30] =	vst v0  }
0x420: {  	v63 =	vld [tilespmem:$0x12FB0];
	[tilespmem:s22+$0xFFFFFF70] =	vst v1  }
0x421: {  	v7 =	vld [tilespmem:$0x12F70];
	v8 =	vmul.f32 s31, v45;
	[tilespmem:s23+$0xA0] =	vst v2;
	v6 =	vsub.f32 v6, v27  }
0x422: {  	v32 =	vld [tilespmem:$0x1FD50]  }
0x423: {  	v61 =	vld [tilespmem:$0x12F70];
	v0 =	vadd.f32 v42, v34;
	v6 =	vmul.f32 v8, v6  }
0x424: {  	v5 =	vld [tilespmem:$0x12F70]  }
0x425: {  	v62 =	vmul.f32 v31, v29;
	v1 =	vadd.f32 v44, v35;
	[tilespmem:s22+$0xFFFFFFB0] =	vst v0;
	v0 =	vadd.f32 v6, v3;
	v6 =	vld [tilespmem:$0x12FB0]  }
0x426: {  	v3 =	vmul.f32 s8, v10;
	v10 =	vld [tilespmem:$0x1FD60]  }
0x427: {  	v7 =	vmul.f32 s7, v7;
	v14 =	vmul.f32 v36, v32;
	[tilespmem:s22+$0xFFFFFFF0] =	vst v1;
	v1 =	vadd.f32 v62, v11;
	v11 =	vld [tilespmem:$0x12FB0]  }
0x428: {  	v9 =	vmul.f32 s18, v9;
	v2 =	vld [tilespmem:$0x12F70];
	v3 =	vmul.f32 v3, v49  }
0x429: {  	v35 =	vmul.f32 v7, v47;
	v8 =	vld [tilespmem:$0x12F70];
	[tilespmem:s23+$0xF0] =	vst v0;
	v0 =	vadd.f32 v14, v16  }
0x42a: {  	v34 =	vld [tilespmem:$0x12FB0];
	v36 =	vmul.f32 v9, v48;
	[tilespmem:s22+$0x30] =	vst v1;
	v3 =	vadd.f32 v3, v63  }
0x42b: {  	v7 =	vld [tilespmem:$0x12FB0];
	v1 =	vmul.f32 s19, v5;
	[tilespmem:s22+$0x70] =	vst v0;
	v10 =	vmul.f32 v30, v10;
	v5 =	vadd.f32 v35, v6  }
0x42c: {  	v9 =	vld [tilespmem:$0x12FB0];
	v0 =	vmul.f32 s24, v61;
	[tilespmem:s23+$0xFFFFFF30] =	vst v3;
	v3 =	vadd.f32 v36, v11  }
0x42d: {  	v2 =	vmul.f32 s26, v2;
	v1 =	vmul.f32 v1, v19;
	v6 =	vld [tilespmem:$0x12FB0];
	v10 =	vadd.f32 v10, v17;
	[tilespmem:s23+$0xFFFFFF70] =	vst v5  }
0x42e: {  	v8 =	vmul.f32 s3, v8;
	v0 =	vmul.f32 v0, v37;
	[tilespmem:s23+$0xFFFFFFB0] =	vst v3  }
0x42f: {  	v2 =	vmul.f32 v2, v40;
	v1 =	vadd.f32 v1, v34;
	[tilespmem:s22+$0xB0] =	vst v10  }
0x430: {  	v37 =	vmul.f32 v8, v33;
	v0 =	vadd.f32 v0, v7;
	s4 =	rddreg [dreg:$0x6]  }
0x431: {  	[tilespmem:s23+$0xFFFFFFF0] =	vst v1;
	v1 =	vadd.f32 v2, v9;
	s0 =	sadd.s32 s15, s4  }
0x432: {  	v2 =	vadd.f32 v37, v6;
	[tilespmem:s23+$0x30] =	vst v0;
	s0 =	smul.u32 $0xC80, s0  }
0x433: {  	s6 =	rddreg [dreg:$0x1];
	[tilespmem:s23+$0x70] =	vst v1  }
0x434: {  	s7 =	simm.s32 $0x0;
	[tilespmem:s23+$0xB0] =	vst v2;
	s0 =	sadd.s32 s6, s0  }
0x435: {  	s8 =	simm.s32 $0x6740;
	s10 =	rddreg [dreg:$0xb];
	s0 =	sadd.s32 $0xC80, s0  }
0x436: {  	[hbm4b:s0+s7] =	stream.linear.scatter [tilespmem:s8], [sflag:$0x4], $0x6400, $0x38;
	[tilespmem:$0x12FC0] =	vst v63  }
0x437: {  	s11 =	simm.s32 $0x4;
	s0 =	sadd.s32 s15, s10  }
0x438: {  	_ =	swait.ge [sflag:s11], $0x6400;
	s0 =	smul.u32 $0x34, s0  }
0x439: {  	s13 =	simm.s32 $0x1A0;
	[sflag:s11] =	ssyncset.done $0x0;
	s12 =	rddreg [dreg:$0x3]  }
0x43a: {  	s14 =	simm.s32 $0x5;
	[sflag:s11] =	ssyncadd.s32 $0xFFFF9C00;
	s0 =	sadd.s32 s12, s0  }
0x43b: {  	[tilespmem:s13], [sflag:$0x5] =	stream.linear.gather [hbm4b:s0+s7], $0x1A0, $0x38;
	[tilespmem:$0x12FC0] =	vst v63  }
0x43c: {  	_ =	swait.ge [sflag:s14], $0x1A0  }
0x43d: {  	[sflag:s14] =	ssyncset.done $0x0  }
0x43e: {  	s15 =	simm.s32 $0x64;
	[sflag:s14] =	ssyncadd.s32 $0xFFFFFE60  }
0x43f: {  	[tilespmem:s8], [sflag:$0x2] =	stream.indirect.gather [hbm4b:s5+s15], $0x40, s13, s15, $0xb8;
	[tilespmem:$0x12FC0] =	vst v63  }
0x440: {  	s17 =	simm.s32 $0x8040;
	s16 =	simm.s32 $0x208  }
0x441: {  	[tilespmem:s17], [sflag:$0x2] =	stream.indirect.gather [hbm4b:s5+s15], $0x40, s16, s15, $0xb8;
	[tilespmem:$0x12FC0] =	vst v63  }
0x442: {  	s18 =	simm.s32 $0x270;
	s19 =	simm.s32 $0x9940  }
0x443: {  	[tilespmem:s19], [sflag:$0x2] =	stream.indirect.gather [hbm4b:s5+s15], $0x40, s18, s15, $0xb8;
	[tilespmem:$0x12FC0] =	vst v63  }
0x444: {  	s21 =	simm.s32 $0xB240;
	s20 =	simm.s32 $0x2D8;
	s22 =	simm.s32 $0x1  }
0x445: {  	[tilespmem:s21], [sflag:$0x2] =	stream.indirect.gather [hbm4b:s5+s15], $0x40, s20, s15, $0xb8;
	[tilespmem:$0x12FC0] =	vst v63  }
0x446: {  	_ =	swait.ge [sflag:s22], $0x1900  }
0x447: {  	[sflag:s22] =	ssyncset.done $0x0  }
0x448: {  	[sflag:s22] =	ssyncadd.s32 $0xFFFFE700  }
0x449: {  	_ =	swait.ge [sflag:s22], $0x1900  }
0x44a: {  	[sflag:s22] =	ssyncset.done $0x0  }
0x44b: {  	[sflag:s22] =	ssyncadd.s32 $0xFFFFE700  }
0x44c: {  	_ =	swait.ge [sflag:s22], $0x1900  }
0x44d: {  	[sflag:s22] =	ssyncset.done $0x0  }
0x44e: {  	[sflag:s22] =	ssyncadd.s32 $0xFFFFE700  }
0x44f: {  	_ =	swait.ge [sflag:s22], $0x1900  }
0x450: {  	[sflag:s22] =	ssyncset.done $0x0  }
0x451: {  	s15 =	simm.s32 $0x440;
	[sflag:s22] =	ssyncadd.s32 $0xFFFFE700  }
0x452: {  	s23 =	simm.s32 $0xCC40;
	v0 =	vld [tilespmem:s15+$0xC0]  }
0x453: {  	v1 =	vld [tilespmem:s23+$0xC0]  }
0x454: {  	v2 =	vld [tilespmem:s15+$0xD0]  }
0x455: {  	v3 =	vld [tilespmem:s23+$0xD0]  }
0x456: {  	v38 =	vld [tilespmem:s15+$0xE0]  }
0x457: {  	v6 =	vld [tilespmem:s23+$0xE0]  }
0x458: {  	v7 =	vld [tilespmem:s15+$0xF0]  }
0x459: {  	v9 =	vld [tilespmem:s23+$0xF0]  }
0x45a: {  	v4 =	vld [tilespmem:s23+$0xFFFFFF00]  }
0x45b: {  	v8 =	vld [tilespmem:s15+$0xFFFFFF10]  }
0x45c: {  	v22 =	vld [tilespmem:s23+$0xFFFFFF10]  }
0x45d: {  	v27 =	vld [tilespmem:s15+$0xFFFFFF20]  }
0x45e: {  	v40 =	vld [tilespmem:s15+$0xFFFFFF50]  }
0x45f: {  	v41 =	vld [tilespmem:s23+$0xFFFFFF50]  }
0x460: {  	v42 =	vld [tilespmem:s15+$0xFFFFFF70]  }
0x461: {  	v43 =	vld [tilespmem:s23+$0xFFFFFF70]  }
0x462: {  	v15 =	vld [tilespmem:s15+$0xFFFFFF80];
	v18 =	vadd.f32 v1, v0;
	v11 =	vadd.f32 v3, v2  }
0x463: {  	v16 =	vld [tilespmem:s23+$0xFFFFFF80];
	v3 =	vadd.f32 v6, v38;
	v61 =	vadd.f32 v9, v7  }
0x464: {  	v17 =	vld [tilespmem:s15+$0xFFFFFF90];
	v0 =	vmul.f32 v18, v18;
	v1 =	vmul.f32 v11, v11  }
0x465: {  	v19 =	vld [tilespmem:s23+$0xFFFFFF90];
	v5 =	vmul.f32 v3, v3;
	v7 =	vmul.f32 v61, v61  }
0x466: {  	v20 =	vld [tilespmem:s15+$0xFFFFFFA0];
	v10 =	vadd.f32 v11, v18;
	v39 =	vadd.f32 v61, v3  }
0x467: {  	v21 =	vld [tilespmem:s23+$0xFFFFFFA0];
	v0 =	vadd.f32 v1, v0;
	v1 =	vadd.f32 v7, v5  }
0x468: {  	v2 =	vld [tilespmem:s15+$0xFFFFFF40];
	v7 =	vadd.f32 v39, v10  }
0x469: {  	v9 =	vld [tilespmem:s23+$0xFFFFFF40];
	v0 =	vadd.f32 v1, v0  }
0x46a: {  	v10 =	vld [tilespmem:s15+$0xFFFFFF60];
	(xrf2) =	vadd.scan.msk.f32 $0xffff, v7  }
0x46b: {  	v1 =	vld [tilespmem:s23+$0xFFFFFF60];
	(xrf2) =	vadd.scan.msk.f32 $0xffff, v0  }
0x46c: {  	v46 =	vld [tilespmem:s23+$0xFFFFFFB0]  }
0x46d: {  	v23 =	vld [tilespmem:s15+$0xFFFFFFC0]  }
0x46e: {  	v25 =	vld [tilespmem:s23+$0xFFFFFFC0];
	v47 =	vadd.f32 v41, v40  }
0x46f: {  	v55 =	vld [tilespmem:s15+$0xFFFFFFD0];
	v48 =	vadd.f32 v16, v15;
	v6 =	vadd.f32 v9, v2  }
0x470: {  	v2 =	vld [tilespmem:s15+$0xFFFFFFB0];
	v0 =	vadd.f32 v1, v10;
	v1 =	vadd.f32 v43, v42  }
0x471: {  	v56 =	vld [tilespmem:s23+$0xFFFFFFE0];
	v52 =	vmul.f32 v47, v47;
	v5 =	vadd.f32 v21, v20;
	v9 =	vmul.f32 v6, v6  }
0x472: {  	v57 =	vld [tilespmem:s15+$0x20];
	v10 =	vadd.f32 v47, v6;
	v24 =	vadd.f32 v1, v0  }
0x473: {  	v62 =	vld [tilespmem:s23+$0x40];
	v7 =	vadd.f32 v19, v17;
	v26 =	vadd.f32 v52, v9  }
0x474: {  	v63 =	vld [tilespmem:s23+$0x50];
	v28 =	vmul.f32 v0, v0;
	v29 =	vmul.f32 v1, v1;
	v15 =	vadd.f32 v24, v10;
	v53, _, _ =	vpop (xrf2)  }
0x475: {  	v44 =	vld [tilespmem:s15+$0x70];
	v2 =	vadd.f32 v46, v2;
	(v2sf) =	vpush v53, $0xF;
	v54, _, _ =	vpop (xrf2)  }
0x476: {  	v16 =	vld [tilespmem:s23+$0xFFFFFFD0];
	v19 =	vadd.f32 v29, v28;
	(xrf2) =	vadd.scan.msk.f32 $0xffff, v15;
	(v2sf) =	vpush v54, $0xF  }
0x477: {  	v20 =	vld [tilespmem:s15+$0xFFFFFFF0];
	v21 =	vadd.f32 v2, v5  }
0x478: {  	v17 =	vld [tilespmem:s15+$0xFFFFFFE0];
	v15 =	vadd.f32 v7, v48;
	v19 =	vadd.f32 v19, v26  }
0x479: {  	v24 =	vld [tilespmem:s23+$0xFFFFFFF0];
	v28 =	vmul.f32 v7, v7;
	v26 =	vmul.f32 v48, v48  }
0x47a: {  	v45 =	vld [tilespmem:s23+$0x70];
	v30 =	vmul.f32 v5, v5;
	v31 =	vmul.f32 v2, v2;
	(xrf2) =	vadd.scan.msk.f32 $0xffff, v19;
	v19 =	vadd.f32 v21, v15  }
0x47b: {  	v29 =	vld [tilespmem:s15+$0x0];
	v26 =	vadd.f32 v28, v26  }
0x47c: {  	v21 =	vld [tilespmem:s23+$0x0];
	v15 =	vadd.f32 v25, v23;
	v23 =	vadd.f32 v31, v30;
	(xrf2) =	vadd.scan.msk.f32 $0xffff, v19  }
0x47d: {  	v13 =	vadd.f32 v56, v17;
	v28 =	vld [tilespmem:s15+$0x10];
	v19 =	vadd.f32 v16, v55  }
0x47e: {  	v17 =	vadd.f32 v23, v26;
	v16 =	vadd.f32 v24, v20;
	v23 =	vld [tilespmem:s23+$0x20]  }
0x47f: {  	v25 =	vld [tilespmem:s23+$0x10];
	v31 =	vmul.f32 v15, v15  }
0x480: {  	v30 =	vld [tilespmem:s23+$0x30];
	v20 =	vadd.f32 v19, v15;
	v58 =	vmul.f32 v19, v19;
	v26, _, _ =	vpop (xrf2);
	(xrf2) =	vadd.scan.msk.f32 $0xffff, v17;
	v17 =	vadd.f32 v16, v13  }
0x481: {  	v59 =	vmul.f32 v13, v13;
	v24 =	vld [tilespmem:s15+$0x30];
	v21 =	vadd.f32 v21, v29  }
0x482: {  	v56 =	vld [tilespmem:s15+$0x90];
	v60 =	vmul.f32 v16, v16;
	v31 =	vadd.f32 v58, v31;
	v17 =	vadd.f32 v17, v20  }
0x483: {  	v29 =	vld [tilespmem:s15+$0x50];
	v14 =	vadd.f32 v23, v57;
	(v2sf) =	vpush v26, $0xF  }
0x484: {  	v23 =	vld [tilespmem:s15+$0x60];
	v20 =	vadd.f32 v25, v28;
	v25 =	vadd.f32 v60, v59;
	v28, _, _ =	vpop (xrf2);
	(xrf2) =	vadd.scan.msk.f32 $0xffff, v17;
	s24 =	spop (v2sf)  }
0x485: {  	v59 =	vld [tilespmem:s23+$0x90];
	(v2sf) =	vpush v28, $0xF;
	s8 =	smul.f32 $1.562500000e-02, s24;
	s25 =	spop (v2sf)  }
0x486: {  	v26 =	vld [tilespmem:s15+$0x40];
	v25 =	vadd.f32 v25, v31;
	v17 =	vadd.f32 v30, v24;
	v24, _, _ =	vpop (xrf2);
	s1 =	smul.f32 $1.562500000e-02, s25  }
0x487: {  	v28 =	vld [tilespmem:s23+$0x60];
	v30 =	vmul.f32 v21, v21;
	v31 =	vmul.f32 v20, v20;
	(v2sf) =	vpush v24, $0xF;
	s26 =	smul.f32 s8, s8  }
0x488: {  	v36 =	vld [tilespmem:s23+$0xFFFFFF20];
	v24 =	vadd.f32 v20, v21;
	(xrf2) =	vadd.scan.msk.f32 $0xffff, v25;
	v25 =	vadd.f32 v17, v14  }
0x489: {  	v12 =	vld [tilespmem:s15+$0xFFFFFF00];
	v46 =	vmul.f32 v14, v14;
	v30 =	vadd.f32 v31, v30;
	s1 =	ssub.f32 s1, s26  }
0x48a: {  	v52 =	vld [tilespmem:s23+$0xFFFFFF30];
	v49 =	vmul.f32 v17, v17;
	v33 =	vadd.f32 v59, v56;
	v51 =	vadd.f32 v25, v24  }
0x48b: {  	v31 =	vld [tilespmem:s15+$0xFFFFFF30];
	v25 =	vadd.f32 v62, v26;
	v24 =	vadd.f32 v63, v29;
	s1 =	sadd.f32 $9.999999960e-13, s1  }
0x48c: {  	v54 =	vld [tilespmem:s23+$0x80];
	v53 =	vadd.f32 v49, v46;
	v26 =	vadd.f32 v28, v23;
	v50, _, _ =	vpop (xrf2);
	(xrf2) =	vadd.scan.msk.f32 $0xffff, v51  }
0x48d: {  	v29 =	vld [tilespmem:s15+$0x80];
	v23 =	vadd.f32 v45, v44;
	v55 =	vadd.f32 v24, v25;
	s3 =	sshrl.u32 s1, $0x1;
	s1 =	smul.f32 $5.000000000e-01, s1  }
0x48e: {  	v63 =	vld [tilespmem:s15+$0xA0];
	v28 =	vmul.f32 v25, v25;
	v30 =	vadd.f32 v53, v30;
	(v2sf) =	vpush v50, $0xF;
	v57, _, _ =	vpop (xrf2);
	s2 =	ssub.s32 $0x5F3759DF, s3  }
0x48f: {  	v46 =	vld [tilespmem:s23+$0xA0];
	v58 =	vmul.f32 v24, v24;
	v60 =	vadd.f32 v23, v26;
	(v2sf) =	vpush v57, $0xF;
	s4 =	smul.f32 s2, s1  }
0x490: {  	v62 =	vmul.f32 v26, v26;
	v51 =	vld [tilespmem:s23+$0xB0];
	v31 =	vadd.f32 v52, v31;
	(xrf2) =	vadd.scan.msk.f32 $0xffff, v30;
	v30 =	vmul.f32 v23, v23  }
0x491: {  	v50 =	vld [tilespmem:s15+$0xB0];
	v32 =	vadd.f32 v60, v55;
	v45 =	vadd.f32 v58, v28;
	s3 =	smul.f32 s2, s4  }
0x492: {  	v28 =	vadd.f32 v36, v27;
	v30 =	vadd.f32 v30, v62  }
0x493: {  	v27 =	vadd.f32 v22, v8;
	v36 =	vadd.f32 v4, v12;
	s6 =	spop (v2sf);
	v49, _, _ =	vpop (xrf2);
	(xrf2) =	vadd.scan.msk.f32 $0xffff, v32;
	s3 =	ssub.f32 $1.500000000e+00, s3  }
0x494: {  	v34 =	vadd.f32 v46, v63;
	s14 =	smul.f32 $1.562500000e-02, s6;
	v30 =	vadd.f32 v30, v45  }
0x495: {  	v8 =	vadd.f32 v31, v28;
	(v2sf) =	vpush v49, $0xF;
	s2 =	smul.f32 s2, s3  }
0x496: {  	v32 =	vadd.f32 v54, v29;
	v35 =	vadd.f32 v51, v50;
	s7 =	smul.f32 s14, s14;
	v22, _, _ =	vpop (xrf2);
	(xrf2) =	vadd.scan.msk.f32 $0xffff, v30  }
0x497: {  	s11 =	spop (v2sf);
	(v2sf) =	vpush v22, $0xF;
	v22 =	vadd.f32 v27, v36;
	s10 =	smul.f32 s2, s1  }
0x498: {  	v53 =	vadd.f32 v33, v32;
	s4 =	smul.f32 $1.562500000e-02, s11  }
0x499: {  	s12 =	spop (v2sf);
	v8 =	vadd.f32 v8, v22;
	v22 =	vadd.f32 v35, v34;
	s0 =	smul.f32 s10, s2  }
0x49a: {  	v29 =	vmul.f32 v28, v28;
	v30 =	vmul.f32 v31, v31;
	s18 =	smul.f32 $1.562500000e-02, s12  }
0x49b: {  	v22 =	vadd.f32 v22, v53;
	s0 =	ssub.f32 $1.500000000e+00, s0  }
0x49c: {  	v52 =	vmul.f32 v27, v27;
	v55 =	vmul.f32 v36, v36;
	s3 =	ssub.f32 s4, s7;
	v29 =	vadd.f32 v30, v29;
	s13 =	smul.f32 s18, s18;
	v54, _, _ =	vpop (xrf2);
	(xrf2) =	vadd.scan.msk.f32 $0xffff, v8  }
0x49d: {  	(v2sf) =	vpush v54, $0xF;
	s16 =	spop (v2sf);
	v56, _, _ =	vpop (xrf2);
	(xrf2) =	vadd.scan.msk.f32 $0xffff, v22;
	s0 =	smul.f32 s0, s2  }
0x49e: {  	v4 =	vadd.f32 v52, v55;
	(v2sf) =	vpush v56, $0xF;
	s2 =	smul.f32 $1.562500000e-02, s16;
	s19 =	spop (v2sf)  }
0x49f: {  	s3 =	sadd.f32 $9.999999960e-13, s3;
	s26 =	smul.f32 $1.562500000e-02, s19  }
0x4a0: {  	v4 =	vadd.f32 v29, v4;
	v29, _, _ =	vpop (xrf2);
	s17 =	smul.f32 s0, s1  }
0x4a1: {  	(v2sf) =	vpush v29, $0xF;
	s1 =	smul.f32 $5.000000000e-01, s3;
	s2 =	ssub.f32 s2, s13  }
0x4a2: {  	s3 =	sshrl.u32 s3, $0x1;
	s7 =	smul.f32 s26, s26  }
0x4a3: {  	s3 =	ssub.s32 $0x5F3759DF, s3;
	s6 =	smul.f32 s17, s0;
	s2 =	sadd.f32 $9.999999960e-13, s2  }
0x4a4: {  	v30 =	vmul.f32 v32, v32;
	v8 =	vmul.f32 v33, v33;
	s21 =	spop (v2sf);
	s20 =	smul.f32 s3, s1  }
0x4a5: {  	v57 =	vmul.f32 v34, v34;
	v58 =	vmul.f32 v35, v35;
	s6 =	ssub.f32 $1.500000000e+00, s6;
	s22 =	sshrl.u32 s2, $0x1;
	s2 =	smul.f32 $5.000000000e-01, s2  }
0x4a6: {  	v8 =	vadd.f32 v8, v30;
	v60, _, _ =	vpop (xrf2);
	s4 =	smul.f32 s3, s20;
	s24 =	spop (v2sf)  }
0x4a7: {  	v9 =	vld [tilespmem:$0x12F40];
	v22 =	vadd.f32 v58, v57;
	(v2sf) =	vpush v60, $0xF;
	s29 =	smul.f32 $1.562500000e-02, s24;
	v29, _, _ =	vpop (xrf2)  }
0x4a8: {  	s0 =	smul.f32 s6, s0;
	(v2sf) =	vpush v29, $0xF  }
0x4a9: {  	v59 =	vadd.f32 v22, v8;
	s11 =	ssub.s32 $0x5F3759DF, s22;
	s6 =	smul.f32 $1.562500000e-02, s21  }
0x4aa: {  	(xrf2) =	vadd.scan.msk.f32 $0xffff, v4;
	s23 =	smul.f32 s11, s2  }
0x4ab: {  	v37 =	vmov s8;
	v12 =	vld [tilespmem:$0x12F80];
	(xrf2) =	vadd.scan.msk.f32 $0xffff, v59;
	s10 =	smul.f32 s29, s29  }
0x4ac: {  	v18 =	vsub.f32 v18, v37;
	s6 =	ssub.f32 s6, s7;
	v22 =	vmul.f32 s0, v9;
	s25 =	spop (v2sf)  }
0x4ad: {  	s7 =	smul.f32 s11, s23;
	s16 =	spop (v2sf)  }
0x4ae: {  	s4 =	ssub.f32 $1.500000000e+00, s4;
	v18 =	vmul.f32 v22, v18;
	s21 =	smul.f32 $1.562500000e-02, s16  }
0x4af: {  	s12 =	smul.f32 $1.562500000e-02, s25;
	s6 =	sadd.f32 $9.999999960e-13, s6  }
0x4b0: {  	v18 =	vadd.f32 v18, v12;
	s19 =	smul.f32 s21, s21;
	s20 =	spop (v2sf)  }
0x4b1: {  	s7 =	ssub.f32 $1.500000000e+00, s7;
	s22 =	smul.f32 $1.562500000e-02, s20  }
0x4b2: {  	s13 =	smul.f32 s3, s4;
	s12 =	ssub.f32 s12, s10;
	[tilespmem:s15+$0xC0] =	vst v18  }
0x4b3: {  	s8 =	smul.f32 $5.000000000e-01, s6;
	s6 =	sshrl.u32 s6, $0x1;
	v18 =	vld [tilespmem:$0x12F50];
	s24 =	ssub.f32 s22, s19  }
0x4b4: {  	v22, _, _ =	vpop (xrf2);
	s16 =	smul.f32 s11, s7;
	s3 =	ssub.s32 $0x5F3759DF, s6;
	s4 =	sadd.f32 $9.999999960e-13, s12  }
0x4b5: {  	(v2sf) =	vpush v22, $0xF;
	v22, _, _ =	vpop (xrf2);
	s17 =	smul.f32 s3, s8;
	s19 =	sadd.f32 $9.999999960e-13, s24  }
0x4b6: {  	(v2sf) =	vpush v22, $0xF;
	s10 =	smul.f32 $5.000000000e-01, s4;
	s20 =	spop (v2sf)  }
0x4b7: {  	v22 =	vld [tilespmem:$0x12F90];
	s12 =	smul.f32 $5.000000000e-01, s19;
	s22 =	spop (v2sf)  }
0x4b8: {  	v11 =	vsub.f32 v11, v37;
	v18 =	vmul.f32 s0, v18;
	s7 =	sshrl.u32 s19, $0x1;
	s28 =	smul.f32 $1.562500000e-02, s22;
	s22 =	simm.s32 $0x640  }
0x4b9: {  	s23 =	sshrl.u32 s4, $0x1;
	s6 =	smul.f32 s3, s17;
	s7 =	ssub.s32 $0x5F3759DF, s7;
	v30 =	vld [tilespmem:s22+$0xD0]  }
0x4ba: {  	s17 =	ssub.s32 $0x5F3759DF, s23;
	v11 =	vmul.f32 v18, v11;
	s23 =	smul.f32 s7, s12;
	v41 =	vld [tilespmem:s22+$0xE0]  }
0x4bb: {  	s4 =	smul.f32 $1.562500000e-02, s20;
	v46 =	vld [tilespmem:s22+$0xF0]  }
0x4bc: {  	v11 =	vadd.f32 v11, v22;
	v22 =	vld [tilespmem:s22+$0xC0];
	s20 =	smul.f32 s7, s23;
	s23 =	simm.s32 $0xCE40  }
0x4bd: {  	v29 =	vld [tilespmem:s23+$0xC0]  }
0x4be: {  	v44 =	vmov s14;
	v62 =	vld [tilespmem:s23+$0xD0]  }
0x4bf: {  	v58 =	vsub.f32 v47, v44;
	s25 =	smul.f32 s17, s10;
	[tilespmem:s15+$0xD0] =	vst v11;
	v63 =	vld [tilespmem:s23+$0xE0]  }
0x4c0: {  	v38 =	vld [tilespmem:$0x12F60]  }
0x4c1: {  	v0 =	vsub.f32 v0, v44;
	v47 =	vmov s26;
	s11 =	smul.f32 s17, s25;
	v39 =	vld [tilespmem:$0x12FA0];
	[tilespmem:$0x1FBB0] =	vst v58  }
0x4c2: {  	v45 =	vmov s18;
	v59 =	vsub.f32 v19, v47;
	s19 =	smul.f32 s4, s4;
	v49 =	vld [tilespmem:s23+$0xF0]  }
0x4c3: {  	s6 =	ssub.f32 $1.500000000e+00, s6;
	s30 =	smul.f32 s28, s28;
	v51 =	vld [tilespmem:s22+$0xFFFFFF10];
	[tilespmem:$0x1FBF0] =	vst v0;
	v0 =	vsub.f32 v5, v45  }
0x4c4: {  	s20 =	ssub.f32 $1.500000000e+00, s20;
	s24 =	spop (v2sf);
	[tilespmem:$0x1FBC0] =	vst v59  }
0x4c5: {  	s25 =	smul.f32 $1.562500000e-02, s24;
	s24 =	spop (v2sf);
	v55 =	vld [tilespmem:s23+$0xFFFFFF10];
	[tilespmem:$0x1FC00] =	vst v0;
	v0 =	vsub.f32 v13, v47  }
0x4c6: {  	s11 =	ssub.f32 $1.500000000e+00, s11;
	s24 =	smul.f32 $1.562500000e-02, s24;
	v60 =	vadd.f32 v62, v30  }
0x4c7: {  	s14 =	smul.f32 s7, s20;
	s19 =	ssub.f32 s25, s19;
	v63 =	vadd.f32 v63, v41;
	[tilespmem:$0x1FC10] =	vst v0  }
0x4c8: {  	s25 =	smul.f32 s3, s6;
	s6 =	ssub.f32 s24, s30;
	v43 =	vld [tilespmem:s22+$0xFFFFFF20];
	[tilespmem:$0x1FBE0] =	vst v60  }
0x4c9: {  	v62 =	vmov s29;
	s29 =	smul.f32 s14, s12;
	s3 =	sadd.f32 $9.999999960e-13, s19;
	v56 =	vld [tilespmem:s23+$0xFFFFFF20];
	[tilespmem:$0x1FC40] =	vst v63  }
0x4ca: {  	s19 =	smul.f32 s17, s11;
	v0 =	vadd.f32 v49, v46;
	s6 =	sadd.f32 $9.999999960e-13, s6;
	v40 =	vld [tilespmem:s22+$0xFFFFFF30]  }
0x4cb: {  	v19 =	vadd.f32 v29, v22;
	s24 =	smul.f32 $5.000000000e-01, s3;
	v42 =	vld [tilespmem:s23+$0xFFFFFF30]  }
0x4cc: {  	s17 =	sshrl.u32 s3, $0x1;
	v41 =	vld [tilespmem:s22+$0xFFFFFF40];
	v29 =	vmul.f32 v0, v0;
	[tilespmem:$0x1FB80] =	vst v0;
	v46 =	vadd.f32 v0, v63;
	v0 =	vsub.f32 v14, v62;
	s18 =	smul.f32 $5.000000000e-01, s6  }
0x4cd: {  	s11 =	ssub.s32 $0x5F3759DF, s17;
	s6 =	sshrl.u32 s6, $0x1;
	s17 =	smul.f32 s13, s1;
	v49 =	vld [tilespmem:s23+$0xFFFFFF40]  }
0x4ce: {  	v50 =	vsub.f32 v6, v44;
	v58 =	vld [tilespmem:s22+$0xFFFFFF50];
	s20 =	smul.f32 s11, s24;
	s6 =	ssub.s32 $0x5F3759DF, s6;
	[tilespmem:$0x1FC20] =	vst v0;
	v0 =	vsub.f32 v1, v44  }
0x4cf: {  	v48 =	vsub.f32 v48, v45;
	v52 =	vsub.f32 v15, v47;
	s26 =	smul.f32 s6, s18  }
0x4d0: {  	v18 =	vsub.f32 v7, v45;
	v59 =	vld [tilespmem:s23+$0xFFFFFF50];
	s7 =	smul.f32 s11, s20;
	[tilespmem:$0x1FC50] =	vst v0;
	v0 =	vsub.f32 v2, v45  }
0x4d1: {  	v53 =	vsub.f32 v21, v62;
	v22 =	vsub.f32 v20, v62;
	v15 =	vmul.f32 v19, v19;
	s20 =	smul.f32 s16, s2  }
0x4d2: {  	v21 =	vmul.f32 v60, v60;
	v1 =	vmov s21;
	s3 =	smul.f32 s6, s26;
	v44 =	vld [tilespmem:s22+$0xFFFFFF60];
	s7 =	ssub.f32 $1.500000000e+00, s7;
	[tilespmem:$0x1FC60] =	vst v0;
	v0 =	vsub.f32 v16, v47  }
0x4d3: {  	v20 =	vmul.f32 v63, v63;
	v30 =	vadd.f32 v60, v19;
	v54 =	vsub.f32 v25, v1;
	s26 =	smul.f32 s25, s8;
	v45 =	vld [tilespmem:s23+$0xFFFFFF60]  }
0x4d4: {  	v25 =	vsub.f32 v26, v1;
	v26 =	vld [tilespmem:s22+$0xFFFFFF70];
	s7 =	smul.f32 s11, s7;
	[tilespmem:$0x1FC70] =	vst v0;
	v0 =	vsub.f32 v23, v1  }
0x4d5: {  	v15 =	vadd.f32 v21, v15;
	v21 =	vadd.f32 v29, v20;
	s3 =	ssub.f32 $1.500000000e+00, s3;
	s26 =	smul.f32 s26, s25  }
0x4d6: {  	v3 =	vsub.f32 v3, v37;
	v30 =	vadd.f32 v46, v30;
	v47 =	vld [tilespmem:s23+$0xFFFFFF70];
	s11 =	smul.f32 s7, s24;
	[tilespmem:$0x1FB90] =	vst v0  }
0x4d7: {  	v29 =	vsub.f32 v17, v62;
	v21 =	vadd.f32 v21, v15;
	v23 =	vmov s28;
	s3 =	smul.f32 s6, s3;
	v57 =	vld [tilespmem:s22+$0xFFFFFF80]  }
0x4d8: {  	v17 =	vmul.f32 s0, v38;
	(xrf2) =	vadd.scan.msk.f32 $0xffff, v30;
	v2 =	vmov s4;
	v0 =	vsub.f32 v35, v23;
	v60 =	vld [tilespmem:s23+$0xFFFFFF80];
	s11 =	smul.f32 s11, s7  }
0x4d9: {  	v46 =	vsub.f32 v36, v2;
	(xrf2) =	vadd.scan.msk.f32 $0xffff, v21;
	v16 =	vsub.f32 v28, v2;
	s6 =	smul.f32 s19, s10;
	v28 =	vld [tilespmem:s22+$0xFFFFFF90]  }
0x4da: {  	v27 =	vsub.f32 v27, v2;
	v30 =	vsub.f32 v31, v2;
	v2 =	vmul.f32 v17, v3;
	s4 =	smul.f32 s3, s18;
	v3 =	vld [tilespmem:s23+$0xFFFFFF90];
	[tilespmem:$0x1FBA0] =	vst v0;
	s11 =	ssub.f32 $1.500000000e+00, s11  }
0x4db: {  	s6 =	smul.f32 s6, s19;
	v31 =	vld [tilespmem:s22+$0xFFFFFFA0]  }
0x4dc: {  	v41 =	vadd.f32 v49, v41;
	v15 =	vsub.f32 v32, v23;
	v32 =	vld [tilespmem:s23+$0xFFFFFFA0];
	s21 =	smul.f32 s11, s7  }
0x4dd: {  	v38 =	vadd.f32 v59, v58;
	v36 =	vsub.f32 v33, v23;
	v33 =	vld [tilespmem:s22+$0xFFFFFFB0];
	s11 =	smul.f32 s17, s13  }
0x4de: {  	v21 =	vsub.f32 v34, v23;
	v13 =	vadd.f32 v45, v44;
	v44 =	vld [tilespmem:s23+$0xFFFFFFB0];
	s17 =	smul.f32 s20, s16  }
0x4df: {  	v23 =	vadd.f32 v55, v51;
	v55 =	vmul.f32 v41, v41;
	v59 =	vmul.f32 v38, v38;
	s4 =	smul.f32 s4, s3;
	v49 =	vld [tilespmem:s22+$0xFFFFFFC0];
	s7 =	ssub.f32 $1.500000000e+00, s11  }
0x4e0: {  	v14 =	vsub.f32 v61, v37;
	v17 =	vadd.f32 v2, v39;
	v51 =	vld [tilespmem:s23+$0xFFFFFFC0];
	s20 =	smul.f32 s29, s14;
	s11 =	ssub.f32 $1.500000000e+00, s17  }
0x4e1: {  	v34 =	vadd.f32 v59, v55;
	v59 =	vld [tilespmem:s22+$0xFFFFFFD0];
	v37 =	vadd.f32 v47, v26;
	s17 =	ssub.f32 $1.500000000e+00, s26;
	s28 =	smul.f32 s7, s13  }
0x4e2: {  	v35 =	vadd.f32 v38, v41;
	s6 =	ssub.f32 $1.500000000e+00, s6;
	v58, _, _ =	vpop (xrf2);
	v45 =	vadd.f32 v3, v28;
	v3 =	vld [tilespmem:s23+$0xFFFFFFD0];
	s26 =	smul.f32 s11, s16  }
0x4e3: {  	v55 =	vmul.f32 v13, v13;
	(v2sf) =	vpush v58, $0xF;
	v26, _, _ =	vpop (xrf2);
	v58 =	vadd.f32 v37, v13;
	v28 =	vld [tilespmem:s22+$0xFFFFFFE0];
	s13 =	smul.f32 s17, s25  }
0x4e4: {  	v61 =	vmul.f32 v37, v37;
	v47 =	vadd.f32 v60, v57;
	v57 =	vld [tilespmem:s22+$0xFFFFFFF0];
	(v2sf) =	vpush v26, $0xF;
	s11 =	ssub.f32 $1.500000000e+00, s20;
	s16 =	smul.f32 s6, s19  }
0x4e5: {  	s4 =	ssub.f32 $1.500000000e+00, s4;
	v39 =	vadd.f32 v32, v31;
	v60 =	vadd.f32 v58, v35;
	v35 =	vld [tilespmem:s23+$0xFFFFFFE0];
	s20 =	smul.f32 s21, s24  }
0x4e6: {  	v61 =	vadd.f32 v61, v55;
	v31 =	vadd.f32 v56, v43;
	v43 =	vld [tilespmem:s23+$0xFFFFFFF0];
	s19 =	smul.f32 s11, s14  }
0x4e7: {  	v26 =	vadd.f32 v44, v33;
	v62 =	vadd.f32 v45, v47;
	v55 =	vld [tilespmem:s22+$0x0];
	s14 =	smul.f32 s4, s3  }
0x4e8: {  	v4 =	vadd.f32 v61, v34;
	v34 =	vadd.f32 v51, v49;
	v49 =	vld [tilespmem:s23+$0x0];
	s1 =	smul.f32 s28, s1  }
0x4e9: {  	v56 =	vmul.f32 v47, v47;
	v58 =	vmul.f32 v45, v45;
	v63 =	vadd.f32 v26, v39;
	(xrf2) =	vadd.scan.msk.f32 $0xffff, v60;
	v51 =	vld [tilespmem:s23+$0x10];
	s2 =	smul.f32 s26, s2  }
0x4ea: {  	v60 =	vmul.f32 v39, v39;
	v61 =	vmul.f32 v26, v26;
	v32 =	vadd.f32 v3, v59;
	v3 =	vld [tilespmem:s22+$0x10];
	s24 =	smul.f32 s13, s8  }
0x4eb: {  	v33 =	vadd.f32 v42, v40;
	v59 =	vld [tilespmem:s22+$0x30];
	v44 =	vadd.f32 v63, v62;
	s7 =	smul.f32 s16, s10;
	(xrf2) =	vadd.scan.msk.f32 $0xffff, v4  }
0x4ec: {  	v5 =	vadd.f32 v58, v56;
	v62 =	vmul.f32 v34, v34;
	v63 =	vadd.f32 v61, v60;
	s4 =	smul.f32 s20, s21;
	v60 =	vld [tilespmem:s23+$0x40]  }
0x4ed: {  	v35 =	vadd.f32 v35, v28;
	v4 =	vmul.f32 v32, v32;
	v28 =	vadd.f32 v43, v57;
	v43 =	vld [tilespmem:s22+$0x20];
	s8 =	smul.f32 s19, s12;
	(xrf2) =	vadd.scan.msk.f32 $0xffff, v44  }
0x4ee: {  	v57 =	vadd.f32 v32, v34;
	s3 =	smul.f32 s14, s18;
	v40 =	vadd.f32 v63, v5;
	v44 =	vld [tilespmem:s23+$0x20]  }
0x4ef: {  	s25 =	smul.f32 s1, s28;
	v58 =	vadd.f32 v4, v62;
	v42 =	vadd.f32 v28, v35;
	v5 =	vmul.f32 v35, v35;
	v62 =	vld [tilespmem:s22+$0x40]  }
0x4f0: {  	s11 =	smul.f32 s2, s26;
	s20 =	ssub.f32 $1.500000000e+00, s4;
	v4 =	vmul.f32 v28, v28;
	(xrf2) =	vadd.scan.msk.f32 $0xffff, v40;
	v40 =	vadd.f32 v49, v55;
	v49 =	vld [tilespmem:s23+$0x30]  }
0x4f1: {  	v61 =	vmul.f32 v33, v33;
	s6 =	smul.f32 s24, s13;
	v55 =	vmul.f32 v31, v31;
	v57 =	vadd.f32 v42, v57  }
0x4f2: {  	s10 =	ssub.f32 $1.500000000e+00, s25;
	s2 =	smul.f32 s20, s21;
	v42 =	vadd.f32 v51, v3;
	v3 =	vadd.f32 v4, v5;
	v4 =	vld [tilespmem:s23+$0x70]  }
0x4f3: {  	s11 =	ssub.f32 $1.500000000e+00, s11;
	s25 =	smul.f32 s8, s19;
	v56 =	vadd.f32 v61, v55;
	v55 =	vld [tilespmem:s22+$0x50];
	v43 =	vadd.f32 v44, v43;
	v5, _, _ =	vpop (xrf2)  }
0x4f4: {  	v51 =	vmul.f32 v40, v40;
	s8 =	smul.f32 s10, s28;
	v3 =	vadd.f32 v3, v58;
	v58 =	vld [tilespmem:s23+$0x50];
	s12 =	spop (v2sf);
	(v2sf) =	vpush v5, $0xF  }
0x4f5: {  	(xrf2) =	vadd.scan.msk.f32 $0xffff, v57;
	v57 =	vld [tilespmem:s23+$0x60];
	s1 =	smul.f32 $1.562500000e-02, s12;
	v5 =	vmul.f32 v42, v42;
	v44 =	vadd.f32 v49, v59;
	v49 =	vadd.f32 v60, v62;
	v63, _, _ =	vpop (xrf2)  }
0x4f6: {  	v59 =	vld [tilespmem:s22+$0x60];
	s12 =	smul.f32 s11, s26;
	v60 =	vmul.f32 v43, v43;
	s17 =	spop (v2sf);
	(xrf2) =	vadd.scan.msk.f32 $0xffff, v3;
	v3 =	vmul.f32 s2, v9;
	(v2sf) =	vpush v63, $0xF  }
0x4f7: {  	s18 =	smul.f32 $1.562500000e-02, s17;
	v51 =	vadd.f32 v5, v51;
	v63 =	vadd.f32 v44, v43;
	v5 =	vld [tilespmem:s22+$0x70];
	v62 =	vmul.f32 v44, v44;
	v61, _, _ =	vpop (xrf2)  }
0x4f8: {  	v6 =	vld [tilespmem:s22+$0x80];
	s24 =	smul.f32 s1, s1;
	v8 =	vmul.f32 v3, v46;
	(v2sf) =	vpush v61, $0xF;
	v61 =	vadd.f32 v42, v40  }
0x4f9: {  	s7 =	smul.f32 s7, s16;
	s6 =	ssub.f32 $1.500000000e+00, s6;
	v46 =	vadd.f32 v58, v55;
	v3 =	vld [tilespmem:s23+$0x80];
	v58 =	vadd.f32 v62, v60;
	v60 =	vmul.f32 s8, v9  }
0x4fa: {  	s4 =	ssub.f32 s18, s24;
	v62 =	vmul.f32 s12, v9;
	v61 =	vadd.f32 v63, v61  }
0x4fb: {  	s7 =	ssub.f32 $1.500000000e+00, s7;
	v60 =	vmul.f32 v60, v50;
	v50 =	vadd.f32 v57, v59;
	v57 =	vadd.f32 v58, v51;
	v58 =	vld [tilespmem:s22+$0x90]  }
0x4fc: {  	v24 =	vsub.f32 v24, v1;
	[tilespmem:s15+$0xE0] =	vst v17;
	s13 =	smul.f32 s6, s13;
	v1 =	vmul.f32 v46, v46;
	s4 =	sadd.f32 $9.999999960e-13, s4;
	v63, _, _ =	vpop (xrf2);
	v51 =	vadd.f32 v4, v5;
	v4 =	vld [tilespmem:s23+$0x90]  }
0x4fd: {  	v17 =	vld [tilespmem:s23+$0xB0];
	s16 =	smul.f32 s7, s16;
	v59 =	vmul.f32 v62, v48;
	(v2sf) =	vpush v63, $0xF;
	v63 =	vmul.f32 v49, v49;
	(xrf2) =	vadd.scan.msk.f32 $0xffff, v61  }
0x4fe: {  	v55 =	vld [tilespmem:s23+$0xFFFFFF00];
	v5 =	vmul.f32 s13, v9;
	s18 =	sshrl.u32 s4, $0x1;
	s4 =	smul.f32 $5.000000000e-01, s4;
	v61 =	vadd.f32 v46, v49;
	v20 =	vadd.f32 v3, v6  }
0x4ff: {  	s3 =	smul.f32 s3, s14;
	s24 =	ssub.f32 $1.500000000e+00, s25;
	v48 =	vld [tilespmem:s23+$0xA0];
	v6 =	vadd.f32 v8, v12;
	v8 =	vmul.f32 s16, v9;
	s10 =	ssub.s32 $0x5F3759DF, s18;
	v7 =	vadd.f32 v1, v63  }
0x500: {  	v3 =	vld [tilespmem:s22+$0xB0];
	v62, _, _ =	vpop (xrf2);
	v63 =	vmul.f32 v50, v50;
	v1 =	vadd.f32 v51, v50;
	v2 =	vmul.f32 v51, v51;
	s20 =	smul.f32 s10, s4  }
0x501: {  	s19 =	smul.f32 s24, s19;
	v5 =	vmul.f32 v5, v52;
	(xrf2) =	vadd.scan.msk.f32 $0xffff, v57;
	(v2sf) =	vpush v62, $0xF;
	v52 =	vadd.f32 v4, v58;
	v4 =	vld [tilespmem:s22+$0xFFFFFF00]  }
0x502: {  	v62 =	vld [tilespmem:s22+$0xA0];
	[tilespmem:s15+$0xFFFFFF00] =	vst v6;
	v6 =	vmul.f32 v8, v53;
	v1 =	vadd.f32 v1, v61;
	v2 =	vadd.f32 v2, v63;
	s21 =	smul.f32 s10, s20;
	v61, _, _ =	vpop (xrf2)  }
0x503: {  	s3 =	ssub.f32 $1.500000000e+00, s3;
	v63 =	vmul.f32 s19, v9;
	v5 =	vadd.f32 v5, v12;
	(v2sf) =	vpush v61, $0xF  }
0x504: {  	v8 =	vld [tilespmem:$0x12F70];
	v58 =	vmul.f32 v20, v20;
	v2 =	vadd.f32 v2, v7;
	v7 =	vadd.f32 v60, v12;
	(xrf2) =	vadd.scan.msk.f32 $0xffff, v1;
	s6 =	ssub.f32 $1.500000000e+00, s21  }
0x505: {  	s14 =	smul.f32 s3, s14;
	v1 =	vadd.f32 v59, v12;
	v60 =	vmul.f32 v63, v54;
	v54 =	vadd.f32 v17, v3;
	[tilespmem:s15+$0xFFFFFFC0] =	vst v5  }
0x506: {  	v57 =	vld [tilespmem:$0x12FB0];
	v5 =	vadd.f32 v6, v12;
	v6 =	vmul.f32 v23, v23;
	[tilespmem:s15+$0xFFFFFF40] =	vst v7;
	s6 =	smul.f32 s10, s6;
	v55 =	vadd.f32 v55, v4  }
0x507: {  	v10 =	vld [tilespmem:$0x12F50];
	v59 =	vmul.f32 v52, v52;
	v53 =	vadd.f32 v48, v62;
	[tilespmem:s15+$0xFFFFFF80] =	vst v1;
	v62 =	vadd.f32 v33, v31;
	v3, _, _ =	vpop (xrf2)  }
0x508: {  	(xrf2) =	vadd.scan.msk.f32 $0xffff, v2;
	v48 =	vld [tilespmem:$0x12F50];
	s26 =	smul.f32 s6, s4;
	(v2sf) =	vpush v3, $0xF;
	v3 =	vmul.f32 s14, v9;
	v1 =	vadd.f32 v23, v55  }
0x509: {  	v8 =	vmul.f32 s0, v8;
	[tilespmem:s15+$0x0] =	vst v5;
	v5 =	vld [tilespmem:$0x12F90];
	v7 =	vadd.f32 v59, v58;
	v2 =	vmul.f32 v55, v55  }
0x50a: {  	v11 =	vld [tilespmem:$0x12F50];
	v59 =	vadd.f32 v54, v53;
	s7 =	smul.f32 s26, s6;
	v3 =	vmul.f32 v3, v15;
	v1 =	vadd.f32 v62, v1  }
0x50b: {  	v58 =	vld [tilespmem:$0x12F90];
	v2 =	vadd.f32 v6, v2;
	v6 =	vmul.f32 v8, v14;
	v8 =	vadd.f32 v60, v12  }
0x50c: {  	v63 =	vld [tilespmem:$0x12F90];
	v9 =	vadd.f32 v52, v20;
	v60, _, _ =	vpop (xrf2);
	s3 =	ssub.f32 $1.500000000e+00, s7;
	(xrf2) =	vadd.scan.msk.f32 $0xffff, v1;
	v1 =	vadd.f32 v3, v12  }
0x50d: {  	v61 =	vmul.f32 v54, v54;
	v4 =	vld [tilespmem:$0x12F50];
	v17 =	vmul.f32 v53, v53;
	[tilespmem:s15+$0x40] =	vst v8  }
0x50e: {  	v9 =	vadd.f32 v59, v9;
	v59 =	vld [tilespmem:$0x12F90];
	s3 =	smul.f32 s3, s6;
	[tilespmem:s15+$0x80] =	vst v1  }
0x50f: {  	s25 =	spop (v2sf);
	v17 =	vadd.f32 v61, v17;
	v0 =	vld [tilespmem:$0x1FBB0]  }
0x510: {  	s11 =	spop (v2sf);
	v15 =	vld [tilespmem:$0x12F50];
	s4 =	smul.f32 s3, s4  }
0x511: {  	s18 =	spop (v2sf);
	v7 =	vadd.f32 v17, v7;
	v17 =	vld [tilespmem:$0x12F40];
	(v2sf) =	vpush v60, $0xF;
	v3 =	vmul.f32 s2, v10;
	v10, _, _ =	vpop (xrf2)  }
0x512: {  	s24 =	spop (v2sf);
	v8 =	vmul.f32 s8, v11;
	(v2sf) =	vpush v10, $0xF;
	v10 =	vld [tilespmem:$0x12F90];
	s4 =	smul.f32 s4, s3  }
0x513: {  	(xrf2) =	vadd.scan.msk.f32 $0xffff, v9;
	v9 =	vld [tilespmem:$0x12F50]  }
0x514: {  	v3 =	vmul.f32 v3, v27;
	v27 =	vmov s1;
	s4 =	ssub.f32 $1.500000000e+00, s4;
	v11 =	vmul.f32 v8, v0;
	v0 =	vld [tilespmem:$0x1FBC0]  }
0x515: {  	v2 =	vadd.f32 v56, v2;
	v62 =	vmul.f32 s16, v15;
	v15 =	vsub.f32 v19, v27;
	v19 =	vld [tilespmem:$0x12F90];
	v1, _, _ =	vpop (xrf2)  }
0x516: {  	v4 =	vmul.f32 s12, v4;
	v3 =	vadd.f32 v3, v58;
	(v2sf) =	vpush v1, $0xF;
	v1 =	vld [tilespmem:$0x12F50];
	s28 =	smul.f32 s4, s3  }
0x517: {  	v61 =	vmul.f32 s13, v48;
	(xrf2) =	vadd.scan.msk.f32 $0xffff, v2;
	v8 =	vld [tilespmem:$0x12F80];
	v2 =	vadd.f32 v11, v63;
	v11 =	vmul.f32 v62, v22  }
0x518: {  	v56 =	vadd.f32 v6, v57;
	v4 =	vmul.f32 v4, v18;
	[tilespmem:s15+$0xFFFFFF10] =	vst v3;
	v3 =	vld [tilespmem:$0x12F90];
	v18 =	vmul.f32 s28, v17  }
0x519: {  	(xrf2) =	vadd.scan.msk.f32 $0xffff, v7;
	v6 =	vmul.f32 s19, v9;
	v7 =	vld [tilespmem:$0x12F60];
	v9 =	vadd.f32 v11, v10;
	v12 =	vmul.f32 v61, v0  }
0x51a: {  	s10 =	smul.f32 $1.562500000e-02, s25;
	v4 =	vadd.f32 v4, v59;
	[tilespmem:s15+$0xFFFFFF50] =	vst v2;
	v2 =	vld [tilespmem:$0x12FA0];
	v63 =	vmul.f32 v18, v15  }
0x51b: {  	v1 =	vmul.f32 s14, v1;
	[tilespmem:s15+$0x10] =	vst v9;
	v5 =	vadd.f32 v12, v5;
	v12 =	vld [tilespmem:$0x12F60]  }
0x51c: {  	[tilespmem:s15+$0xFFFFFF90] =	vst v4;
	v4 =	vmov s10;
	v6 =	vmul.f32 v6, v24;
	v10 =	vadd.f32 v63, v8;
	v24 =	vld [tilespmem:$0x12F60]  }
0x51d: {  	v1 =	vmul.f32 v1, v36;
	v0 =	vsub.f32 v38, v4;
	[tilespmem:s15+$0xFFFFFFD0] =	vst v5;
	v5 =	vld [tilespmem:$0x12F60]  }
0x51e: {  	v6 =	vadd.f32 v6, v19;
	[tilespmem:s22+$0xC0] =	vst v10;
	v48 =	vld [tilespmem:$0x12F60]  }
0x51f: {  	v1 =	vadd.f32 v1, v3;
	v19 =	vld [tilespmem:$0x12F50];
	[tilespmem:$0x1FBD0] =	vst v0  }
0x520: {  	[tilespmem:s15+$0x50] =	vst v6  }
0x521: {  	[tilespmem:s15+$0x90] =	vst v1  }
0x522: {  	v0 =	vld [tilespmem:$0x1FBE0];
	_ =	sdelay $0x2  }
0x523: {  	v7 =	vmul.f32 s2, v7;
	_ =	sdelay $0x1  }
0x524: {  	v7 =	vmul.f32 v7, v16;
	v16 =	vsub.f32 v0, v27;
	v0 =	vld [tilespmem:$0x1FBF0]  }
0x525: {  	s17 =	smul.f32 s10, s10  }
0x526: {  	s0 =	smul.f32 $1.562500000e-02, s18  }
0x527: {  	s7 =	smul.f32 $1.562500000e-02, s11;
	v12 =	vmul.f32 s8, v12;
	_ =	sdelay $0x1  }
0x528: {  	s21 =	smul.f32 s0, s0;
	s7 =	ssub.f32 s7, s17;
	v12 =	vmul.f32 v12, v0;
	v0 =	vld [tilespmem:$0x1FC00]  }
0x529: {  	s11 =	smul.f32 $1.562500000e-02, s24  }
0x52a: {  	s20 =	sadd.f32 $9.999999960e-13, s7;
	v15 =	vmov s0;
	v2 =	vadd.f32 v7, v2  }
0x52b: {  	s7 =	ssub.f32 s11, s21;
	v22 =	vsub.f32 v47, v15;
	v59 =	vmul.f32 s12, v5  }
0x52c: {  	s25 =	spop (v2sf);
	s26 =	smul.f32 $5.000000000e-01, s20;
	v60 =	vsub.f32 v39, v15;
	v63 =	vsub.f32 v45, v15;
	[tilespmem:s15+$0xFFFFFF20] =	vst v2  }
0x52d: {  	s6 =	sshrl.u32 s20, $0x1;
	s11 =	sadd.f32 $9.999999960e-13, s7;
	s20 =	spop (v2sf);
	v7 =	vmul.f32 s13, v48;
	v48 =	vsub.f32 v26, v15;
	v15 =	vmul.f32 v59, v0;
	v0 =	vld [tilespmem:$0x1FC10]  }
0x52e: {  	s18 =	ssub.s32 $0x5F3759DF, s6;
	s21 =	smul.f32 $1.562500000e-02, s20  }
0x52f: {  	s6 =	smul.f32 s18, s26;
	v3 =	vld [tilespmem:$0x12FA0]  }
0x530: {  	s31 =	smul.f32 $5.000000000e-01, s11;
	v1 =	vld [tilespmem:$0x12F90]  }
0x531: {  	s3 =	smul.f32 $1.562500000e-02, s25;
	v57 =	vsub.f32 v13, v4;
	v13 =	vld [tilespmem:$0x12F60];
	v19 =	vmul.f32 s28, v19  }
0x532: {  	s24 =	sshrl.u32 s11, $0x1;
	s25 =	smul.f32 s18, s6;
	v11, _, _ =	vpop (xrf2);
	v2 =	vmul.f32 v7, v0;
	v0 =	vld [tilespmem:$0x1FC20]  }
0x533: {  	s4 =	ssub.s32 $0x5F3759DF, s24;
	s17 =	smul.f32 s3, s3;
	(v2sf) =	vpush v11, $0xF;
	v58 =	vld [tilespmem:$0x12FA0];
	v16 =	vmul.f32 v19, v16  }
0x534: {  	s11 =	smul.f32 s4, s31;
	v62 =	vld [tilespmem:$0x12FA0]  }
0x535: {  	s7 =	ssub.f32 s21, s17;
	s17 =	spop (v2sf);
	v61 =	vmul.f32 s16, v24;
	v19 =	vld [tilespmem:$0x12FA0];
	v1 =	vadd.f32 v16, v1  }
0x536: {  	s10 =	smul.f32 $1.562500000e-02, s17;
	s20 =	spop (v2sf);
	v47 =	vsub.f32 v37, v4;
	v37 =	vmov s3;
	v39 =	vld [tilespmem:$0x12FA0]  }
0x537: {  	s6 =	sadd.f32 $9.999999960e-13, s7;
	s7 =	smul.f32 s4, s11;
	v45 =	vld [tilespmem:$0x12F60];
	[tilespmem:s22+$0xD0] =	vst v1;
	v1 =	vmul.f32 s19, v13;
	v7 =	vmul.f32 v61, v0;
	v0 =	vsub.f32 v32, v37  }
0x538: {  	v18 =	vsub.f32 v41, v4;
	s21 =	smul.f32 $1.562500000e-02, s20;
	v4 =	vld [tilespmem:$0x12FA0];
	v3 =	vadd.f32 v12, v3  }
0x539: {  	s1 =	ssub.f32 $1.500000000e+00, s25;
	s11 =	smul.f32 s10, s10;
	v38 =	vadd.f32 v15, v58;
	v13 =	vld [tilespmem:$0x12F70];
	v1 =	vmul.f32 v1, v25;
	[tilespmem:$0x1FC30] =	vst v0  }
0x53a: {  	s0 =	smul.f32 $5.000000000e-01, s6;
	s6 =	sshrl.u32 s6, $0x1;
	v2 =	vadd.f32 v2, v19;
	[tilespmem:s15+$0xFFFFFF60] =	vst v3  }
0x53b: {  	s1 =	smul.f32 s18, s1;
	s24 =	spop (v2sf);
	s6 =	ssub.s32 $0x5F3759DF, s6;
	v1 =	vadd.f32 v1, v39;
	[tilespmem:s15+$0xFFFFFFA0] =	vst v38  }
0x53c: {  	v9, _, _ =	vpop (xrf2);
	s11 =	ssub.f32 s21, s11;
	s25 =	smul.f32 s6, s0;
	v25 =	vadd.f32 v7, v62;
	[tilespmem:s15+$0xFFFFFFE0] =	vst v2  }
0x53d: {  	(v2sf) =	vpush v9, $0xF;
	v9, _, _ =	vpop (xrf2);
	s17 =	smul.f32 $1.562500000e-02, s24;
	v45 =	vmul.f32 s14, v45;
	v15 =	vld [tilespmem:$0x12F60];
	[tilespmem:s15+$0x60] =	vst v1  }
0x53e: {  	(v2sf) =	vpush v9, $0xF;
	v9, _, _ =	vpop (xrf2);
	s11 =	sadd.f32 $9.999999960e-13, s11;
	s3 =	smul.f32 s6, s25;
	v2 =	vld [tilespmem:$0x12F70];
	[tilespmem:s15+$0x20] =	vst v25  }
0x53f: {  	s7 =	ssub.f32 $1.500000000e+00, s7;
	(v2sf) =	vpush v9, $0xF;
	s21 =	smul.f32 s17, s17;
	v24 =	vsub.f32 v34, v37;
	v36 =	vmul.f32 v45, v21;
	v0 =	vld [tilespmem:$0x1FC40]  }
0x540: {  	s25 =	sshrl.u32 s11, $0x1;
	s18 =	smul.f32 $5.000000000e-01, s11;
	s11 =	ssub.f32 $1.500000000e+00, s3;
	v58 =	vsub.f32 v35, v37;
	v19 =	vsub.f32 v28, v37;
	v28 =	vmov s17  }
0x541: {  	s30 =	smul.f32 s4, s7;
	s24 =	spop (v2sf);
	v21 =	vsub.f32 v46, v28;
	v32 =	vsub.f32 v49, v28  }
0x542: {  	v61 =	vsub.f32 v50, v28;
	v3 =	vmov s10;
	s10 =	smul.f32 s6, s11;
	s11 =	spop (v2sf);
	v1 =	vadd.f32 v36, v4;
	v25 =	vld [tilespmem:$0x12FA0]  }
0x543: {  	v26 =	vsub.f32 v40, v3;
	v62 =	vsub.f32 v42, v3;
	s7 =	smul.f32 $1.562500000e-02, s11;
	v49 =	vld [tilespmem:$0x12F70]  }
0x544: {  	s20 =	smul.f32 $1.562500000e-02, s24;
	v41 =	vld [tilespmem:$0x12F70];
	v5 =	vmul.f32 s28, v15;
	v42 =	vmul.f32 s12, v2;
	v2 =	vsub.f32 v0, v27  }
0x545: {  	v59 =	vsub.f32 v43, v3;
	v37 =	vsub.f32 v44, v3;
	[tilespmem:s15+$0xA0] =	vst v1;
	v3 =	vmov s7  }
0x546: {  	s20 =	ssub.f32 s20, s21;
	v40 =	vsub.f32 v51, v28;
	v39 =	vsub.f32 v55, v3;
	v0 =	vld [tilespmem:$0x1FC50];
	v2 =	vmul.f32 v5, v2  }
0x547: {  	v28 =	vsub.f32 v23, v3;
	v23 =	vsub.f32 v31, v3  }
0x548: {  	s3 =	ssub.s32 $0x5F3759DF, s25;
	s24 =	sadd.f32 $9.999999960e-13, s20;
	v36 =	vmul.f32 s19, v49;
	v49 =	vsub.f32 v33, v3;
	v3 =	vadd.f32 v2, v25  }
0x549: {  	s21 =	smul.f32 s3, s18;
	v34 =	vmul.f32 s8, v41  }
0x54a: {  	s29 =	smul.f32 $5.000000000e-01, s24;
	s4 =	sshrl.u32 s24, $0x1;
	[tilespmem:s22+$0xE0] =	vst v3  }
0x54b: {  	s25 =	smul.f32 s3, s21;
	s4 =	ssub.s32 $0x5F3759DF, s4;
	v41 =	vmul.f32 v34, v0;
	v0 =	vld [tilespmem:$0x1FC60]  }
0x54c: {  	s20 =	smul.f32 s4, s29;
	s17 =	spop (v2sf)  }
0x54d: {  	v38 =	vmul.f32 s2, v13;
	v35 =	vld [tilespmem:$0x12F70];
	s2 =	smul.f32 $1.562500000e-02, s17  }
0x54e: {  	v13 =	vld [tilespmem:$0x12F70];
	s7 =	smul.f32 s7, s7  }
0x54f: {  	s24 =	spop (v2sf);
	s21 =	smul.f32 s2, s2;
	v55 =	vld [tilespmem:$0x12F70];
	[tilespmem:s15+$0xF0] =	vst v56  }
0x550: {  	s6 =	ssub.f32 $1.500000000e+00, s25;
	v12 =	vmov s2;
	s2 =	smul.f32 $1.562500000e-02, s24;
	v42 =	vmul.f32 v42, v0;
	v0 =	vld [tilespmem:$0x1FC70]  }
0x551: {  	v1 =	vld [tilespmem:$0x12FB0];
	s25 =	spop (v2sf);
	s8 =	smul.f32 s4, s20  }
0x552: {  	v14 =	vmul.f32 s13, v35;
	s12 =	smul.f32 $1.562500000e-02, s25;
	s7 =	ssub.f32 s2, s7;
	v35 =	vld [tilespmem:$0x12FB0]  }
0x553: {  	v43 =	vmul.f32 v38, v30;
	v38 =	vsub.f32 v20, v12;
	s8 =	ssub.f32 $1.500000000e+00, s8;
	v2 =	vld [tilespmem:$0x12FB0]  }
0x554: {  	s24 =	simm.s32 $0x8;
	v20 =	vsub.f32 v53, v12;
	s2 =	smul.f32 s3, s6;
	v33 =	vsub.f32 v54, v12;
	v31 =	vmul.f32 s16, v13;
	s3 =	ssub.f32 s12, s21;
	v34 =	vld [tilespmem:$0x12FB0]  }
0x555: {  	s25 =	simm.s32 $0x840;
	s12 =	sadd.f32 $9.999999960e-13, s7;
	v30 =	vmul.f32 s14, v55;
	s8 =	smul.f32 s4, s8;
	v25 =	vsub.f32 v52, v12;
	v45 =	vld [tilespmem:$0x12F70];
	v44 =	vmul.f32 v14, v0  }
.LBB2_7:
0x556: {  	v0 =	vmul.f32 v31, v29;
	_ =	sdelay $0x1  }
0x557: {  	[tilespmem:$0x1FB10] =	vst v0;
	v0 =	vld [tilespmem:$0x1FB90];
	_ =	sdelay $0x1  }
0x558: {  	v3 =	vld [tilespmem:s25+$0xC0]  }
0x559: {  	v13 =	vld [tilespmem:s25+$0xD0]  }
0x55a: {  	[tilespmem:$0x1FAD0] =	vst v60;
	v14 =	vld [tilespmem:$0x12FB0]  }
0x55b: {  	[tilespmem:$0x1FB60] =	vst v48;
	v48 =	vld [tilespmem:s25+$0xF0];
	v5 =	vmul.f32 v36, v0;
	v0 =	vmov v37  }
0x55c: {  	s23 =	sadd.s32 $0x200, s23;
	s13 =	smul.f32 $5.000000000e-01, s12;
	v1 =	vadd.f32 v43, v1;
	[tilespmem:$0x1FAC0] =	vst v0;
	v0 =	vld [tilespmem:$0x1FBA0]  }
0x55d: {  	[tilespmem:$0x1FB40] =	vst v49;
	s4 =	sshrl.u32 s12, $0x1;
	v60 =	vld [tilespmem:s23+$0xC0];
	s21 =	smul.f32 s2, s18;
	v2 =	vadd.f32 v41, v2  }
0x55e: {  	s3 =	sadd.f32 $9.999999960e-13, s3;
	v49 =	vld [tilespmem:s23+$0xF0];
	s6 =	ssub.s32 $0x5F3759DF, s4;
	s4 =	smul.f32 s1, s26;
	[tilespmem:s15+$0xFFFFFF30] =	vst v1;
	v1 =	vadd.f32 v42, v34  }
0x55f: {  	s7 =	smul.f32 s6, s13;
	[tilespmem:s15+$0xFFFFFF70] =	vst v2;
	v2 =	vadd.f32 v44, v35;
	v50 =	vld [tilespmem:s25+$0xFFFFFF10]  }
0x560: {  	s12 =	smul.f32 $5.000000000e-01, s3;
	[tilespmem:s15+$0xFFFFFFB0] =	vst v1;
	v1 =	vld [tilespmem:s25+$0xE0]  }
0x561: {  	s11 =	sshrl.u32 s3, $0x1;
	s4 =	smul.f32 s4, s1;
	[tilespmem:s15+$0xFFFFFFF0] =	vst v2;
	v2 =	vld [tilespmem:s23+$0xE0];
	v12 =	vmul.f32 v30, v0;
	v0 =	vmov v33  }
0x562: {  	s17 =	ssub.s32 $0x5F3759DF, s11;
	s16 =	smul.f32 s6, s7;
	[tilespmem:$0x1FBA0] =	vst v0;
	v0 =	vld [tilespmem:$0x1FB80]  }
0x563: {  	s11 =	smul.f32 s17, s12;
	v51 =	vld [tilespmem:s23+$0xFFFFFF10]  }
0x564: {  	s7 =	smul.f32 s21, s2;
	s4 =	ssub.f32 $1.500000000e+00, s4;
	v52 =	vld [tilespmem:s25+$0xFFFFFF20]  }
0x565: {  	s3 =	ssub.f32 $1.500000000e+00, s16;
	s16 =	smul.f32 s30, s31;
	v53 =	vld [tilespmem:s23+$0xFFFFFF30]  }
0x566: {  	s11 =	smul.f32 s17, s11;
	v37 =	vld [tilespmem:s23+$0xD0]  }
0x567: {  	s4 =	smul.f32 s4, s1;
	v33 =	vadd.f32 v2, v1;
	v1 =	vld [tilespmem:s25+$0xFFFFFF30];
	v0 =	vsub.f32 v0, v27;
	v27 =	vmul.f32 s28, v45  }
0x568: {  	v4 =	vmov v40;
	v40 =	vadd.f32 v60, v3;
	v3 =	vld [tilespmem:s23+$0xFFFFFF20];
	s14 =	smul.f32 s6, s3  }
0x569: {  	v43 =	vld [tilespmem:s25+$0xFFFFFF40];
	s6 =	smul.f32 s10, s0;
	v0 =	vmul.f32 v27, v0  }
0x56a: {  	v60 =	vld [tilespmem:s23+$0xFFFFFF40];
	s19 =	ssub.f32 $1.500000000e+00, s11;
	s16 =	smul.f32 s16, s30;
	v34 =	vadd.f32 v51, v50  }
0x56b: {  	s20 =	smul.f32 s14, s13;
	v50 =	vld [tilespmem:s23+$0xFFFFFF60];
	v37 =	vadd.f32 v37, v13;
	v0 =	vadd.f32 v0, v14  }
0x56c: {  	s3 =	smul.f32 s17, s19;
	v35 =	vadd.f32 v53, v1;
	v1 =	vld [tilespmem:s25+$0xFFFFFF60]  }
0x56d: {  	v55 =	vmul.f32 v40, v40;
	v42 =	vld [tilespmem:s25+$0xFFFFFF80];
	s17 =	smul.f32 s8, s29;
	v56 =	vmul.f32 v37, v37;
	[tilespmem:s22+$0xF0] =	vst v0;
	v0 =	vadd.f32 v49, v48  }
0x56e: {  	[tilespmem:$0x1FAF0] =	vst v59;
	s6 =	smul.f32 s6, s10;
	v36 =	vadd.f32 v3, v52;
	v3 =	vld [tilespmem:s23+$0xFFFFFF50];
	v2 =	vadd.f32 v37, v40  }
0x56f: {  	[tilespmem:$0x1FAE0] =	vst v58;
	v51 =	vld [tilespmem:s23+$0xFFFFFFA0];
	s11 =	smul.f32 s20, s14;
	v58 =	vmul.f32 v33, v33;
	v41 =	vadd.f32 v56, v55;
	v59 =	vmul.f32 v0, v0  }
0x570: {  	s7 =	ssub.f32 $1.500000000e+00, s7;
	s19 =	smul.f32 s3, s12;
	[tilespmem:$0x1FB30] =	vst v12;
	v12 =	vld [tilespmem:s25+$0xFFFFFF50];
	v56 =	vmul.f32 v35, v35;
	v14 =	vmul.f32 v36, v36;
	v54 =	vadd.f32 v0, v33  }
0x571: {  	s17 =	smul.f32 s17, s8;
	s11 =	ssub.f32 $1.500000000e+00, s11;
	v44 =	vadd.f32 v50, v1;
	v50 =	vld [tilespmem:s23+$0xFFFFFF90];
	v13 =	vadd.f32 v59, v58  }
0x572: {  	s16 =	ssub.f32 $1.500000000e+00, s16;
	s19 =	smul.f32 s19, s3;
	v52 =	vadd.f32 v56, v14;
	v14 =	vld [tilespmem:s25+$0xFFFFFF90];
	v2 =	vadd.f32 v54, v2  }
0x573: {  	s6 =	ssub.f32 $1.500000000e+00, s6;
	s21 =	smul.f32 s11, s14;
	v58 =	vld [tilespmem:s25+$0xFFFFFF70];
	v41 =	vadd.f32 v13, v41  }
0x574: {  	s20 =	ssub.f32 $1.500000000e+00, s19;
	s19 =	smul.f32 s16, s30;
	v59 =	vld [tilespmem:s23+$0xFFFFFF70];
	(xrf2) =	vadd.scan.msk.f32 $0xffff, v2  }
0x575: {  	s17 =	ssub.f32 $1.500000000e+00, s17;
	s16 =	smul.f32 s6, s10;
	v2 =	vadd.f32 v60, v43;
	v60 =	vld [tilespmem:s23+$0xFFFFFF80];
	(xrf2) =	vadd.scan.msk.f32 $0xffff, v41  }
0x576: {  	[tilespmem:$0x1FB20] =	vst v5;
	v5 =	vld [tilespmem:s25+$0xFFFFFFA0];
	s14 =	smul.f32 s7, s2  }
0x577: {  	s10 =	smul.f32 s17, s8;
	v56 =	vadd.f32 v50, v14;
	v50 =	vld [tilespmem:s25+$0xFFFFFFC0]  }
0x578: {  	[tilespmem:$0x1FB50] =	vst v47;
	s1 =	smul.f32 s20, s3;
	v47 =	vadd.f32 v3, v12;
	v14 =	vld [tilespmem:s23+$0xFFFFFFC0]  }
0x579: {  	s17 =	smul.f32 s21, s13;
	v41 =	vadd.f32 v59, v58;
	v58 =	vld [tilespmem:s23+$0xFFFFFFB0]  }
0x57a: {  	s20 =	smul.f32 s4, s26;
	v13 =	vmul.f32 v47, v47;
	v60 =	vadd.f32 v60, v42;
	v42 =	vld [tilespmem:s25+$0xFFFFFFB0]  }
0x57b: {  	s26 =	smul.f32 s19, s31;
	v45 =	vadd.f32 v51, v5;
	v43 =	vmul.f32 v44, v44;
	v3 =	vmul.f32 v2, v2  }
0x57c: {  	v30 =	vmovc v61;
	v61 =	vld [tilespmem:s25+$0x10];
	s11 =	smul.f32 s16, s0;
	v1 =	vadd.f32 v47, v2;
	v55 =	vadd.f32 v41, v44;
	v12 =	vmul.f32 v41, v41  }
0x57d: {  	[tilespmem:$0x1FB00] =	vst v20;
	v20 =	vmov v63;
	s7 =	smul.f32 s14, s18;
	v51 =	vld [tilespmem:s25+$0xFFFFFFE0];
	v3 =	vadd.f32 v13, v3;
	v63 =	vadd.f32 v14, v50  }
0x57e: {  	v31 =	vmov v57;
	s8 =	smul.f32 s10, s29;
	v50 =	vld [tilespmem:s25+$0xFFFFFFF0];
	v1 =	vadd.f32 v55, v1;
	v57 =	vadd.f32 v12, v43;
	v54, _, _ =	vpop (xrf2)  }
0x57f: {  	s12 =	smul.f32 s1, s12;
	v14 =	vld [tilespmem:s23+$0xFFFFFFF0];
	v43 =	vadd.f32 v58, v42;
	(v2sf) =	vpush v54, $0xF;
	v13, _, _ =	vpop (xrf2)  }
0x580: {  	[tilespmem:$0x1FB90] =	vst v4;
	s2 =	smul.f32 s17, s21;
	v5 =	vmul.f32 v56, v56;
	v4 =	vmul.f32 v60, v60;
	v55 =	vld [tilespmem:s25+$0xFFFFFFD0];
	(v2sf) =	vpush v13, $0xF  }
0x581: {  	s3 =	smul.f32 s20, s4;
	v49 =	vmul.f32 v45, v45;
	v48 =	vadd.f32 v56, v60;
	v12 =	vld [tilespmem:s23+$0xFFFFFFD0];
	(xrf2) =	vadd.scan.msk.f32 $0xffff, v1;
	v58 =	vmul.f32 v43, v43  }
0x582: {  	s6 =	smul.f32 s26, s19;
	v42 =	vadd.f32 v5, v4;
	v1 =	vadd.f32 v57, v3;
	v3 =	vld [tilespmem:s23+$0xFFFFFFE0]  }
0x583: {  	s0 =	smul.f32 s11, s16;
	v27 =	vld [tilespmem:s23+$0xFFFFFF00];
	v13 =	vadd.f32 v43, v45;
	v49 =	vadd.f32 v58, v49  }
0x584: {  	s7 =	smul.f32 s7, s14;
	v5 =	vld [tilespmem:s23+$0x30]  }
0x585: {  	s13 =	smul.f32 s8, s10;
	s2 =	ssub.f32 $1.500000000e+00, s2;
	(xrf2) =	vadd.scan.msk.f32 $0xffff, v1;
	v48 =	vadd.f32 v13, v48;
	v13 =	vadd.f32 v49, v42;
	v49 =	vld [tilespmem:s23+$0x10]  }
0x586: {  	s3 =	ssub.f32 $1.500000000e+00, s3;
	s11 =	smul.f32 s12, s1;
	v57 =	vld [tilespmem:s25+$0x0];
	v1 =	vadd.f32 v12, v55  }
0x587: {  	s6 =	ssub.f32 $1.500000000e+00, s6;
	s8 =	smul.f32 s2, s21;
	v12 =	vmul.f32 v63, v63;
	v58 =	vld [tilespmem:s23+$0x0];
	v42 =	vadd.f32 v14, v50;
	v51 =	vadd.f32 v3, v51;
	(xrf2) =	vadd.scan.msk.f32 $0xffff, v48  }
0x588: {  	s0 =	ssub.f32 $1.500000000e+00, s0;
	v53 =	vadd.f32 v35, v36;
	s12 =	smul.f32 s3, s4;
	v55 =	vld [tilespmem:s25+$0x20];
	v59 =	vmul.f32 v1, v1  }
0x589: {  	s19 =	smul.f32 s6, s19;
	v14 =	vld [tilespmem:s23+$0x20];
	v3 =	vadd.f32 v1, v63;
	v29 =	vmul.f32 v42, v42;
	v54 =	vmul.f32 v51, v51  }
0x58a: {  	[tilespmem:$0x1FB70] =	vst v19;
	v19 =	vmovc v21;
	v21 =	vmov v62;
	s2 =	smul.f32 s0, s16;
	v50 =	vadd.f32 v59, v12;
	v62 =	vadd.f32 v49, v61;
	v49 =	vld [tilespmem:s25+$0x40]  }
0x58b: {  	v7 =	vmul.f32 s19, v17;
	v29 =	vadd.f32 v29, v54;
	v54 =	vld [tilespmem:s23+$0x40];
	v12, _, _ =	vpop (xrf2);
	(xrf2) =	vadd.scan.msk.f32 $0xffff, v13;
	v13 =	vadd.f32 v42, v51  }
0x58c: {  	s7 =	ssub.f32 $1.500000000e+00, s7;
	v6 =	vmul.f32 s12, v17;
	v10 =	vmul.f32 s2, v17;
	v57 =	vadd.f32 v58, v57;
	v58 =	vld [tilespmem:s25+$0x30]  }
0x58d: {  	v7 =	vmul.f32 v7, v22;
	v22 =	vld [tilespmem:s25+$0x80];
	(v2sf) =	vpush v12, $0xF;
	v3 =	vadd.f32 v13, v3  }
0x58e: {  	s16 =	smul.f32 s7, s14;
	v4 =	vmul.f32 v57, v57;
	v61 =	vadd.f32 v14, v55;
	v59 =	vmul.f32 v62, v62;
	v12 =	vld [tilespmem:s25+$0x50];
	s20 =	spop (v2sf)  }
0x58f: {  	v48 =	vmul.f32 s8, v17;
	v55 =	vadd.f32 v62, v57;
	v9, _, _ =	vpop (xrf2);
	(xrf2) =	vadd.scan.msk.f32 $0xffff, v3;
	v3 =	vadd.f32 v29, v50;
	v29 =	vld [tilespmem:s23+$0x50];
	s0 =	smul.f32 $1.562500000e-02, s20;
	s21 =	spop (v2sf)  }
0x590: {  	v11 =	vmul.f32 s16, v17;
	[tilespmem:$0x1FB80] =	vst v0;
	v0 =	vld [tilespmem:s23+$0x70];
	v4 =	vadd.f32 v59, v4;
	v54 =	vadd.f32 v54, v49;
	s4 =	smul.f32 $1.562500000e-02, s21  }
0x591: {  	s17 =	ssub.f32 $1.500000000e+00, s13;
	v49 =	vld [tilespmem:s25+$0x70];
	v14, _, _ =	vpop (xrf2);
	(v2sf) =	vpush v9, $0xF;
	v9 =	vmul.f32 v48, v39;
	v39 =	vadd.f32 v5, v58;
	s26 =	smul.f32 s0, s0  }
0x592: {  	s18 =	ssub.f32 $1.500000000e+00, s11;
	v59 =	vld [tilespmem:s23+$0x60];
	v5 =	vmul.f32 v61, v61;
	(xrf2) =	vadd.scan.msk.f32 $0xffff, v3;
	v3 =	vmul.f32 v6, v18;
	(v2sf) =	vpush v14, $0xF  }
0x593: {  	s13 =	smul.f32 s17, s10;
	v48 =	vld [tilespmem:s25+$0x60];
	v18 =	vadd.f32 v39, v61;
	v50 =	vmul.f32 v39, v39;
	v9 =	vadd.f32 v9, v8;
	s4 =	ssub.f32 s4, s26  }
0x594: {  	v11 =	vmul.f32 v11, v26;
	v3 =	vadd.f32 v3, v8;
	v58 =	vadd.f32 v29, v12;
	v29 =	vld [tilespmem:s23+$0x80]  }
0x595: {  	v26 =	vld [tilespmem:s23+$0xA0];
	v6 =	vmul.f32 s13, v17;
	s21 =	smul.f32 s18, s1;
	v18 =	vadd.f32 v18, v55;
	v5 =	vadd.f32 v50, v5;
	[tilespmem:s22+$0xFFFFFF00] =	vst v9;
	s3 =	sadd.f32 $9.999999960e-13, s4  }
0x596: {  	v13, _, _ =	vpop (xrf2);
	v9 =	vmul.f32 v10, v24;
	v24 =	vld [tilespmem:s25+$0x90];
	v55 =	vadd.f32 v0, v49;
	[tilespmem:s22+$0xFFFFFF40] =	vst v3;
	v3 =	vadd.f32 v7, v8  }
0x597: {  	v17 =	vmul.f32 s21, v17;
	(v2sf) =	vpush v13, $0xF;
	v13 =	vld [tilespmem:s25+$0xA0];
	v4 =	vadd.f32 v5, v4;
	s4 =	sshrl.u32 s3, $0x1;
	s1 =	smul.f32 $5.000000000e-01, s3  }
0x598: {  	v12 =	vmul.f32 v54, v54;
	v59 =	vadd.f32 v59, v48;
	v10 =	vadd.f32 v58, v54;
	(xrf2) =	vadd.scan.msk.f32 $0xffff, v18;
	v5 =	vld [tilespmem:s23+$0x90];
	s3 =	ssub.s32 $0x5F3759DF, s4  }
0x599: {  	v50 =	vmul.f32 v58, v58;
	v18, _, _ =	vpop (xrf2);
	(xrf2) =	vadd.scan.msk.f32 $0xffff, v4;
	v4 =	vmul.f32 v17, v38;
	v38 =	vadd.f32 v29, v22;
	v22 =	vld [tilespmem:s25+$0xB0];
	s6 =	smul.f32 s3, s1  }
0x59a: {  	v7 =	vadd.f32 v9, v8;
	v17 =	vadd.f32 v55, v59;
	v29 =	vld [tilespmem:s23+$0xB0]  }
0x59b: {  	v11 =	vadd.f32 v11, v8;
	v9 =	vld [tilespmem:s25+$0xFFFFFF00];
	[tilespmem:s22+$0xFFFFFF80] =	vst v3;
	v0 =	vadd.f32 v50, v12;
	v12 =	vmul.f32 v59, v59;
	s4 =	smul.f32 s3, s6  }
0x59c: {  	v15 =	vld [tilespmem:$0x12F90];
	[tilespmem:s22+$0xFFFFFFC0] =	vst v7;
	(v2sf) =	vpush v18, $0xF;
	v18 =	vmul.f32 v55, v55;
	s7 =	spop (v2sf);
	v10 =	vadd.f32 v17, v10  }
0x59d: {  	v46 =	vmul.f32 v34, v34;
	v16 =	vld [tilespmem:$0x12F90];
	v49, _, _ =	vpop (xrf2);
	v4 =	vadd.f32 v4, v8;
	s6 =	smul.f32 $1.562500000e-02, s7;
	v48 =	vadd.f32 v5, v24;
	s4 =	ssub.f32 $1.500000000e+00, s4  }
0x59e: {  	v6 =	vmul.f32 v6, v32;
	v17 =	vld [tilespmem:$0x12F50];
	v12 =	vadd.f32 v18, v12;
	(v2sf) =	vpush v49, $0xF  }
0x59f: {  	v49 =	vadd.f32 v26, v13;
	v24 =	vld [tilespmem:$0x12F50];
	v32 =	vmov s6;
	v50 =	vadd.f32 v29, v22;
	s3 =	smul.f32 s3, s4  }
0x5a0: {  	v5 =	vmul.f32 v38, v38;
	v26 =	vld [tilespmem:$0x12F90];
	s10 =	smul.f32 s6, s6;
	v18 =	vsub.f32 v2, v32;
	v2 =	vadd.f32 v27, v9  }
0x5a1: {  	(xrf2) =	vadd.scan.msk.f32 $0xffff, v10;
	v10 =	vld [tilespmem:$0x12F50];
	v13 =	vadd.f32 v48, v38;
	v14 =	vmul.f32 v48, v48;
	v0 =	vadd.f32 v12, v0;
	s14 =	spop (v2sf);
	s11 =	smul.f32 s3, s1  }
0x5a2: {  	[tilespmem:s22+$0x0] =	vst v11;
	v12 =	vld [tilespmem:$0x12F50];
	v7 =	vmul.f32 v49, v49;
	v9 =	vadd.f32 v50, v49;
	s7 =	smul.f32 $1.562500000e-02, s14;
	v27 =	vadd.f32 v34, v2  }
0x5a3: {  	v5 =	vadd.f32 v14, v5;
	v22 =	vmul.f32 v50, v50;
	s17 =	spop (v2sf);
	v3, _, _ =	vpop (xrf2);
	(xrf2) =	vadd.scan.msk.f32 $0xffff, v0;
	v0 =	vld [tilespmem:$0x12F90];
	v29 =	vmul.f32 v2, v2;
	s6 =	smul.f32 s11, s3  }
0x5a4: {  	s18 =	smul.f32 $1.562500000e-02, s17;
	v9 =	vadd.f32 v9, v13;
	s4 =	ssub.f32 s7, s10;
	v11 =	vadd.f32 v53, v27;
	v27 =	vld [tilespmem:$0x12F50]  }
0x5a5: {  	v7 =	vadd.f32 v22, v7;
	v13 =	vmul.f32 s8, v17;
	v17 =	vadd.f32 v46, v29;
	v46 =	vld [tilespmem:$0x12FB0];
	s6 =	ssub.f32 $1.500000000e+00, s6  }
0x5a6: {  	(v2sf) =	vpush v3, $0xF;
	v29 =	vadd.f32 v6, v8;
	v8 =	vld [tilespmem:$0x1FBD0];
	s10 =	smul.f32 s18, s18;
	s4 =	sadd.f32 $9.999999960e-13, s4  }
0x5a7: {  	v5 =	vadd.f32 v7, v5;
	v7 =	vmul.f32 s19, v12;
	v12 =	vld [tilespmem:$0x12F90];
	s20 =	spop (v2sf);
	s3 =	smul.f32 s6, s3  }
0x5a8: {  	v14, _, _ =	vpop (xrf2);
	v13 =	vmul.f32 v13, v28;
	v28 =	vld [tilespmem:$0x12FB0];
	s6 =	smul.f32 $1.562500000e-02, s20  }
0x5a9: {  	v10 =	vmul.f32 s12, v10;
	(v2sf) =	vpush v14, $0xF;
	v7 =	vmul.f32 v7, v20;
	v20 =	vld [tilespmem:$0x1FC30];
	s26 =	sshrl.u32 s4, $0x1;
	s1 =	smul.f32 s3, s1  }
0x5aa: {  	v3 =	vmov s18;
	v14 =	vadd.f32 v52, v17;
	v17 =	vld [tilespmem:$0x12F40];
	[tilespmem:s22+$0x40] =	vst v29;
	s14 =	ssub.s32 $0x5F3759DF, s26;
	s26 =	smul.f32 $5.000000000e-01, s4  }
0x5ab: {  	(xrf2) =	vadd.scan.msk.f32 $0xffff, v11;
	v11 =	vmul.f32 s2, v24;
	v29 =	vld [tilespmem:$0x12F50];
	v24, _, _ =	vpop (xrf2);
	v10 =	vmul.f32 v10, v8;
	v8 =	vsub.f32 v47, v32;
	s17 =	spop (v2sf);
	s1 =	smul.f32 s1, s3  }
0x5ac: {  	v0 =	vadd.f32 v13, v0;
	(xrf2) =	vadd.scan.msk.f32 $0xffff, v9;
	v47 =	vld [tilespmem:$0x12FB0];
	[tilespmem:s22+$0x80] =	vst v4;
	(v2sf) =	vpush v24, $0xF;
	s11 =	ssub.f32 s6, s10;
	s6 =	smul.f32 $1.562500000e-02, s17  }
0x5ad: {  	v13 =	vld [tilespmem:$0x12F90];
	v9 =	vmul.f32 s16, v27;
	[tilespmem:$0x1FBD0] =	vst v8;
	s7 =	smul.f32 s14, s26;
	v8 =	vsub.f32 v56, v3;
	v10 =	vadd.f32 v10, v26;
	v6, _, _ =	vpop (xrf2);
	s1 =	ssub.f32 $1.500000000e+00, s1  }
0x5ae: {  	v11 =	vmul.f32 v11, v20;
	s20 =	smul.f32 s6, s6;
	v52 =	vmov s6;
	s6 =	spop (v2sf);
	(v2sf) =	vpush v6, $0xF;
	v6 =	vld [tilespmem:$0x12F50]  }
0x5af: {  	v27 =	vmov s0;
	[tilespmem:s22+$0xFFFFFF50] =	vst v10;
	v24 =	vsub.f32 v63, v52;
	v63 =	vmovc v8;
	v8 =	vld [tilespmem:$0x12F80];
	v1 =	vsub.f32 v1, v52;
	s28 =	smul.f32 s1, s3  }
0x5b0: {  	v56 =	vmul.f32 v9, v21;
	s4 =	sadd.f32 $9.999999960e-13, s11;
	[tilespmem:s22+$0xFFFFFF10] =	vst v0;
	v0 =	vadd.f32 v7, v15;
	v7 =	vadd.f32 v11, v16;
	v11 =	vld [tilespmem:$0x12F90]  }
0x5b1: {  	(xrf2) =	vadd.scan.msk.f32 $0xffff, v14;
	s7 =	smul.f32 s14, s7;
	v10 =	vld [tilespmem:$0x12F60];
	[tilespmem:$0x1FC30] =	vst v1;
	v1 =	vsub.f32 v40, v27;
	v9 =	vmul.f32 s28, v17  }
0x5b2: {  	v53 =	vsub.f32 v45, v3;
	v45 =	vsub.f32 v41, v32;
	(xrf2) =	vadd.scan.msk.f32 $0xffff, v5;
	v41 =	vld [tilespmem:$0x12FA0];
	s18 =	sshrl.u32 s4, $0x1;
	s31 =	smul.f32 $5.000000000e-01, s4  }
0x5b3: {  	s10 =	ssub.s32 $0x5F3759DF, s18;
	v40 =	vld [tilespmem:$0x12F60];
	s1 =	smul.f32 $1.562500000e-02, s6;
	v1 =	vmul.f32 v9, v1  }
0x5b4: {  	v16 =	vld [tilespmem:$0x12FA0];
	[tilespmem:s22+$0xFFFFFF90] =	vst v0;
	s17 =	smul.f32 s10, s31;
	v6 =	vmul.f32 s21, v6  }
0x5b5: {  	v22 =	vsub.f32 v60, v3;
	[tilespmem:s22+$0xFFFFFFD0] =	vst v7;
	v21 =	vld [tilespmem:$0x12F60];
	s18 =	spop (v2sf);
	s1 =	ssub.f32 s1, s20;
	v9 =	vmul.f32 s13, v29  }
0x5b6: {  	v60 =	vmov v53;
	v15, _, _ =	vpop (xrf2);
	v7 =	vld [tilespmem:$0x12F60];
	s4 =	smul.f32 $1.562500000e-02, s18;
	s20 =	ssub.f32 $1.500000000e+00, s7;
	v6 =	vmul.f32 v6, v25;
	v20 =	vadd.f32 v1, v8  }
0x5b7: {  	v4 =	vadd.f32 v56, v12;
	v53 =	vld [tilespmem:$0x12FA0];
	(v2sf) =	vpush v15, $0xF;
	s7 =	smul.f32 s10, s17;
	s1 =	sadd.f32 $9.999999960e-13, s1;
	v0 =	vmul.f32 v9, v19;
	v1, _, _ =	vpop (xrf2)  }
0x5b8: {  	s17 =	smul.f32 s4, s4;
	s18 =	spop (v2sf);
	v6 =	vadd.f32 v6, v11;
	v19 =	vld [tilespmem:$0x1FAD0];
	[tilespmem:s25+$0xC0] =	vst v20;
	(v2sf) =	vpush v1, $0xF;
	v1 =	vmul.f32 s8, v40  }
0x5b9: {  	[tilespmem:s22+$0x10] =	vst v4;
	v15 =	vmov s4;
	s4 =	smul.f32 $1.562500000e-02, s18;
	v0 =	vadd.f32 v0, v13;
	v25 =	vld [tilespmem:$0x12F50]  }
0x5ba: {  	s3 =	ssub.f32 $1.500000000e+00, s7;
	s0 =	smul.f32 $5.000000000e-01, s1;
	[tilespmem:s22+$0x90] =	vst v6;
	v40 =	vld [tilespmem:$0x12F60];
	v1 =	vmul.f32 v1, v23  }
0x5bb: {  	v56 =	vsub.f32 v44, v32;
	v44 =	vsub.f32 v43, v3;
	v10 =	vmul.f32 s12, v10;
	s11 =	sshrl.u32 s1, $0x1;
	s1 =	smul.f32 s14, s20;
	s14 =	spop (v2sf);
	v11, _, _ =	vpop (xrf2);
	v6 =	vld [tilespmem:$0x12F90];
	[tilespmem:s22+$0x50] =	vst v0  }
0x5bc: {  	s29 =	ssub.s32 $0x5F3759DF, s11;
	s4 =	ssub.f32 s4, s17;
	s7 =	smul.f32 $1.562500000e-02, s14;
	(v2sf) =	vpush v11, $0xF;
	v3 =	vld [tilespmem:$0x12F60];
	v1 =	vadd.f32 v1, v16;
	v16, _, _ =	vpop (xrf2)  }
0x5bd: {  	v10 =	vmul.f32 v10, v31;
	v9 =	vsub.f32 v51, v52;
	s20 =	smul.f32 s29, s0;
	s17 =	spop (v2sf);
	(v2sf) =	vpush v16, $0xF;
	v16 =	vld [tilespmem:$0x1FAE0]  }
0x5be: {  	v11 =	vsub.f32 v37, v27;
	v51 =	vmul.f32 s28, v25;
	v25 =	vmov s7;
	[tilespmem:s22+$0xFFFFFF20] =	vst v1;
	v1 =	vld [tilespmem:$0x12FA0]  }
0x5bf: {  	s11 =	sadd.f32 $9.999999960e-13, s4;
	v0 =	vmul.f32 s19, v21;
	s6 =	smul.f32 s29, s20;
	v21 =	vsub.f32 v58, v25;
	v58 =	vmovc v9;
	v9 =	vadd.f32 v10, v41;
	v10 =	vld [tilespmem:$0x1FAF0]  }
0x5c0: {  	v7 =	vmul.f32 s2, v7;
	v23 =	vld [tilespmem:$0x12F60];
	s14 =	smul.f32 s7, s7  }
0x5c1: {  	s18 =	sshrl.u32 s11, $0x1;
	v0 =	vmul.f32 v0, v19;
	s20 =	smul.f32 $1.562500000e-02, s17;
	v11 =	vmul.f32 v51, v11;
	[tilespmem:s22+$0xFFFFFF60] =	vst v9;
	v9 =	vld [tilespmem:$0x1FB00]  }
0x5c2: {  	s6 =	ssub.f32 $1.500000000e+00, s6;
	s4 =	ssub.s32 $0x5F3759DF, s18;
	s18 =	smul.f32 $5.000000000e-01, s11;
	v5 =	vmul.f32 s16, v40;
	v7 =	vmul.f32 v7, v16;
	v16 =	vld [tilespmem:$0x12FA0]  }
0x5c3: {  	s30 =	smul.f32 s10, s3;
	s11 =	ssub.f32 s20, s14;
	v6 =	vadd.f32 v11, v6;
	v11 =	vld [tilespmem:$0x12FA0]  }
0x5c4: {  	v26 =	vsub.f32 v57, v15;
	s7 =	smul.f32 s4, s18;
	v5 =	vmul.f32 v5, v10;
	v10 =	vld [tilespmem:$0x12FA0];
	v0 =	vadd.f32 v0, v1  }
0x5c5: {  	v57 =	vmovc v56;
	s10 =	smul.f32 s29, s6;
	v3 =	vmul.f32 s13, v3;
	v56 =	vmul.f32 s21, v23;
	s6 =	sadd.f32 $9.999999960e-13, s11;
	v7 =	vadd.f32 v7, v53  }
0x5c6: {  	v4 =	vsub.f32 v61, v15;
	v32 =	vsub.f32 v54, v25;
	s14 =	smul.f32 s4, s7;
	s17 =	spop (v2sf);
	[tilespmem:s22+$0xFFFFFFA0] =	vst v0  }
0x5c7: {  	s7 =	smul.f32 $1.562500000e-02, s17;
	v3 =	vmul.f32 v3, v30;
	v9 =	vmul.f32 v56, v9;
	[tilespmem:s22+$0xFFFFFFE0] =	vst v7;
	v7 =	vld [tilespmem:$0x1FB20];
	v0 =	vadd.f32 v5, v16  }
0x5c8: {  	v29 =	vld [tilespmem:$0x1FAC0];
	v54 =	vsub.f32 v59, v25;
	v59 =	vmov v4;
	v4 =	vsub.f32 v42, v52;
	s29 =	smul.f32 $5.000000000e-01, s6  }
0x5c9: {  	v52 =	vld [tilespmem:$0x1FB10];
	s20 =	sshrl.u32 s6, $0x1;
	s6 =	smul.f32 s7, s7;
	s11 =	spop (v2sf);
	v3 =	vadd.f32 v3, v10;
	v10 =	vmov s7;
	[tilespmem:s22+$0x20] =	vst v0;
	v0 =	vadd.f32 v9, v11  }
0x5ca: {  	v37 =	vsub.f32 v39, v15;
	v51 =	vld [tilespmem:$0x12F70];
	[tilespmem:s25+$0xD0] =	vst v6;
	s7 =	smul.f32 $1.562500000e-02, s11;
	v39 =	vsub.f32 v2, v10  }
0x5cb: {  	v6 =	vld [tilespmem:$0x12F70];
	v23 =	vsub.f32 v36, v10;
	[tilespmem:s22+$0xA0] =	vst v0;
	v0 =	vsub.f32 v35, v10  }
0x5cc: {  	v1 =	vld [tilespmem:$0x12F60];
	v7 =	vadd.f32 v7, v28;
	v28 =	vsub.f32 v34, v10;
	v10 =	vmov s7  }
0x5cd: {  	v20 =	vsub.f32 v49, v10;
	v49 =	vmov v0;
	v0 =	vld [tilespmem:$0x1FB50]  }
0x5ce: {  	v53 =	vld [tilespmem:$0x12F70]  }
0x5cf: {  	v61 =	vmov v54;
	v54 =	vld [tilespmem:$0x12F70]  }
0x5d0: {  	v12 =	vmul.f32 s12, v51;
	v9 =	vld [tilespmem:$0x1FB30]  }
0x5d1: {  	s3 =	ssub.s32 $0x5F3759DF, s20;
	v2 =	vld [tilespmem:$0x12FA0]  }
0x5d2: {  	s17 =	smul.f32 s3, s29;
	v1 =	vmul.f32 s28, v1;
	[tilespmem:s22+$0x60] =	vst v3;
	v3 =	vsub.f32 v33, v27;
	v41 =	vmul.f32 v12, v0;
	v0 =	vld [tilespmem:$0x1FB60]  }
0x5d3: {  	v11 =	vld [tilespmem:$0x12F70]  }
0x5d4: {  	v62 =	vsub.f32 v62, v15;
	s14 =	ssub.f32 $1.500000000e+00, s14;
	v6 =	vmul.f32 s8, v6;
	s8 =	smul.f32 s3, s17;
	v15 =	vld [tilespmem:$0x12F70];
	v3 =	vmul.f32 v1, v3  }
0x5d5: {  	v40 =	vsub.f32 v55, v25;
	s20 =	spop (v2sf);
	s11 =	smul.f32 s7, s7;
	v55 =	vld [tilespmem:$0x12F70];
	[tilespmem:s15+$0x70] =	vst v7;
	v7 =	vmul.f32 s19, v53  }
0x5d6: {  	s24 =	sadd.s32 $0x8, s24;
	s7 =	smul.f32 $1.562500000e-02, s20;
	v3 =	vadd.f32 v3, v2;
	v2 =	vld [tilespmem:$0x1FB40]  }
0x5d7: {  	p0 =	slt.u32 s24, $0x188;
	v5 =	vadd.f32 v52, v46;
	v56 =	vmul.f32 s2, v54;
	s2 =	smul.f32 s4, s14;
	v42 =	vmul.f32 v7, v0;
	v0 =	vld [tilespmem:$0x1FB70]  }
.Ltmp2:
0x5d8: {  	s20 =	ssub.f32 $1.500000000e+00, s8;
	v34 =	vld [tilespmem:$0x12FB0];
	(pc) =	sbr.rel @p0 .LBB2_7-.Ltmp2, $4  }
0x5d9: {  	[tilespmem:s15+$0x30] =	vst v5;
	v35 =	vld [tilespmem:$0x12FB0];
	s17 =	ssub.f32 s7, s6;
	s19 =	spop (v2sf);
	v9 =	vadd.f32 v9, v47  }
0x5da: {  	v38 =	vsub.f32 v38, v10;
	v1 =	vld [tilespmem:$0x12FB0];
	s6 =	smul.f32 $1.562500000e-02, s19;
	v31 =	vmul.f32 s16, v11;
	[tilespmem:s25+$0xE0] =	vst v3  }
0x5db: {  	v19 =	vmovc v4;
	v25 =	vsub.f32 v48, v10;
	s8 =	smul.f32 s3, s20;
	v47 =	vmovc v45;
	s12 =	sadd.f32 $9.999999960e-13, s17;
	[tilespmem:s15+$0xB0] =	vst v9;
	s15 =	smov.u32 s22;
	v36 =	vmul.f32 s13, v15;
	v45 =	vld [tilespmem:$0x12F70];
	v30 =	vmul.f32 s21, v55  }
0x5dc: {  	v33 =	vsub.f32 v50, v10;
	v48 =	vmovc v44;
	s22 =	smov.u32 s25;
	s3 =	ssub.f32 s6, s11;
	s25 =	sadd.s32 $0x200, s25;
	v43 =	vmul.f32 v6, v2;
	v2 =	vld [tilespmem:$0x12FB0];
	v44 =	vmul.f32 v56, v0  }
0x5dd: {  	s6 =	smul.f32 $5.000000000e-01, s12  }
0x5de: {  	s13 =	smul.f32 s1, s26  }
0x5df: {  	s20 =	smul.f32 s30, s31  }
0x5e0: {  	s21 =	smul.f32 s10, s0  }
0x5e1: {  	s4 =	sshrl.u32 s12, $0x1;
	s23 =	smul.f32 s2, s18  }
0x5e2: {  	s14 =	smul.f32 s8, s29;
	s4 =	ssub.s32 $0x5F3759DF, s4  }
0x5e3: {  	s7 =	smul.f32 s4, s6  }
0x5e4: {  	s3 =	sadd.f32 $9.999999960e-13, s3;
	s13 =	smul.f32 s13, s1  }
0x5e5: {  	s14 =	smul.f32 s14, s8  }
0x5e6: {  	s11 =	sshrl.u32 s3, $0x1;
	s3 =	smul.f32 $5.000000000e-01, s3  }
0x5e7: {  	s7 =	smul.f32 s4, s7;
	s11 =	ssub.s32 $0x5F3759DF, s11;
	s13 =	ssub.f32 $1.500000000e+00, s13  }
0x5e8: {  	s16 =	smul.f32 s11, s3  }
0x5e9: {  	s14 =	ssub.f32 $1.500000000e+00, s14;
	s13 =	smul.f32 s13, s1  }
0x5ea: {  	s1 =	smul.f32 s23, s2  }
0x5eb: {  	s7 =	ssub.f32 $1.500000000e+00, s7;
	s14 =	smul.f32 s14, s8  }
0x5ec: {  	s17 =	smul.f32 s11, s16  }
0x5ed: {  	s4 =	smul.f32 s4, s7  }
0x5ee: {  	s1 =	ssub.f32 $1.500000000e+00, s1;
	s8 =	smul.f32 s13, s26  }
0x5ef: {  	s19 =	smul.f32 s4, s6  }
0x5f0: {  	s7 =	ssub.f32 $1.500000000e+00, s17;
	s16 =	smul.f32 s1, s2  }
0x5f1: {  	s2 =	smul.f32 s8, s13  }
0x5f2: {  	s7 =	smul.f32 s11, s7  }
0x5f3: {  	s12 =	smul.f32 s19, s4  }
0x5f4: {  	s11 =	smul.f32 s20, s30  }
0x5f5: {  	s18 =	smul.f32 s16, s18;
	s12 =	ssub.f32 $1.500000000e+00, s12  }
0x5f6: {  	s24 =	smul.f32 s7, s3  }
0x5f7: {  	s2 =	ssub.f32 $1.500000000e+00, s2;
	s4 =	smul.f32 s12, s4  }
0x5f8: {  	s11 =	ssub.f32 $1.500000000e+00, s11;
	s12 =	smul.f32 s21, s10  }
0x5f9: {  	s19 =	smul.f32 s2, s13  }
0x5fa: {  	s11 =	smul.f32 s11, s30;
	s12 =	ssub.f32 $1.500000000e+00, s12  }
0x5fb: {  	s6 =	smul.f32 s4, s6  }
0x5fc: {  	s12 =	smul.f32 s12, s10  }
0x5fd: {  	s10 =	smul.f32 s24, s7  }
0x5fe: {  	s6 =	smul.f32 s6, s4  }
0x5ff: {  	s25 =	ssub.f32 $1.500000000e+00, s10;
	s10 =	smul.f32 s11, s31  }
0x600: {  	s30 =	ssub.f32 $1.500000000e+00, s6;
	s17 =	smul.f32 s12, s0  }
0x601: {  	s1 =	smul.f32 s25, s7  }
0x602: {  	s30 =	smul.f32 s30, s4  }
0x603: {  	s4 =	smul.f32 s10, s11  }
0x604: {  	s0 =	smul.f32 s17, s12  }
0x605: {  	s7 =	smul.f32 s18, s16  }
0x606: {  	s25 =	smul.f32 s14, s29;
	s4 =	ssub.f32 $1.500000000e+00, s4  }
0x607: {  	v3 =	vmul.f32 s19, v17;
	s0 =	ssub.f32 $1.500000000e+00, s0;
	s3 =	smul.f32 s1, s3  }
0x608: {  	s21 =	ssub.f32 $1.500000000e+00, s7;
	s20 =	smul.f32 s4, s11  }
0x609: {  	v3 =	vmul.f32 v3, v18;
	v0 =	vmul.f32 s30, v17;
	s23 =	smul.f32 s0, s12  }
0x60a: {  	s24 =	smul.f32 s21, s16  }
0x60b: {  	v6 =	vadd.f32 v3, v8;
	v0 =	vmul.f32 v0, v39;
	s4 =	smul.f32 s25, s14;
	v4 =	vmul.f32 s20, v17  }
0x60c: {  	s3 =	smul.f32 s3, s1;
	v5 =	vmul.f32 s23, v17  }
0x60d: {  	[tilespmem:s22+$0xFFFFFF40] =	vst v6;
	v0 =	vadd.f32 v0, v8;
	s4 =	ssub.f32 $1.500000000e+00, s4;
	v4 =	vmul.f32 v4, v22  }
0x60e: {  	v51 =	vld [tilespmem:$0x12F50];
	s3 =	ssub.f32 $1.500000000e+00, s3;
	v50 =	vmul.f32 s24, v17;
	v5 =	vmul.f32 v5, v24  }
0x60f: {  	v12 =	vld [tilespmem:$0x12F90];
	[tilespmem:s22+$0xFFFFFF00] =	vst v0;
	s26 =	smul.f32 s4, s14;
	v24 =	vadd.f32 v4, v8  }
0x610: {  	s29 =	smul.f32 s3, s1;
	v52 =	vmul.f32 v50, v26;
	v46 =	vld [tilespmem:$0x12F50];
	v39 =	vadd.f32 v5, v8  }
0x611: {  	v10 =	vld [tilespmem:$0x12F90];
	v9 =	vmul.f32 s26, v17;
	[tilespmem:s22+$0xFFFFFF80] =	vst v24  }
0x612: {  	v11 =	vmul.f32 s29, v17;
	v4 =	vadd.f32 v52, v8;
	[tilespmem:s22+$0xFFFFFFC0] =	vst v39;
	v7 =	vld [tilespmem:$0x12F50]  }
0x613: {  	v9 =	vmul.f32 v9, v32;
	v53 =	vld [tilespmem:$0x12F50]  }
0x614: {  	v11 =	vmul.f32 v11, v38;
	[tilespmem:s22+$0x0] =	vst v4;
	v13 =	vld [tilespmem:$0x12F90]  }
0x615: {  	v4 =	vld [tilespmem:$0x12F50];
	v9 =	vadd.f32 v9, v8  }
0x616: {  	v14 =	vld [tilespmem:$0x12F90];
	v54 =	vadd.f32 v11, v8  }
0x617: {  	v55 =	vld [tilespmem:$0x12F90];
	v5 =	vmul.f32 s30, v46;
	[tilespmem:s22+$0x40] =	vst v9  }
0x618: {  	[tilespmem:s22+$0x80] =	vst v54;
	v15 =	vld [tilespmem:$0x12F50]  }
0x619: {  	v5 =	vmul.f32 v5, v28;
	v16 =	vld [tilespmem:$0x1FBD0];
	v7 =	vmul.f32 s20, v7  }
0x61a: {  	v8 =	vld [tilespmem:$0x12F50];
	v4 =	vmul.f32 s24, v4  }
0x61b: {  	v56 =	vld [tilespmem:$0x12F90];
	v5 =	vadd.f32 v5, v10;
	v7 =	vmul.f32 v7, v63  }
0x61c: {  	v0 =	vmul.f32 s19, v51;
	v63 =	vld [tilespmem:$0x1FC30];
	v4 =	vmul.f32 v4, v62  }
0x61d: {  	v17 =	vld [tilespmem:$0x12F90];
	[tilespmem:s22+$0xFFFFFF10] =	vst v5;
	v7 =	vadd.f32 v7, v13  }
0x61e: {  	v18 =	vld [tilespmem:$0x12F60];
	v0 =	vmul.f32 v0, v16;
	v22 =	vmul.f32 s26, v15;
	v4 =	vadd.f32 v4, v55  }
0x61f: {  	v6 =	vmul.f32 s23, v53;
	v24 =	vld [tilespmem:$0x12FA0];
	[tilespmem:s22+$0xFFFFFF90] =	vst v7  }
0x620: {  	v26 =	vmul.f32 s29, v8;
	v0 =	vadd.f32 v0, v12;
	v32 =	vmul.f32 v22, v21;
	[tilespmem:s22+$0x10] =	vst v4;
	v38 =	vld [tilespmem:$0x12F60]  }
0x621: {  	v6 =	vmul.f32 v6, v63;
	v46 =	vld [tilespmem:$0x12F60]  }
0x622: {  	v53 =	vld [tilespmem:$0x12FA0];
	[tilespmem:s22+$0xFFFFFF50] =	vst v0;
	v0 =	vmul.f32 v26, v25;
	v39 =	vadd.f32 v32, v56  }
0x623: {  	v55 =	vld [tilespmem:$0x12FA0];
	v6 =	vadd.f32 v6, v14  }
0x624: {  	v28 =	vld [tilespmem:$0x12F60];
	v0 =	vadd.f32 v0, v17;
	[tilespmem:s22+$0x50] =	vst v39  }
0x625: {  	[tilespmem:s22+$0xFFFFFFD0] =	vst v6;
	v4 =	vld [tilespmem:$0x12F60]  }
0x626: {  	v51 =	vmul.f32 s30, v18;
	v6 =	vld [tilespmem:$0x12F60];
	[tilespmem:s22+$0x90] =	vst v0  }
0x627: {  	v11 =	vmul.f32 s20, v38;
	v52 =	vld [tilespmem:$0x12F60]  }
0x628: {  	v50 =	vld [tilespmem:$0x12FA0];
	v0 =	vmul.f32 v51, v23;
	v7 =	vmul.f32 s24, v46  }
0x629: {  	v1 =	vadd.f32 v43, v1;
	v56 =	vld [tilespmem:$0x12FA0];
	v8 =	vmul.f32 s19, v28;
	v11 =	vmul.f32 v11, v60  }
0x62a: {  	v54 =	vld [tilespmem:$0x12FA0];
	v0 =	vadd.f32 v0, v24;
	v60 =	vmul.f32 v7, v59;
	v4 =	vmul.f32 s26, v4  }
0x62b: {  	[tilespmem:s15+$0xFFFFFF30] =	vst v1;
	v8 =	vmul.f32 v8, v57;
	v57 =	vld [tilespmem:$0x12FA0];
	v11 =	vadd.f32 v11, v53;
	v6 =	vmul.f32 s23, v6  }
0x62c: {  	v3 =	vld [tilespmem:$0x12FB0];
	[tilespmem:s22+$0xFFFFFF20] =	vst v0;
	v0 =	vadd.f32 v60, v55;
	v62 =	vmul.f32 s29, v52;
	v4 =	vmul.f32 v4, v61  }
0x62d: {  	v9 =	vld [tilespmem:$0x12FB0];
	v5 =	vadd.f32 v8, v50;
	[tilespmem:s22+$0xFFFFFFA0] =	vst v11;
	v6 =	vmul.f32 v6, v58  }
0x62e: {  	v10 =	vld [tilespmem:$0x12FB0];
	[tilespmem:s22+$0x20] =	vst v0;
	v22 =	vmul.f32 v62, v20;
	v4 =	vadd.f32 v4, v56  }
0x62f: {  	v63 =	vld [tilespmem:$0x12F70];
	[tilespmem:s22+$0xFFFFFF60] =	vst v5;
	v21 =	vadd.f32 v6, v54  }
0x630: {  	v38 =	vld [tilespmem:$0x12FB0];
	v24 =	vadd.f32 v22, v57;
	[tilespmem:s22+$0x60] =	vst v4  }
0x631: {  	v58 =	vld [tilespmem:$0x12FB0];
	[tilespmem:s22+$0xFFFFFFE0] =	vst v21  }
0x632: {  	v11 =	vld [tilespmem:$0x12F70];
	[tilespmem:s22+$0xA0] =	vst v24  }
0x633: {  	v29 =	vmul.f32 v31, v29;
	v31 =	vadd.f32 v42, v34;
	v34 =	vld [tilespmem:$0x1FB90]  }
0x634: {  	v25 =	vld [tilespmem:$0x12F70]  }
0x635: {  	v2 =	vadd.f32 v41, v2;
	v28 =	vmul.f32 s28, v45;
	v45 =	vld [tilespmem:$0x12FB0]  }
0x636: {  	v23 =	vld [tilespmem:$0x12F70]  }
0x637: {  	v54 =	vld [tilespmem:$0x12FB0];
	[tilespmem:s15+$0xFFFFFF70] =	vst v2  }
0x638: {  	v12 =	vmul.f32 s30, v63;
	v14 =	vmul.f32 v36, v34;
	v36 =	vld [tilespmem:$0x1FB80]  }
0x639: {  	v46 =	vmul.f32 s20, v11;
	v39 =	vld [tilespmem:$0x1FBA0]  }
0x63a: {  	v35 =	vadd.f32 v44, v35;
	v5 =	vld [tilespmem:$0x12F70];
	v51 =	vmul.f32 v12, v49;
	v4 =	vmul.f32 s24, v25  }
0x63b: {  	v41 =	vadd.f32 v29, v9;
	v42 =	vld [tilespmem:$0x12FB0];
	v55 =	vmul.f32 v46, v48;
	[tilespmem:s15+$0xFFFFFFB0] =	vst v31  }
0x63c: {  	v26 =	vld [tilespmem:$0x12F70];
	v1 =	vadd.f32 v51, v38;
	v4 =	vmul.f32 v4, v37;
	[tilespmem:s15+$0xFFFFFFF0] =	vst v35  }
0x63d: {  	v52 =	vld [tilespmem:$0x12FB0];
	v60 =	vadd.f32 v55, v45;
	[tilespmem:s15+$0x30] =	vst v41;
	v15 =	vsub.f32 v36, v27  }
0x63e: {  	v32 =	vld [tilespmem:$0x12F70];
	v7 =	vmul.f32 s19, v23;
	v62 =	vadd.f32 v4, v54;
	[tilespmem:s22+$0xFFFFFF30] =	vst v1;
	v18 =	vmul.f32 v30, v39  }
0x63f: {  	v5 =	vmul.f32 s23, v5;
	[tilespmem:s22+$0xFFFFFFB0] =	vst v60;
	v44 =	vadd.f32 v14, v10;
	v43 =	vmul.f32 v28, v15  }
0x640: {  	v53 =	vmul.f32 v7, v47;
	[tilespmem:s22+$0x30] =	vst v62;
	v50 =	vadd.f32 v18, v58  }
0x641: {  	v56 =	vld [tilespmem:$0x12FB0];
	v57 =	vmul.f32 v5, v19;
	[tilespmem:s15+$0x70] =	vst v44;
	v2 =	vadd.f32 v43, v3  }
0x642: {  	v0 =	vmul.f32 s26, v26;
	v58 =	vld [tilespmem:$0x12FB0];
	[tilespmem:s15+$0xB0] =	vst v50;
	v3 =	vadd.f32 v53, v42  }
0x643: {  	v59 =	vmul.f32 s29, v32;
	[tilespmem:s22+$0xF0] =	vst v2;
	v2 =	vadd.f32 v57, v52  }
0x644: {  	s9 =	sadd.s32 $0x1, s9;
	v0 =	vmul.f32 v0, v40;
	[tilespmem:s22+$0xFFFFFF70] =	vst v3  }
0x645: {  	p0 =	sne.s32 s9, $0x1F;
	v61 =	vmul.f32 v59, v33;
	[tilespmem:s22+$0xFFFFFFF0] =	vst v2  }
.Ltmp3:
0x646: {  	v0 =	vadd.f32 v0, v56;
	s30 =	rddreg [dreg:$0xf];
	(pc) =	sbr.rel @p0 .LBB2_4-.Ltmp3, $4  }
0x647: {  	v63 =	vadd.f32 v61, v58;
	s0 =	smul.u32 $0xC80, s30  }
0x648: {  	s31 =	rddreg [dreg:$0x1];
	[tilespmem:s22+$0x70] =	vst v0  }
0x649: {  	s7 =	simm.s32 $0x340;
	s11 =	simm.s32 $0x0;
	[tilespmem:s22+$0xB0] =	vst v63;
	s0 =	sadd.s32 s31, s0  }
0x64a: {  	[hbm4b:s0+s11] =	stream.linear.scatter [tilespmem:s7], [sflag:$0x3], $0x6400, $0x38;
	[tilespmem:$0x12FC0] =	vst v63  }
0x64b: {  	s0 =	simm.s32 $0x3  }
0x64c: {  	_ =	swait.ge [sflag:s0], $0x6400  }
0x64d: {  	[sflag:s0] =	ssyncset.done $0x0  }
0x64e: {  	s18 =	simm.s32 $0x2;
	[sflag:s0] =	ssyncadd.s32 $0xFFFF9C00  }
0x64f: {  	_ =	swait.ge [sflag:s18], $0x1900  }
0x650: {  	[sflag:s18] =	ssyncset.done $0x0  }
0x651: {  	[sflag:s18] =	ssyncadd.s32 $0xFFFFE700  }
0x652: {  	_ =	swait.ge [sflag:s18], $0x1900  }
0x653: {  	[sflag:s18] =	ssyncset.done $0x0  }
0x654: {  	[sflag:s18] =	ssyncadd.s32 $0xFFFFE700  }
0x655: {  	_ =	swait.ge [sflag:s18], $0x1900  }
0x656: {  	[sflag:s18] =	ssyncset.done $0x0  }
0x657: {  	[sflag:s18] =	ssyncadd.s32 $0xFFFFE700  }
0x658: {  	_ =	swait.ge [sflag:s18], $0x1900  }
0x659: {  	[sflag:s18] =	ssyncset.done $0x0  }
0x65a: {  	s6 =	simm.s32 $0x6840;
	[sflag:s18] =	ssyncadd.s32 $0xFFFFE700  }
0x65b: {  	s19 =	simm.s32 $0xCC40;
	v0 =	vld [tilespmem:s6+$0xC0]  }
0x65c: {  	v1 =	vld [tilespmem:s19+$0xC0]  }
0x65d: {  	v2 =	vld [tilespmem:s6+$0xD0]  }
0x65e: {  	v3 =	vld [tilespmem:s19+$0xD0]  }
0x65f: {  	v5 =	vld [tilespmem:s6+$0xE0]  }
0x660: {  	v6 =	vld [tilespmem:s19+$0xE0]  }
0x661: {  	v7 =	vld [tilespmem:s6+$0xF0]  }
0x662: {  	v9 =	vld [tilespmem:s19+$0xF0];
	_ =	sdelay $0x2  }
0x663: {  	v13 =	vld [tilespmem:s6+$0xFFFFFF50]  }
0x664: {  	v40 =	vld [tilespmem:s19+$0xFFFFFF50];
	v18 =	vadd.f32 v1, v0;
	v11 =	vadd.f32 v3, v2  }
0x665: {  	v41 =	vld [tilespmem:s6+$0xFFFFFF70];
	v3 =	vadd.f32 v6, v5;
	v61 =	vadd.f32 v9, v7  }
0x666: {  	v14 =	vld [tilespmem:s19+$0xFFFFFF70];
	v0 =	vmul.f32 v18, v18;
	v1 =	vmul.f32 v11, v11  }
0x667: {  	v15 =	vld [tilespmem:s6+$0xFFFFFF80];
	v5 =	vmul.f32 v3, v3;
	v7 =	vmul.f32 v61, v61  }
0x668: {  	v16 =	vld [tilespmem:s19+$0xFFFFFF80];
	v10 =	vadd.f32 v11, v18;
	v12 =	vadd.f32 v61, v3  }
0x669: {  	v20 =	vld [tilespmem:s6+$0xFFFFFFA0];
	v0 =	vadd.f32 v1, v0;
	v1 =	vadd.f32 v7, v5  }
0x66a: {  	v2 =	vld [tilespmem:s6+$0xFFFFFF40];
	v7 =	vadd.f32 v12, v10  }
0x66b: {  	v9 =	vld [tilespmem:s19+$0xFFFFFF40];
	v0 =	vadd.f32 v1, v0  }
0x66c: {  	v10 =	vld [tilespmem:s6+$0xFFFFFF60];
	(xrf2) =	vadd.scan.msk.f32 $0xffff, v7  }
0x66d: {  	v1 =	vld [tilespmem:s19+$0xFFFFFF60];
	(xrf2) =	vadd.scan.msk.f32 $0xffff, v0  }
0x66e: {  	v21 =	vld [tilespmem:s19+$0xFFFFFFA0]  }
0x66f: {  	v17 =	vld [tilespmem:s6+$0xFFFFFF90]  }
0x670: {  	v19 =	vld [tilespmem:s19+$0xFFFFFF90];
	v47 =	vadd.f32 v40, v13  }
0x671: {  	v42 =	vld [tilespmem:s19+$0xFFFFFFB0];
	v48 =	vadd.f32 v16, v15;
	v6 =	vadd.f32 v9, v2  }
0x672: {  	v2 =	vld [tilespmem:s6+$0xFFFFFFB0];
	v0 =	vadd.f32 v1, v10;
	v1 =	vadd.f32 v14, v41  }
0x673: {  	v23 =	vld [tilespmem:s6+$0xFFFFFFC0];
	v43 =	vmul.f32 v47, v47;
	v5 =	vadd.f32 v21, v20;
	v9 =	vmul.f32 v6, v6  }
0x674: {  	v25 =	vld [tilespmem:s19+$0xFFFFFFC0];
	v10 =	vadd.f32 v47, v6;
	v24 =	vadd.f32 v1, v0  }
0x675: {  	v46 =	vld [tilespmem:s6+$0xFFFFFFD0];
	v7 =	vadd.f32 v19, v17;
	v26 =	vadd.f32 v43, v9  }
0x676: {  	v50 =	vld [tilespmem:s19+$0xFFFFFFE0];
	v28 =	vmul.f32 v0, v0;
	v29 =	vmul.f32 v1, v1;
	v15 =	vadd.f32 v24, v10;
	v44, _, _ =	vpop (xrf2)  }
0x677: {  	v51 =	vld [tilespmem:s6+$0x20];
	v2 =	vadd.f32 v42, v2;
	(v2sf) =	vpush v44, $0xF;
	v45, _, _ =	vpop (xrf2)  }
0x678: {  	v16 =	vld [tilespmem:s19+$0xFFFFFFD0];
	v19 =	vadd.f32 v29, v28;
	(xrf2) =	vadd.scan.msk.f32 $0xffff, v15;
	(v2sf) =	vpush v45, $0xF  }
0x679: {  	v20 =	vld [tilespmem:s6+$0xFFFFFFF0];
	v21 =	vadd.f32 v2, v5  }
0x67a: {  	v17 =	vld [tilespmem:s6+$0xFFFFFFE0];
	v15 =	vadd.f32 v7, v48;
	v19 =	vadd.f32 v19, v26  }
0x67b: {  	v24 =	vld [tilespmem:s19+$0xFFFFFFF0];
	v28 =	vmul.f32 v7, v7;
	v26 =	vmul.f32 v48, v48  }
0x67c: {  	v35 =	vld [tilespmem:s19+$0x40];
	v30 =	vmul.f32 v5, v5;
	v31 =	vmul.f32 v2, v2;
	(xrf2) =	vadd.scan.msk.f32 $0xffff, v19;
	v19 =	vadd.f32 v21, v15  }
0x67d: {  	v29 =	vld [tilespmem:s6+$0x0];
	v26 =	vadd.f32 v28, v26  }
0x67e: {  	v21 =	vld [tilespmem:s19+$0x0];
	v15 =	vadd.f32 v25, v23;
	v23 =	vadd.f32 v31, v30;
	(xrf2) =	vadd.scan.msk.f32 $0xffff, v19  }
0x67f: {  	v13 =	vadd.f32 v50, v17;
	v28 =	vld [tilespmem:s6+$0x10];
	v19 =	vadd.f32 v16, v46  }
0x680: {  	v25 =	vld [tilespmem:s19+$0x10];
	v17 =	vadd.f32 v23, v26;
	v16 =	vadd.f32 v24, v20  }
0x681: {  	v30 =	vld [tilespmem:s19+$0x30]  }
0x682: {  	v33 =	vmul.f32 v13, v13;
	v23 =	vld [tilespmem:s19+$0x20];
	v20 =	vadd.f32 v19, v15;
	v26, _, _ =	vpop (xrf2);
	(xrf2) =	vadd.scan.msk.f32 $0xffff, v17;
	v17 =	vadd.f32 v16, v13  }
0x683: {  	v24 =	vld [tilespmem:s6+$0x30];
	v31 =	vmul.f32 v15, v15;
	v32 =	vmul.f32 v19, v19  }
0x684: {  	v52 =	vld [tilespmem:s19+$0x50];
	v34 =	vmul.f32 v16, v16;
	v21 =	vadd.f32 v21, v29;
	v17 =	vadd.f32 v17, v20  }
0x685: {  	v53 =	vld [tilespmem:s6+$0x70];
	v31 =	vadd.f32 v32, v31;
	(v2sf) =	vpush v26, $0xF  }
0x686: {  	v29 =	vld [tilespmem:s6+$0x50];
	v20 =	vadd.f32 v25, v28;
	v25 =	vadd.f32 v34, v33;
	v28, _, _ =	vpop (xrf2);
	(xrf2) =	vadd.scan.msk.f32 $0xffff, v17;
	s1 =	spop (v2sf)  }
0x687: {  	v14 =	vadd.f32 v23, v51;
	v23 =	vld [tilespmem:s6+$0x60];
	(v2sf) =	vpush v28, $0xF;
	s8 =	smul.f32 $1.562500000e-02, s1;
	s20 =	spop (v2sf)  }
0x688: {  	v26 =	vld [tilespmem:s6+$0x40];
	v25 =	vadd.f32 v25, v31;
	v17 =	vadd.f32 v30, v24;
	v24, _, _ =	vpop (xrf2);
	s1 =	smul.f32 $1.562500000e-02, s20  }
0x689: {  	v28 =	vld [tilespmem:s19+$0x60];
	v30 =	vmul.f32 v21, v21;
	(v2sf) =	vpush v24, $0xF;
	s2 =	smul.f32 s8, s8  }
0x68a: {  	v54 =	vld [tilespmem:s19+$0x70];
	v31 =	vmul.f32 v20, v20;
	v24 =	vadd.f32 v20, v21;
	(xrf2) =	vadd.scan.msk.f32 $0xffff, v25;
	v25 =	vadd.f32 v17, v14  }
0x68b: {  	v37 =	vmul.f32 v14, v14;
	s1 =	ssub.f32 s1, s2  }
0x68c: {  	v30 =	vadd.f32 v31, v30;
	v38 =	vmul.f32 v17, v17;
	v40 =	vadd.f32 v25, v24  }
0x68d: {  	v25 =	vadd.f32 v35, v26;
	v24 =	vadd.f32 v52, v29;
	s1 =	sadd.f32 $9.999999960e-13, s1  }
0x68e: {  	v4 =	vld [tilespmem:s19+$0xFFFFFF00];
	v55 =	vadd.f32 v38, v37;
	v26 =	vadd.f32 v28, v23;
	v39, _, _ =	vpop (xrf2);
	(xrf2) =	vadd.scan.msk.f32 $0xffff, v40  }
0x68f: {  	v8 =	vld [tilespmem:s6+$0xFFFFFF10];
	v23 =	vadd.f32 v54, v53;
	v57 =	vadd.f32 v24, v25;
	s21 =	sshrl.u32 s1, $0x1;
	s1 =	smul.f32 $5.000000000e-01, s1  }
0x690: {  	v22 =	vld [tilespmem:s19+$0xFFFFFF10];
	v28 =	vmul.f32 v25, v25;
	v30 =	vadd.f32 v55, v30;
	(v2sf) =	vpush v39, $0xF;
	v59, _, _ =	vpop (xrf2);
	s2 =	ssub.s32 $0x5F3759DF, s21  }
0x691: {  	v27 =	vld [tilespmem:s6+$0xFFFFFF20];
	v60 =	vmul.f32 v24, v24;
	v63 =	vadd.f32 v23, v26;
	(v2sf) =	vpush v59, $0xF;
	s3 =	smul.f32 s2, s1  }
0x692: {  	v36 =	vld [tilespmem:s19+$0xFFFFFF20];
	v12 =	vmul.f32 v26, v26;
	(xrf2) =	vadd.scan.msk.f32 $0xffff, v30;
	v30 =	vmul.f32 v23, v23  }
0x693: {  	v56 =	vld [tilespmem:s19+$0x80];
	v32 =	vadd.f32 v63, v57;
	s3 =	smul.f32 s2, s3  }
0x694: {  	v41 =	vld [tilespmem:s19+$0xFFFFFF30];
	v46 =	vadd.f32 v60, v28;
	v30 =	vadd.f32 v30, v12  }
0x695: {  	v31 =	vld [tilespmem:s6+$0xFFFFFF30];
	s4 =	spop (v2sf);
	v43, _, _ =	vpop (xrf2);
	(xrf2) =	vadd.scan.msk.f32 $0xffff, v32;
	s3 =	ssub.f32 $1.500000000e+00, s3  }
0x696: {  	v42 =	vld [tilespmem:s6+$0xFFFFFF00];
	s14 =	smul.f32 $1.562500000e-02, s4;
	v30 =	vadd.f32 v30, v46  }
0x697: {  	v29 =	vld [tilespmem:s6+$0x80];
	(v2sf) =	vpush v43, $0xF;
	s2 =	smul.f32 s2, s3  }
0x698: {  	v28 =	vadd.f32 v36, v27;
	v27 =	vadd.f32 v22, v8;
	s22 =	smul.f32 s14, s14;
	v22, _, _ =	vpop (xrf2);
	(xrf2) =	vadd.scan.msk.f32 $0xffff, v30  }
0x699: {  	v58 =	vld [tilespmem:s6+$0x90];
	s24 =	spop (v2sf);
	(v2sf) =	vpush v22, $0xF;
	s23 =	smul.f32 s2, s1  }
0x69a: {  	v62 =	vld [tilespmem:s19+$0x90];
	v31 =	vadd.f32 v41, v31;
	s4 =	smul.f32 $1.562500000e-02, s24  }
0x69b: {  	v49 =	vld [tilespmem:s19+$0xA0];
	v36 =	vadd.f32 v4, v42;
	s7 =	spop (v2sf);
	s0 =	smul.f32 s23, s2  }
0x69c: {  	v50 =	vld [tilespmem:s6+$0xB0];
	v32 =	vadd.f32 v56, v29;
	v29 =	vmul.f32 v28, v28;
	v30 =	vmul.f32 v31, v31;
	s18 =	smul.f32 $1.562500000e-02, s7  }
0x69d: {  	v45 =	vld [tilespmem:s6+$0xA0];
	v8 =	vadd.f32 v31, v28;
	v22 =	vadd.f32 v27, v36;
	s0 =	ssub.f32 $1.500000000e+00, s0  }
0x69e: {  	v51 =	vld [tilespmem:s19+$0xB0];
	v52 =	vmul.f32 v27, v27;
	v55 =	vmul.f32 v36, v36;
	s3 =	ssub.f32 s4, s22;
	v29 =	vadd.f32 v30, v29;
	s25 =	smul.f32 s18, s18;
	v54, _, _ =	vpop (xrf2)  }
0x69f: {  	v8 =	vadd.f32 v8, v22;
	(v2sf) =	vpush v54, $0xF;
	s26 =	spop (v2sf);
	v56, _, _ =	vpop (xrf2);
	s0 =	smul.f32 s0, s2  }
0x6a0: {  	v4 =	vadd.f32 v52, v55;
	(v2sf) =	vpush v56, $0xF;
	s2 =	smul.f32 $1.562500000e-02, s26;
	s9 =	spop (v2sf)  }
0x6a1: {  	v33 =	vadd.f32 v62, v58;
	s3 =	sadd.f32 $9.999999960e-13, s3;
	(xrf2) =	vadd.scan.msk.f32 $0xffff, v8;
	s24 =	smul.f32 $1.562500000e-02, s9  }
0x6a2: {  	v34 =	vadd.f32 v49, v45;
	v4 =	vadd.f32 v29, v4;
	v29, _, _ =	vpop (xrf2);
	s30 =	smul.f32 s0, s1  }
0x6a3: {  	v35 =	vadd.f32 v51, v50;
	(v2sf) =	vpush v29, $0xF;
	s1 =	smul.f32 $5.000000000e-01, s3;
	s2 =	ssub.f32 s2, s25  }
0x6a4: {  	s3 =	sshrl.u32 s3, $0x1;
	s9 =	smul.f32 s24, s24  }
0x6a5: {  	v53 =	vadd.f32 v33, v32;
	v22 =	vadd.f32 v35, v34;
	s3 =	ssub.s32 $0x5F3759DF, s3;
	s7 =	smul.f32 s30, s0;
	s2 =	sadd.f32 $9.999999960e-13, s2  }
0x6a6: {  	s11 =	spop (v2sf);
	s31 =	smul.f32 s3, s1  }
0x6a7: {  	v58 =	vmul.f32 v35, v35;
	v57 =	vmul.f32 v34, v34;
	v22 =	vadd.f32 v22, v53;
	s7 =	ssub.f32 $1.500000000e+00, s7;
	s10 =	sshrl.u32 s2, $0x1;
	s2 =	smul.f32 $5.000000000e-01, s2  }
0x6a8: {  	v30 =	vmul.f32 v32, v32;
	v8 =	vmul.f32 v33, v33;
	s4 =	smul.f32 s3, s31;
	s13 =	spop (v2sf)  }
0x6a9: {  	v9 =	vld [tilespmem:$0x12F40];
	(xrf2) =	vadd.scan.msk.f32 $0xffff, v22;
	s26 =	smul.f32 $1.562500000e-02, s13  }
0x6aa: {  	v8 =	vadd.f32 v8, v30;
	v22 =	vadd.f32 v58, v57;
	s0 =	smul.f32 s7, s0  }
0x6ab: {  	v60, _, _ =	vpop (xrf2);
	s7 =	smul.f32 $1.562500000e-02, s11;
	s11 =	ssub.s32 $0x5F3759DF, s10  }
0x6ac: {  	v59 =	vadd.f32 v22, v8;
	(v2sf) =	vpush v60, $0xF;
	s4 =	ssub.f32 $1.500000000e+00, s4;
	s12 =	smul.f32 s11, s2  }
0x6ad: {  	v37 =	vmov s8;
	v12 =	vld [tilespmem:$0x12F80];
	(xrf2) =	vadd.scan.msk.f32 $0xffff, v4;
	s10 =	smul.f32 s26, s26;
	s7 =	ssub.f32 s7, s9  }
0x6ae: {  	v18 =	vsub.f32 v18, v37;
	(xrf2) =	vadd.scan.msk.f32 $0xffff, v59;
	v22 =	vmul.f32 s0, v9;
	s9 =	smul.f32 s11, s12;
	s12 =	spop (v2sf)  }
0x6af: {  	s12 =	smul.f32 $1.562500000e-02, s12;
	s17 =	spop (v2sf)  }
0x6b0: {  	s7 =	sadd.f32 $9.999999960e-13, s7;
	v18 =	vmul.f32 v22, v18;
	s21 =	smul.f32 $1.562500000e-02, s17  }
0x6b1: {  	s13 =	smul.f32 s3, s4;
	s16 =	ssub.f32 s12, s10  }
0x6b2: {  	v18 =	vadd.f32 v18, v12;
	s15 =	sshrl.u32 s7, $0x1;
	s20 =	smul.f32 s21, s21;
	s22 =	spop (v2sf)  }
0x6b3: {  	v29, _, _ =	vpop (xrf2);
	s3 =	ssub.s32 $0x5F3759DF, s15;
	s15 =	smul.f32 $1.562500000e-02, s22  }
0x6b4: {  	(v2sf) =	vpush v29, $0xF;
	[tilespmem:s6+$0xC0] =	vst v18;
	s4 =	sadd.f32 $9.999999960e-13, s16  }
0x6b5: {  	v18 =	vld [tilespmem:$0x12F50];
	s23 =	ssub.f32 s15, s20  }
0x6b6: {  	s9 =	ssub.f32 $1.500000000e+00, s9  }
0x6b7: {  	s8 =	smul.f32 $5.000000000e-01, s7;
	v22, _, _ =	vpop (xrf2);
	s16 =	sshrl.u32 s4, $0x1;
	s30 =	sadd.f32 $9.999999960e-13, s23  }
0x6b8: {  	(v2sf) =	vpush v22, $0xF;
	v22, _, _ =	vpop (xrf2);
	s17 =	ssub.s32 $0x5F3759DF, s16;
	s16 =	smul.f32 s11, s9  }
0x6b9: {  	(v2sf) =	vpush v22, $0xF;
	v22 =	vld [tilespmem:$0x12F90];
	s12 =	smul.f32 $5.000000000e-01, s30;
	s9 =	sshrl.u32 s30, $0x1  }
0x6ba: {  	v11 =	vsub.f32 v11, v37;
	s10 =	smul.f32 $5.000000000e-01, s4;
	s15 =	simm.s32 $0xCE40;
	v18 =	vmul.f32 s0, v18;
	s20 =	ssub.s32 $0x5F3759DF, s9  }
0x6bb: {  	v29 =	vld [tilespmem:s15+$0xC0];
	s22 =	spop (v2sf);
	s9 =	smul.f32 s20, s12  }
0x6bc: {  	v62 =	vld [tilespmem:s15+$0xD0];
	s4 =	smul.f32 $1.562500000e-02, s22;
	v11 =	vmul.f32 v18, v11  }
0x6bd: {  	v63 =	vld [tilespmem:s15+$0xE0];
	s22 =	smul.f32 s20, s9;
	s9 =	simm.s32 $0x6A40  }
0x6be: {  	s19 =	smul.f32 s3, s8;
	v11 =	vadd.f32 v11, v22;
	v22 =	vld [tilespmem:s9+$0xC0]  }
0x6bf: {  	v30 =	vld [tilespmem:s9+$0xD0]  }
0x6c0: {  	v44 =	vmov s14;
	s7 =	smul.f32 s3, s19;
	v41 =	vld [tilespmem:s9+$0xE0]  }
0x6c1: {  	v59 =	vsub.f32 v47, v44;
	s25 =	smul.f32 s17, s10;
	[tilespmem:s6+$0xD0] =	vst v11;
	v46 =	vld [tilespmem:s9+$0xF0]  }
0x6c2: {  	v47 =	vmov s24;
	s24 =	smul.f32 s16, s2;
	v38 =	vld [tilespmem:$0x12F60]  }
0x6c3: {  	v0 =	vsub.f32 v0, v44;
	s31 =	smul.f32 s17, s25;
	s19 =	spop (v2sf);
	v39 =	vld [tilespmem:$0x12FA0];
	[tilespmem:$0x1F9F0] =	vst v59  }
0x6c4: {  	v45 =	vmov s18;
	v60 =	vsub.f32 v19, v47;
	s25 =	smul.f32 $1.562500000e-02, s19;
	v49 =	vld [tilespmem:s15+$0xF0]  }
0x6c5: {  	s23 =	smul.f32 s4, s4;
	v51 =	vld [tilespmem:s9+$0xFFFFFF10];
	[tilespmem:$0x1FA30] =	vst v0;
	v0 =	vsub.f32 v5, v45  }
0x6c6: {  	s11 =	ssub.f32 $1.500000000e+00, s31;
	s31 =	smul.f32 s25, s25;
	[tilespmem:$0x1FA00] =	vst v60  }
0x6c7: {  	s29 =	ssub.f32 $1.500000000e+00, s22;
	s30 =	spop (v2sf);
	v55 =	vld [tilespmem:s15+$0xFFFFFF10];
	[tilespmem:$0x1FA40] =	vst v0;
	v0 =	vsub.f32 v13, v47  }
0x6c8: {  	s19 =	smul.f32 $1.562500000e-02, s30;
	v62 =	vadd.f32 v62, v30  }
0x6c9: {  	s7 =	ssub.f32 $1.500000000e+00, s7;
	s14 =	smul.f32 s20, s29;
	v63 =	vadd.f32 v63, v41;
	[tilespmem:$0x1FA50] =	vst v0  }
0x6ca: {  	s19 =	ssub.f32 s19, s23;
	s23 =	spop (v2sf);
	v43 =	vld [tilespmem:s9+$0xFFFFFF20];
	[tilespmem:$0x1FA20] =	vst v62  }
0x6cb: {  	s28 =	smul.f32 $1.562500000e-02, s23;
	v56 =	vld [tilespmem:s15+$0xFFFFFF20];
	[tilespmem:$0x1FA80] =	vst v63  }
0x6cc: {  	s23 =	smul.f32 s3, s7;
	s30 =	sadd.f32 $9.999999960e-13, s19;
	v0 =	vadd.f32 v49, v46;
	v40 =	vld [tilespmem:s9+$0xFFFFFF30]  }
0x6cd: {  	v57 =	vmov s26;
	v19 =	vadd.f32 v29, v22;
	s19 =	smul.f32 s17, s11;
	s31 =	ssub.f32 s28, s31;
	v42 =	vld [tilespmem:s15+$0xFFFFFF30]  }
0x6ce: {  	s17 =	sshrl.u32 s30, $0x1;
	s22 =	smul.f32 $5.000000000e-01, s30;
	v41 =	vld [tilespmem:s9+$0xFFFFFF40];
	v29 =	vmul.f32 v0, v0;
	[tilespmem:$0x1F9C0] =	vst v0;
	v46 =	vadd.f32 v0, v63;
	v0 =	vsub.f32 v14, v57  }
0x6cf: {  	s28 =	smul.f32 s14, s12;
	s30 =	ssub.s32 $0x5F3759DF, s17;
	s7 =	sadd.f32 $9.999999960e-13, s31;
	v49 =	vld [tilespmem:s15+$0xFFFFFF40]  }
0x6d0: {  	v50 =	vsub.f32 v6, v44;
	v58 =	vld [tilespmem:s9+$0xFFFFFF50];
	s11 =	smul.f32 s30, s22;
	[tilespmem:$0x1FA60] =	vst v0;
	v0 =	vsub.f32 v1, v44  }
0x6d1: {  	v48 =	vsub.f32 v48, v45;
	v52 =	vsub.f32 v15, v47;
	s18 =	smul.f32 $5.000000000e-01, s7;
	s7 =	sshrl.u32 s7, $0x1  }
0x6d2: {  	v53 =	vsub.f32 v21, v57;
	v59 =	vld [tilespmem:s15+$0xFFFFFF50];
	s11 =	smul.f32 s30, s11;
	s7 =	ssub.s32 $0x5F3759DF, s7;
	[tilespmem:$0x1FA90] =	vst v0;
	v0 =	vsub.f32 v2, v45  }
0x6d3: {  	v18 =	vsub.f32 v7, v45;
	v22 =	vsub.f32 v20, v57;
	v15 =	vmul.f32 v19, v19;
	s31 =	smul.f32 s7, s18  }
0x6d4: {  	v21 =	vmul.f32 v62, v62;
	s17 =	smul.f32 s13, s1;
	v1 =	vmov s21;
	v44 =	vld [tilespmem:s9+$0xFFFFFF60];
	[tilespmem:$0x1FAA0] =	vst v0;
	v0 =	vsub.f32 v16, v47  }
0x6d5: {  	v20 =	vmul.f32 v63, v63;
	v30 =	vadd.f32 v62, v19;
	v54 =	vsub.f32 v25, v1;
	s11 =	ssub.f32 $1.500000000e+00, s11;
	s20 =	smul.f32 s7, s31;
	v45 =	vld [tilespmem:s15+$0xFFFFFF60]  }
0x6d6: {  	v25 =	vsub.f32 v26, v1;
	s31 =	smul.f32 s19, s10;
	v26 =	vld [tilespmem:s9+$0xFFFFFF70];
	[tilespmem:$0x1FAB0] =	vst v0;
	v0 =	vsub.f32 v23, v1  }
0x6d7: {  	v15 =	vadd.f32 v21, v15;
	v21 =	vadd.f32 v29, v20;
	s11 =	smul.f32 s30, s11  }
0x6d8: {  	v3 =	vsub.f32 v3, v37;
	v30 =	vadd.f32 v46, v30;
	s30 =	smul.f32 s23, s8;
	v47 =	vld [tilespmem:s15+$0xFFFFFF70];
	[tilespmem:$0x1F9D0] =	vst v0  }
0x6d9: {  	v29 =	vsub.f32 v17, v57;
	v21 =	vadd.f32 v21, v15;
	v23 =	vmov s25;
	s25 =	smul.f32 s24, s16;
	v57 =	vld [tilespmem:s9+$0xFFFFFF80]  }
0x6da: {  	v17 =	vmul.f32 s0, v38;
	(xrf2) =	vadd.scan.msk.f32 $0xffff, v30;
	v2 =	vmov s4;
	s3 =	ssub.f32 $1.500000000e+00, s20;
	s26 =	smul.f32 s11, s22;
	v0 =	vsub.f32 v35, v23;
	v60 =	vld [tilespmem:s15+$0xFFFFFF80]  }
0x6db: {  	v46 =	vsub.f32 v36, v2;
	(xrf2) =	vadd.scan.msk.f32 $0xffff, v21;
	v16 =	vsub.f32 v28, v2;
	s30 =	smul.f32 s30, s23;
	v28 =	vld [tilespmem:s9+$0xFFFFFF90]  }
0x6dc: {  	v27 =	vsub.f32 v27, v2;
	v30 =	vsub.f32 v31, v2;
	v2 =	vmul.f32 v17, v3;
	s3 =	smul.f32 s7, s3;
	v3 =	vld [tilespmem:s15+$0xFFFFFF90];
	[tilespmem:$0x1F9E0] =	vst v0  }
0x6dd: {  	s20 =	smul.f32 s26, s11;
	v31 =	vld [tilespmem:s9+$0xFFFFFFA0]  }
0x6de: {  	v41 =	vadd.f32 v49, v41;
	v15 =	vsub.f32 v32, v23;
	s7 =	smul.f32 s31, s19;
	v32 =	vld [tilespmem:s15+$0xFFFFFFA0]  }
0x6df: {  	v38 =	vadd.f32 v59, v58;
	v36 =	vsub.f32 v33, v23;
	s31 =	smul.f32 s28, s14;
	v33 =	vld [tilespmem:s9+$0xFFFFFFB0];
	s20 =	ssub.f32 $1.500000000e+00, s20  }
0x6e0: {  	v21 =	vsub.f32 v34, v23;
	v13 =	vadd.f32 v45, v44;
	s4 =	smul.f32 s3, s18;
	v44 =	vld [tilespmem:s15+$0xFFFFFFB0]  }
0x6e1: {  	v23 =	vadd.f32 v55, v51;
	v55 =	vmul.f32 v41, v41;
	v59 =	vmul.f32 v38, v38;
	v49 =	vld [tilespmem:s9+$0xFFFFFFC0];
	s21 =	smul.f32 s20, s11  }
0x6e2: {  	v14 =	vsub.f32 v61, v37;
	v17 =	vadd.f32 v2, v39;
	v51 =	vld [tilespmem:s15+$0xFFFFFFC0];
	s20 =	smul.f32 s17, s13;
	s17 =	ssub.f32 $1.500000000e+00, s25  }
0x6e3: {  	v34 =	vadd.f32 v59, v55;
	s7 =	ssub.f32 $1.500000000e+00, s7;
	v59 =	vld [tilespmem:s9+$0xFFFFFFD0];
	v37 =	vadd.f32 v47, v26;
	s4 =	smul.f32 s4, s3  }
0x6e4: {  	v35 =	vadd.f32 v38, v41;
	v58, _, _ =	vpop (xrf2);
	v45 =	vadd.f32 v3, v28;
	v3 =	vld [tilespmem:s15+$0xFFFFFFD0];
	s24 =	smul.f32 s17, s16  }
0x6e5: {  	v55 =	vmul.f32 v13, v13;
	(v2sf) =	vpush v58, $0xF;
	v26, _, _ =	vpop (xrf2);
	v58 =	vadd.f32 v37, v13;
	v28 =	vld [tilespmem:s9+$0xFFFFFFE0];
	s11 =	ssub.f32 $1.500000000e+00, s20;
	s16 =	smul.f32 s7, s19  }
0x6e6: {  	v61 =	vmul.f32 v37, v37;
	v47 =	vadd.f32 v60, v57;
	v57 =	vld [tilespmem:s9+$0xFFFFFFF0];
	(v2sf) =	vpush v26, $0xF;
	s20 =	ssub.f32 $1.500000000e+00, s30;
	s22 =	smul.f32 s21, s22  }
0x6e7: {  	s17 =	ssub.f32 $1.500000000e+00, s31;
	v39 =	vadd.f32 v32, v31;
	v60 =	vadd.f32 v58, v35;
	v35 =	vld [tilespmem:s15+$0xFFFFFFE0];
	s25 =	smul.f32 s11, s13  }
0x6e8: {  	s4 =	ssub.f32 $1.500000000e+00, s4;
	v61 =	vadd.f32 v61, v55;
	v31 =	vadd.f32 v56, v43;
	v43 =	vld [tilespmem:s15+$0xFFFFFFF0];
	s13 =	smul.f32 s20, s23  }
0x6e9: {  	v26 =	vadd.f32 v44, v33;
	v62 =	vadd.f32 v45, v47;
	v55 =	vld [tilespmem:s9+$0x0];
	s19 =	smul.f32 s17, s14  }
0x6ea: {  	s14 =	smul.f32 s4, s3;
	v4 =	vadd.f32 v61, v34;
	v34 =	vadd.f32 v51, v49;
	v49 =	vld [tilespmem:s15+$0x0]  }
0x6eb: {  	v56 =	vmul.f32 v47, v47;
	v58 =	vmul.f32 v45, v45;
	v63 =	vadd.f32 v26, v39;
	s2 =	smul.f32 s24, s2;
	(xrf2) =	vadd.scan.msk.f32 $0xffff, v60;
	v51 =	vld [tilespmem:s15+$0x10]  }
0x6ec: {  	s26 =	smul.f32 s16, s10;
	v60 =	vmul.f32 v39, v39;
	v61 =	vmul.f32 v26, v26;
	v32 =	vadd.f32 v3, v59;
	v3 =	vld [tilespmem:s9+$0x10]  }
0x6ed: {  	v33 =	vadd.f32 v42, v40;
	s4 =	smul.f32 s22, s21;
	v59 =	vld [tilespmem:s9+$0x30];
	v44 =	vadd.f32 v63, v62;
	(xrf2) =	vadd.scan.msk.f32 $0xffff, v4  }
0x6ee: {  	v5 =	vadd.f32 v58, v56;
	s1 =	smul.f32 s25, s1;
	v62 =	vmul.f32 v34, v34;
	v63 =	vadd.f32 v61, v60;
	v60 =	vld [tilespmem:s15+$0x40]  }
0x6ef: {  	s23 =	smul.f32 s13, s8;
	v35 =	vadd.f32 v35, v28;
	v4 =	vmul.f32 v32, v32;
	v28 =	vadd.f32 v43, v57;
	v43 =	vld [tilespmem:s9+$0x20];
	(xrf2) =	vadd.scan.msk.f32 $0xffff, v44  }
0x6f0: {  	s10 =	smul.f32 s19, s12;
	v57 =	vadd.f32 v32, v34;
	v40 =	vadd.f32 v63, v5;
	v44 =	vld [tilespmem:s15+$0x20]  }
0x6f1: {  	s3 =	smul.f32 s14, s18;
	v58 =	vadd.f32 v4, v62;
	v42 =	vadd.f32 v28, v35;
	v5 =	vmul.f32 v35, v35;
	v62 =	vld [tilespmem:s9+$0x40]  }
0x6f2: {  	s31 =	smul.f32 s2, s24;
	v4 =	vmul.f32 v28, v28;
	(xrf2) =	vadd.scan.msk.f32 $0xffff, v40;
	v40 =	vadd.f32 v49, v55;
	v49 =	vld [tilespmem:s15+$0x30]  }
0x6f3: {  	v61 =	vmul.f32 v33, v33;
	s22 =	ssub.f32 $1.500000000e+00, s4;
	s30 =	smul.f32 s1, s25;
	v55 =	vmul.f32 v31, v31;
	v57 =	vadd.f32 v42, v57  }
0x6f4: {  	s7 =	smul.f32 s23, s13;
	s12 =	ssub.f32 $1.500000000e+00, s31;
	v42 =	vadd.f32 v51, v3;
	v3 =	vadd.f32 v4, v5;
	v4 =	vld [tilespmem:s15+$0x70]  }
0x6f5: {  	s2 =	smul.f32 s22, s21;
	s11 =	ssub.f32 $1.500000000e+00, s30;
	v56 =	vadd.f32 v61, v55;
	v55 =	vld [tilespmem:s9+$0x50];
	v43 =	vadd.f32 v44, v43;
	v5, _, _ =	vpop (xrf2)  }
0x6f6: {  	s12 =	smul.f32 s12, s24;
	v51 =	vmul.f32 v40, v40;
	v3 =	vadd.f32 v3, v58;
	v58 =	vld [tilespmem:s15+$0x50];
	s17 =	spop (v2sf);
	(v2sf) =	vpush v5, $0xF  }
0x6f7: {  	s8 =	smul.f32 s11, s25;
	(xrf2) =	vadd.scan.msk.f32 $0xffff, v57;
	v57 =	vld [tilespmem:s15+$0x60];
	v5 =	vmul.f32 v42, v42;
	v44 =	vadd.f32 v49, v59;
	v49 =	vadd.f32 v60, v62;
	v63, _, _ =	vpop (xrf2)  }
0x6f8: {  	s1 =	smul.f32 $1.562500000e-02, s17;
	v59 =	vld [tilespmem:s9+$0x60];
	v60 =	vmul.f32 v43, v43;
	s18 =	spop (v2sf);
	(xrf2) =	vadd.scan.msk.f32 $0xffff, v3;
	v3 =	vmul.f32 s2, v9;
	(v2sf) =	vpush v63, $0xF  }
0x6f9: {  	s20 =	smul.f32 $1.562500000e-02, s18;
	v51 =	vadd.f32 v5, v51;
	v63 =	vadd.f32 v44, v43;
	v5 =	vld [tilespmem:s9+$0x70];
	v62 =	vmul.f32 v44, v44;
	v61, _, _ =	vpop (xrf2)  }
0x6fa: {  	v6 =	vld [tilespmem:s9+$0x80];
	s23 =	smul.f32 s1, s1;
	v8 =	vmul.f32 v3, v46;
	(v2sf) =	vpush v61, $0xF;
	v61 =	vadd.f32 v42, v40  }
0x6fb: {  	s26 =	smul.f32 s26, s16;
	s7 =	ssub.f32 $1.500000000e+00, s7;
	v46 =	vadd.f32 v58, v55;
	v3 =	vld [tilespmem:s15+$0x80];
	v58 =	vadd.f32 v62, v60;
	v60 =	vmul.f32 s8, v9  }
0x6fc: {  	s4 =	ssub.f32 s20, s23;
	v62 =	vmul.f32 s12, v9;
	v61 =	vadd.f32 v63, v61  }
0x6fd: {  	s10 =	smul.f32 s10, s19;
	s18 =	ssub.f32 $1.500000000e+00, s26;
	v60 =	vmul.f32 v60, v50;
	v50 =	vadd.f32 v57, v59;
	v57 =	vadd.f32 v58, v51;
	v58 =	vld [tilespmem:s9+$0x90]  }
0x6fe: {  	v24 =	vsub.f32 v24, v1;
	[tilespmem:s6+$0xE0] =	vst v17;
	s13 =	smul.f32 s7, s13;
	v1 =	vmul.f32 v46, v46;
	s4 =	sadd.f32 $9.999999960e-13, s4;
	v63, _, _ =	vpop (xrf2);
	v51 =	vadd.f32 v4, v5;
	v4 =	vld [tilespmem:s15+$0x90]  }
0x6ff: {  	v17 =	vld [tilespmem:s15+$0xB0];
	s16 =	smul.f32 s18, s16;
	v59 =	vmul.f32 v62, v48;
	(v2sf) =	vpush v63, $0xF;
	v63 =	vmul.f32 v49, v49;
	(xrf2) =	vadd.scan.msk.f32 $0xffff, v61  }
0x700: {  	v55 =	vld [tilespmem:s15+$0xFFFFFF00];
	v5 =	vmul.f32 s13, v9;
	s30 =	sshrl.u32 s4, $0x1;
	s4 =	smul.f32 $5.000000000e-01, s4;
	v61 =	vadd.f32 v46, v49;
	v20 =	vadd.f32 v3, v6  }
0x701: {  	s3 =	smul.f32 s3, s14;
	s10 =	ssub.f32 $1.500000000e+00, s10;
	v48 =	vld [tilespmem:s15+$0xA0];
	v6 =	vadd.f32 v8, v12;
	v8 =	vmul.f32 s16, v9;
	s11 =	ssub.s32 $0x5F3759DF, s30;
	v7 =	vadd.f32 v1, v63  }
0x702: {  	v3 =	vld [tilespmem:s9+$0xB0];
	v62, _, _ =	vpop (xrf2);
	v63 =	vmul.f32 v50, v50;
	v1 =	vadd.f32 v51, v50;
	v2 =	vmul.f32 v51, v51;
	s31 =	smul.f32 s11, s4  }
0x703: {  	s19 =	smul.f32 s10, s19;
	v5 =	vmul.f32 v5, v52;
	(xrf2) =	vadd.scan.msk.f32 $0xffff, v57;
	(v2sf) =	vpush v62, $0xF;
	v52 =	vadd.f32 v4, v58;
	v4 =	vld [tilespmem:s9+$0xFFFFFF00]  }
0x704: {  	v62 =	vld [tilespmem:s9+$0xA0];
	[tilespmem:s6+$0xFFFFFF00] =	vst v6;
	v6 =	vmul.f32 v8, v53;
	v1 =	vadd.f32 v1, v61;
	v2 =	vadd.f32 v2, v63;
	s17 =	smul.f32 s11, s31;
	v61, _, _ =	vpop (xrf2)  }
0x705: {  	s3 =	ssub.f32 $1.500000000e+00, s3;
	v63 =	vmul.f32 s19, v9;
	v5 =	vadd.f32 v5, v12;
	(v2sf) =	vpush v61, $0xF  }
0x706: {  	v8 =	vld [tilespmem:$0x12F70];
	v58 =	vmul.f32 v20, v20;
	v2 =	vadd.f32 v2, v7;
	v7 =	vadd.f32 v60, v12;
	(xrf2) =	vadd.scan.msk.f32 $0xffff, v1;
	s7 =	ssub.f32 $1.500000000e+00, s17  }
0x707: {  	s14 =	smul.f32 s3, s14;
	v1 =	vadd.f32 v59, v12;
	v60 =	vmul.f32 v63, v54;
	v54 =	vadd.f32 v17, v3;
	[tilespmem:s6+$0xFFFFFFC0] =	vst v5  }
0x708: {  	v57 =	vld [tilespmem:$0x12FB0];
	v5 =	vadd.f32 v6, v12;
	v6 =	vmul.f32 v23, v23;
	[tilespmem:s6+$0xFFFFFF40] =	vst v7;
	s7 =	smul.f32 s11, s7;
	v55 =	vadd.f32 v55, v4  }
0x709: {  	v10 =	vld [tilespmem:$0x12F50];
	v59 =	vmul.f32 v52, v52;
	v53 =	vadd.f32 v48, v62;
	[tilespmem:s6+$0xFFFFFF80] =	vst v1;
	v62 =	vadd.f32 v33, v31;
	v3, _, _ =	vpop (xrf2)  }
0x70a: {  	(xrf2) =	vadd.scan.msk.f32 $0xffff, v2;
	v48 =	vld [tilespmem:$0x12F50];
	s11 =	smul.f32 s7, s4;
	(v2sf) =	vpush v3, $0xF;
	v3 =	vmul.f32 s14, v9;
	v1 =	vadd.f32 v23, v55  }
0x70b: {  	v8 =	vmul.f32 s0, v8;
	[tilespmem:s6+$0x0] =	vst v5;
	v5 =	vld [tilespmem:$0x12F90];
	v7 =	vadd.f32 v59, v58;
	v2 =	vmul.f32 v55, v55  }
0x70c: {  	s20 =	spop (v2sf);
	v11 =	vld [tilespmem:$0x12F50];
	v59 =	vadd.f32 v54, v53;
	s21 =	smul.f32 s11, s7;
	v3 =	vmul.f32 v3, v15;
	v1 =	vadd.f32 v62, v1  }
0x70d: {  	s10 =	smul.f32 $1.562500000e-02, s20;
	v58 =	vld [tilespmem:$0x12F90];
	v2 =	vadd.f32 v6, v2;
	v6 =	vmul.f32 v8, v14;
	v8 =	vadd.f32 v60, v12  }
0x70e: {  	v63 =	vld [tilespmem:$0x12F90];
	v9 =	vadd.f32 v52, v20;
	v60, _, _ =	vpop (xrf2);
	s3 =	ssub.f32 $1.500000000e+00, s21;
	(xrf2) =	vadd.scan.msk.f32 $0xffff, v1;
	v1 =	vadd.f32 v3, v12  }
0x70f: {  	v61 =	vmul.f32 v54, v54;
	v4 =	vld [tilespmem:$0x12F50];
	v17 =	vmul.f32 v53, v53;
	s23 =	smul.f32 s10, s10;
	[tilespmem:s6+$0x40] =	vst v8  }
0x710: {  	s22 =	spop (v2sf);
	v9 =	vadd.f32 v59, v9;
	v59 =	vld [tilespmem:$0x12F90];
	s3 =	smul.f32 s3, s7;
	[tilespmem:s6+$0x80] =	vst v1  }
0x711: {  	v17 =	vadd.f32 v61, v17;
	s11 =	smul.f32 $1.562500000e-02, s22;
	v0 =	vld [tilespmem:$0x1F9F0]  }
0x712: {  	v15 =	vld [tilespmem:$0x12F50];
	s4 =	smul.f32 s3, s4  }
0x713: {  	s24 =	spop (v2sf);
	v7 =	vadd.f32 v17, v7;
	v17 =	vld [tilespmem:$0x12F40];
	s11 =	ssub.f32 s11, s23;
	(v2sf) =	vpush v60, $0xF;
	v3 =	vmul.f32 s2, v10;
	v10, _, _ =	vpop (xrf2)  }
0x714: {  	s30 =	spop (v2sf);
	v8 =	vmul.f32 s8, v11;
	(v2sf) =	vpush v10, $0xF;
	v10 =	vld [tilespmem:$0x12F90];
	s4 =	smul.f32 s4, s3  }
0x715: {  	s25 =	sadd.f32 $9.999999960e-13, s11;
	(xrf2) =	vadd.scan.msk.f32 $0xffff, v9;
	v9 =	vld [tilespmem:$0x12F50]  }
0x716: {  	s0 =	smul.f32 $1.562500000e-02, s24;
	v3 =	vmul.f32 v3, v27;
	v27 =	vmov s1;
	s4 =	ssub.f32 $1.500000000e+00, s4;
	v11 =	vmul.f32 v8, v0;
	v0 =	vld [tilespmem:$0x1FA00]  }
0x717: {  	v2 =	vadd.f32 v56, v2;
	s24 =	smul.f32 $5.000000000e-01, s25;
	v62 =	vmul.f32 s16, v15;
	v15 =	vsub.f32 v19, v27;
	v19 =	vld [tilespmem:$0x12F90];
	v1, _, _ =	vpop (xrf2)  }
0x718: {  	v4 =	vmul.f32 s12, v4;
	s7 =	sshrl.u32 s25, $0x1;
	v3 =	vadd.f32 v3, v58;
	(v2sf) =	vpush v1, $0xF;
	v1 =	vld [tilespmem:$0x12F50];
	s25 =	smul.f32 s4, s3  }
0x719: {  	v61 =	vmul.f32 s13, v48;
	(xrf2) =	vadd.scan.msk.f32 $0xffff, v2;
	v8 =	vld [tilespmem:$0x12F80];
	v2 =	vadd.f32 v11, v63;
	v11 =	vmul.f32 v62, v22  }
0x71a: {  	v56 =	vadd.f32 v6, v57;
	v4 =	vmul.f32 v4, v18;
	[tilespmem:s6+$0xFFFFFF10] =	vst v3;
	v3 =	vld [tilespmem:$0x12F90];
	v18 =	vmul.f32 s25, v17  }
0x71b: {  	(xrf2) =	vadd.scan.msk.f32 $0xffff, v7;
	v6 =	vmul.f32 s19, v9;
	v7 =	vld [tilespmem:$0x12F60];
	v9 =	vadd.f32 v11, v10;
	v12 =	vmul.f32 v61, v0  }
0x71c: {  	v4 =	vadd.f32 v4, v59;
	[tilespmem:s6+$0xFFFFFF50] =	vst v2;
	v2 =	vld [tilespmem:$0x12FA0];
	v63 =	vmul.f32 v18, v15  }
0x71d: {  	v1 =	vmul.f32 s14, v1;
	[tilespmem:s6+$0x10] =	vst v9;
	v5 =	vadd.f32 v12, v5;
	v12 =	vld [tilespmem:$0x12F60]  }
0x71e: {  	[tilespmem:s6+$0xFFFFFF90] =	vst v4;
	v4 =	vmov s10;
	v6 =	vmul.f32 v6, v24;
	v10 =	vadd.f32 v63, v8;
	v24 =	vld [tilespmem:$0x12F60]  }
0x71f: {  	v1 =	vmul.f32 v1, v36;
	v0 =	vsub.f32 v38, v4;
	[tilespmem:s6+$0xFFFFFFD0] =	vst v5;
	v5 =	vld [tilespmem:$0x12F60]  }
0x720: {  	v6 =	vadd.f32 v6, v19;
	[tilespmem:s9+$0xC0] =	vst v10;
	v48 =	vld [tilespmem:$0x12F60]  }
0x721: {  	v1 =	vadd.f32 v1, v3;
	v19 =	vld [tilespmem:$0x12F50];
	[tilespmem:$0x1FA10] =	vst v0  }
0x722: {  	[tilespmem:s6+$0x50] =	vst v6  }
0x723: {  	[tilespmem:s6+$0x90] =	vst v1  }
0x724: {  	v0 =	vld [tilespmem:$0x1FA20];
	_ =	sdelay $0x2  }
0x725: {  	v7 =	vmul.f32 s2, v7;
	_ =	sdelay $0x1  }
0x726: {  	v7 =	vmul.f32 v7, v16;
	v16 =	vsub.f32 v0, v27;
	v0 =	vld [tilespmem:$0x1FA30];
	_ =	sdelay $0x2  }
0x727: {  	v12 =	vmul.f32 s8, v12;
	_ =	sdelay $0x1  }
0x728: {  	v12 =	vmul.f32 v12, v0;
	v0 =	vld [tilespmem:$0x1FA40]  }
0x729: {  	s26 =	smul.f32 s0, s0  }
0x72a: {  	s17 =	smul.f32 $1.562500000e-02, s30;
	v15 =	vmov s0;
	v2 =	vadd.f32 v7, v2  }
0x72b: {  	v22 =	vsub.f32 v47, v15;
	v59 =	vmul.f32 s12, v5  }
0x72c: {  	s11 =	ssub.f32 s17, s26;
	v60 =	vsub.f32 v39, v15;
	v63 =	vsub.f32 v45, v15;
	[tilespmem:s6+$0xFFFFFF20] =	vst v2  }
0x72d: {  	v7 =	vmul.f32 s13, v48;
	v48 =	vsub.f32 v26, v15;
	v15 =	vmul.f32 v59, v0;
	v0 =	vld [tilespmem:$0x1FA50]  }
0x72e: {  	s31 =	spop (v2sf);
	s18 =	ssub.s32 $0x5F3759DF, s7;
	s20 =	sadd.f32 $9.999999960e-13, s11  }
0x72f: {  	s7 =	smul.f32 s18, s24;
	s22 =	spop (v2sf);
	v3 =	vld [tilespmem:$0x12FA0]  }
0x730: {  	s23 =	smul.f32 $1.562500000e-02, s22;
	v1 =	vld [tilespmem:$0x12F90]  }
0x731: {  	s26 =	smul.f32 $5.000000000e-01, s20;
	v57 =	vsub.f32 v13, v4;
	v13 =	vld [tilespmem:$0x12F60];
	v19 =	vmul.f32 s25, v19  }
0x732: {  	s3 =	smul.f32 $1.562500000e-02, s31;
	v11, _, _ =	vpop (xrf2);
	v2 =	vmul.f32 v7, v0;
	v0 =	vld [tilespmem:$0x1FA60]  }
0x733: {  	s31 =	smul.f32 s18, s7;
	(v2sf) =	vpush v11, $0xF;
	v58 =	vld [tilespmem:$0x12FA0];
	v16 =	vmul.f32 v19, v16  }
0x734: {  	s30 =	sshrl.u32 s20, $0x1;
	s21 =	smul.f32 s3, s3;
	s22 =	spop (v2sf);
	v62 =	vld [tilespmem:$0x12FA0]  }
0x735: {  	s4 =	ssub.s32 $0x5F3759DF, s30;
	s1 =	ssub.f32 $1.500000000e+00, s31;
	s10 =	smul.f32 $1.562500000e-02, s22;
	v61 =	vmul.f32 s16, v24;
	v19 =	vld [tilespmem:$0x12FA0];
	v1 =	vadd.f32 v16, v1  }
0x736: {  	s20 =	ssub.f32 s23, s21;
	s21 =	smul.f32 s4, s26;
	v47 =	vsub.f32 v37, v4;
	v37 =	vmov s3;
	v39 =	vld [tilespmem:$0x12FA0]  }
0x737: {  	s1 =	smul.f32 s18, s1;
	v45 =	vld [tilespmem:$0x12F60];
	[tilespmem:s9+$0xD0] =	vst v1;
	v1 =	vmul.f32 s19, v13;
	v7 =	vmul.f32 v61, v0;
	v0 =	vsub.f32 v32, v37  }
0x738: {  	v18 =	vsub.f32 v41, v4;
	s23 =	smul.f32 s10, s10;
	s30 =	spop (v2sf);
	v4 =	vld [tilespmem:$0x12FA0];
	v3 =	vadd.f32 v12, v3  }
0x739: {  	s7 =	sadd.f32 $9.999999960e-13, s20;
	s11 =	smul.f32 s4, s21;
	v38 =	vadd.f32 v15, v58;
	v13 =	vld [tilespmem:$0x12F70];
	v1 =	vmul.f32 v1, v25;
	[tilespmem:$0x1FA70] =	vst v0  }
0x73a: {  	s31 =	smul.f32 $1.562500000e-02, s30;
	s21 =	spop (v2sf);
	v2 =	vadd.f32 v2, v19;
	[tilespmem:s6+$0xFFFFFF60] =	vst v3  }
0x73b: {  	v9, _, _ =	vpop (xrf2);
	s17 =	smul.f32 $1.562500000e-02, s21;
	v1 =	vadd.f32 v1, v39;
	[tilespmem:s6+$0xFFFFFFA0] =	vst v38  }
0x73c: {  	(v2sf) =	vpush v9, $0xF;
	s0 =	smul.f32 $5.000000000e-01, s7;
	s18 =	ssub.f32 s31, s23;
	v25 =	vadd.f32 v7, v62;
	[tilespmem:s6+$0xFFFFFFE0] =	vst v2  }
0x73d: {  	v9, _, _ =	vpop (xrf2);
	s23 =	smul.f32 s17, s17;
	s30 =	spop (v2sf);
	v45 =	vmul.f32 s14, v45;
	v15 =	vld [tilespmem:$0x12F60];
	[tilespmem:s6+$0x60] =	vst v1  }
0x73e: {  	s7 =	sshrl.u32 s7, $0x1;
	(v2sf) =	vpush v9, $0xF;
	v9, _, _ =	vpop (xrf2);
	s21 =	smul.f32 $1.562500000e-02, s30;
	v2 =	vld [tilespmem:$0x12F70];
	[tilespmem:s6+$0x20] =	vst v25  }
0x73f: {  	s11 =	ssub.f32 $1.500000000e+00, s11;
	s7 =	ssub.s32 $0x5F3759DF, s7;
	(v2sf) =	vpush v9, $0xF;
	v24 =	vsub.f32 v34, v37;
	v36 =	vmul.f32 v45, v21;
	v0 =	vld [tilespmem:$0x1FA80]  }
0x740: {  	s22 =	smul.f32 s7, s0;
	s20 =	ssub.f32 s21, s23;
	v58 =	vsub.f32 v35, v37;
	v19 =	vsub.f32 v28, v37;
	v28 =	vmov s17  }
0x741: {  	s29 =	smul.f32 s4, s11;
	v21 =	vsub.f32 v46, v28;
	v32 =	vsub.f32 v49, v28  }
0x742: {  	s30 =	sadd.f32 $9.999999960e-13, s20;
	s20 =	spop (v2sf);
	v61 =	vsub.f32 v50, v28;
	v3 =	vmov s10;
	v1 =	vadd.f32 v36, v4;
	v25 =	vld [tilespmem:$0x12FA0]  }
0x743: {  	s18 =	sadd.f32 $9.999999960e-13, s18;
	s11 =	smul.f32 $1.562500000e-02, s20;
	v26 =	vsub.f32 v40, v3;
	v62 =	vsub.f32 v42, v3;
	v49 =	vld [tilespmem:$0x12F70]  }
0x744: {  	s3 =	smul.f32 s7, s22;
	v41 =	vld [tilespmem:$0x12F70];
	v5 =	vmul.f32 s25, v15;
	v42 =	vmul.f32 s12, v2;
	v2 =	vsub.f32 v0, v27  }
0x745: {  	s31 =	sshrl.u32 s18, $0x1;
	s18 =	smul.f32 $5.000000000e-01, s18;
	v59 =	vsub.f32 v43, v3;
	v37 =	vsub.f32 v44, v3;
	v3 =	vmov s11;
	[tilespmem:s6+$0xA0] =	vst v1  }
0x746: {  	s22 =	ssub.f32 $1.500000000e+00, s3;
	s3 =	ssub.s32 $0x5F3759DF, s31;
	v40 =	vsub.f32 v51, v28;
	v39 =	vsub.f32 v55, v3;
	v0 =	vld [tilespmem:$0x1FA90];
	v2 =	vmul.f32 v5, v2  }
0x747: {  	s23 =	smul.f32 s3, s18;
	v28 =	vsub.f32 v23, v3;
	v23 =	vsub.f32 v31, v3  }
0x748: {  	v36 =	vmul.f32 s19, v49;
	v49 =	vsub.f32 v33, v3;
	v3 =	vadd.f32 v2, v25  }
0x749: {  	s31 =	smul.f32 s3, s23;
	v34 =	vmul.f32 s8, v41  }
0x74a: {  	s28 =	smul.f32 $5.000000000e-01, s30;
	[tilespmem:s9+$0xE0] =	vst v3  }
0x74b: {  	s4 =	sshrl.u32 s30, $0x1;
	s21 =	spop (v2sf);
	s10 =	smul.f32 s7, s22;
	v41 =	vmul.f32 v34, v0;
	v0 =	vld [tilespmem:$0x1FAA0]  }
0x74c: {  	s4 =	ssub.s32 $0x5F3759DF, s4;
	v38 =	vmul.f32 s2, v13;
	s2 =	smul.f32 $1.562500000e-02, s21  }
0x74d: {  	s22 =	smul.f32 s4, s28;
	v35 =	vld [tilespmem:$0x12F70]  }
0x74e: {  	s11 =	smul.f32 s11, s11;
	v13 =	vld [tilespmem:$0x12F70]  }
0x74f: {  	s30 =	spop (v2sf);
	s23 =	smul.f32 s2, s2;
	v55 =	vld [tilespmem:$0x12F70];
	[tilespmem:s6+$0xF0] =	vst v56  }
0x750: {  	v12 =	vmov s2;
	s2 =	smul.f32 $1.562500000e-02, s30;
	v42 =	vmul.f32 v42, v0;
	v0 =	vld [tilespmem:$0x1FAB0]  }
0x751: {  	s7 =	ssub.f32 $1.500000000e+00, s31;
	v1 =	vld [tilespmem:$0x12FB0];
	s8 =	smul.f32 s4, s22  }
0x752: {  	s31 =	spop (v2sf);
	s11 =	ssub.f32 s2, s11;
	v14 =	vmul.f32 s13, v35;
	v35 =	vld [tilespmem:$0x12FB0]  }
0x753: {  	v43 =	vmul.f32 v38, v30;
	v38 =	vsub.f32 v20, v12;
	s13 =	smul.f32 $1.562500000e-02, s31;
	s8 =	ssub.f32 $1.500000000e+00, s8;
	v2 =	vld [tilespmem:$0x12FB0]  }
0x754: {  	v20 =	vsub.f32 v53, v12;
	s2 =	smul.f32 s3, s7;
	v33 =	vsub.f32 v54, v12;
	s22 =	simm.s32 $0x8;
	s12 =	sadd.f32 $9.999999960e-13, s11;
	v31 =	vmul.f32 s16, v13;
	v34 =	vld [tilespmem:$0x12FB0]  }
0x755: {  	s3 =	ssub.f32 s13, s23;
	v30 =	vmul.f32 s14, v55;
	s23 =	simm.s32 $0x6C40;
	s8 =	smul.f32 s4, s8;
	v25 =	vsub.f32 v52, v12;
	v45 =	vld [tilespmem:$0x12F70];
	v44 =	vmul.f32 v14, v0  }
.LBB2_10:
0x756: {  	v0 =	vmul.f32 v31, v29;
	_ =	sdelay $0x1  }
0x757: {  	[tilespmem:$0x1F950] =	vst v0;
	v0 =	vld [tilespmem:$0x1F9D0];
	_ =	sdelay $0x3  }
0x758: {  	v3 =	vld [tilespmem:s23+$0xC0]  }
0x759: {  	v13 =	vld [tilespmem:s23+$0xD0];
	v5 =	vmul.f32 v36, v0;
	v0 =	vmov v37  }
0x75a: {  	[tilespmem:$0x1F900] =	vst v0;
	v0 =	vld [tilespmem:$0x1F9E0]  }
0x75b: {  	[tilespmem:$0x1F910] =	vst v60;
	v14 =	vld [tilespmem:$0x12FB0]  }
0x75c: {  	[tilespmem:$0x1F9A0] =	vst v48;
	s15 =	sadd.s32 $0x200, s15;
	s16 =	smul.f32 s29, s26;
	v48 =	vld [tilespmem:s23+$0xF0];
	v1 =	vadd.f32 v43, v1  }
0x75d: {  	[tilespmem:$0x1F980] =	vst v49;
	s13 =	smul.f32 $5.000000000e-01, s12;
	v60 =	vld [tilespmem:s15+$0xC0];
	v2 =	vadd.f32 v41, v2  }
0x75e: {  	s4 =	sshrl.u32 s12, $0x1;
	v49 =	vld [tilespmem:s15+$0xF0];
	s19 =	smul.f32 s8, s28;
	[tilespmem:s6+$0xFFFFFF30] =	vst v1  }
0x75f: {  	s7 =	ssub.s32 $0x5F3759DF, s4;
	s4 =	smul.f32 s1, s24;
	v1 =	vadd.f32 v42, v34;
	[tilespmem:s6+$0xFFFFFF70] =	vst v2;
	v50 =	vld [tilespmem:s23+$0xFFFFFF10];
	v12 =	vmul.f32 v30, v0;
	v0 =	vmov v33  }
0x760: {  	s3 =	sadd.f32 $9.999999960e-13, s3;
	s16 =	smul.f32 s16, s29;
	v2 =	vadd.f32 v44, v35;
	[tilespmem:$0x1F9E0] =	vst v0;
	v0 =	vld [tilespmem:$0x1F9C0]  }
0x761: {  	s11 =	smul.f32 s7, s13;
	[tilespmem:s6+$0xFFFFFFB0] =	vst v1;
	v1 =	vld [tilespmem:s23+$0xE0]  }
0x762: {  	s12 =	smul.f32 $5.000000000e-01, s3;
	[tilespmem:s6+$0xFFFFFFF0] =	vst v2;
	v2 =	vld [tilespmem:s15+$0xE0]  }
0x763: {  	s14 =	sshrl.u32 s3, $0x1;
	s19 =	smul.f32 s19, s8;
	v51 =	vld [tilespmem:s15+$0xFFFFFF10]  }
0x764: {  	s21 =	ssub.s32 $0x5F3759DF, s14;
	s20 =	smul.f32 s7, s11;
	v52 =	vld [tilespmem:s23+$0xFFFFFF20]  }
0x765: {  	s14 =	smul.f32 s21, s12;
	v37 =	vld [tilespmem:s15+$0xD0];
	v0 =	vsub.f32 v0, v27;
	v27 =	vmul.f32 s25, v45  }
0x766: {  	s4 =	smul.f32 s4, s1;
	s3 =	ssub.f32 $1.500000000e+00, s20;
	v53 =	vld [tilespmem:s15+$0xFFFFFF30]  }
0x767: {  	s16 =	ssub.f32 $1.500000000e+00, s16;
	s17 =	smul.f32 s21, s14;
	v33 =	vadd.f32 v2, v1;
	v1 =	vld [tilespmem:s23+$0xFFFFFF30];
	v0 =	vmul.f32 v27, v0  }
0x768: {  	v4 =	vmov v40;
	v40 =	vadd.f32 v60, v3;
	v3 =	vld [tilespmem:s15+$0xFFFFFF20];
	s14 =	smul.f32 s7, s3  }
0x769: {  	s16 =	smul.f32 s16, s29;
	v43 =	vld [tilespmem:s23+$0xFFFFFF40];
	s30 =	ssub.f32 $1.500000000e+00, s17;
	v0 =	vadd.f32 v0, v14  }
0x76a: {  	v60 =	vld [tilespmem:s15+$0xFFFFFF40];
	s31 =	smul.f32 s14, s13;
	v37 =	vadd.f32 v37, v13  }
0x76b: {  	s3 =	smul.f32 s21, s30;
	v34 =	vadd.f32 v51, v50;
	v50 =	vld [tilespmem:s15+$0xFFFFFF60];
	[tilespmem:s9+$0xF0] =	vst v0;
	v0 =	vadd.f32 v49, v48  }
0x76c: {  	[tilespmem:$0x1F930] =	vst v59;
	v55 =	vmul.f32 v40, v40;
	s21 =	smul.f32 s2, s18;
	v56 =	vmul.f32 v37, v37;
	v35 =	vadd.f32 v53, v1;
	v1 =	vld [tilespmem:s23+$0xFFFFFF60]  }
0x76d: {  	[tilespmem:$0x1F920] =	vst v58;
	v42 =	vld [tilespmem:s23+$0xFFFFFF80];
	v36 =	vadd.f32 v3, v52;
	s20 =	smul.f32 s3, s12;
	v58 =	vmul.f32 v33, v33;
	v59 =	vmul.f32 v0, v0  }
0x76e: {  	s4 =	ssub.f32 $1.500000000e+00, s4;
	v3 =	vld [tilespmem:s15+$0xFFFFFF50];
	s17 =	smul.f32 s31, s14;
	v2 =	vadd.f32 v37, v40;
	v54 =	vadd.f32 v0, v33  }
0x76f: {  	v51 =	vld [tilespmem:s15+$0xFFFFFFA0];
	s11 =	smul.f32 s21, s2;
	v41 =	vadd.f32 v56, v55;
	v13 =	vadd.f32 v59, v58  }
0x770: {  	s4 =	smul.f32 s4, s1;
	s17 =	ssub.f32 $1.500000000e+00, s17;
	[tilespmem:$0x1F970] =	vst v12;
	v12 =	vld [tilespmem:s23+$0xFFFFFF50];
	v56 =	vmul.f32 v35, v35;
	v14 =	vmul.f32 v36, v36;
	v2 =	vadd.f32 v54, v2  }
0x771: {  	s11 =	ssub.f32 $1.500000000e+00, s11;
	s20 =	smul.f32 s20, s3;
	v44 =	vadd.f32 v50, v1;
	v50 =	vld [tilespmem:s15+$0xFFFFFF90];
	v41 =	vadd.f32 v13, v41  }
0x772: {  	s21 =	smul.f32 s17, s14;
	v52 =	vadd.f32 v56, v14;
	v14 =	vld [tilespmem:s23+$0xFFFFFF90];
	(xrf2) =	vadd.scan.msk.f32 $0xffff, v2  }
0x773: {  	s31 =	smul.f32 s11, s2;
	v58 =	vld [tilespmem:s23+$0xFFFFFF70];
	(xrf2) =	vadd.scan.msk.f32 $0xffff, v41  }
0x774: {  	s25 =	smul.f32 s10, s0;
	v59 =	vld [tilespmem:s15+$0xFFFFFF70]  }
0x775: {  	s14 =	ssub.f32 $1.500000000e+00, s20;
	s11 =	smul.f32 s16, s26;
	v2 =	vadd.f32 v60, v43;
	v60 =	vld [tilespmem:s15+$0xFFFFFF80]  }
0x776: {  	[tilespmem:$0x1F960] =	vst v5;
	v5 =	vld [tilespmem:s23+$0xFFFFFFA0];
	s7 =	smul.f32 s25, s10  }
0x777: {  	[tilespmem:$0x1F990] =	vst v47;
	v30 =	vmov v61;
	v61 =	vld [tilespmem:s23+$0x10];
	s1 =	smul.f32 s14, s3;
	v47 =	vadd.f32 v3, v12  }
0x778: {  	s17 =	smul.f32 s31, s18;
	s7 =	ssub.f32 $1.500000000e+00, s7;
	v56 =	vadd.f32 v50, v14;
	v50 =	vld [tilespmem:s23+$0xFFFFFFC0]  }
0x779: {  	s12 =	smul.f32 s1, s12;
	s25 =	ssub.f32 $1.500000000e+00, s19;
	v13 =	vmul.f32 v47, v47;
	v41 =	vadd.f32 v59, v58;
	v58 =	vld [tilespmem:s15+$0xFFFFFFB0]  }
0x77a: {  	s30 =	smul.f32 s7, s10;
	v3 =	vmul.f32 v2, v2;
	v60 =	vadd.f32 v60, v42;
	v42 =	vld [tilespmem:s23+$0xFFFFFFB0]  }
0x77b: {  	s10 =	smul.f32 s25, s8;
	v14 =	vld [tilespmem:s15+$0xFFFFFFC0];
	v1 =	vadd.f32 v47, v2;
	v55 =	vadd.f32 v41, v44  }
0x77c: {  	v45 =	vadd.f32 v51, v5;
	v51 =	vld [tilespmem:s23+$0xFFFFFFE0];
	s7 =	smul.f32 s21, s13;
	v43 =	vmul.f32 v44, v44;
	v3 =	vadd.f32 v13, v3;
	v54, _, _ =	vpop (xrf2)  }
0x77d: {  	v27 =	vld [tilespmem:s15+$0xFFFFFF00];
	s8 =	smul.f32 s4, s24;
	v12 =	vmul.f32 v41, v41;
	v1 =	vadd.f32 v55, v1;
	(v2sf) =	vpush v54, $0xF;
	v13, _, _ =	vpop (xrf2)  }
0x77e: {  	s2 =	smul.f32 s7, s21;
	v55 =	vld [tilespmem:s23+$0xFFFFFFD0];
	(v2sf) =	vpush v13, $0xF  }
0x77f: {  	[tilespmem:$0x1F940] =	vst v20;
	v31 =	vmovc v57;
	s3 =	smul.f32 s8, s4;
	v57 =	vadd.f32 v12, v43;
	v12 =	vld [tilespmem:s15+$0xFFFFFFD0];
	v43 =	vadd.f32 v58, v42;
	(xrf2) =	vadd.scan.msk.f32 $0xffff, v1  }
0x780: {  	v20 =	vmovc v63;
	v49 =	vmul.f32 v45, v45;
	s7 =	smul.f32 s11, s16;
	v5 =	vmul.f32 v56, v56;
	v63 =	vadd.f32 v14, v50;
	v50 =	vld [tilespmem:s23+$0xFFFFFFF0]  }
0x781: {  	[tilespmem:$0x1F9D0] =	vst v4;
	s8 =	smul.f32 s17, s31;
	v14 =	vld [tilespmem:s15+$0xFFFFFFF0];
	v4 =	vmul.f32 v60, v60;
	v1 =	vadd.f32 v57, v3;
	v58 =	vmul.f32 v43, v43  }
0x782: {  	s7 =	ssub.f32 $1.500000000e+00, s7;
	v48 =	vadd.f32 v56, v60;
	v3 =	vld [tilespmem:s15+$0xFFFFFFE0];
	v13 =	vadd.f32 v43, v45  }
0x783: {  	s24 =	smul.f32 s12, s1;
	s20 =	ssub.f32 $1.500000000e+00, s8;
	v42 =	vadd.f32 v5, v4;
	v57 =	vld [tilespmem:s23+$0x0];
	(xrf2) =	vadd.scan.msk.f32 $0xffff, v1;
	v49 =	vadd.f32 v58, v49  }
0x784: {  	s19 =	smul.f32 s7, s16;
	v1 =	vadd.f32 v12, v55;
	v58 =	vld [tilespmem:s15+$0x0];
	v48 =	vadd.f32 v13, v48  }
0x785: {  	s16 =	smul.f32 s20, s31;
	v12 =	vmul.f32 v63, v63;
	v13 =	vadd.f32 v49, v42;
	v49 =	vld [tilespmem:s15+$0x10]  }
0x786: {  	s13 =	smul.f32 s30, s0;
	v5 =	vld [tilespmem:s15+$0x30];
	v59 =	vmul.f32 v1, v1;
	v42 =	vadd.f32 v14, v50;
	(xrf2) =	vadd.scan.msk.f32 $0xffff, v48  }
0x787: {  	v53 =	vadd.f32 v35, v36;
	s18 =	smul.f32 s10, s28;
	s3 =	ssub.f32 $1.500000000e+00, s3;
	v11 =	vmul.f32 s16, v17;
	v55 =	vld [tilespmem:s23+$0x20];
	v51 =	vadd.f32 v3, v51  }
0x788: {  	[tilespmem:$0x1F9B0] =	vst v19;
	s0 =	smul.f32 s13, s30;
	v14 =	vld [tilespmem:s15+$0x20];
	v3 =	vadd.f32 v1, v63;
	v50 =	vadd.f32 v59, v12;
	v29 =	vmul.f32 v42, v42  }
0x789: {  	s2 =	ssub.f32 $1.500000000e+00, s2;
	s12 =	smul.f32 s3, s4;
	v54 =	vmul.f32 v51, v51;
	v57 =	vadd.f32 v58, v57;
	v58 =	vld [tilespmem:s23+$0x30];
	v12, _, _ =	vpop (xrf2);
	(xrf2) =	vadd.scan.msk.f32 $0xffff, v13;
	v13 =	vadd.f32 v42, v51  }
0x78a: {  	v19 =	vmovc v21;
	v21 =	vmovc v62;
	s11 =	smul.f32 s18, s10;
	s0 =	ssub.f32 $1.500000000e+00, s0;
	v7 =	vmul.f32 s19, v17;
	v11 =	vmul.f32 v11, v26;
	v62 =	vadd.f32 v49, v61;
	v49 =	vld [tilespmem:s23+$0x40]  }
0x78b: {  	s8 =	smul.f32 s2, s21;
	v6 =	vmul.f32 s12, v17;
	v29 =	vadd.f32 v29, v54;
	v54 =	vld [tilespmem:s15+$0x40];
	v3 =	vadd.f32 v13, v3  }
0x78c: {  	[tilespmem:$0x1F9C0] =	vst v0;
	v0 =	vld [tilespmem:s15+$0x70];
	s2 =	smul.f32 s0, s30;
	v7 =	vmul.f32 v7, v22;
	v11 =	vadd.f32 v11, v8;
	(v2sf) =	vpush v12, $0xF;
	s26 =	spop (v2sf)  }
0x78d: {  	v48 =	vmul.f32 s8, v17;
	v4 =	vmul.f32 v57, v57;
	v61 =	vadd.f32 v14, v55;
	v12 =	vld [tilespmem:s23+$0x50];
	v9, _, _ =	vpop (xrf2);
	(xrf2) =	vadd.scan.msk.f32 $0xffff, v3;
	s0 =	smul.f32 $1.562500000e-02, s26;
	s30 =	spop (v2sf)  }
0x78e: {  	v55 =	vadd.f32 v62, v57;
	v59 =	vmul.f32 v62, v62;
	v3 =	vadd.f32 v29, v50;
	v29 =	vld [tilespmem:s15+$0x50];
	s4 =	smul.f32 $1.562500000e-02, s30  }
0x78f: {  	s25 =	ssub.f32 $1.500000000e+00, s24;
	v22 =	vld [tilespmem:s23+$0x80];
	(v2sf) =	vpush v9, $0xF;
	v9 =	vmul.f32 v48, v39;
	v39 =	vadd.f32 v5, v58;
	s31 =	smul.f32 s0, s0  }
0x790: {  	s11 =	ssub.f32 $1.500000000e+00, s11;
	v4 =	vadd.f32 v59, v4;
	v54 =	vadd.f32 v54, v49;
	v49 =	vld [tilespmem:s23+$0x70];
	v14, _, _ =	vpop (xrf2);
	(xrf2) =	vadd.scan.msk.f32 $0xffff, v3;
	v3 =	vmul.f32 v6, v18  }
0x791: {  	s21 =	smul.f32 s25, s1;
	v59 =	vld [tilespmem:s15+$0x60];
	v5 =	vmul.f32 v61, v61;
	(v2sf) =	vpush v14, $0xF;
	v18 =	vadd.f32 v39, v61;
	s4 =	ssub.f32 s4, s31  }
0x792: {  	s13 =	smul.f32 s11, s10;
	v48 =	vld [tilespmem:s23+$0x60];
	v50 =	vmul.f32 v39, v39;
	v9 =	vadd.f32 v9, v8;
	v3 =	vadd.f32 v3, v8  }
0x793: {  	v10 =	vmul.f32 s2, v17;
	v58 =	vadd.f32 v29, v12;
	v29 =	vld [tilespmem:s15+$0x80];
	v18 =	vadd.f32 v18, v55;
	s14 =	sadd.f32 $9.999999960e-13, s4  }
0x794: {  	v26 =	vld [tilespmem:s15+$0xA0];
	v6 =	vmul.f32 s13, v17;
	v17 =	vmul.f32 s21, v17;
	v5 =	vadd.f32 v50, v5;
	[tilespmem:s9+$0xFFFFFF00] =	vst v9  }
0x795: {  	v13, _, _ =	vpop (xrf2);
	v9 =	vmul.f32 v10, v24;
	v24 =	vld [tilespmem:s23+$0x90];
	v55 =	vadd.f32 v0, v49;
	[tilespmem:s9+$0xFFFFFF40] =	vst v3;
	v3 =	vadd.f32 v7, v8;
	s17 =	sshrl.u32 s14, $0x1;
	s1 =	smul.f32 $5.000000000e-01, s14  }
0x796: {  	v12 =	vmul.f32 v54, v54;
	(v2sf) =	vpush v13, $0xF;
	v13 =	vld [tilespmem:s23+$0xA0];
	v4 =	vadd.f32 v5, v4;
	s3 =	ssub.s32 $0x5F3759DF, s17  }
0x797: {  	v59 =	vadd.f32 v59, v48;
	v10 =	vadd.f32 v58, v54;
	v50 =	vmul.f32 v58, v58;
	(xrf2) =	vadd.scan.msk.f32 $0xffff, v18;
	v5 =	vld [tilespmem:s15+$0x90];
	v18, _, _ =	vpop (xrf2);
	s18 =	smul.f32 s3, s1  }
0x798: {  	(xrf2) =	vadd.scan.msk.f32 $0xffff, v4;
	v4 =	vmul.f32 v17, v38;
	v38 =	vadd.f32 v29, v22;
	v22 =	vld [tilespmem:s23+$0xB0];
	(v2sf) =	vpush v18, $0xF  }
0x799: {  	v7 =	vadd.f32 v9, v8;
	v17 =	vadd.f32 v55, v59;
	v29 =	vld [tilespmem:s15+$0xB0];
	s4 =	smul.f32 s3, s18  }
0x79a: {  	v9 =	vld [tilespmem:s23+$0xFFFFFF00];
	[tilespmem:s9+$0xFFFFFF80] =	vst v3;
	v0 =	vadd.f32 v50, v12;
	v12 =	vmul.f32 v59, v59;
	v18 =	vmul.f32 v55, v55  }
0x79b: {  	v46 =	vmul.f32 v34, v34;
	v15 =	vld [tilespmem:$0x12F90];
	[tilespmem:s9+$0xFFFFFFC0] =	vst v7;
	s20 =	spop (v2sf);
	v10 =	vadd.f32 v17, v10;
	v4 =	vadd.f32 v4, v8;
	s4 =	ssub.f32 $1.500000000e+00, s4  }
0x79c: {  	v6 =	vmul.f32 v6, v32;
	v16 =	vld [tilespmem:$0x12F90];
	v49, _, _ =	vpop (xrf2);
	s7 =	smul.f32 $1.562500000e-02, s20;
	v48 =	vadd.f32 v5, v24;
	v12 =	vadd.f32 v18, v12  }
0x79d: {  	v17 =	vld [tilespmem:$0x12F50];
	v5 =	vmul.f32 v38, v38;
	(v2sf) =	vpush v49, $0xF;
	v49 =	vadd.f32 v26, v13;
	s3 =	smul.f32 s3, s4  }
0x79e: {  	v24 =	vld [tilespmem:$0x12F50];
	s24 =	smul.f32 s7, s7;
	v32 =	vmov s7;
	v13 =	vadd.f32 v48, v38;
	v50 =	vadd.f32 v29, v22  }
0x79f: {  	v26 =	vld [tilespmem:$0x12F90];
	v14 =	vmul.f32 v48, v48;
	v18 =	vsub.f32 v2, v32;
	v2 =	vadd.f32 v27, v9;
	s26 =	spop (v2sf);
	s25 =	smul.f32 s3, s1  }
0x7a0: {  	(xrf2) =	vadd.scan.msk.f32 $0xffff, v10;
	v0 =	vadd.f32 v12, v0;
	v12 =	vld [tilespmem:$0x12F50];
	v7 =	vmul.f32 v49, v49;
	v9 =	vadd.f32 v50, v49;
	s10 =	smul.f32 $1.562500000e-02, s26  }
0x7a1: {  	[tilespmem:s9+$0x0] =	vst v11;
	v10 =	vld [tilespmem:$0x12F50];
	v5 =	vadd.f32 v14, v5;
	v22 =	vmul.f32 v50, v50;
	s30 =	spop (v2sf);
	v3, _, _ =	vpop (xrf2);
	v27 =	vadd.f32 v34, v2;
	s7 =	smul.f32 s25, s3  }
0x7a2: {  	(xrf2) =	vadd.scan.msk.f32 $0xffff, v0;
	v0 =	vld [tilespmem:$0x12F90];
	v29 =	vmul.f32 v2, v2;
	s31 =	smul.f32 $1.562500000e-02, s30;
	(v2sf) =	vpush v3, $0xF;
	v9 =	vadd.f32 v9, v13  }
0x7a3: {  	v7 =	vadd.f32 v22, v7;
	v11 =	vadd.f32 v53, v27;
	v27 =	vld [tilespmem:$0x12F50];
	s7 =	ssub.f32 $1.500000000e+00, s7  }
0x7a4: {  	v13 =	vmul.f32 s8, v17;
	s4 =	ssub.f32 s10, s24;
	v17 =	vadd.f32 v46, v29;
	v29 =	vadd.f32 v6, v8;
	v8 =	vld [tilespmem:$0x1FA10];
	s11 =	smul.f32 s31, s31  }
0x7a5: {  	v46 =	vld [tilespmem:$0x12FB0];
	v5 =	vadd.f32 v7, v5;
	v7 =	vmul.f32 s19, v12;
	s10 =	spop (v2sf);
	s3 =	smul.f32 s7, s3  }
0x7a6: {  	v12 =	vld [tilespmem:$0x12F90];
	s7 =	smul.f32 $1.562500000e-02, s10  }
0x7a7: {  	v10 =	vmul.f32 s12, v10;
	v14, _, _ =	vpop (xrf2);
	v7 =	vmul.f32 v7, v20;
	v20 =	vld [tilespmem:$0x1FA70];
	s18 =	spop (v2sf);
	s1 =	smul.f32 s3, s1  }
0x7a8: {  	v13 =	vmul.f32 v13, v28;
	v28 =	vld [tilespmem:$0x12FB0];
	(v2sf) =	vpush v14, $0xF;
	s17 =	ssub.f32 s7, s11;
	s7 =	smul.f32 $1.562500000e-02, s18  }
0x7a9: {  	v14 =	vadd.f32 v52, v17;
	v17 =	vld [tilespmem:$0x12F40];
	[tilespmem:s9+$0x40] =	vst v29;
	v10 =	vmul.f32 v10, v8;
	v8 =	vsub.f32 v47, v32;
	s1 =	smul.f32 s1, s3  }
0x7aa: {  	v3 =	vmov s31;
	s4 =	sadd.f32 $9.999999960e-13, s4;
	(xrf2) =	vadd.scan.msk.f32 $0xffff, v11;
	v11 =	vmul.f32 s2, v24;
	v29 =	vld [tilespmem:$0x12F50];
	v0 =	vadd.f32 v13, v0;
	v24, _, _ =	vpop (xrf2)  }
0x7ab: {  	v13 =	vld [tilespmem:$0x12F90];
	(v2sf) =	vpush v24, $0xF;
	[tilespmem:$0x1FA10] =	vst v8;
	v8 =	vsub.f32 v56, v3;
	v52 =	vmov s7;
	s1 =	ssub.f32 $1.500000000e+00, s1  }
0x7ac: {  	s14 =	sshrl.u32 s4, $0x1;
	s24 =	smul.f32 $5.000000000e-01, s4;
	(xrf2) =	vadd.scan.msk.f32 $0xffff, v9;
	v47 =	vld [tilespmem:$0x12FB0];
	v10 =	vadd.f32 v10, v26;
	v6, _, _ =	vpop (xrf2);
	v11 =	vmul.f32 v11, v20;
	v24 =	vsub.f32 v63, v52  }
0x7ad: {  	s14 =	ssub.s32 $0x5F3759DF, s14;
	v9 =	vmul.f32 s16, v27;
	[tilespmem:s9+$0x80] =	vst v4;
	v63 =	vmovc v8;
	v8 =	vld [tilespmem:$0x12F80];
	v1 =	vsub.f32 v1, v52;
	s25 =	smul.f32 s1, s3;
	s3 =	spop (v2sf);
	(v2sf) =	vpush v6, $0xF  }
0x7ae: {  	s20 =	smul.f32 s14, s24;
	s4 =	sadd.f32 $9.999999960e-13, s17;
	[tilespmem:s9+$0xFFFFFF10] =	vst v0;
	v0 =	vadd.f32 v7, v15;
	v7 =	vadd.f32 v11, v16;
	v11 =	vld [tilespmem:$0x12F90]  }
0x7af: {  	v27 =	vmov s0;
	v56 =	vmul.f32 v9, v21;
	s31 =	smul.f32 s7, s7;
	[tilespmem:s9+$0xFFFFFF50] =	vst v10;
	v6 =	vld [tilespmem:$0x12F50]  }
0x7b0: {  	(xrf2) =	vadd.scan.msk.f32 $0xffff, v14;
	v10 =	vld [tilespmem:$0x12F60];
	s30 =	sshrl.u32 s4, $0x1;
	s26 =	smul.f32 $5.000000000e-01, s4;
	[tilespmem:$0x1FA70] =	vst v1;
	v1 =	vsub.f32 v40, v27;
	v9 =	vmul.f32 s25, v17  }
0x7b1: {  	v53 =	vsub.f32 v45, v3;
	v45 =	vsub.f32 v41, v32;
	s7 =	smul.f32 s14, s20;
	(xrf2) =	vadd.scan.msk.f32 $0xffff, v5;
	v41 =	vld [tilespmem:$0x12FA0];
	s10 =	ssub.s32 $0x5F3759DF, s30  }
0x7b2: {  	v40 =	vld [tilespmem:$0x12F60];
	s11 =	smul.f32 s10, s26;
	v1 =	vmul.f32 v9, v1  }
0x7b3: {  	v16 =	vld [tilespmem:$0x12FA0];
	[tilespmem:s9+$0xFFFFFF90] =	vst v0;
	s1 =	smul.f32 $1.562500000e-02, s3;
	s17 =	spop (v2sf);
	v9 =	vmul.f32 s13, v29  }
0x7b4: {  	v22 =	vsub.f32 v60, v3;
	[tilespmem:s9+$0xFFFFFFD0] =	vst v7;
	v21 =	vld [tilespmem:$0x12F60];
	s4 =	smul.f32 $1.562500000e-02, s17;
	v6 =	vmul.f32 s21, v6  }
0x7b5: {  	v60 =	vmov v53;
	v15, _, _ =	vpop (xrf2);
	v7 =	vld [tilespmem:$0x12F60];
	s20 =	smul.f32 s10, s11;
	s1 =	ssub.f32 s1, s31;
	v20 =	vadd.f32 v1, v8;
	v0 =	vmul.f32 v9, v19  }
0x7b6: {  	v4 =	vadd.f32 v56, v12;
	v53 =	vld [tilespmem:$0x12FA0];
	(v2sf) =	vpush v15, $0xF;
	s31 =	smul.f32 s4, s4;
	v6 =	vmul.f32 v6, v25;
	v1, _, _ =	vpop (xrf2)  }
0x7b7: {  	s11 =	spop (v2sf);
	s1 =	sadd.f32 $9.999999960e-13, s1;
	v19 =	vld [tilespmem:$0x1F910];
	[tilespmem:s23+$0xC0] =	vst v20;
	v0 =	vadd.f32 v0, v13;
	(v2sf) =	vpush v1, $0xF;
	v1 =	vmul.f32 s8, v40  }
0x7b8: {  	s18 =	ssub.f32 $1.500000000e+00, s7;
	[tilespmem:s9+$0x10] =	vst v4;
	v15 =	vmov s4;
	s4 =	smul.f32 $1.562500000e-02, s11;
	v25 =	vld [tilespmem:$0x12F50]  }
0x7b9: {  	s0 =	smul.f32 $5.000000000e-01, s1;
	v40 =	vld [tilespmem:$0x12F60];
	v6 =	vadd.f32 v6, v11;
	[tilespmem:s9+$0x50] =	vst v0;
	v1 =	vmul.f32 v1, v23  }
0x7ba: {  	v56 =	vsub.f32 v44, v32;
	v44 =	vsub.f32 v43, v3;
	v10 =	vmul.f32 s12, v10;
	s30 =	sshrl.u32 s1, $0x1;
	s1 =	smul.f32 s14, s18;
	s17 =	spop (v2sf);
	v11, _, _ =	vpop (xrf2);
	v3 =	vld [tilespmem:$0x12F60]  }
0x7bb: {  	s3 =	ssub.f32 $1.500000000e+00, s20;
	s11 =	smul.f32 $1.562500000e-02, s17;
	(v2sf) =	vpush v11, $0xF;
	[tilespmem:s9+$0x90] =	vst v6;
	v6 =	vld [tilespmem:$0x12F90];
	v1 =	vadd.f32 v1, v16;
	v16, _, _ =	vpop (xrf2)  }
0x7bc: {  	v10 =	vmul.f32 v10, v31;
	v9 =	vsub.f32 v51, v52;
	s4 =	ssub.f32 s4, s31;
	s28 =	ssub.s32 $0x5F3759DF, s30;
	s20 =	spop (v2sf);
	(v2sf) =	vpush v16, $0xF;
	v16 =	vld [tilespmem:$0x1F920]  }
0x7bd: {  	s14 =	smul.f32 s28, s0;
	v11 =	vsub.f32 v37, v27;
	v51 =	vmul.f32 s25, v25;
	v25 =	vmov s11;
	[tilespmem:s9+$0xFFFFFF20] =	vst v1;
	v1 =	vld [tilespmem:$0x12FA0]  }
0x7be: {  	s29 =	smul.f32 s10, s3;
	s18 =	sadd.f32 $9.999999960e-13, s4;
	v0 =	vmul.f32 s19, v21;
	v21 =	vsub.f32 v58, v25;
	v58 =	vmovc v9;
	v9 =	vadd.f32 v10, v41;
	v10 =	vld [tilespmem:$0x1F930]  }
0x7bf: {  	v7 =	vmul.f32 s2, v7;
	s7 =	smul.f32 s28, s14;
	v23 =	vld [tilespmem:$0x12F60]  }
0x7c0: {  	s30 =	sshrl.u32 s18, $0x1;
	s18 =	smul.f32 $5.000000000e-01, s18;
	v0 =	vmul.f32 v0, v19;
	v11 =	vmul.f32 v51, v11;
	[tilespmem:s9+$0xFFFFFF60] =	vst v9;
	v9 =	vld [tilespmem:$0x1F940]  }
0x7c1: {  	s17 =	smul.f32 s11, s11;
	s4 =	ssub.s32 $0x5F3759DF, s30;
	v5 =	vmul.f32 s16, v40;
	v7 =	vmul.f32 v7, v16;
	v16 =	vld [tilespmem:$0x12FA0]  }
0x7c2: {  	s11 =	smul.f32 s4, s18;
	v6 =	vadd.f32 v11, v6;
	v11 =	vld [tilespmem:$0x12FA0]  }
0x7c3: {  	v26 =	vsub.f32 v57, v15;
	s31 =	smul.f32 $1.562500000e-02, s20;
	v5 =	vmul.f32 v5, v10;
	v10 =	vld [tilespmem:$0x12FA0];
	v0 =	vadd.f32 v0, v1  }
0x7c4: {  	v57 =	vmovc v56;
	s7 =	ssub.f32 $1.500000000e+00, s7;
	v3 =	vmul.f32 s13, v3;
	s14 =	smul.f32 s4, s11;
	v56 =	vmul.f32 s21, v23;
	v7 =	vadd.f32 v7, v53  }
0x7c5: {  	v4 =	vsub.f32 v61, v15;
	v32 =	vsub.f32 v54, v25;
	s30 =	ssub.f32 s31, s17;
	s17 =	spop (v2sf);
	[tilespmem:s9+$0xFFFFFFA0] =	vst v0  }
0x7c6: {  	v3 =	vmul.f32 v3, v30;
	s11 =	smul.f32 $1.562500000e-02, s17;
	v9 =	vmul.f32 v56, v9;
	[tilespmem:s9+$0xFFFFFFE0] =	vst v7;
	v7 =	vld [tilespmem:$0x1F960];
	v0 =	vadd.f32 v5, v16  }
0x7c7: {  	v29 =	vld [tilespmem:$0x1F900];
	v54 =	vsub.f32 v59, v25;
	v59 =	vmov v4;
	v4 =	vsub.f32 v42, v52;
	s10 =	smul.f32 s28, s7;
	s31 =	sadd.f32 $9.999999960e-13, s30  }
0x7c8: {  	v52 =	vld [tilespmem:$0x1F950];
	s7 =	smul.f32 s11, s11;
	s30 =	spop (v2sf);
	v3 =	vadd.f32 v3, v10;
	v10 =	vmov s11;
	[tilespmem:s9+$0x20] =	vst v0;
	v0 =	vadd.f32 v9, v11  }
0x7c9: {  	v37 =	vsub.f32 v39, v15;
	v51 =	vld [tilespmem:$0x12F70];
	[tilespmem:s23+$0xD0] =	vst v6;
	s11 =	smul.f32 $1.562500000e-02, s30;
	v39 =	vsub.f32 v2, v10  }
0x7ca: {  	v6 =	vld [tilespmem:$0x12F70];
	v23 =	vsub.f32 v36, v10;
	[tilespmem:s9+$0xA0] =	vst v0;
	v0 =	vsub.f32 v35, v10  }
0x7cb: {  	v1 =	vld [tilespmem:$0x12F60];
	v7 =	vadd.f32 v7, v28;
	v28 =	vsub.f32 v34, v10;
	v10 =	vmov s11  }
0x7cc: {  	v20 =	vsub.f32 v49, v10;
	v49 =	vmov v0;
	v0 =	vld [tilespmem:$0x1F990]  }
0x7cd: {  	v53 =	vld [tilespmem:$0x12F70]  }
0x7ce: {  	v61 =	vmov v54;
	v54 =	vld [tilespmem:$0x12F70]  }
0x7cf: {  	v12 =	vmul.f32 s12, v51;
	v2 =	vld [tilespmem:$0x12FA0]  }
0x7d0: {  	v9 =	vld [tilespmem:$0x1F970]  }
0x7d1: {  	s20 =	sshrl.u32 s31, $0x1;
	s28 =	smul.f32 $5.000000000e-01, s31;
	v1 =	vmul.f32 s25, v1;
	[tilespmem:s9+$0x60] =	vst v3;
	v3 =	vsub.f32 v33, v27;
	v41 =	vmul.f32 v12, v0;
	v0 =	vld [tilespmem:$0x1F9A0]  }
0x7d2: {  	s3 =	ssub.s32 $0x5F3759DF, s20;
	v11 =	vld [tilespmem:$0x12F70]  }
0x7d3: {  	v62 =	vsub.f32 v62, v15;
	s31 =	smul.f32 s3, s28;
	v15 =	vld [tilespmem:$0x12F70];
	v3 =	vmul.f32 v1, v3  }
0x7d4: {  	v40 =	vsub.f32 v55, v25;
	s20 =	spop (v2sf);
	s17 =	smul.f32 s11, s11;
	v55 =	vld [tilespmem:$0x12F70];
	[tilespmem:s6+$0x70] =	vst v7;
	v7 =	vmul.f32 s19, v53  }
0x7d5: {  	s22 =	sadd.s32 $0x8, s22;
	s14 =	ssub.f32 $1.500000000e+00, s14;
	s11 =	smul.f32 $1.562500000e-02, s20;
	v3 =	vadd.f32 v3, v2;
	v2 =	vld [tilespmem:$0x1F980]  }
0x7d6: {  	p0 =	slt.u32 s22, $0x188;
	v6 =	vmul.f32 s8, v6;
	s8 =	smul.f32 s3, s31;
	s31 =	spop (v2sf);
	v42 =	vmul.f32 v7, v0;
	v0 =	vld [tilespmem:$0x1F9B0]  }
.Ltmp4:
0x7d7: {  	v5 =	vadd.f32 v52, v46;
	v1 =	vld [tilespmem:$0x12FB0];
	s30 =	ssub.f32 s11, s7;
	(pc) =	sbr.rel @p0 .LBB2_10-.Ltmp4, $4  }
0x7d8: {  	s8 =	ssub.f32 $1.500000000e+00, s8;
	v34 =	vld [tilespmem:$0x12FB0];
	v38 =	vsub.f32 v38, v10;
	v25 =	vsub.f32 v48, v10;
	s7 =	smul.f32 $1.562500000e-02, s31  }
0x7d9: {  	v35 =	vld [tilespmem:$0x12FB0];
	v56 =	vmul.f32 s2, v54;
	s2 =	smul.f32 s4, s14;
	v9 =	vadd.f32 v9, v47;
	v31 =	vmul.f32 s16, v11;
	s12 =	sadd.f32 $9.999999960e-13, s30;
	[tilespmem:s23+$0xE0] =	vst v3  }
0x7da: {  	[tilespmem:s6+$0x30] =	vst v5;
	v33 =	vsub.f32 v50, v10;
	s8 =	smul.f32 s3, s8;
	v47 =	vmovc v45;
	v36 =	vmul.f32 s13, v15;
	s3 =	ssub.f32 s7, s17;
	v45 =	vld [tilespmem:$0x12F70];
	v30 =	vmul.f32 s21, v55  }
0x7db: {  	v19 =	vmovc v4;
	v48 =	vmov v44;
	[tilespmem:s6+$0xB0] =	vst v9;
	s6 =	smov.u32 s9;
	s9 =	smov.u32 s23;
	s23 =	sadd.s32 $0x200, s23;
	v43 =	vmul.f32 v6, v2;
	v2 =	vld [tilespmem:$0x12FB0];
	v44 =	vmul.f32 v56, v0  }
0x7dc: {  	s7 =	smul.f32 $5.000000000e-01, s12  }
0x7dd: {  	s14 =	smul.f32 s1, s24  }
0x7de: {  	s19 =	smul.f32 s29, s26  }
0x7df: {  	s4 =	sshrl.u32 s12, $0x1;
	s20 =	smul.f32 s10, s0  }
0x7e0: {  	s3 =	sadd.f32 $9.999999960e-13, s3;
	s21 =	smul.f32 s2, s18;
	s4 =	ssub.s32 $0x5F3759DF, s4  }
0x7e1: {  	s11 =	smul.f32 s4, s7  }
0x7e2: {  	s15 =	sshrl.u32 s3, $0x1;
	s3 =	smul.f32 $5.000000000e-01, s3  }
0x7e3: {  	s14 =	smul.f32 s14, s1  }
0x7e4: {  	s12 =	ssub.s32 $0x5F3759DF, s15;
	s15 =	smul.f32 s8, s28  }
0x7e5: {  	s11 =	smul.f32 s4, s11  }
0x7e6: {  	s13 =	smul.f32 s12, s3  }
0x7e7: {  	s14 =	ssub.f32 $1.500000000e+00, s14;
	s15 =	smul.f32 s15, s8  }
0x7e8: {  	s11 =	ssub.f32 $1.500000000e+00, s11;
	s16 =	smul.f32 s12, s13  }
0x7e9: {  	s14 =	smul.f32 s14, s1  }
0x7ea: {  	s4 =	smul.f32 s4, s11  }
0x7eb: {  	s1 =	smul.f32 s21, s2;
	s15 =	ssub.f32 $1.500000000e+00, s15  }
0x7ec: {  	s17 =	smul.f32 s4, s7  }
0x7ed: {  	s11 =	ssub.f32 $1.500000000e+00, s16;
	s15 =	smul.f32 s15, s8  }
0x7ee: {  	s13 =	smul.f32 s17, s4  }
0x7ef: {  	s1 =	ssub.f32 $1.500000000e+00, s1;
	s11 =	smul.f32 s12, s11  }
0x7f0: {  	s12 =	smul.f32 s19, s29;
	s13 =	ssub.f32 $1.500000000e+00, s13  }
0x7f1: {  	s16 =	smul.f32 s1, s2  }
0x7f2: {  	s4 =	smul.f32 s13, s4  }
0x7f3: {  	s12 =	ssub.f32 $1.500000000e+00, s12;
	s13 =	smul.f32 s20, s10  }
0x7f4: {  	s22 =	smul.f32 s11, s3  }
0x7f5: {  	s12 =	smul.f32 s12, s29;
	s13 =	ssub.f32 $1.500000000e+00, s13  }
0x7f6: {  	s7 =	smul.f32 s4, s7  }
0x7f7: {  	s13 =	smul.f32 s13, s10  }
0x7f8: {  	s10 =	smul.f32 s22, s11  }
0x7f9: {  	s7 =	smul.f32 s7, s4  }
0x7fa: {  	s8 =	smul.f32 s12, s26;
	s23 =	ssub.f32 $1.500000000e+00, s10  }
0x7fb: {  	s29 =	ssub.f32 $1.500000000e+00, s7;
	s10 =	smul.f32 s13, s0  }
0x7fc: {  	s30 =	smul.f32 s23, s11  }
0x7fd: {  	s31 =	smul.f32 s29, s4  }
0x7fe: {  	s4 =	smul.f32 s14, s24  }
0x7ff: {  	s11 =	smul.f32 s16, s18  }
0x800: {  	s0 =	smul.f32 s10, s13  }
0x801: {  	s23 =	smul.f32 s15, s28  }
0x802: {  	s2 =	smul.f32 s4, s14  }
0x803: {  	s4 =	smul.f32 s8, s12;
	s0 =	ssub.f32 $1.500000000e+00, s0  }
0x804: {  	s17 =	smul.f32 s11, s16  }
0x805: {  	v0 =	vmul.f32 s31, v17;
	s2 =	ssub.f32 $1.500000000e+00, s2;
	s21 =	smul.f32 s0, s13  }
0x806: {  	s3 =	smul.f32 s30, s3;
	s4 =	ssub.f32 $1.500000000e+00, s4  }
0x807: {  	v0 =	vmul.f32 v0, v39;
	s18 =	smul.f32 s2, s14;
	v5 =	vmul.f32 s21, v17  }
0x808: {  	s20 =	ssub.f32 $1.500000000e+00, s17;
	s19 =	smul.f32 s4, s12  }
0x809: {  	s3 =	smul.f32 s3, s30;
	v0 =	vadd.f32 v0, v8;
	v3 =	vmul.f32 s18, v17;
	v5 =	vmul.f32 v5, v24  }
0x80a: {  	s22 =	smul.f32 s20, s16;
	v4 =	vmul.f32 s19, v17  }
0x80b: {  	s4 =	smul.f32 s23, s15;
	s3 =	ssub.f32 $1.500000000e+00, s3;
	[tilespmem:s9+$0xFFFFFF00] =	vst v0;
	v3 =	vmul.f32 v3, v18;
	v39 =	vadd.f32 v5, v8  }
0x80c: {  	v46 =	vld [tilespmem:$0x12F50];
	v4 =	vmul.f32 v4, v22  }
0x80d: {  	s4 =	ssub.f32 $1.500000000e+00, s4;
	v50 =	vmul.f32 s22, v17;
	s26 =	smul.f32 s3, s30;
	v10 =	vld [tilespmem:$0x12F90];
	v6 =	vadd.f32 v3, v8;
	[tilespmem:s9+$0xFFFFFFC0] =	vst v39  }
0x80e: {  	v24 =	vadd.f32 v4, v8;
	v53 =	vld [tilespmem:$0x12F50]  }
0x80f: {  	s24 =	smul.f32 s4, s15;
	v52 =	vmul.f32 v50, v26;
	v11 =	vmul.f32 s26, v17;
	v14 =	vld [tilespmem:$0x12F90];
	[tilespmem:s9+$0xFFFFFF40] =	vst v6  }
0x810: {  	[tilespmem:s9+$0xFFFFFF80] =	vst v24;
	v51 =	vld [tilespmem:$0x12F50]  }
0x811: {  	v9 =	vmul.f32 s24, v17;
	v4 =	vadd.f32 v52, v8;
	v11 =	vmul.f32 v11, v38;
	v7 =	vld [tilespmem:$0x12F50]  }
0x812: {  	v12 =	vld [tilespmem:$0x12F90]  }
0x813: {  	v9 =	vmul.f32 v9, v32;
	[tilespmem:s9+$0x0] =	vst v4;
	v54 =	vadd.f32 v11, v8;
	v13 =	vld [tilespmem:$0x12F90]  }
0x814: {  	v4 =	vld [tilespmem:$0x12F50]  }
0x815: {  	v55 =	vld [tilespmem:$0x12F90];
	v9 =	vadd.f32 v9, v8;
	[tilespmem:s9+$0x80] =	vst v54  }
0x816: {  	v8 =	vld [tilespmem:$0x12F50]  }
0x817: {  	v5 =	vmul.f32 s31, v46;
	v17 =	vld [tilespmem:$0x12F90];
	[tilespmem:s9+$0x40] =	vst v9  }
0x818: {  	v15 =	vld [tilespmem:$0x12F50]  }
0x819: {  	v5 =	vmul.f32 v5, v28;
	v16 =	vld [tilespmem:$0x1FA10];
	v7 =	vmul.f32 s19, v7  }
0x81a: {  	v9 =	vld [tilespmem:$0x12FB0];
	v4 =	vmul.f32 s22, v4  }
0x81b: {  	v5 =	vadd.f32 v5, v10;
	v10 =	vld [tilespmem:$0x12FB0];
	v7 =	vmul.f32 v7, v63  }
0x81c: {  	v0 =	vmul.f32 s18, v51;
	v63 =	vld [tilespmem:$0x1FA70];
	v4 =	vmul.f32 v4, v62  }
0x81d: {  	v56 =	vld [tilespmem:$0x12F90];
	[tilespmem:s9+$0xFFFFFF10] =	vst v5;
	v7 =	vadd.f32 v7, v13  }
0x81e: {  	v18 =	vld [tilespmem:$0x12F60];
	v0 =	vmul.f32 v0, v16;
	v22 =	vmul.f32 s24, v15;
	v4 =	vadd.f32 v4, v55  }
0x81f: {  	v6 =	vmul.f32 s21, v53;
	v24 =	vld [tilespmem:$0x12FA0];
	[tilespmem:s9+$0xFFFFFF90] =	vst v7  }
0x820: {  	v26 =	vmul.f32 s26, v8;
	v0 =	vadd.f32 v0, v12;
	v32 =	vmul.f32 v22, v21;
	[tilespmem:s9+$0x10] =	vst v4;
	v38 =	vld [tilespmem:$0x12F60]  }
0x821: {  	v6 =	vmul.f32 v6, v63;
	v46 =	vld [tilespmem:$0x12F60]  }
0x822: {  	v53 =	vld [tilespmem:$0x12FA0];
	[tilespmem:s9+$0xFFFFFF50] =	vst v0;
	v0 =	vmul.f32 v26, v25;
	v39 =	vadd.f32 v32, v56  }
0x823: {  	v55 =	vld [tilespmem:$0x12FA0];
	v6 =	vadd.f32 v6, v14  }
0x824: {  	v28 =	vld [tilespmem:$0x12F60];
	v0 =	vadd.f32 v0, v17;
	[tilespmem:s9+$0x50] =	vst v39  }
0x825: {  	v51 =	vmul.f32 s31, v18;
	[tilespmem:s9+$0xFFFFFFD0] =	vst v6;
	v4 =	vld [tilespmem:$0x12F60]  }
0x826: {  	v6 =	vld [tilespmem:$0x12F60];
	[tilespmem:s9+$0x90] =	vst v0  }
0x827: {  	v0 =	vmul.f32 v51, v23;
	v11 =	vmul.f32 s19, v38;
	v52 =	vld [tilespmem:$0x12F60]  }
0x828: {  	v50 =	vld [tilespmem:$0x12FA0];
	v7 =	vmul.f32 s22, v46  }
0x829: {  	v56 =	vld [tilespmem:$0x12FA0];
	v8 =	vmul.f32 s18, v28;
	v0 =	vadd.f32 v0, v24;
	v11 =	vmul.f32 v11, v60  }
0x82a: {  	v1 =	vadd.f32 v43, v1;
	v54 =	vld [tilespmem:$0x12FA0];
	v60 =	vmul.f32 v7, v59;
	v4 =	vmul.f32 s24, v4  }
0x82b: {  	v8 =	vmul.f32 v8, v57;
	v57 =	vld [tilespmem:$0x12FA0];
	[tilespmem:s9+$0xFFFFFF20] =	vst v0;
	v11 =	vadd.f32 v11, v53;
	v6 =	vmul.f32 s21, v6  }
0x82c: {  	[tilespmem:s6+$0xFFFFFF30] =	vst v1;
	v0 =	vadd.f32 v60, v55;
	v63 =	vld [tilespmem:$0x12F70];
	v62 =	vmul.f32 s26, v52;
	v4 =	vmul.f32 v4, v61  }
0x82d: {  	v38 =	vld [tilespmem:$0x12FB0];
	v5 =	vadd.f32 v8, v50;
	[tilespmem:s9+$0xFFFFFFA0] =	vst v11;
	v6 =	vmul.f32 v6, v58  }
0x82e: {  	[tilespmem:s9+$0x20] =	vst v0;
	v58 =	vld [tilespmem:$0x12FB0];
	v22 =	vmul.f32 v62, v20;
	v4 =	vadd.f32 v4, v56  }
0x82f: {  	v11 =	vld [tilespmem:$0x12F70];
	[tilespmem:s9+$0xFFFFFF60] =	vst v5;
	v21 =	vadd.f32 v6, v54  }
0x830: {  	v25 =	vld [tilespmem:$0x12F70];
	v24 =	vadd.f32 v22, v57;
	[tilespmem:s9+$0x60] =	vst v4  }
0x831: {  	v2 =	vadd.f32 v41, v2;
	v28 =	vmul.f32 s25, v45;
	v45 =	vld [tilespmem:$0x12FB0];
	[tilespmem:s9+$0xFFFFFFE0] =	vst v21  }
0x832: {  	v23 =	vld [tilespmem:$0x12F70];
	[tilespmem:s9+$0xA0] =	vst v24  }
0x833: {  	v29 =	vmul.f32 v31, v29;
	v31 =	vadd.f32 v42, v34;
	v34 =	vld [tilespmem:$0x1F9D0];
	[tilespmem:s6+$0xFFFFFF70] =	vst v2  }
0x834: {  	v39 =	vld [tilespmem:$0x1F9E0]  }
0x835: {  	v12 =	vmul.f32 s31, v63;
	v26 =	vld [tilespmem:$0x12F70]  }
0x836: {  	v54 =	vld [tilespmem:$0x12FB0]  }
0x837: {  	v46 =	vmul.f32 s19, v11;
	v51 =	vmul.f32 v12, v49;
	v32 =	vld [tilespmem:$0x12F70]  }
0x838: {  	v35 =	vadd.f32 v44, v35;
	v4 =	vmul.f32 s22, v25;
	v14 =	vmul.f32 v36, v34;
	v36 =	vld [tilespmem:$0x1F9C0]  }
0x839: {  	v41 =	vadd.f32 v29, v9;
	v56 =	vld [tilespmem:$0x12FB0];
	v55 =	vmul.f32 v46, v48;
	[tilespmem:s6+$0xFFFFFFB0] =	vst v31;
	v18 =	vmul.f32 v30, v39  }
0x83a: {  	v5 =	vld [tilespmem:$0x12F70];
	v1 =	vadd.f32 v51, v38;
	v4 =	vmul.f32 v4, v37;
	v0 =	vmul.f32 s24, v26;
	[tilespmem:s6+$0xFFFFFFF0] =	vst v35  }
0x83b: {  	v60 =	vadd.f32 v55, v45;
	[tilespmem:s6+$0x30] =	vst v41;
	v50 =	vadd.f32 v18, v58;
	v58 =	vld [tilespmem:$0x12FB0]  }
0x83c: {  	v3 =	vld [tilespmem:$0x12FB0];
	v62 =	vadd.f32 v4, v54;
	v59 =	vmul.f32 s26, v32;
	[tilespmem:s9+$0xFFFFFF30] =	vst v1;
	v0 =	vmul.f32 v0, v40  }
0x83d: {  	v42 =	vld [tilespmem:$0x12FB0];
	[tilespmem:s9+$0xFFFFFFB0] =	vst v60;
	v44 =	vadd.f32 v14, v10;
	v15 =	vsub.f32 v36, v27  }
0x83e: {  	v52 =	vld [tilespmem:$0x12FB0];
	v7 =	vmul.f32 s18, v23;
	[tilespmem:s9+$0x30] =	vst v62;
	v61 =	vmul.f32 v59, v33;
	v0 =	vadd.f32 v0, v56  }
0x83f: {  	v5 =	vmul.f32 s21, v5;
	[tilespmem:s6+$0x70] =	vst v44;
	v43 =	vmul.f32 v28, v15  }
0x840: {  	v53 =	vmul.f32 v7, v47;
	[tilespmem:s9+$0x70] =	vst v0;
	v63 =	vadd.f32 v61, v58  }
0x841: {  	v57 =	vmul.f32 v5, v19;
	[tilespmem:s6+$0xB0] =	vst v50;
	v2 =	vadd.f32 v43, v3  }
0x842: {  	v3 =	vadd.f32 v53, v42;
	[tilespmem:s9+$0xB0] =	vst v63  }
0x843: {  	[tilespmem:s9+$0xF0] =	vst v2;
	v2 =	vadd.f32 v57, v52  }
0x844: {  	[tilespmem:s9+$0xFFFFFF70] =	vst v3  }
0x845: {  	s29 =	simm.s32 $0x4;
	[tilespmem:s9+$0xFFFFFFF0] =	vst v2  }
0x846: {  	s11 =	simm.s32 $0x0;
	s4 =	simm.s32 $0x6740;
	s28 =	rddreg [dreg:$0xc]  }
0x847: {  	[hbm4b:s28+s11] =	stream.linear.scatter [tilespmem:s4], [sflag:$0x4], $0x6400, $0x38;
	[tilespmem:$0x12FC0] =	vst v63  }
0x848: {  	_ =	swait.ge [sflag:s29], $0x6400  }
0x849: {  	s30 =	rddreg [dreg:$0xe]  }
0x84a: {  	s31 =	rddreg [dreg:$0xd];
	s2 =	sadd.s32 $0x1, s30  }
0x84b: {  	p0 =	sne.s32 s2, s31  }
.Ltmp5:
0x84c: {  	_ = 	snop;
	(pc) =	sbr.rel @p0 .LBB2_1-.Ltmp5, $3  }
0x84d: {  	_ =	sdelay $0x1  }
0x84e: {  	[sflag:s29] =	ssyncset.done $0x0  }
0x84f: {  	s7 =	simm.s32 $0x340;
	[sflag:s29] =	ssyncadd.s32 $0xFFFF9C00  }
0x850: {  	_ =	sfence.sel $0x180000  }
0x851: {  	[bflag:$0x0] =	sbarrier.arrive $0xFFFF  }
0x852: {  	_ =	strace $0x90000047  }
0x853: {  	s0 =	stileid.u32;
	[bflag:$0x2] =	sbarrier.arrive $0xFFFF  }
0x854: {  	p0 =	sne.s32 s0, $0x0;
	s0 =	rddreg [dreg:$0x2]  }
0x855: {  	s0 =	sadd.s32 @!p0 $0x100000, s0  }
0x856: {  	[sflag:s0] =	ssyncadd.tile.s32 @!p0 $0x1;
	_ =	shalt  }
.Lfunc_end2:
_tile_overlayer_lowered:
.L_overlay_start_2:
0x857: {  	(tag) =	ssettag $0x2  }
0x858: {  	s0 =	rddreg [dreg:$0x0];
	s2 =	stileid.u32  }
0x859: {  	s1 =	rddreg [dreg:$0x1];
	p0 =	sne.s32 s2, $0x0  }
0x85a: {  	s3 =	rddreg [dreg:$0x2];
	[bflag:$0x3] =	sbarrier.arrive $0xFFFF;
	s2 =	simm.s32 @!p0 $0x1C05  }
0x85b: {  	[timem:s3], [sflag:s2] =	dma.local @!p0 [hbm:s0], s1  }
0x85c: {  	s0 =	simm.s32 @!p0 $0x5  }
0x85d: {  	_ =	swait.ge @!p0 [sflag:s0], s1  }
0x85e: {  	s1 =	ssub.s32 @!p0 $0x0, s1;
	[sflag:s0] =	ssyncset.done @!p0 $0x0  }
0x85f: {  	[sflag:s0] =	ssyncadd.s32 @!p0 s1  }
0x860: {  	[bflag:$0x3] =	sbarrier.arrive $0xFFFF  }
0x861: {  	_ =	shalt  }

// kernel: sparse-core-data-format-call.cloned.1.call-start
scs
called_computation_lowered:
.L_overlay_start_0:
0x0: {  	s2 =	sld [smem:$0x3FD9]  }
0x1: {  	s3 =	sld [smem:$0x3FFE];
	_ =	sdelay $0x1  }
0x2: {  	s1 =	srdreg.scid  }
0x3: {  	s0 =	sand.u32 $0x1, s1  }
0x4: {  	s18 =	sshll.u32 s0, $0xA;
	s2 =	sadd.s32 s3, s2  }
0x5: {  	s2 =	sadd.s32 s2, s18  }
0x6: {  	[smem:$0x3FC3] =	sst s2  }
0x7: {  	_ = 	snop  }
0x8: {  	s2 =	sld [smem:$0x3FD0];
	(tm) =	ssettm $0x1  }
0x9: {  	s19 =	sld [smem:$0x3FFB];
	_ =	sdelay $0x3  }
0xa: {  	_ =	strace s19  }
0xb: {  	s3 =	sld [smem:$0x3FFC];
	_ =	sdelay $0x3  }
0xc: {  	_ =	strace s3  }
0xd: {  	s3 =	sld [smem:$0x3FFD];
	_ =	sdelay $0x3  }
0xe: {  	_ =	strace s3  }
0xf: {  	_ =	strace $0x8FFFFFFF  }
0x10: {  	s20 =	sld [smem:$0x3FDB];
	_ =	sdelay $0x1  }
0x11: {  	s4 =	simm.s32 $_scs_section_size  }
0x12: {  	s5 =	simm.s32 $_size__tile_overlayer_lowered;
	s6 =	simm.s32 $_tile_overlayer_lowered  }
0x13: {  	s23 =	simm.s32 $0x1BFF;
	s22 =	sshll.u32 s6, $0x1;
	s3 =	sadd.s32 s4, s20  }
0x14: {  	s7 =	simm.s32 $0x0;
	s21 =	sshll.u32 s5, $0x1;
	s5 =	sadd.s32 s22, s3  }
0x15: {  	[timem:s7], [sflag:s23] =	dma.local [hbm:s5], s21  }
0x16: {  	_ =	swait.ge [sflag:s23], s21  }
0x17: {  	s4 =	ssub.s32 $0x0, s21;
	[sflag:s23] =	ssyncset.done $0x0  }
0x18: {  	[sflag:s23] =	ssyncadd.s32 s4;
	_ =	sdelay $0x1  }
0x19: {  	s24 =	simm.s32 $0x1B8B  }
0x1a: {  	_ =	swait.ge [sflag:s24], $0x1  }
0x1b: {  	[sflag:s24] =	ssyncset.done $0x0  }
0x1c: {  	s26 =	simm.s32 $0x1B8E;
	s25 =	sld [smem:$0x3FFE];
	[sflag:s24] =	ssyncadd.s32 $0xFFFFFFFF  }
0x1d: {  	s27 =	simm.s32 $execute0_lowered;
	[smem:$0x3FD2] =	sst s26  }
0x1e: {  	s5 =	sshll.u32 s27, $0x1;
	_ =	strace $0x80000049;
	[dreg:$0x1] =	wrdreg $0xFFFFFFFF  }
0x1f: {  	s28 =	simm.s32 $_size_execute0_lowered;
	s3 =	sadd.s32 s3, s5;
	[dreg:$0x0] =	wrdreg $0x0  }
0x20: {  	s5 =	sshll.u32 s28, $0x1;
	[dreg:$0x2] =	wrdreg s3  }
0x21: {  	[dreg:$0x3] =	wrdreg s5  }
0x22: {  	[dreg:$0x4] =	wrdreg $0xC0  }
0x23: {  	_ =	task [dreg:s7], $0x5FFFF  }
0x24: {  	[dreg:$0x1] =	wrdreg $0xFFFFFFFF  }
0x25: {  	[dreg:$0x0] =	wrdreg $0x60  }
0x26: {  	[dreg:$0x2] =	wrdreg s25  }
0x27: {  	[dreg:$0x3] =	wrdreg s2  }
0x28: {  	[dreg:$0x4] =	wrdreg $0x9  }
0x29: {  	_ =	task.clear_ibuf [dreg:s7], $0x5FFFF;
	_ =	strace $0x90000049  }
0x2a: {  	s29 =	simm.s32 $0x9;
	_ =	strace $0x8000004B  }
0x2b: {  	_ =	swait.ge [sflag:s29], $0x1  }
0x2c: {  	[sflag:s29] =	ssyncadd.s32 $0xFFFFFFFF  }
0x2d: {  	_ =	strace $0x9000004B  }
0x2e: {  	_ =	sfence  }
0x2f: {  	s30 =	sld [smem:$0x0];
	_ =	sdelay $0x2  }
0x30: {  	s31 =	sshll.u32 s1, $0xD;
	s1 =	sshrl.u32 s1, $0x2  }
0x31: {  	s3 =	sand.u32 $0x4000, s31;
	s1 =	sadd.s32 s1, s30  }
0x32: {  	s0 =	sor.u32 s3, s0;
	s1 =	sshll.u32 s1, $0x11  }
0x33: {  	s0 =	sor.u32 s1, s0  }
0x34: {  	s0 =	sadd.s32 $0x8F2B, s0  }
0x35: {  	[sflag:s0] =	ssyncadd.remote.s32 $0x1  }
0x36: {  	_ =	sfence.sel $0xFFFF  }
0x37: {  	[dreg:$0x0] =	wrdreg $0xFFFFFFFF;
	(pc) =	sbr.abs _section_cstart, $3  }
0x38: {  	[dreg:$0x1] =	wrdreg $0xFFFFFFFF  }
0x39: {  	_ =	task.clear_ibuf [dreg:s7], $0x2FFFF;
	_ =	strace $0x9FFFFFFF  }
0x3a: {  	(tm) =	ssettm $0x7FFFFFFF  }
0x3b: {  	_ =	shalt  }
tec
execute0_lowered:
.L_overlay_start_1:
0x0: {  	(tag) =	ssettag $0x1  }
0x1: {  	s0 =	srdreg.scid  }
0x2: {  	s1 =	sshll.u32 s0, $0x4  }
0x3: {  	s0 =	stileid.u32;
	s1 =	sand.u32 $0x10, s1  }
0x4: {  	s1 =	sor.u32 s0, s1  }
0x5: {  	s6 =	rddreg [dreg:$0x0];
	s4 =	simm.s32 $0x1;
	s2 =	sshll.u32 s1, $0x7  }
0x6: {  	s7 =	simm.s32 $0x2;
	s12 =	simm.s32 $0x0;
	s1 =	ssub.s32 $0x1000, s2  }
0x7: {  	s8 =	simm.s32 $0x8000;
	s13 =	simm.s32 $0x0;
	s3 =	sand.u32 $0xF80, s1  }
0x8: {  	s9 =	simm.s32 $0x0;
	s5 =	sshrl.u32 s1, $0xC;
	p0 =	sne.s32 s3, $0x0  }
.Ltmp0:
0x9: {  	s1 =	rddreg [dreg:$0x2];
	s4 =	simm.s32 @!p0 $0x0;
	(pc) =	sbr.rel .LBB1_1-.Ltmp0, $4  }
0xa: {  	s11 =	simm.s32 $0x0;
	s3 =	rddreg [dreg:$0x1];
	s5 =	sadd.s32 s4, s5  }
0xb: {  	_ =	strace $0x8000004A;
	s4 =	simm.s32 $0x1;
	s5 =	smul.u32 $0xC8, s5  }
0xc: {  	s6 =	sadd.s32 $0x1200, s6;
	s10 =	smov.u32 s2;
	[sflag:s4] =	ssyncpa.u1 $0x0  }
0xd: {  	p0 =	por $0x0, $0x0;
	[sflag:s7] =	ssyncpa.u1 $0x0;
	s7 =	sor.u32 $0x1, s5  }
.LBB1_4:
0xe: {  	s16 =	sshll.u32 s13, $0x3;
	s17 =	sand.u32 $0x78, s13  }
0xf: {  	s30 =	sand.u32 $0x7E00, s13;
	s12 =	sshll.u32 s12, $0xF;
	s16 =	sand.u32 $0xC00, s16  }
0x10: {  	[tilespmem:s15+$0x810 ss:$0x81] =	vst.msk $0xffff, v2;
	s31 =	sand.u32 $0x7, s13;
	s16 =	sor.u32 s17, s16;
	s17 =	sadd.s32 s3, s30  }
0x11: {  	[tilespmem:s15+$0x1020 ss:$0x81] =	vst.msk $0xffff, v0;
	s13 =	sshll.u32 s31, $0x12;
	s12 =	sadd.s32 s12, s17;
	s16 =	sshrl.u32 s16, $0x3  }
0x12: {  	[tilespmem:s15+$0x0 ss:$0x81] =	vst.msk $0xffff, v1;
	s13 =	sor.u32 $0x400, s13;
	s12 =	sadd.s32 s16, s12  }
0x13: {  	[hbm4b:s12+s13] =	stream.strided.scatter [tilespmem:s14], [sflag:$0x2], $0x2000, s8, s13, $0x20;
	[tilespmem:$0x8080] =	vst v63  }
.LBB1_5:
0x14: {  	s14 =	sadd.s32 $0x1, s9  }
0x15: {  	s12 =	sadd.s32 $0x1000, s10;
	s16 =	smov.u32 s10;
	p2 =	sgt.s32 s14, $0xC7  }
0x16: {  	s16 =	smov.u32 @p2 s12  }
0x17: {  	s14 =	simm.s32 @p2 $0x0;
	p2 =	sgt.s32 s16, $0xFFF  }
0x18: {  	s16 =	smov.u32 @p2 s2;
	p2 =	sne.s32 s11, s7  }
.Ltmp1:
0x19: {  	p1 =	slt.u32 s11, $0x2;
	(pc) =	sbr.rel @!p2 .LBB1_6-.Ltmp1, $4  }
0x1a: {  	s15 =	simm.s32 @!p1 $0x2  }
0x1b: {  	s13 =	smov.u32 s10;
	p0 =	por !p0, !p0;
	_ =	swait.ge @!p1 [sflag:s15], $0x2000  }
0x1c: {  	s12 =	smov.u32 s9;
	[sflag:s15] =	ssyncset.done @!p1 $0x0;
	s9 =	smov.u32 s14  }
0x1d: {  	s11 =	sadd.s32 $0x1, s11;
	[sflag:s15] =	ssyncadd.s32 @!p1 $0xFFFFE000;
	s10 =	smov.u32 s16  }
.LBB1_1:
0x1e: {  	p1 =	sge.u32 s11, s5  }
0x1f: {  	s14 =	sand.u32 @!p1 $0x1FFFFFF, s9  }
0x20: {  	s15 =	smulhi.u32 @!p1 $0x147AE15, s14;
	_ =	sdelay $0x1  }
0x21: {  	s15 =	smul.u32 @!p1 $0xC8, s15  }
0x22: {  	s16 =	sxor.u32 @!p1 $0xFFFFFFFF, s11;
	s17 =	smul.u32 @!p1 $0xC80, s10  }
0x23: {  	s31 =	sadd.s32 $0xFFFFFFFF, s11;
	s16 =	sshll.u32 @!p1 s16, $0xD;
	s14 =	ssub.s32 @!p1 s14, s15  }
0x24: {  	s15 =	sand.u32 @!p1 $0x2000, s16;
	s16 =	sadd.s32 @!p1 s6, s17;
	s14 =	sshll.u32 @!p1 s14, $0x4  }
0x25: {  	s17 =	simm.s32 @!p1 $0x6400;
	s14 =	sadd.s32 @!p1 s14, s16;
	s16 =	simm.s32 @!p1 $0x40  }
0x26: {  	[tilespmem:s15], [sflag:$0x1] =	stream.strided.gather @!p1 [hbm4b:s14+s16], $0x2000, s17, s16, $0x38;
	[tilespmem:$0x8080] =	vst v63  }
0x27: {  	p1 =	sge.u32 s31, s5  }
.Ltmp2:
0x28: {  	_ = 	snop;
	(pc) =	sbr.rel @p1 .LBB1_5-.Ltmp2, $1  }
0x29: {  	_ =	sdelay $0x3  }
0x2a: {  	s14 =	simm.s32 $0x1  }
0x2b: {  	_ =	swait.ge [sflag:s4], $0x2000;
	s14 =	simm.s32 @!p0 $0x0  }
0x2c: {  	[sflag:s4] =	ssyncset.done $0x0;
	s15 =	sshll.u32 s14, $0xD  }
0x2d: {  	[sflag:s4] =	ssyncadd.s32 $0xFFFFE000;
	s18 =	sor.u32 $0x20, s15  }
0x2e: {  	s14 =	smul.u32 $0x8100, s14;
	v3 =	vld [tilespmem:s18+$0x10]  }
0x2f: {  	s30 =	sand.u32 $0x1, s11;
	v2 =	vld [tilespmem:s18+$0xFFFFFFF0]  }
0x30: {  	s15 =	smul.u32 $0x8100, s30;
	s14 =	sshrl.u32 s14, $0x2;
	v0 =	vld [tilespmem:s18+$0x0]  }
0x31: {  	v1 =	vld [tilespmem:s18+$0xFFFFFFE0];
	s16 =	sor.u32 $0x4000, s14  }
0x32: {  	s31 =	sshrl.u32 s15, $0x2;
	s15 =	sadd.s32 $0x0, s16  }
0x33: {  	s17 =	simm.s32 $0x4;
	s18 =	sadd.s32 $0x40, s18;
	s14 =	sor.u32 $0x4000, s31;
	[tilespmem:s15+$0x1830 ss:$0x81] =	vst.msk $0xffff, v3  }
.LBB1_3:
0x34: {  	v3 =	vld [tilespmem:s18+$0x10];
	p1 =	sne.s32 s17, $0x1FC;
	[tilespmem:s15+$0x810 ss:$0x81] =	vst.msk $0xffff, v2;
	s19 =	smov.u32 s17;
	s17 =	sadd.s32 $0x4, s17  }
.Ltmp3:
0x35: {  	v2 =	vld [tilespmem:s18+$0xFFFFFFF0];
	[tilespmem:s15+$0x1020 ss:$0x81] =	vst.msk $0xffff, v0;
	(pc) =	sbr.rel @p1 .LBB1_3-.Ltmp3, $4  }
0x36: {  	v0 =	vld [tilespmem:s18+$0x0];
	[tilespmem:s15+$0x0 ss:$0x81] =	vst.msk $0xffff, v1  }
0x37: {  	s15 =	sshra.s32 s19, $0x2;
	v1 =	vld [tilespmem:s18+$0xFFFFFFE0]  }
0x38: {  	s15 =	sadd.s32 s15, s16  }
0x39: {  	s18 =	sadd.s32 $0x40, s18;
	[tilespmem:s15+$0x1830 ss:$0x81] =	vst.msk $0xffff, v3  }
.Ltmp4:
0x3a: {  	_ = 	snop;
	(pc) =	sbr.rel .LBB1_4-.Ltmp4, $1  }
0x3b: {  	_ =	sdelay $0x3  }
.LBB1_6:
0x3c: {  	_ =	sfence.sel $0x180000  }
0x3d: {  	s2 =	simm.s32 $0x1;
	[bflag:$0x0] =	sbarrier.arrive $0xFFFF  }
0x3e: {  	s31 =	simm.s32 $0x2;
	[sflag:s2] =	ssyncpa.u1 $0x1  }
0x3f: {  	[sflag:s31] =	ssyncpa.u1 $0x1  }
0x40: {  	p0 =	sne.s32 s0, $0x0;
	_ =	strace $0x9000004A  }
0x41: {  	s0 =	sadd.s32 @!p0 $0x100000, s1;
	[bflag:$0x2] =	sbarrier.arrive $0xFFFF  }
0x42: {  	[sflag:s0] =	ssyncadd.tile.s32 @!p0 $0x1;
	_ =	shalt  }
.Lfunc_end1:
_tile_overlayer_lowered:
.L_overlay_start_2:
0x43: {  	(tag) =	ssettag $0x2  }
0x44: {  	s0 =	rddreg [dreg:$0x0];
	s2 =	stileid.u32  }
0x45: {  	s1 =	rddreg [dreg:$0x1];
	p0 =	sne.s32 s2, $0x0  }
0x46: {  	s3 =	rddreg [dreg:$0x2];
	[bflag:$0x3] =	sbarrier.arrive $0xFFFF;
	s2 =	simm.s32 @!p0 $0x1C01  }
0x47: {  	[timem:s3], [sflag:s2] =	dma.local @!p0 [hbm:s0], s1  }
0x48: {  	s0 =	simm.s32 @!p0 $0x1  }
0x49: {  	_ =	swait.ge @!p0 [sflag:s0], s1  }
0x4a: {  	s1 =	ssub.s32 @!p0 $0x0, s1;
	[sflag:s0] =	ssyncset.done @!p0 $0x0  }
0x4b: {  	[sflag:s0] =	ssyncadd.s32 @!p0 s1  }
0x4c: {  	[bflag:$0x3] =	sbarrier.arrive $0xFFFF  }
0x4d: {  	_ =	shalt  }

</sc_bundles>
